<compile_context>
chip_gen: v7x
topology: tpu7x:2x2x1
jax: 0.10.2.dev20260603
libtpu: 0.0.44.dev20260713+nightly
codegen_flags: <defaults>
</compile_context>

<pallas_src>
import functools

import jax
import jax.numpy as jnp
from jax import lax
from jax.experimental import pallas as pl
from jax.experimental.pallas import tpu as pltpu
from jax.experimental.pallas import tpu_sc as plsc

_CODEBOOK = 100000
_B, _T = 16384, 200
_N = _B * _T

_NC, _NS, _L = 2, 16, 16
_NW = _NC * _NS
_ROWS_PER_TILE = _B // _NW
_CHR = 32
_NCHUNK = _ROWS_PER_TILE // _CHR
_FULL_GROUPS = _T // _L
_TAIL = _T - _FULL_GROUPS * _L


@functools.lru_cache(maxsize=1)
def _make_hist_kernel():
    mesh = plsc.VectorSubcoreMesh(core_axis_name="c", subcore_axis_name="s")

    @functools.partial(
        pl.kernel,
        mesh=mesh,
        out_type=jax.ShapeDtypeStruct((_NW, _CODEBOOK), jnp.int32),
        scratch_types=[
            pltpu.VMEM((_CODEBOOK,), jnp.int32),
            pltpu.VMEM((_CHR, _T), jnp.int32),
            pltpu.VMEM((_CHR, _T), jnp.int32),
            pltpu.VMEM((_CHR, _T), jnp.int32),
            pltpu.SemaphoreType.DMA,
            pltpu.SemaphoreType.DMA,
            pltpu.SemaphoreType.DMA,
        ],
        compiler_params=pltpu.CompilerParams(needs_layout_passes=False),
    )
    def hist_kernel(idx_hbm, out_hbm, hist_v, buf0_v, buf1_v, buf2_v, sem0, sem1, sem2):
        wid = lax.axis_index("s") * _NC + lax.axis_index("c")
        row_base = wid * _ROWS_PER_TILE
        ones = jnp.full((_L,), 1, dtype=jnp.int32)
        zeros = jnp.zeros((_L,), dtype=jnp.int32)
        tail_mask = lax.iota(jnp.int32, _L) >= (_L - _TAIL)
        bufs = (buf0_v, buf1_v, buf2_v)
        sems = (sem0, sem1, sem2)

        def start(c):
            return pltpu.async_copy(
                idx_hbm.at[pl.ds(row_base + c * _CHR, _CHR)],
                bufs[c % 3],
                sems[c % 3],
            )

        cps = {0: start(0), 1: start(1), 2: start(2)}

        @plsc.parallel_loop(0, _CODEBOOK // _L, unroll=16)
        def _zero(i):
            hist_v[pl.ds(i * _L, _L)] = zeros

        for c in range(_NCHUNK):
            cps[c].wait()
            buf = bufs[c % 3]

            def row_body(r, buf=buf):
                for g in range(_FULL_GROUPS):
                    idx = buf[r, pl.ds(g * _L, _L)]
                    plsc.addupdate_scatter(hist_v, [idx], ones)
                idx = buf[r, pl.ds(_T - _L, _L)]
                plsc.addupdate_scatter(hist_v, [idx], ones, mask=tail_mask)

            plsc.parallel_loop(0, _CHR, unroll=4)(row_body)
            if c + 3 < _NCHUNK:
                cps[c + 3] = start(c + 3)

        pltpu.sync_copy(hist_v, out_hbm.at[wid])

    return hist_kernel


_LOG2E = 1.4426950408889634


def _finalize_body(parts_ref, counts_ref, out_ref):
    hist = jnp.sum(parts_ref[...], axis=0, keepdims=True).astype(jnp.float32)
    smoothed = counts_ref[...] + hist + 1e-8
    total = jnp.sum(smoothed)
    hl = jnp.sum(hist * (jnp.log(smoothed) * _LOG2E))
    out_ref[0, 0] = jnp.log(total) * _LOG2E - hl / _N


def _finalize(parts, counts2d):
    return pl.pallas_call(
        _finalize_body,
        out_shape=jax.ShapeDtypeStruct((1, 1), jnp.float32),
        in_specs=[
            pl.BlockSpec(memory_space=pltpu.VMEM),
            pl.BlockSpec(memory_space=pltpu.VMEM),
        ],
        out_specs=pl.BlockSpec(memory_space=pltpu.SMEM),
    )(parts, counts2d)


def kernel(indices, symbol_counts):
    parts = _make_hist_kernel()(indices)
    out = _finalize(parts, symbol_counts.reshape(1, _CODEBOOK))
    return out.reshape(())

# --- scband reference (transcript-rebuilt; emitter-appended) ---
"""Pipeline reference for scband-real-entropy-codec-23398981829012 (READ-ONLY COPY).

The authoritative reference and input builder live on the scoring server;
editing this copy changes nothing except your own understanding.
"""

import jax, jax.numpy as jnp
import numpy as np

CODEBOOK_SIZE = 100000
B, T = 16384, 200


def setup_inputs(seed: int = 0) -> dict:
    key = jax.random.key(seed)
    indices = jax.random.randint(jax.random.fold_in(key, 0), (B, T), 0, CODEBOOK_SIZE, dtype=jnp.int64) if jax.config.jax_enable_x64 else jax.random.randint(jax.random.fold_in(key, 0), (B, T), 0, CODEBOOK_SIZE, dtype=jnp.int32)
    # buffer `symbol_counts` initialized to ones, as in the torch module
    symbol_counts = jnp.ones((CODEBOOK_SIZE,), dtype=jnp.float32)
    return {"indices": indices, "symbol_counts": symbol_counts}


def reference(indices, symbol_counts):
    # update_statistics: histogram of observed symbols added to running counts
    # (the torch loop over unique/counts is exactly a bincount scatter-add)
    flat = indices.reshape(-1)
    hist = jnp.bincount(flat, length=CODEBOOK_SIZE).astype(jnp.float32)
    updated_counts = symbol_counts + hist
    # get_symbol_probabilities
    smoothed = updated_counts + 1e-08
    probs = smoothed / smoothed.sum()
    # estimate_rate_from_indices: mean of -log2(max(p[idx], 1e-10)) over all B*T symbols
    p = jnp.take(probs, flat, axis=0)
    bits = -jnp.log2(jnp.maximum(p, 1e-10))
    avg_bits_per_symbol = jnp.sum(bits) / (B * T)
    return avg_bits_per_symbol

if __name__ == "__main__":
    import jax
    _d = setup_inputs()
    print(jax.jit(kernel)(*tuple(_d.values())))

</pallas_src>

<mosaic_0001>
#map = affine_map<(d0, d1) -> (0, 0)>
module attributes {stable_mosaic.version = 14 : i64} {
  func.func @hist_kernel(%arg0: i32, %arg1: i32, %arg2: memref<16384x200xi32, #tpu.memory_space<hbm>>, %arg3: memref<32x100000xi32, #tpu.memory_space<hbm>>, %arg4: memref<100000xi32, #tpu.memory_space<vmem>>, %arg5: memref<32x200xi32, #tpu.memory_space<vmem>>, %arg6: memref<32x200xi32, #tpu.memory_space<vmem>>, %arg7: memref<32x200xi32, #tpu.memory_space<vmem>>, %arg8: memref<!tpu.dma_semaphore, #tpu.memory_space<semaphore_mem>>, %arg9: memref<!tpu.dma_semaphore, #tpu.memory_space<semaphore_mem>>, %arg10: memref<!tpu.dma_semaphore, #tpu.memory_space<semaphore_mem>>) attributes {dimension_semantics = [#tpu.dimension_semantics<core_parallel>, #tpu.dimension_semantics<subcore_parallel>], iteration_bounds = array<i64: 2, 16>, scalar_prefetch = 0 : i64, scratch_operands = 7 : i64, tpu.core_type = #tpu.core_type<sc_vector_subcore>, window_params = [{transform_indices = #map}, {transform_indices = #map}]} {
    %mul3A = arith.constant 2 : i32
    %mul3A_0 = arith.muli %arg1, %mul3A : i32
    %add3A = arith.addi %mul3A_0, %arg0 : i32
    %mul3A_1 = arith.constant 512 : i32
    %mul3A_2 = arith.muli %add3A, %mul3A_1 : i32
    %broadcast_in_dim3A = arith.constant 1 : i32
    %broadcast_in_dim3A_3 = vector.broadcast %broadcast_in_dim3A : i32 to vector<16xi32>
    %broadcast_in_dim3A_4 = arith.constant 0 : i32
    %broadcast_in_dim3A_5 = vector.broadcast %broadcast_in_dim3A_4 : i32 to vector<16xi32>
    %iota3A = tpu.iota {dimensions = array<i32: 0>} : vector<16xi32>
    %ge3A = arith.constant 8 : i32
    %ge3A_6 = vector.broadcast %ge3A : i32 to vector<16xi32>
    %ge3A_7 = arith.cmpi sge, %iota3A, %ge3A_6 : vector<16xi32>
    %add3A_8 = arith.constant 0 : i32
    %add3A_9 = arith.addi %mul3A_2, %add3A_8 : i32
    %dma_start3A = arith.constant 0 : i32
    %dma_start3A_10 = tpu.memref_slice %arg2[%add3A_9, %dma_start3A] : memref<16384x200xi32, #tpu.memory_space<hbm>> -> memref<32x200xi32, #tpu.memory_space<hbm>>
    %dma_start3A_11 = arith.constant 0 : i32
    %dma_start3A_12 = tpu.memref_slice %arg2[%add3A_9, %dma_start3A_11] : memref<16384x200xi32, #tpu.memory_space<hbm>> -> memref<32x200xi32, #tpu.memory_space<hbm>>
    tpu.enqueue_dma source(%dma_start3A_12 : memref<32x200xi32, #tpu.memory_space<hbm>>) target(%arg5 : memref<32x200xi32, #tpu.memory_space<vmem>>) target_semaphore(%arg8 : memref<!tpu.dma_semaphore, #tpu.memory_space<semaphore_mem>>)
    %add3A_13 = arith.constant 32 : i32
    %add3A_14 = arith.addi %mul3A_2, %add3A_13 : i32
    %dma_start3A_15 = arith.constant 0 : i32
    %dma_start3A_16 = tpu.memref_slice %arg2[%add3A_14, %dma_start3A_15] : memref<16384x200xi32, #tpu.memory_space<hbm>> -> memref<32x200xi32, #tpu.memory_space<hbm>>
    %dma_start3A_17 = arith.constant 0 : i32
    %dma_start3A_18 = tpu.memref_slice %arg2[%add3A_14, %dma_start3A_17] : memref<16384x200xi32, #tpu.memory_space<hbm>> -> memref<32x200xi32, #tpu.memory_space<hbm>>
    tpu.enqueue_dma source(%dma_start3A_18 : memref<32x200xi32, #tpu.memory_space<hbm>>) target(%arg6 : memref<32x200xi32, #tpu.memory_space<vmem>>) target_semaphore(%arg9 : memref<!tpu.dma_semaphore, #tpu.memory_space<semaphore_mem>>)
    %add3A_19 = arith.constant 64 : i32
    %add3A_20 = arith.addi %mul3A_2, %add3A_19 : i32
    %dma_start3A_21 = arith.constant 0 : i32
    %dma_start3A_22 = tpu.memref_slice %arg2[%add3A_20, %dma_start3A_21] : memref<16384x200xi32, #tpu.memory_space<hbm>> -> memref<32x200xi32, #tpu.memory_space<hbm>>
    %dma_start3A_23 = arith.constant 0 : i32
    %dma_start3A_24 = tpu.memref_slice %arg2[%add3A_20, %dma_start3A_23] : memref<16384x200xi32, #tpu.memory_space<hbm>> -> memref<32x200xi32, #tpu.memory_space<hbm>>
    tpu.enqueue_dma source(%dma_start3A_24 : memref<32x200xi32, #tpu.memory_space<hbm>>) target(%arg7 : memref<32x200xi32, #tpu.memory_space<vmem>>) target_semaphore(%arg10 : memref<!tpu.dma_semaphore, #tpu.memory_space<semaphore_mem>>)
    %parallel_loop3A = arith.constant 0 : i32
    %parallel_loop3A_25 = arith.constant 6250 : i32
    %parallel_loop3A_26 = arith.constant 1 : i32
    scf.for %parallel_loop3A_216 = %parallel_loop3A to %parallel_loop3A_25 step %parallel_loop3A_26  : i32 {
      %parallel_loop3A_217 = arith.constant 16 : i32
      %parallel_loop3A_218 = arith.muli %parallel_loop3A_216, %parallel_loop3A_217 : i32
      %parallel_loop3A_219 = arith.index_cast %parallel_loop3A_218 : i32 to index
      %parallel_loop3A_220 = tpu.vector_load %arg4[%parallel_loop3A_219] {strides = array<i32>} : memref<100000xi32, #tpu.memory_space<vmem>>, vector<16xi32>,
      tpu.vector_store %arg4[%parallel_loop3A_219], %broadcast_in_dim3A_5 {strides = array<i32>} : memref<100000xi32, #tpu.memory_space<vmem>>, vector<16xi32>,
    } {sc.loop_unroll_factor = 16 : i64, sc.parallel_access}
    %dma_wait3A = arith.constant 0 : i32
    %dma_wait3A_27 = tpu.memref_slice %arg2[%add3A_9, %dma_wait3A] : memref<16384x200xi32, #tpu.memory_space<hbm>> -> memref<32x200xi32, #tpu.memory_space<hbm>>
    %dma_wait3A_28 = arith.constant 0 : i32
    %dma_wait3A_29 = tpu.memref_slice %arg2[%add3A_9, %dma_wait3A_28] : memref<16384x200xi32, #tpu.memory_space<hbm>> -> memref<32x200xi32, #tpu.memory_space<hbm>>
    tpu.wait_dma2 semaphore(%arg8 : memref<!tpu.dma_semaphore, #tpu.memory_space<semaphore_mem>>) src(%dma_wait3A_29 : memref<32x200xi32, #tpu.memory_space<hbm>>) dst(%arg5 : memref<32x200xi32, #tpu.memory_space<vmem>>)
    %parallel_loop3A_30 = arith.constant 0 : i32
    %parallel_loop3A_31 = arith.constant 32 : i32
    %parallel_loop3A_32 = arith.constant 1 : i32
    scf.for %parallel_loop3A_216 = %parallel_loop3A_30 to %parallel_loop3A_31 step %parallel_loop3A_32  : i32 {
      %parallel_loop3A_217 = arith.index_cast %parallel_loop3A_216 : i32 to index
      %parallel_loop3A_218 = arith.constant 0 : index
      %parallel_loop3A_219 = tpu.vector_load %arg5[%parallel_loop3A_217, %parallel_loop3A_218] {strides = array<i32>} : memref<32x200xi32, #tpu.memory_space<vmem>>, vector<16xi32>,
      tpu.vector_store_idx %arg4[%parallel_loop3A_219], %broadcast_in_dim3A_3 {add = true} : memref<100000xi32, #tpu.memory_space<vmem>>[vector<16xi32>], vector<16xi32>,
      %parallel_loop3A_220 = arith.index_cast %parallel_loop3A_216 : i32 to index
      %parallel_loop3A_221 = arith.constant 16 : index
      %parallel_loop3A_222 = tpu.vector_load %arg5[%parallel_loop3A_220, %parallel_loop3A_221] {strides = array<i32>} : memref<32x200xi32, #tpu.memory_space<vmem>>, vector<16xi32>,
      tpu.vector_store_idx %arg4[%parallel_loop3A_222], %broadcast_in_dim3A_3 {add = true} : memref<100000xi32, #tpu.memory_space<vmem>>[vector<16xi32>], vector<16xi32>,
      %parallel_loop3A_223 = arith.index_cast %parallel_loop3A_216 : i32 to index
      %parallel_loop3A_224 = arith.constant 32 : index
      %parallel_loop3A_225 = tpu.vector_load %arg5[%parallel_loop3A_223, %parallel_loop3A_224] {strides = array<i32>} : memref<32x200xi32, #tpu.memory_space<vmem>>, vector<16xi32>,
      tpu.vector_store_idx %arg4[%parallel_loop3A_225], %broadcast_in_dim3A_3 {add = true} : memref<100000xi32, #tpu.memory_space<vmem>>[vector<16xi32>], vector<16xi32>,
      %parallel_loop3A_226 = arith.index_cast %parallel_loop3A_216 : i32 to index
      %parallel_loop3A_227 = arith.constant 48 : index
      %parallel_loop3A_228 = tpu.vector_load %arg5[%parallel_loop3A_226, %parallel_loop3A_227] {strides = array<i32>} : memref<32x200xi32, #tpu.memory_space<vmem>>, vector<16xi32>,
      tpu.vector_store_idx %arg4[%parallel_loop3A_228], %broadcast_in_dim3A_3 {add = true} : memref<100000xi32, #tpu.memory_space<vmem>>[vector<16xi32>], vector<16xi32>,
      %parallel_loop3A_229 = arith.index_cast %parallel_loop3A_216 : i32 to index
      %parallel_loop3A_230 = arith.constant 64 : index
      %parallel_loop3A_231 = tpu.vector_load %arg5[%parallel_loop3A_229, %parallel_loop3A_230] {strides = array<i32>} : memref<32x200xi32, #tpu.memory_space<vmem>>, vector<16xi32>,
      tpu.vector_store_idx %arg4[%parallel_loop3A_231], %broadcast_in_dim3A_3 {add = true} : memref<100000xi32, #tpu.memory_space<vmem>>[vector<16xi32>], vector<16xi32>,
      %parallel_loop3A_232 = arith.index_cast %parallel_loop3A_216 : i32 to index
      %parallel_loop3A_233 = arith.constant 80 : index
      %parallel_loop3A_234 = tpu.vector_load %arg5[%parallel_loop3A_232, %parallel_loop3A_233] {strides = array<i32>} : memref<32x200xi32, #tpu.memory_space<vmem>>, vector<16xi32>,
      tpu.vector_store_idx %arg4[%parallel_loop3A_234], %broadcast_in_dim3A_3 {add = true} : memref<100000xi32, #tpu.memory_space<vmem>>[vector<16xi32>], vector<16xi32>,
      %parallel_loop3A_235 = arith.index_cast %parallel_loop3A_216 : i32 to index
      %parallel_loop3A_236 = arith.constant 96 : index
      %parallel_loop3A_237 = tpu.vector_load %arg5[%parallel_loop3A_235, %parallel_loop3A_236] {strides = array<i32>} : memref<32x200xi32, #tpu.memory_space<vmem>>, vector<16xi32>,
      tpu.vector_store_idx %arg4[%parallel_loop3A_237], %broadcast_in_dim3A_3 {add = true} : memref<100000xi32, #tpu.memory_space<vmem>>[vector<16xi32>], vector<16xi32>,
      %parallel_loop3A_238 = arith.index_cast %parallel_loop3A_216 : i32 to index
      %parallel_loop3A_239 = arith.constant 112 : index
      %parallel_loop3A_240 = tpu.vector_load %arg5[%parallel_loop3A_238, %parallel_loop3A_239] {strides = array<i32>} : memref<32x200xi32, #tpu.memory_space<vmem>>, vector<16xi32>,
      tpu.vector_store_idx %arg4[%parallel_loop3A_240], %broadcast_in_dim3A_3 {add = true} : memref<100000xi32, #tpu.memory_space<vmem>>[vector<16xi32>], vector<16xi32>,
      %parallel_loop3A_241 = arith.index_cast %parallel_loop3A_216 : i32 to index
      %parallel_loop3A_242 = arith.constant 128 : index
      %parallel_loop3A_243 = tpu.vector_load %arg5[%parallel_loop3A_241, %parallel_loop3A_242] {strides = array<i32>} : memref<32x200xi32, #tpu.memory_space<vmem>>, vector<16xi32>,
      tpu.vector_store_idx %arg4[%parallel_loop3A_243], %broadcast_in_dim3A_3 {add = true} : memref<100000xi32, #tpu.memory_space<vmem>>[vector<16xi32>], vector<16xi32>,
      %parallel_loop3A_244 = arith.index_cast %parallel_loop3A_216 : i32 to index
      %parallel_loop3A_245 = arith.constant 144 : index
      %parallel_loop3A_246 = tpu.vector_load %arg5[%parallel_loop3A_244, %parallel_loop3A_245] {strides = array<i32>} : memref<32x200xi32, #tpu.memory_space<vmem>>, vector<16xi32>,
      tpu.vector_store_idx %arg4[%parallel_loop3A_246], %broadcast_in_dim3A_3 {add = true} : memref<100000xi32, #tpu.memory_space<vmem>>[vector<16xi32>], vector<16xi32>,
      %parallel_loop3A_247 = arith.index_cast %parallel_loop3A_216 : i32 to index
      %parallel_loop3A_248 = arith.constant 160 : index
      %parallel_loop3A_249 = tpu.vector_load %arg5[%parallel_loop3A_247, %parallel_loop3A_248] {strides = array<i32>} : memref<32x200xi32, #tpu.memory_space<vmem>>, vector<16xi32>,
      tpu.vector_store_idx %arg4[%parallel_loop3A_249], %broadcast_in_dim3A_3 {add = true} : memref<100000xi32, #tpu.memory_space<vmem>>[vector<16xi32>], vector<16xi32>,
      %parallel_loop3A_250 = arith.index_cast %parallel_loop3A_216 : i32 to index
      %parallel_loop3A_251 = arith.constant 176 : index
      %parallel_loop3A_252 = tpu.vector_load %arg5[%parallel_loop3A_250, %parallel_loop3A_251] {strides = array<i32>} : memref<32x200xi32, #tpu.memory_space<vmem>>, vector<16xi32>,
      tpu.vector_store_idx %arg4[%parallel_loop3A_252], %broadcast_in_dim3A_3 {add = true} : memref<100000xi32, #tpu.memory_space<vmem>>[vector<16xi32>], vector<16xi32>,
      %parallel_loop3A_253 = arith.index_cast %parallel_loop3A_216 : i32 to index
      %parallel_loop3A_254 = arith.constant 184 : index
      %parallel_loop3A_255 = tpu.vector_load %arg5[%parallel_loop3A_253, %parallel_loop3A_254] {strides = array<i32>} : memref<32x200xi32, #tpu.memory_space<vmem>>, vector<16xi32>,
      tpu.vector_store_idx %arg4[%parallel_loop3A_255], %broadcast_in_dim3A_3 masked %ge3A_7 {add = true} : memref<100000xi32, #tpu.memory_space<vmem>>[vector<16xi32>], vector<16xi32>, vector<16xi1>
    } {sc.loop_unroll_factor = 4 : i64, sc.parallel_access}
    %add3A_33 = arith.constant 96 : i32
    %add3A_34 = arith.addi %mul3A_2, %add3A_33 : i32
    %dma_start3A_35 = arith.constant 0 : i32
    %dma_start3A_36 = tpu.memref_slice %arg2[%add3A_34, %dma_start3A_35] : memref<16384x200xi32, #tpu.memory_space<hbm>> -> memref<32x200xi32, #tpu.memory_space<hbm>>
    %dma_start3A_37 = arith.constant 0 : i32
    %dma_start3A_38 = tpu.memref_slice %arg2[%add3A_34, %dma_start3A_37] : memref<16384x200xi32, #tpu.memory_space<hbm>> -> memref<32x200xi32, #tpu.memory_space<hbm>>
    tpu.enqueue_dma source(%dma_start3A_38 : memref<32x200xi32, #tpu.memory_space<hbm>>) target(%arg5 : memref<32x200xi32, #tpu.memory_space<vmem>>) target_semaphore(%arg8 : memref<!tpu.dma_semaphore, #tpu.memory_space<semaphore_mem>>)
    %dma_wait3A_39 = arith.constant 0 : i32
    %dma_wait3A_40 = tpu.memref_slice %arg2[%add3A_14, %dma_wait3A_39] : memref<16384x200xi32, #tpu.memory_space<hbm>> -> memref<32x200xi32, #tpu.memory_space<hbm>>
    %dma_wait3A_41 = arith.constant 0 : i32
    %dma_wait3A_42 = tpu.memref_slice %arg2[%add3A_14, %dma_wait3A_41] : memref<16384x200xi32, #tpu.memory_space<hbm>> -> memref<32x200xi32, #tpu.memory_space<hbm>>
    tpu.wait_dma2 semaphore(%arg9 : memref<!tpu.dma_semaphore, #tpu.memory_space<semaphore_mem>>) src(%dma_wait3A_42 : memref<32x200xi32, #tpu.memory_space<hbm>>) dst(%arg6 : memref<32x200xi32, #tpu.memory_space<vmem>>)
    %parallel_loop3A_43 = arith.constant 0 : i32
    %parallel_loop3A_44 = arith.constant 32 : i32
    %parallel_loop3A_45 = arith.constant 1 : i32
    scf.for %parallel_loop3A_216 = %parallel_loop3A_43 to %parallel_loop3A_44 step %parallel_loop3A_45  : i32 {
      %parallel_loop3A_217 = arith.index_cast %parallel_loop3A_216 : i32 to index
      %parallel_loop3A_218 = arith.constant 0 : index
      %parallel_loop3A_219 = tpu.vector_load %arg6[%parallel_loop3A_217, %parallel_loop3A_218] {strides = array<i32>} : memref<32x200xi32, #tpu.memory_space<vmem>>, vector<16xi32>,
      tpu.vector_store_idx %arg4[%parallel_loop3A_219], %broadcast_in_dim3A_3 {add = true} : memref<100000xi32, #tpu.memory_space<vmem>>[vector<16xi32>], vector<16xi32>,
      %parallel_loop3A_220 = arith.index_cast %parallel_loop3A_216 : i32 to index
      %parallel_loop3A_221 = arith.constant 16 : index
      %parallel_loop3A_222 = tpu.vector_load %arg6[%parallel_loop3A_220, %parallel_loop3A_221] {strides = array<i32>} : memref<32x200xi32, #tpu.memory_space<vmem>>, vector<16xi32>,
      tpu.vector_store_idx %arg4[%parallel_loop3A_222], %broadcast_in_dim3A_3 {add = true} : memref<100000xi32, #tpu.memory_space<vmem>>[vector<16xi32>], vector<16xi32>,
      %parallel_loop3A_223 = arith.index_cast %parallel_loop3A_216 : i32 to index
      %parallel_loop3A_224 = arith.constant 32 : index
      %parallel_loop3A_225 = tpu.vector_load %arg6[%parallel_loop3A_223, %parallel_loop3A_224] {strides = array<i32>} : memref<32x200xi32, #tpu.memory_space<vmem>>, vector<16xi32>,
      tpu.vector_store_idx %arg4[%parallel_loop3A_225], %broadcast_in_dim3A_3 {add = true} : memref<100000xi32, #tpu.memory_space<vmem>>[vector<16xi32>], vector<16xi32>,
      %parallel_loop3A_226 = arith.index_cast %parallel_loop3A_216 : i32 to index
      %parallel_loop3A_227 = arith.constant 48 : index
      %parallel_loop3A_228 = tpu.vector_load %arg6[%parallel_loop3A_226, %parallel_loop3A_227] {strides = array<i32>} : memref<32x200xi32, #tpu.memory_space<vmem>>, vector<16xi32>,
      tpu.vector_store_idx %arg4[%parallel_loop3A_228], %broadcast_in_dim3A_3 {add = true} : memref<100000xi32, #tpu.memory_space<vmem>>[vector<16xi32>], vector<16xi32>,
      %parallel_loop3A_229 = arith.index_cast %parallel_loop3A_216 : i32 to index
      %parallel_loop3A_230 = arith.constant 64 : index
      %parallel_loop3A_231 = tpu.vector_load %arg6[%parallel_loop3A_229, %parallel_loop3A_230] {strides = array<i32>} : memref<32x200xi32, #tpu.memory_space<vmem>>, vector<16xi32>,
      tpu.vector_store_idx %arg4[%parallel_loop3A_231], %broadcast_in_dim3A_3 {add = true} : memref<100000xi32, #tpu.memory_space<vmem>>[vector<16xi32>], vector<16xi32>,
      %parallel_loop3A_232 = arith.index_cast %parallel_loop3A_216 : i32 to index
      %parallel_loop3A_233 = arith.constant 80 : index
      %parallel_loop3A_234 = tpu.vector_load %arg6[%parallel_loop3A_232, %parallel_loop3A_233] {strides = array<i32>} : memref<32x200xi32, #tpu.memory_space<vmem>>, vector<16xi32>,
      tpu.vector_store_idx %arg4[%parallel_loop3A_234], %broadcast_in_dim3A_3 {add = true} : memref<100000xi32, #tpu.memory_space<vmem>>[vector<16xi32>], vector<16xi32>,
      %parallel_loop3A_235 = arith.index_cast %parallel_loop3A_216 : i32 to index
      %parallel_loop3A_236 = arith.constant 96 : index
      %parallel_loop3A_237 = tpu.vector_load %arg6[%parallel_loop3A_235, %parallel_loop3A_236] {strides = array<i32>} : memref<32x200xi32, #tpu.memory_space<vmem>>, vector<16xi32>,
      tpu.vector_store_idx %arg4[%parallel_loop3A_237], %broadcast_in_dim3A_3 {add = true} : memref<100000xi32, #tpu.memory_space<vmem>>[vector<16xi32>], vector<16xi32>,
      %parallel_loop3A_238 = arith.index_cast %parallel_loop3A_216 : i32 to index
      %parallel_loop3A_239 = arith.constant 112 : index
      %parallel_loop3A_240 = tpu.vector_load %arg6[%parallel_loop3A_238, %parallel_loop3A_239] {strides = array<i32>} : memref<32x200xi32, #tpu.memory_space<vmem>>, vector<16xi32>,
      tpu.vector_store_idx %arg4[%parallel_loop3A_240], %broadcast_in_dim3A_3 {add = true} : memref<100000xi32, #tpu.memory_space<vmem>>[vector<16xi32>], vector<16xi32>,
      %parallel_loop3A_241 = arith.index_cast %parallel_loop3A_216 : i32 to index
      %parallel_loop3A_242 = arith.constant 128 : index
      %parallel_loop3A_243 = tpu.vector_load %arg6[%parallel_loop3A_241, %parallel_loop3A_242] {strides = array<i32>} : memref<32x200xi32, #tpu.memory_space<vmem>>, vector<16xi32>,
      tpu.vector_store_idx %arg4[%parallel_loop3A_243], %broadcast_in_dim3A_3 {add = true} : memref<100000xi32, #tpu.memory_space<vmem>>[vector<16xi32>], vector<16xi32>,
      %parallel_loop3A_244 = arith.index_cast %parallel_loop3A_216 : i32 to index
      %parallel_loop3A_245 = arith.constant 144 : index
      %parallel_loop3A_246 = tpu.vector_load %arg6[%parallel_loop3A_244, %parallel_loop3A_245] {strides = array<i32>} : memref<32x200xi32, #tpu.memory_space<vmem>>, vector<16xi32>,
      tpu.vector_store_idx %arg4[%parallel_loop3A_246], %broadcast_in_dim3A_3 {add = true} : memref<100000xi32, #tpu.memory_space<vmem>>[vector<16xi32>], vector<16xi32>,
      %parallel_loop3A_247 = arith.index_cast %parallel_loop3A_216 : i32 to index
      %parallel_loop3A_248 = arith.constant 160 : index
      %parallel_loop3A_249 = tpu.vector_load %arg6[%parallel_loop3A_247, %parallel_loop3A_248] {strides = array<i32>} : memref<32x200xi32, #tpu.memory_space<vmem>>, vector<16xi32>,
      tpu.vector_store_idx %arg4[%parallel_loop3A_249], %broadcast_in_dim3A_3 {add = true} : memref<100000xi32, #tpu.memory_space<vmem>>[vector<16xi32>], vector<16xi32>,
      %parallel_loop3A_250 = arith.index_cast %parallel_loop3A_216 : i32 to index
      %parallel_loop3A_251 = arith.constant 176 : index
      %parallel_loop3A_252 = tpu.vector_load %arg6[%parallel_loop3A_250, %parallel_loop3A_251] {strides = array<i32>} : memref<32x200xi32, #tpu.memory_space<vmem>>, vector<16xi32>,
      tpu.vector_store_idx %arg4[%parallel_loop3A_252], %broadcast_in_dim3A_3 {add = true} : memref<100000xi32, #tpu.memory_space<vmem>>[vector<16xi32>], vector<16xi32>,
      %parallel_loop3A_253 = arith.index_cast %parallel_loop3A_216 : i32 to index
      %parallel_loop3A_254 = arith.constant 184 : index
      %parallel_loop3A_255 = tpu.vector_load %arg6[%parallel_loop3A_253, %parallel_loop3A_254] {strides = array<i32>} : memref<32x200xi32, #tpu.memory_space<vmem>>, vector<16xi32>,
      tpu.vector_store_idx %arg4[%parallel_loop3A_255], %broadcast_in_dim3A_3 masked %ge3A_7 {add = true} : memref<100000xi32, #tpu.memory_space<vmem>>[vector<16xi32>], vector<16xi32>, vector<16xi1>
    } {sc.loop_unroll_factor = 4 : i64, sc.parallel_access}
    %add3A_46 = arith.constant 128 : i32
    %add3A_47 = arith.addi %mul3A_2, %add3A_46 : i32
    %dma_start3A_48 = arith.constant 0 : i32
    %dma_start3A_49 = tpu.memref_slice %arg2[%add3A_47, %dma_start3A_48] : memref<16384x200xi32, #tpu.memory_space<hbm>> -> memref<32x200xi32, #tpu.memory_space<hbm>>
    %dma_start3A_50 = arith.constant 0 : i32
    %dma_start3A_51 = tpu.memref_slice %arg2[%add3A_47, %dma_start3A_50] : memref<16384x200xi32, #tpu.memory_space<hbm>> -> memref<32x200xi32, #tpu.memory_space<hbm>>
    tpu.enqueue_dma source(%dma_start3A_51 : memref<32x200xi32, #tpu.memory_space<hbm>>) target(%arg6 : memref<32x200xi32, #tpu.memory_space<vmem>>) target_semaphore(%arg9 : memref<!tpu.dma_semaphore, #tpu.memory_space<semaphore_mem>>)
    %dma_wait3A_52 = arith.constant 0 : i32
    %dma_wait3A_53 = tpu.memref_slice %arg2[%add3A_20, %dma_wait3A_52] : memref<16384x200xi32, #tpu.memory_space<hbm>> -> memref<32x200xi32, #tpu.memory_space<hbm>>
    %dma_wait3A_54 = arith.constant 0 : i32
    %dma_wait3A_55 = tpu.memref_slice %arg2[%add3A_20, %dma_wait3A_54] : memref<16384x200xi32, #tpu.memory_space<hbm>> -> memref<32x200xi32, #tpu.memory_space<hbm>>
    tpu.wait_dma2 semaphore(%arg10 : memref<!tpu.dma_semaphore, #tpu.memory_space<semaphore_mem>>) src(%dma_wait3A_55 : memref<32x200xi32, #tpu.memory_space<hbm>>) dst(%arg7 : memref<32x200xi32, #tpu.memory_space<vmem>>)
    %parallel_loop3A_56 = arith.constant 0 : i32
    %parallel_loop3A_57 = arith.constant 32 : i32
    %parallel_loop3A_58 = arith.constant 1 : i32
    scf.for %parallel_loop3A_216 = %parallel_loop3A_56 to %parallel_loop3A_57 step %parallel_loop3A_58  : i32 {
      %parallel_loop3A_217 = arith.index_cast %parallel_loop3A_216 : i32 to index
      %parallel_loop3A_218 = arith.constant 0 : index
      %parallel_loop3A_219 = tpu.vector_load %arg7[%parallel_loop3A_217, %parallel_loop3A_218] {strides = array<i32>} : memref<32x200xi32, #tpu.memory_space<vmem>>, vector<16xi32>,
      tpu.vector_store_idx %arg4[%parallel_loop3A_219], %broadcast_in_dim3A_3 {add = true} : memref<100000xi32, #tpu.memory_space<vmem>>[vector<16xi32>], vector<16xi32>,
      %parallel_loop3A_220 = arith.index_cast %parallel_loop3A_216 : i32 to index
      %parallel_loop3A_221 = arith.constant 16 : index
      %parallel_loop3A_222 = tpu.vector_load %arg7[%parallel_loop3A_220, %parallel_loop3A_221] {strides = array<i32>} : memref<32x200xi32, #tpu.memory_space<vmem>>, vector<16xi32>,
      tpu.vector_store_idx %arg4[%parallel_loop3A_222], %broadcast_in_dim3A_3 {add = true} : memref<100000xi32, #tpu.memory_space<vmem>>[vector<16xi32>], vector<16xi32>,
      %parallel_loop3A_223 = arith.index_cast %parallel_loop3A_216 : i32 to index
      %parallel_loop3A_224 = arith.constant 32 : index
      %parallel_loop3A_225 = tpu.vector_load %arg7[%parallel_loop3A_223, %parallel_loop3A_224] {strides = array<i32>} : memref<32x200xi32, #tpu.memory_space<vmem>>, vector<16xi32>,
      tpu.vector_store_idx %arg4[%parallel_loop3A_225], %broadcast_in_dim3A_3 {add = true} : memref<100000xi32, #tpu.memory_space<vmem>>[vector<16xi32>], vector<16xi32>,
      %parallel_loop3A_226 = arith.index_cast %parallel_loop3A_216 : i32 to index
      %parallel_loop3A_227 = arith.constant 48 : index
      %parallel_loop3A_228 = tpu.vector_load %arg7[%parallel_loop3A_226, %parallel_loop3A_227] {strides = array<i32>} : memref<32x200xi32, #tpu.memory_space<vmem>>, vector<16xi32>,
      tpu.vector_store_idx %arg4[%parallel_loop3A_228], %broadcast_in_dim3A_3 {add = true} : memref<100000xi32, #tpu.memory_space<vmem>>[vector<16xi32>], vector<16xi32>,
      %parallel_loop3A_229 = arith.index_cast %parallel_loop3A_216 : i32 to index
      %parallel_loop3A_230 = arith.constant 64 : index
      %parallel_loop3A_231 = tpu.vector_load %arg7[%parallel_loop3A_229, %parallel_loop3A_230] {strides = array<i32>} : memref<32x200xi32, #tpu.memory_space<vmem>>, vector<16xi32>,
      tpu.vector_store_idx %arg4[%parallel_loop3A_231], %broadcast_in_dim3A_3 {add = true} : memref<100000xi32, #tpu.memory_space<vmem>>[vector<16xi32>], vector<16xi32>,
      %parallel_loop3A_232 = arith.index_cast %parallel_loop3A_216 : i32 to index
      %parallel_loop3A_233 = arith.constant 80 : index
      %parallel_loop3A_234 = tpu.vector_load %arg7[%parallel_loop3A_232, %parallel_loop3A_233] {strides = array<i32>} : memref<32x200xi32, #tpu.memory_space<vmem>>, vector<16xi32>,
      tpu.vector_store_idx %arg4[%parallel_loop3A_234], %broadcast_in_dim3A_3 {add = true} : memref<100000xi32, #tpu.memory_space<vmem>>[vector<16xi32>], vector<16xi32>,
      %parallel_loop3A_235 = arith.index_cast %parallel_loop3A_216 : i32 to index
      %parallel_loop3A_236 = arith.constant 96 : index
      %parallel_loop3A_237 = tpu.vector_load %arg7[%parallel_loop3A_235, %parallel_loop3A_236] {strides = array<i32>} : memref<32x200xi32, #tpu.memory_space<vmem>>, vector<16xi32>,
      tpu.vector_store_idx %arg4[%parallel_loop3A_237], %broadcast_in_dim3A_3 {add = true} : memref<100000xi32, #tpu.memory_space<vmem>>[vector<16xi32>], vector<16xi32>,
      %parallel_loop3A_238 = arith.index_cast %parallel_loop3A_216 : i32 to index
      %parallel_loop3A_239 = arith.constant 112 : index
      %parallel_loop3A_240 = tpu.vector_load %arg7[%parallel_loop3A_238, %parallel_loop3A_239] {strides = array<i32>} : memref<32x200xi32, #tpu.memory_space<vmem>>, vector<16xi32>,
      tpu.vector_store_idx %arg4[%parallel_loop3A_240], %broadcast_in_dim3A_3 {add = true} : memref<100000xi32, #tpu.memory_space<vmem>>[vector<16xi32>], vector<16xi32>,
      %parallel_loop3A_241 = arith.index_cast %parallel_loop3A_216 : i32 to index
      %parallel_loop3A_242 = arith.constant 128 : index
      %parallel_loop3A_243 = tpu.vector_load %arg7[%parallel_loop3A_241, %parallel_loop3A_242] {strides = array<i32>} : memref<32x200xi32, #tpu.memory_space<vmem>>, vector<16xi32>,
      tpu.vector_store_idx %arg4[%parallel_loop3A_243], %broadcast_in_dim3A_3 {add = true} : memref<100000xi32, #tpu.memory_space<vmem>>[vector<16xi32>], vector<16xi32>,
      %parallel_loop3A_244 = arith.index_cast %parallel_loop3A_216 : i32 to index
      %parallel_loop3A_245 = arith.constant 144 : index
      %parallel_loop3A_246 = tpu.vector_load %arg7[%parallel_loop3A_244, %parallel_loop3A_245] {strides = array<i32>} : memref<32x200xi32, #tpu.memory_space<vmem>>, vector<16xi32>,
      tpu.vector_store_idx %arg4[%parallel_loop3A_246], %broadcast_in_dim3A_3 {add = true} : memref<100000xi32, #tpu.memory_space<vmem>>[vector<16xi32>], vector<16xi32>,
      %parallel_loop3A_247 = arith.index_cast %parallel_loop3A_216 : i32 to index
      %parallel_loop3A_248 = arith.constant 160 : index
      %parallel_loop3A_249 = tpu.vector_load %arg7[%parallel_loop3A_247, %parallel_loop3A_248] {strides = array<i32>} : memref<32x200xi32, #tpu.memory_space<vmem>>, vector<16xi32>,
      tpu.vector_store_idx %arg4[%parallel_loop3A_249], %broadcast_in_dim3A_3 {add = true} : memref<100000xi32, #tpu.memory_space<vmem>>[vector<16xi32>], vector<16xi32>,
      %parallel_loop3A_250 = arith.index_cast %parallel_loop3A_216 : i32 to index
      %parallel_loop3A_251 = arith.constant 176 : index
      %parallel_loop3A_252 = tpu.vector_load %arg7[%parallel_loop3A_250, %parallel_loop3A_251] {strides = array<i32>} : memref<32x200xi32, #tpu.memory_space<vmem>>, vector<16xi32>,
      tpu.vector_store_idx %arg4[%parallel_loop3A_252], %broadcast_in_dim3A_3 {add = true} : memref<100000xi32, #tpu.memory_space<vmem>>[vector<16xi32>], vector<16xi32>,
      %parallel_loop3A_253 = arith.index_cast %parallel_loop3A_216 : i32 to index
      %parallel_loop3A_254 = arith.constant 184 : index
      %parallel_loop3A_255 = tpu.vector_load %arg7[%parallel_loop3A_253, %parallel_loop3A_254] {strides = array<i32>} : memref<32x200xi32, #tpu.memory_space<vmem>>, vector<16xi32>,
      tpu.vector_store_idx %arg4[%parallel_loop3A_255], %broadcast_in_dim3A_3 masked %ge3A_7 {add = true} : memref<100000xi32, #tpu.memory_space<vmem>>[vector<16xi32>], vector<16xi32>, vector<16xi1>
    } {sc.loop_unroll_factor = 4 : i64, sc.parallel_access}
    %add3A_59 = arith.constant 160 : i32
    %add3A_60 = arith.addi %mul3A_2, %add3A_59 : i32
    %dma_start3A_61 = arith.constant 0 : i32
    %dma_start3A_62 = tpu.memref_slice %arg2[%add3A_60, %dma_start3A_61] : memref<16384x200xi32, #tpu.memory_space<hbm>> -> memref<32x200xi32, #tpu.memory_space<hbm>>
    %dma_start3A_63 = arith.constant 0 : i32
    %dma_start3A_64 = tpu.memref_slice %arg2[%add3A_60, %dma_start3A_63] : memref<16384x200xi32, #tpu.memory_space<hbm>> -> memref<32x200xi32, #tpu.memory_space<hbm>>
    tpu.enqueue_dma source(%dma_start3A_64 : memref<32x200xi32, #tpu.memory_space<hbm>>) target(%arg7 : memref<32x200xi32, #tpu.memory_space<vmem>>) target_semaphore(%arg10 : memref<!tpu.dma_semaphore, #tpu.memory_space<semaphore_mem>>)
    %dma_wait3A_65 = arith.constant 0 : i32
    %dma_wait3A_66 = tpu.memref_slice %arg2[%add3A_34, %dma_wait3A_65] : memref<16384x200xi32, #tpu.memory_space<hbm>> -> memref<32x200xi32, #tpu.memory_space<hbm>>
    %dma_wait3A_67 = arith.constant 0 : i32
    %dma_wait3A_68 = tpu.memref_slice %arg2[%add3A_34, %dma_wait3A_67] : memref<16384x200xi32, #tpu.memory_space<hbm>> -> memref<32x200xi32, #tpu.memory_space<hbm>>
    tpu.wait_dma2 semaphore(%arg8 : memref<!tpu.dma_semaphore, #tpu.memory_space<semaphore_mem>>) src(%dma_wait3A_68 : memref<32x200xi32, #tpu.memory_space<hbm>>) dst(%arg5 : memref<32x200xi32, #tpu.memory_space<vmem>>)
    %parallel_loop3A_69 = arith.constant 0 : i32
    %parallel_loop3A_70 = arith.constant 32 : i32
    %parallel_loop3A_71 = arith.constant 1 : i32
    scf.for %parallel_loop3A_216 = %parallel_loop3A_69 to %parallel_loop3A_70 step %parallel_loop3A_71  : i32 {
      %parallel_loop3A_217 = arith.index_cast %parallel_loop3A_216 : i32 to index
      %parallel_loop3A_218 = arith.constant 0 : index
      %parallel_loop3A_219 = tpu.vector_load %arg5[%parallel_loop3A_217, %parallel_loop3A_218] {strides = array<i32>} : memref<32x200xi32, #tpu.memory_space<vmem>>, vector<16xi32>,
      tpu.vector_store_idx %arg4[%parallel_loop3A_219], %broadcast_in_dim3A_3 {add = true} : memref<100000xi32, #tpu.memory_space<vmem>>[vector<16xi32>], vector<16xi32>,
      %parallel_loop3A_220 = arith.index_cast %parallel_loop3A_216 : i32 to index
      %parallel_loop3A_221 = arith.constant 16 : index
      %parallel_loop3A_222 = tpu.vector_load %arg5[%parallel_loop3A_220, %parallel_loop3A_221] {strides = array<i32>} : memref<32x200xi32, #tpu.memory_space<vmem>>, vector<16xi32>,
      tpu.vector_store_idx %arg4[%parallel_loop3A_222], %broadcast_in_dim3A_3 {add = true} : memref<100000xi32, #tpu.memory_space<vmem>>[vector<16xi32>], vector<16xi32>,
      %parallel_loop3A_223 = arith.index_cast %parallel_loop3A_216 : i32 to index
      %parallel_loop3A_224 = arith.constant 32 : index
      %parallel_loop3A_225 = tpu.vector_load %arg5[%parallel_loop3A_223, %parallel_loop3A_224] {strides = array<i32>} : memref<32x200xi32, #tpu.memory_space<vmem>>, vector<16xi32>,
      tpu.vector_store_idx %arg4[%parallel_loop3A_225], %broadcast_in_dim3A_3 {add = true} : memref<100000xi32, #tpu.memory_space<vmem>>[vector<16xi32>], vector<16xi32>,
      %parallel_loop3A_226 = arith.index_cast %parallel_loop3A_216 : i32 to index
      %parallel_loop3A_227 = arith.constant 48 : index
      %parallel_loop3A_228 = tpu.vector_load %arg5[%parallel_loop3A_226, %parallel_loop3A_227] {strides = array<i32>} : memref<32x200xi32, #tpu.memory_space<vmem>>, vector<16xi32>,
      tpu.vector_store_idx %arg4[%parallel_loop3A_228], %broadcast_in_dim3A_3 {add = true} : memref<100000xi32, #tpu.memory_space<vmem>>[vector<16xi32>], vector<16xi32>,
      %parallel_loop3A_229 = arith.index_cast %parallel_loop3A_216 : i32 to index
      %parallel_loop3A_230 = arith.constant 64 : index
      %parallel_loop3A_231 = tpu.vector_load %arg5[%parallel_loop3A_229, %parallel_loop3A_230] {strides = array<i32>} : memref<32x200xi32, #tpu.memory_space<vmem>>, vector<16xi32>,
      tpu.vector_store_idx %arg4[%parallel_loop3A_231], %broadcast_in_dim3A_3 {add = true} : memref<100000xi32, #tpu.memory_space<vmem>>[vector<16xi32>], vector<16xi32>,
      %parallel_loop3A_232 = arith.index_cast %parallel_loop3A_216 : i32 to index
      %parallel_loop3A_233 = arith.constant 80 : index
      %parallel_loop3A_234 = tpu.vector_load %arg5[%parallel_loop3A_232, %parallel_loop3A_233] {strides = array<i32>} : memref<32x200xi32, #tpu.memory_space<vmem>>, vector<16xi32>,
      tpu.vector_store_idx %arg4[%parallel_loop3A_234], %broadcast_in_dim3A_3 {add = true} : memref<100000xi32, #tpu.memory_space<vmem>>[vector<16xi32>], vector<16xi32>,
      %parallel_loop3A_235 = arith.index_cast %parallel_loop3A_216 : i32 to index
      %parallel_loop3A_236 = arith.constant 96 : index
      %parallel_loop3A_237 = tpu.vector_load %arg5[%parallel_loop3A_235, %parallel_loop3A_236] {strides = array<i32>} : memref<32x200xi32, #tpu.memory_space<vmem>>, vector<16xi32>,
      tpu.vector_store_idx %arg4[%parallel_loop3A_237], %broadcast_in_dim3A_3 {add = true} : memref<100000xi32, #tpu.memory_space<vmem>>[vector<16xi32>], vector<16xi32>,
      %parallel_loop3A_238 = arith.index_cast %parallel_loop3A_216 : i32 to index
      %parallel_loop3A_239 = arith.constant 112 : index
      %parallel_loop3A_240 = tpu.vector_load %arg5[%parallel_loop3A_238, %parallel_loop3A_239] {strides = array<i32>} : memref<32x200xi32, #tpu.memory_space<vmem>>, vector<16xi32>,
      tpu.vector_store_idx %arg4[%parallel_loop3A_240], %broadcast_in_dim3A_3 {add = true} : memref<100000xi32, #tpu.memory_space<vmem>>[vector<16xi32>], vector<16xi32>,
      %parallel_loop3A_241 = arith.index_cast %parallel_loop3A_216 : i32 to index
      %parallel_loop3A_242 = arith.constant 128 : index
      %parallel_loop3A_243 = tpu.vector_load %arg5[%parallel_loop3A_241, %parallel_loop3A_242] {strides = array<i32>} : memref<32x200xi32, #tpu.memory_space<vmem>>, vector<16xi32>,
      tpu.vector_store_idx %arg4[%parallel_loop3A_243], %broadcast_in_dim3A_3 {add = true} : memref<100000xi32, #tpu.memory_space<vmem>>[vector<16xi32>], vector<16xi32>,
      %parallel_loop3A_244 = arith.index_cast %parallel_loop3A_216 : i32 to index
      %parallel_loop3A_245 = arith.constant 144 : index
      %parallel_loop3A_246 = tpu.vector_load %arg5[%parallel_loop3A_244, %parallel_loop3A_245] {strides = array<i32>} : memref<32x200xi32, #tpu.memory_space<vmem>>, vector<16xi32>,
      tpu.vector_store_idx %arg4[%parallel_loop3A_246], %broadcast_in_dim3A_3 {add = true} : memref<100000xi32, #tpu.memory_space<vmem>>[vector<16xi32>], vector<16xi32>,
      %parallel_loop3A_247 = arith.index_cast %parallel_loop3A_216 : i32 to index
      %parallel_loop3A_248 = arith.constant 160 : index
      %parallel_loop3A_249 = tpu.vector_load %arg5[%parallel_loop3A_247, %parallel_loop3A_248] {strides = array<i32>} : memref<32x200xi32, #tpu.memory_space<vmem>>, vector<16xi32>,
      tpu.vector_store_idx %arg4[%parallel_loop3A_249], %broadcast_in_dim3A_3 {add = true} : memref<100000xi32, #tpu.memory_space<vmem>>[vector<16xi32>], vector<16xi32>,
      %parallel_loop3A_250 = arith.index_cast %parallel_loop3A_216 : i32 to index
      %parallel_loop3A_251 = arith.constant 176 : index
      %parallel_loop3A_252 = tpu.vector_load %arg5[%parallel_loop3A_250, %parallel_loop3A_251] {strides = array<i32>} : memref<32x200xi32, #tpu.memory_space<vmem>>, vector<16xi32>,
      tpu.vector_store_idx %arg4[%parallel_loop3A_252], %broadcast_in_dim3A_3 {add = true} : memref<100000xi32, #tpu.memory_space<vmem>>[vector<16xi32>], vector<16xi32>,
      %parallel_loop3A_253 = arith.index_cast %parallel_loop3A_216 : i32 to index
      %parallel_loop3A_254 = arith.constant 184 : index
      %parallel_loop3A_255 = tpu.vector_load %arg5[%parallel_loop3A_253, %parallel_loop3A_254] {strides = array<i32>} : memref<32x200xi32, #tpu.memory_space<vmem>>, vector<16xi32>,
      tpu.vector_store_idx %arg4[%parallel_loop3A_255], %broadcast_in_dim3A_3 masked %ge3A_7 {add = true} : memref<100000xi32, #tpu.memory_space<vmem>>[vector<16xi32>], vector<16xi32>, vector<16xi1>
    } {sc.loop_unroll_factor = 4 : i64, sc.parallel_access}
    %add3A_72 = arith.constant 192 : i32
    %add3A_73 = arith.addi %mul3A_2, %add3A_72 : i32
    %dma_start3A_74 = arith.constant 0 : i32
    %dma_start3A_75 = tpu.memref_slice %arg2[%add3A_73, %dma_start3A_74] : memref<16384x200xi32, #tpu.memory_space<hbm>> -> memref<32x200xi32, #tpu.memory_space<hbm>>
    %dma_start3A_76 = arith.constant 0 : i32
    %dma_start3A_77 = tpu.memref_slice %arg2[%add3A_73, %dma_start3A_76] : memref<16384x200xi32, #tpu.memory_space<hbm>> -> memref<32x200xi32, #tpu.memory_space<hbm>>
    tpu.enqueue_dma source(%dma_start3A_77 : memref<32x200xi32, #tpu.memory_space<hbm>>) target(%arg5 : memref<32x200xi32, #tpu.memory_space<vmem>>) target_semaphore(%arg8 : memref<!tpu.dma_semaphore, #tpu.memory_space<semaphore_mem>>)
    %dma_wait3A_78 = arith.constant 0 : i32
    %dma_wait3A_79 = tpu.memref_slice %arg2[%add3A_47, %dma_wait3A_78] : memref<16384x200xi32, #tpu.memory_space<hbm>> -> memref<32x200xi32, #tpu.memory_space<hbm>>
    %dma_wait3A_80 = arith.constant 0 : i32
    %dma_wait3A_81 = tpu.memref_slice %arg2[%add3A_47, %dma_wait3A_80] : memref<16384x200xi32, #tpu.memory_space<hbm>> -> memref<32x200xi32, #tpu.memory_space<hbm>>
    tpu.wait_dma2 semaphore(%arg9 : memref<!tpu.dma_semaphore, #tpu.memory_space<semaphore_mem>>) src(%dma_wait3A_81 : memref<32x200xi32, #tpu.memory_space<hbm>>) dst(%arg6 : memref<32x200xi32, #tpu.memory_space<vmem>>)
    %parallel_loop3A_82 = arith.constant 0 : i32
    %parallel_loop3A_83 = arith.constant 32 : i32
    %parallel_loop3A_84 = arith.constant 1 : i32
    scf.for %parallel_loop3A_216 = %parallel_loop3A_82 to %parallel_loop3A_83 step %parallel_loop3A_84  : i32 {
      %parallel_loop3A_217 = arith.index_cast %parallel_loop3A_216 : i32 to index
      %parallel_loop3A_218 = arith.constant 0 : index
      %parallel_loop3A_219 = tpu.vector_load %arg6[%parallel_loop3A_217, %parallel_loop3A_218] {strides = array<i32>} : memref<32x200xi32, #tpu.memory_space<vmem>>, vector<16xi32>,
      tpu.vector_store_idx %arg4[%parallel_loop3A_219], %broadcast_in_dim3A_3 {add = true} : memref<100000xi32, #tpu.memory_space<vmem>>[vector<16xi32>], vector<16xi32>,
      %parallel_loop3A_220 = arith.index_cast %parallel_loop3A_216 : i32 to index
      %parallel_loop3A_221 = arith.constant 16 : index
      %parallel_loop3A_222 = tpu.vector_load %arg6[%parallel_loop3A_220, %parallel_loop3A_221] {strides = array<i32>} : memref<32x200xi32, #tpu.memory_space<vmem>>, vector<16xi32>,
      tpu.vector_store_idx %arg4[%parallel_loop3A_222], %broadcast_in_dim3A_3 {add = true} : memref<100000xi32, #tpu.memory_space<vmem>>[vector<16xi32>], vector<16xi32>,
      %parallel_loop3A_223 = arith.index_cast %parallel_loop3A_216 : i32 to index
      %parallel_loop3A_224 = arith.constant 32 : index
      %parallel_loop3A_225 = tpu.vector_load %arg6[%parallel_loop3A_223, %parallel_loop3A_224] {strides = array<i32>} : memref<32x200xi32, #tpu.memory_space<vmem>>, vector<16xi32>,
      tpu.vector_store_idx %arg4[%parallel_loop3A_225], %broadcast_in_dim3A_3 {add = true} : memref<100000xi32, #tpu.memory_space<vmem>>[vector<16xi32>], vector<16xi32>,
      %parallel_loop3A_226 = arith.index_cast %parallel_loop3A_216 : i32 to index
      %parallel_loop3A_227 = arith.constant 48 : index
      %parallel_loop3A_228 = tpu.vector_load %arg6[%parallel_loop3A_226, %parallel_loop3A_227] {strides = array<i32>} : memref<32x200xi32, #tpu.memory_space<vmem>>, vector<16xi32>,
      tpu.vector_store_idx %arg4[%parallel_loop3A_228], %broadcast_in_dim3A_3 {add = true} : memref<100000xi32, #tpu.memory_space<vmem>>[vector<16xi32>], vector<16xi32>,
      %parallel_loop3A_229 = arith.index_cast %parallel_loop3A_216 : i32 to index
      %parallel_loop3A_230 = arith.constant 64 : index
      %parallel_loop3A_231 = tpu.vector_load %arg6[%parallel_loop3A_229, %parallel_loop3A_230] {strides = array<i32>} : memref<32x200xi32, #tpu.memory_space<vmem>>, vector<16xi32>,
      tpu.vector_store_idx %arg4[%parallel_loop3A_231], %broadcast_in_dim3A_3 {add = true} : memref<100000xi32, #tpu.memory_space<vmem>>[vector<16xi32>], vector<16xi32>,
      %parallel_loop3A_232 = arith.index_cast %parallel_loop3A_216 : i32 to index
      %parallel_loop3A_233 = arith.constant 80 : index
      %parallel_loop3A_234 = tpu.vector_load %arg6[%parallel_loop3A_232, %parallel_loop3A_233] {strides = array<i32>} : memref<32x200xi32, #tpu.memory_space<vmem>>, vector<16xi32>,
      tpu.vector_store_idx %arg4[%parallel_loop3A_234], %broadcast_in_dim3A_3 {add = true} : memref<100000xi32, #tpu.memory_space<vmem>>[vector<16xi32>], vector<16xi32>,
      %parallel_loop3A_235 = arith.index_cast %parallel_loop3A_216 : i32 to index
      %parallel_loop3A_236 = arith.constant 96 : index
      %parallel_loop3A_237 = tpu.vector_load %arg6[%parallel_loop3A_235, %parallel_loop3A_236] {strides = array<i32>} : memref<32x200xi32, #tpu.memory_space<vmem>>, vector<16xi32>,
      tpu.vector_store_idx %arg4[%parallel_loop3A_237], %broadcast_in_dim3A_3 {add = true} : memref<100000xi32, #tpu.memory_space<vmem>>[vector<16xi32>], vector<16xi32>,
      %parallel_loop3A_238 = arith.index_cast %parallel_loop3A_216 : i32 to index
      %parallel_loop3A_239 = arith.constant 112 : index
      %parallel_loop3A_240 = tpu.vector_load %arg6[%parallel_loop3A_238, %parallel_loop3A_239] {strides = array<i32>} : memref<32x200xi32, #tpu.memory_space<vmem>>, vector<16xi32>,
      tpu.vector_store_idx %arg4[%parallel_loop3A_240], %broadcast_in_dim3A_3 {add = true} : memref<100000xi32, #tpu.memory_space<vmem>>[vector<16xi32>], vector<16xi32>,
      %parallel_loop3A_241 = arith.index_cast %parallel_loop3A_216 : i32 to index
      %parallel_loop3A_242 = arith.constant 128 : index
      %parallel_loop3A_243 = tpu.vector_load %arg6[%parallel_loop3A_241, %parallel_loop3A_242] {strides = array<i32>} : memref<32x200xi32, #tpu.memory_space<vmem>>, vector<16xi32>,
      tpu.vector_store_idx %arg4[%parallel_loop3A_243], %broadcast_in_dim3A_3 {add = true} : memref<100000xi32, #tpu.memory_space<vmem>>[vector<16xi32>], vector<16xi32>,
      %parallel_loop3A_244 = arith.index_cast %parallel_loop3A_216 : i32 to index
      %parallel_loop3A_245 = arith.constant 144 : index
      %parallel_loop3A_246 = tpu.vector_load %arg6[%parallel_loop3A_244, %parallel_loop3A_245] {strides = array<i32>} : memref<32x200xi32, #tpu.memory_space<vmem>>, vector<16xi32>,
      tpu.vector_store_idx %arg4[%parallel_loop3A_246], %broadcast_in_dim3A_3 {add = true} : memref<100000xi32, #tpu.memory_space<vmem>>[vector<16xi32>], vector<16xi32>,
      %parallel_loop3A_247 = arith.index_cast %parallel_loop3A_216 : i32 to index
      %parallel_loop3A_248 = arith.constant 160 : index
      %parallel_loop3A_249 = tpu.vector_load %arg6[%parallel_loop3A_247, %parallel_loop3A_248] {strides = array<i32>} : memref<32x200xi32, #tpu.memory_space<vmem>>, vector<16xi32>,
      tpu.vector_store_idx %arg4[%parallel_loop3A_249], %broadcast_in_dim3A_3 {add = true} : memref<100000xi32, #tpu.memory_space<vmem>>[vector<16xi32>], vector<16xi32>,
      %parallel_loop3A_250 = arith.index_cast %parallel_loop3A_216 : i32 to index
      %parallel_loop3A_251 = arith.constant 176 : index
      %parallel_loop3A_252 = tpu.vector_load %arg6[%parallel_loop3A_250, %parallel_loop3A_251] {strides = array<i32>} : memref<32x200xi32, #tpu.memory_space<vmem>>, vector<16xi32>,
      tpu.vector_store_idx %arg4[%parallel_loop3A_252], %broadcast_in_dim3A_3 {add = true} : memref<100000xi32, #tpu.memory_space<vmem>>[vector<16xi32>], vector<16xi32>,
      %parallel_loop3A_253 = arith.index_cast %parallel_loop3A_216 : i32 to index
      %parallel_loop3A_254 = arith.constant 184 : index
      %parallel_loop3A_255 = tpu.vector_load %arg6[%parallel_loop3A_253, %parallel_loop3A_254] {strides = array<i32>} : memref<32x200xi32, #tpu.memory_space<vmem>>, vector<16xi32>,
      tpu.vector_store_idx %arg4[%parallel_loop3A_255], %broadcast_in_dim3A_3 masked %ge3A_7 {add = true} : memref<100000xi32, #tpu.memory_space<vmem>>[vector<16xi32>], vector<16xi32>, vector<16xi1>
    } {sc.loop_unroll_factor = 4 : i64, sc.parallel_access}
    %add3A_85 = arith.constant 224 : i32
    %add3A_86 = arith.addi %mul3A_2, %add3A_85 : i32
    %dma_start3A_87 = arith.constant 0 : i32
    %dma_start3A_88 = tpu.memref_slice %arg2[%add3A_86, %dma_start3A_87] : memref<16384x200xi32, #tpu.memory_space<hbm>> -> memref<32x200xi32, #tpu.memory_space<hbm>>
    %dma_start3A_89 = arith.constant 0 : i32
    %dma_start3A_90 = tpu.memref_slice %arg2[%add3A_86, %dma_start3A_89] : memref<16384x200xi32, #tpu.memory_space<hbm>> -> memref<32x200xi32, #tpu.memory_space<hbm>>
    tpu.enqueue_dma source(%dma_start3A_90 : memref<32x200xi32, #tpu.memory_space<hbm>>) target(%arg6 : memref<32x200xi32, #tpu.memory_space<vmem>>) target_semaphore(%arg9 : memref<!tpu.dma_semaphore, #tpu.memory_space<semaphore_mem>>)
    %dma_wait3A_91 = arith.constant 0 : i32
    %dma_wait3A_92 = tpu.memref_slice %arg2[%add3A_60, %dma_wait3A_91] : memref<16384x200xi32, #tpu.memory_space<hbm>> -> memref<32x200xi32, #tpu.memory_space<hbm>>
    %dma_wait3A_93 = arith.constant 0 : i32
    %dma_wait3A_94 = tpu.memref_slice %arg2[%add3A_60, %dma_wait3A_93] : memref<16384x200xi32, #tpu.memory_space<hbm>> -> memref<32x200xi32, #tpu.memory_space<hbm>>
    tpu.wait_dma2 semaphore(%arg10 : memref<!tpu.dma_semaphore, #tpu.memory_space<semaphore_mem>>) src(%dma_wait3A_94 : memref<32x200xi32, #tpu.memory_space<hbm>>) dst(%arg7 : memref<32x200xi32, #tpu.memory_space<vmem>>)
    %parallel_loop3A_95 = arith.constant 0 : i32
    %parallel_loop3A_96 = arith.constant 32 : i32
    %parallel_loop3A_97 = arith.constant 1 : i32
    scf.for %parallel_loop3A_216 = %parallel_loop3A_95 to %parallel_loop3A_96 step %parallel_loop3A_97  : i32 {
      %parallel_loop3A_217 = arith.index_cast %parallel_loop3A_216 : i32 to index
      %parallel_loop3A_218 = arith.constant 0 : index
      %parallel_loop3A_219 = tpu.vector_load %arg7[%parallel_loop3A_217, %parallel_loop3A_218] {strides = array<i32>} : memref<32x200xi32, #tpu.memory_space<vmem>>, vector<16xi32>,
      tpu.vector_store_idx %arg4[%parallel_loop3A_219], %broadcast_in_dim3A_3 {add = true} : memref<100000xi32, #tpu.memory_space<vmem>>[vector<16xi32>], vector<16xi32>,
      %parallel_loop3A_220 = arith.index_cast %parallel_loop3A_216 : i32 to index
      %parallel_loop3A_221 = arith.constant 16 : index
      %parallel_loop3A_222 = tpu.vector_load %arg7[%parallel_loop3A_220, %parallel_loop3A_221] {strides = array<i32>} : memref<32x200xi32, #tpu.memory_space<vmem>>, vector<16xi32>,
      tpu.vector_store_idx %arg4[%parallel_loop3A_222], %broadcast_in_dim3A_3 {add = true} : memref<100000xi32, #tpu.memory_space<vmem>>[vector<16xi32>], vector<16xi32>,
      %parallel_loop3A_223 = arith.index_cast %parallel_loop3A_216 : i32 to index
      %parallel_loop3A_224 = arith.constant 32 : index
      %parallel_loop3A_225 = tpu.vector_load %arg7[%parallel_loop3A_223, %parallel_loop3A_224] {strides = array<i32>} : memref<32x200xi32, #tpu.memory_space<vmem>>, vector<16xi32>,
      tpu.vector_store_idx %arg4[%parallel_loop3A_225], %broadcast_in_dim3A_3 {add = true} : memref<100000xi32, #tpu.memory_space<vmem>>[vector<16xi32>], vector<16xi32>,
      %parallel_loop3A_226 = arith.index_cast %parallel_loop3A_216 : i32 to index
      %parallel_loop3A_227 = arith.constant 48 : index
      %parallel_loop3A_228 = tpu.vector_load %arg7[%parallel_loop3A_226, %parallel_loop3A_227] {strides = array<i32>} : memref<32x200xi32, #tpu.memory_space<vmem>>, vector<16xi32>,
      tpu.vector_store_idx %arg4[%parallel_loop3A_228], %broadcast_in_dim3A_3 {add = true} : memref<100000xi32, #tpu.memory_space<vmem>>[vector<16xi32>], vector<16xi32>,
      %parallel_loop3A_229 = arith.index_cast %parallel_loop3A_216 : i32 to index
      %parallel_loop3A_230 = arith.constant 64 : index
      %parallel_loop3A_231 = tpu.vector_load %arg7[%parallel_loop3A_229, %parallel_loop3A_230] {strides = array<i32>} : memref<32x200xi32, #tpu.memory_space<vmem>>, vector<16xi32>,
      tpu.vector_store_idx %arg4[%parallel_loop3A_231], %broadcast_in_dim3A_3 {add = true} : memref<100000xi32, #tpu.memory_space<vmem>>[vector<16xi32>], vector<16xi32>,
      %parallel_loop3A_232 = arith.index_cast %parallel_loop3A_216 : i32 to index
      %parallel_loop3A_233 = arith.constant 80 : index
      %parallel_loop3A_234 = tpu.vector_load %arg7[%parallel_loop3A_232, %parallel_loop3A_233] {strides = array<i32>} : memref<32x200xi32, #tpu.memory_space<vmem>>, vector<16xi32>,
      tpu.vector_store_idx %arg4[%parallel_loop3A_234], %broadcast_in_dim3A_3 {add = true} : memref<100000xi32, #tpu.memory_space<vmem>>[vector<16xi32>], vector<16xi32>,
      %parallel_loop3A_235 = arith.index_cast %parallel_loop3A_216 : i32 to index
      %parallel_loop3A_236 = arith.constant 96 : index
      %parallel_loop3A_237 = tpu.vector_load %arg7[%parallel_loop3A_235, %parallel_loop3A_236] {strides = array<i32>} : memref<32x200xi32, #tpu.memory_space<vmem>>, vector<16xi32>,
      tpu.vector_store_idx %arg4[%parallel_loop3A_237], %broadcast_in_dim3A_3 {add = true} : memref<100000xi32, #tpu.memory_space<vmem>>[vector<16xi32>], vector<16xi32>,
      %parallel_loop3A_238 = arith.index_cast %parallel_loop3A_216 : i32 to index
      %parallel_loop3A_239 = arith.constant 112 : index
      %parallel_loop3A_240 = tpu.vector_load %arg7[%parallel_loop3A_238, %parallel_loop3A_239] {strides = array<i32>} : memref<32x200xi32, #tpu.memory_space<vmem>>, vector<16xi32>,
      tpu.vector_store_idx %arg4[%parallel_loop3A_240], %broadcast_in_dim3A_3 {add = true} : memref<100000xi32, #tpu.memory_space<vmem>>[vector<16xi32>], vector<16xi32>,
      %parallel_loop3A_241 = arith.index_cast %parallel_loop3A_216 : i32 to index
      %parallel_loop3A_242 = arith.constant 128 : index
      %parallel_loop3A_243 = tpu.vector_load %arg7[%parallel_loop3A_241, %parallel_loop3A_242] {strides = array<i32>} : memref<32x200xi32, #tpu.memory_space<vmem>>, vector<16xi32>,
      tpu.vector_store_idx %arg4[%parallel_loop3A_243], %broadcast_in_dim3A_3 {add = true} : memref<100000xi32, #tpu.memory_space<vmem>>[vector<16xi32>], vector<16xi32>,
      %parallel_loop3A_244 = arith.index_cast %parallel_loop3A_216 : i32 to index
      %parallel_loop3A_245 = arith.constant 144 : index
      %parallel_loop3A_246 = tpu.vector_load %arg7[%parallel_loop3A_244, %parallel_loop3A_245] {strides = array<i32>} : memref<32x200xi32, #tpu.memory_space<vmem>>, vector<16xi32>,
      tpu.vector_store_idx %arg4[%parallel_loop3A_246], %broadcast_in_dim3A_3 {add = true} : memref<100000xi32, #tpu.memory_space<vmem>>[vector<16xi32>], vector<16xi32>,
      %parallel_loop3A_247 = arith.index_cast %parallel_loop3A_216 : i32 to index
      %parallel_loop3A_248 = arith.constant 160 : index
      %parallel_loop3A_249 = tpu.vector_load %arg7[%parallel_loop3A_247, %parallel_loop3A_248] {strides = array<i32>} : memref<32x200xi32, #tpu.memory_space<vmem>>, vector<16xi32>,
      tpu.vector_store_idx %arg4[%parallel_loop3A_249], %broadcast_in_dim3A_3 {add = true} : memref<100000xi32, #tpu.memory_space<vmem>>[vector<16xi32>], vector<16xi32>,
      %parallel_loop3A_250 = arith.index_cast %parallel_loop3A_216 : i32 to index
      %parallel_loop3A_251 = arith.constant 176 : index
      %parallel_loop3A_252 = tpu.vector_load %arg7[%parallel_loop3A_250, %parallel_loop3A_251] {strides = array<i32>} : memref<32x200xi32, #tpu.memory_space<vmem>>, vector<16xi32>,
      tpu.vector_store_idx %arg4[%parallel_loop3A_252], %broadcast_in_dim3A_3 {add = true} : memref<100000xi32, #tpu.memory_space<vmem>>[vector<16xi32>], vector<16xi32>,
      %parallel_loop3A_253 = arith.index_cast %parallel_loop3A_216 : i32 to index
      %parallel_loop3A_254 = arith.constant 184 : index
      %parallel_loop3A_255 = tpu.vector_load %arg7[%parallel_loop3A_253, %parallel_loop3A_254] {strides = array<i32>} : memref<32x200xi32, #tpu.memory_space<vmem>>, vector<16xi32>,
      tpu.vector_store_idx %arg4[%parallel_loop3A_255], %broadcast_in_dim3A_3 masked %ge3A_7 {add = true} : memref<100000xi32, #tpu.memory_space<vmem>>[vector<16xi32>], vector<16xi32>, vector<16xi1>
    } {sc.loop_unroll_factor = 4 : i64, sc.parallel_access}
    %add3A_98 = arith.constant 256 : i32
    %add3A_99 = arith.addi %mul3A_2, %add3A_98 : i32
    %dma_start3A_100 = arith.constant 0 : i32
    %dma_start3A_101 = tpu.memref_slice %arg2[%add3A_99, %dma_start3A_100] : memref<16384x200xi32, #tpu.memory_space<hbm>> -> memref<32x200xi32, #tpu.memory_space<hbm>>
    %dma_start3A_102 = arith.constant 0 : i32
    %dma_start3A_103 = tpu.memref_slice %arg2[%add3A_99, %dma_start3A_102] : memref<16384x200xi32, #tpu.memory_space<hbm>> -> memref<32x200xi32, #tpu.memory_space<hbm>>
    tpu.enqueue_dma source(%dma_start3A_103 : memref<32x200xi32, #tpu.memory_space<hbm>>) target(%arg7 : memref<32x200xi32, #tpu.memory_space<vmem>>) target_semaphore(%arg10 : memref<!tpu.dma_semaphore, #tpu.memory_space<semaphore_mem>>)
    %dma_wait3A_104 = arith.constant 0 : i32
    %dma_wait3A_105 = tpu.memref_slice %arg2[%add3A_73, %dma_wait3A_104] : memref<16384x200xi32, #tpu.memory_space<hbm>> -> memref<32x200xi32, #tpu.memory_space<hbm>>
    %dma_wait3A_106 = arith.constant 0 : i32
    %dma_wait3A_107 = tpu.memref_slice %arg2[%add3A_73, %dma_wait3A_106] : memref<16384x200xi32, #tpu.memory_space<hbm>> -> memref<32x200xi32, #tpu.memory_space<hbm>>
    tpu.wait_dma2 semaphore(%arg8 : memref<!tpu.dma_semaphore, #tpu.memory_space<semaphore_mem>>) src(%dma_wait3A_107 : memref<32x200xi32, #tpu.memory_space<hbm>>) dst(%arg5 : memref<32x200xi32, #tpu.memory_space<vmem>>)
    %parallel_loop3A_108 = arith.constant 0 : i32
    %parallel_loop3A_109 = arith.constant 32 : i32
    %parallel_loop3A_110 = arith.constant 1 : i32
    scf.for %parallel_loop3A_216 = %parallel_loop3A_108 to %parallel_loop3A_109 step %parallel_loop3A_110  : i32 {
      %parallel_loop3A_217 = arith.index_cast %parallel_loop3A_216 : i32 to index
      %parallel_loop3A_218 = arith.constant 0 : index
      %parallel_loop3A_219 = tpu.vector_load %arg5[%parallel_loop3A_217, %parallel_loop3A_218] {strides = array<i32>} : memref<32x200xi32, #tpu.memory_space<vmem>>, vector<16xi32>,
      tpu.vector_store_idx %arg4[%parallel_loop3A_219], %broadcast_in_dim3A_3 {add = true} : memref<100000xi32, #tpu.memory_space<vmem>>[vector<16xi32>], vector<16xi32>,
      %parallel_loop3A_220 = arith.index_cast %parallel_loop3A_216 : i32 to index
      %parallel_loop3A_221 = arith.constant 16 : index
      %parallel_loop3A_222 = tpu.vector_load %arg5[%parallel_loop3A_220, %parallel_loop3A_221] {strides = array<i32>} : memref<32x200xi32, #tpu.memory_space<vmem>>, vector<16xi32>,
      tpu.vector_store_idx %arg4[%parallel_loop3A_222], %broadcast_in_dim3A_3 {add = true} : memref<100000xi32, #tpu.memory_space<vmem>>[vector<16xi32>], vector<16xi32>,
      %parallel_loop3A_223 = arith.index_cast %parallel_loop3A_216 : i32 to index
      %parallel_loop3A_224 = arith.constant 32 : index
      %parallel_loop3A_225 = tpu.vector_load %arg5[%parallel_loop3A_223, %parallel_loop3A_224] {strides = array<i32>} : memref<32x200xi32, #tpu.memory_space<vmem>>, vector<16xi32>,
      tpu.vector_store_idx %arg4[%parallel_loop3A_225], %broadcast_in_dim3A_3 {add = true} : memref<100000xi32, #tpu.memory_space<vmem>>[vector<16xi32>], vector<16xi32>,
      %parallel_loop3A_226 = arith.index_cast %parallel_loop3A_216 : i32 to index
      %parallel_loop3A_227 = arith.constant 48 : index
      %parallel_loop3A_228 = tpu.vector_load %arg5[%parallel_loop3A_226, %parallel_loop3A_227] {strides = array<i32>} : memref<32x200xi32, #tpu.memory_space<vmem>>, vector<16xi32>,
      tpu.vector_store_idx %arg4[%parallel_loop3A_228], %broadcast_in_dim3A_3 {add = true} : memref<100000xi32, #tpu.memory_space<vmem>>[vector<16xi32>], vector<16xi32>,
      %parallel_loop3A_229 = arith.index_cast %parallel_loop3A_216 : i32 to index
      %parallel_loop3A_230 = arith.constant 64 : index
      %parallel_loop3A_231 = tpu.vector_load %arg5[%parallel_loop3A_229, %parallel_loop3A_230] {strides = array<i32>} : memref<32x200xi32, #tpu.memory_space<vmem>>, vector<16xi32>,
      tpu.vector_store_idx %arg4[%parallel_loop3A_231], %broadcast_in_dim3A_3 {add = true} : memref<100000xi32, #tpu.memory_space<vmem>>[vector<16xi32>], vector<16xi32>,
      %parallel_loop3A_232 = arith.index_cast %parallel_loop3A_216 : i32 to index
      %parallel_loop3A_233 = arith.constant 80 : index
      %parallel_loop3A_234 = tpu.vector_load %arg5[%parallel_loop3A_232, %parallel_loop3A_233] {strides = array<i32>} : memref<32x200xi32, #tpu.memory_space<vmem>>, vector<16xi32>,
      tpu.vector_store_idx %arg4[%parallel_loop3A_234], %broadcast_in_dim3A_3 {add = true} : memref<100000xi32, #tpu.memory_space<vmem>>[vector<16xi32>], vector<16xi32>,
      %parallel_loop3A_235 = arith.index_cast %parallel_loop3A_216 : i32 to index
      %parallel_loop3A_236 = arith.constant 96 : index
      %parallel_loop3A_237 = tpu.vector_load %arg5[%parallel_loop3A_235, %parallel_loop3A_236] {strides = array<i32>} : memref<32x200xi32, #tpu.memory_space<vmem>>, vector<16xi32>,
      tpu.vector_store_idx %arg4[%parallel_loop3A_237], %broadcast_in_dim3A_3 {add = true} : memref<100000xi32, #tpu.memory_space<vmem>>[vector<16xi32>], vector<16xi32>,
      %parallel_loop3A_238 = arith.index_cast %parallel_loop3A_216 : i32 to index
      %parallel_loop3A_239 = arith.constant 112 : index
      %parallel_loop3A_240 = tpu.vector_load %arg5[%parallel_loop3A_238, %parallel_loop3A_239] {strides = array<i32>} : memref<32x200xi32, #tpu.memory_space<vmem>>, vector<16xi32>,
      tpu.vector_store_idx %arg4[%parallel_loop3A_240], %broadcast_in_dim3A_3 {add = true} : memref<100000xi32, #tpu.memory_space<vmem>>[vector<16xi32>], vector<16xi32>,
      %parallel_loop3A_241 = arith.index_cast %parallel_loop3A_216 : i32 to index
      %parallel_loop3A_242 = arith.constant 128 : index
      %parallel_loop3A_243 = tpu.vector_load %arg5[%parallel_loop3A_241, %parallel_loop3A_242] {strides = array<i32>} : memref<32x200xi32, #tpu.memory_space<vmem>>, vector<16xi32>,
      tpu.vector_store_idx %arg4[%parallel_loop3A_243], %broadcast_in_dim3A_3 {add = true} : memref<100000xi32, #tpu.memory_space<vmem>>[vector<16xi32>], vector<16xi32>,
      %parallel_loop3A_244 = arith.index_cast %parallel_loop3A_216 : i32 to index
      %parallel_loop3A_245 = arith.constant 144 : index
      %parallel_loop3A_246 = tpu.vector_load %arg5[%parallel_loop3A_244, %parallel_loop3A_245] {strides = array<i32>} : memref<32x200xi32, #tpu.memory_space<vmem>>, vector<16xi32>,
      tpu.vector_store_idx %arg4[%parallel_loop3A_246], %broadcast_in_dim3A_3 {add = true} : memref<100000xi32, #tpu.memory_space<vmem>>[vector<16xi32>], vector<16xi32>,
      %parallel_loop3A_247 = arith.index_cast %parallel_loop3A_216 : i32 to index
      %parallel_loop3A_248 = arith.constant 160 : index
      %parallel_loop3A_249 = tpu.vector_load %arg5[%parallel_loop3A_247, %parallel_loop3A_248] {strides = array<i32>} : memref<32x200xi32, #tpu.memory_space<vmem>>, vector<16xi32>,
      tpu.vector_store_idx %arg4[%parallel_loop3A_249], %broadcast_in_dim3A_3 {add = true} : memref<100000xi32, #tpu.memory_space<vmem>>[vector<16xi32>], vector<16xi32>,
      %parallel_loop3A_250 = arith.index_cast %parallel_loop3A_216 : i32 to index
      %parallel_loop3A_251 = arith.constant 176 : index
      %parallel_loop3A_252 = tpu.vector_load %arg5[%parallel_loop3A_250, %parallel_loop3A_251] {strides = array<i32>} : memref<32x200xi32, #tpu.memory_space<vmem>>, vector<16xi32>,
      tpu.vector_store_idx %arg4[%parallel_loop3A_252], %broadcast_in_dim3A_3 {add = true} : memref<100000xi32, #tpu.memory_space<vmem>>[vector<16xi32>], vector<16xi32>,
      %parallel_loop3A_253 = arith.index_cast %parallel_loop3A_216 : i32 to index
      %parallel_loop3A_254 = arith.constant 184 : index
      %parallel_loop3A_255 = tpu.vector_load %arg5[%parallel_loop3A_253, %parallel_loop3A_254] {strides = array<i32>} : memref<32x200xi32, #tpu.memory_space<vmem>>, vector<16xi32>,
      tpu.vector_store_idx %arg4[%parallel_loop3A_255], %broadcast_in_dim3A_3 masked %ge3A_7 {add = true} : memref<100000xi32, #tpu.memory_space<vmem>>[vector<16xi32>], vector<16xi32>, vector<16xi1>
    } {sc.loop_unroll_factor = 4 : i64, sc.parallel_access}
    %add3A_111 = arith.constant 288 : i32
    %add3A_112 = arith.addi %mul3A_2, %add3A_111 : i32
    %dma_start3A_113 = arith.constant 0 : i32
    %dma_start3A_114 = tpu.memref_slice %arg2[%add3A_112, %dma_start3A_113] : memref<16384x200xi32, #tpu.memory_space<hbm>> -> memref<32x200xi32, #tpu.memory_space<hbm>>
    %dma_start3A_115 = arith.constant 0 : i32
    %dma_start3A_116 = tpu.memref_slice %arg2[%add3A_112, %dma_start3A_115] : memref<16384x200xi32, #tpu.memory_space<hbm>> -> memref<32x200xi32, #tpu.memory_space<hbm>>
    tpu.enqueue_dma source(%dma_start3A_116 : memref<32x200xi32, #tpu.memory_space<hbm>>) target(%arg5 : memref<32x200xi32, #tpu.memory_space<vmem>>) target_semaphore(%arg8 : memref<!tpu.dma_semaphore, #tpu.memory_space<semaphore_mem>>)
    %dma_wait3A_117 = arith.constant 0 : i32
    %dma_wait3A_118 = tpu.memref_slice %arg2[%add3A_86, %dma_wait3A_117] : memref<16384x200xi32, #tpu.memory_space<hbm>> -> memref<32x200xi32, #tpu.memory_space<hbm>>
    %dma_wait3A_119 = arith.constant 0 : i32
    %dma_wait3A_120 = tpu.memref_slice %arg2[%add3A_86, %dma_wait3A_119] : memref<16384x200xi32, #tpu.memory_space<hbm>> -> memref<32x200xi32, #tpu.memory_space<hbm>>
    tpu.wait_dma2 semaphore(%arg9 : memref<!tpu.dma_semaphore, #tpu.memory_space<semaphore_mem>>) src(%dma_wait3A_120 : memref<32x200xi32, #tpu.memory_space<hbm>>) dst(%arg6 : memref<32x200xi32, #tpu.memory_space<vmem>>)
    %parallel_loop3A_121 = arith.constant 0 : i32
    %parallel_loop3A_122 = arith.constant 32 : i32
    %parallel_loop3A_123 = arith.constant 1 : i32
    scf.for %parallel_loop3A_216 = %parallel_loop3A_121 to %parallel_loop3A_122 step %parallel_loop3A_123  : i32 {
      %parallel_loop3A_217 = arith.index_cast %parallel_loop3A_216 : i32 to index
      %parallel_loop3A_218 = arith.constant 0 : index
      %parallel_loop3A_219 = tpu.vector_load %arg6[%parallel_loop3A_217, %parallel_loop3A_218] {strides = array<i32>} : memref<32x200xi32, #tpu.memory_space<vmem>>, vector<16xi32>,
      tpu.vector_store_idx %arg4[%parallel_loop3A_219], %broadcast_in_dim3A_3 {add = true} : memref<100000xi32, #tpu.memory_space<vmem>>[vector<16xi32>], vector<16xi32>,
      %parallel_loop3A_220 = arith.index_cast %parallel_loop3A_216 : i32 to index
      %parallel_loop3A_221 = arith.constant 16 : index
      %parallel_loop3A_222 = tpu.vector_load %arg6[%parallel_loop3A_220, %parallel_loop3A_221] {strides = array<i32>} : memref<32x200xi32, #tpu.memory_space<vmem>>, vector<16xi32>,
      tpu.vector_store_idx %arg4[%parallel_loop3A_222], %broadcast_in_dim3A_3 {add = true} : memref<100000xi32, #tpu.memory_space<vmem>>[vector<16xi32>], vector<16xi32>,
      %parallel_loop3A_223 = arith.index_cast %parallel_loop3A_216 : i32 to index
      %parallel_loop3A_224 = arith.constant 32 : index
      %parallel_loop3A_225 = tpu.vector_load %arg6[%parallel_loop3A_223, %parallel_loop3A_224] {strides = array<i32>} : memref<32x200xi32, #tpu.memory_space<vmem>>, vector<16xi32>,
      tpu.vector_store_idx %arg4[%parallel_loop3A_225], %broadcast_in_dim3A_3 {add = true} : memref<100000xi32, #tpu.memory_space<vmem>>[vector<16xi32>], vector<16xi32>,
      %parallel_loop3A_226 = arith.index_cast %parallel_loop3A_216 : i32 to index
      %parallel_loop3A_227 = arith.constant 48 : index
      %parallel_loop3A_228 = tpu.vector_load %arg6[%parallel_loop3A_226, %parallel_loop3A_227] {strides = array<i32>} : memref<32x200xi32, #tpu.memory_space<vmem>>, vector<16xi32>,
      tpu.vector_store_idx %arg4[%parallel_loop3A_228], %broadcast_in_dim3A_3 {add = true} : memref<100000xi32, #tpu.memory_space<vmem>>[vector<16xi32>], vector<16xi32>,
      %parallel_loop3A_229 = arith.index_cast %parallel_loop3A_216 : i32 to index
      %parallel_loop3A_230 = arith.constant 64 : index
      %parallel_loop3A_231 = tpu.vector_load %arg6[%parallel_loop3A_229, %parallel_loop3A_230] {strides = array<i32>} : memref<32x200xi32, #tpu.memory_space<vmem>>, vector<16xi32>,
      tpu.vector_store_idx %arg4[%parallel_loop3A_231], %broadcast_in_dim3A_3 {add = true} : memref<100000xi32, #tpu.memory_space<vmem>>[vector<16xi32>], vector<16xi32>,
      %parallel_loop3A_232 = arith.index_cast %parallel_loop3A_216 : i32 to index
      %parallel_loop3A_233 = arith.constant 80 : index
      %parallel_loop3A_234 = tpu.vector_load %arg6[%parallel_loop3A_232, %parallel_loop3A_233] {strides = array<i32>} : memref<32x200xi32, #tpu.memory_space<vmem>>, vector<16xi32>,
      tpu.vector_store_idx %arg4[%parallel_loop3A_234], %broadcast_in_dim3A_3 {add = true} : memref<100000xi32, #tpu.memory_space<vmem>>[vector<16xi32>], vector<16xi32>,
      %parallel_loop3A_235 = arith.index_cast %parallel_loop3A_216 : i32 to index
      %parallel_loop3A_236 = arith.constant 96 : index
      %parallel_loop3A_237 = tpu.vector_load %arg6[%parallel_loop3A_235, %parallel_loop3A_236] {strides = array<i32>} : memref<32x200xi32, #tpu.memory_space<vmem>>, vector<16xi32>,
      tpu.vector_store_idx %arg4[%parallel_loop3A_237], %broadcast_in_dim3A_3 {add = true} : memref<100000xi32, #tpu.memory_space<vmem>>[vector<16xi32>], vector<16xi32>,
      %parallel_loop3A_238 = arith.index_cast %parallel_loop3A_216 : i32 to index
      %parallel_loop3A_239 = arith.constant 112 : index
      %parallel_loop3A_240 = tpu.vector_load %arg6[%parallel_loop3A_238, %parallel_loop3A_239] {strides = array<i32>} : memref<32x200xi32, #tpu.memory_space<vmem>>, vector<16xi32>,
      tpu.vector_store_idx %arg4[%parallel_loop3A_240], %broadcast_in_dim3A_3 {add = true} : memref<100000xi32, #tpu.memory_space<vmem>>[vector<16xi32>], vector<16xi32>,
      %parallel_loop3A_241 = arith.index_cast %parallel_loop3A_216 : i32 to index
      %parallel_loop3A_242 = arith.constant 128 : index
      %parallel_loop3A_243 = tpu.vector_load %arg6[%parallel_loop3A_241, %parallel_loop3A_242] {strides = array<i32>} : memref<32x200xi32, #tpu.memory_space<vmem>>, vector<16xi32>,
      tpu.vector_store_idx %arg4[%parallel_loop3A_243], %broadcast_in_dim3A_3 {add = true} : memref<100000xi32, #tpu.memory_space<vmem>>[vector<16xi32>], vector<16xi32>,
      %parallel_loop3A_244 = arith.index_cast %parallel_loop3A_216 : i32 to index
      %parallel_loop3A_245 = arith.constant 144 : index
      %parallel_loop3A_246 = tpu.vector_load %arg6[%parallel_loop3A_244, %parallel_loop3A_245] {strides = array<i32>} : memref<32x200xi32, #tpu.memory_space<vmem>>, vector<16xi32>,
      tpu.vector_store_idx %arg4[%parallel_loop3A_246], %broadcast_in_dim3A_3 {add = true} : memref<100000xi32, #tpu.memory_space<vmem>>[vector<16xi32>], vector<16xi32>,
      %parallel_loop3A_247 = arith.index_cast %parallel_loop3A_216 : i32 to index
      %parallel_loop3A_248 = arith.constant 160 : index
      %parallel_loop3A_249 = tpu.vector_load %arg6[%parallel_loop3A_247, %parallel_loop3A_248] {strides = array<i32>} : memref<32x200xi32, #tpu.memory_space<vmem>>, vector<16xi32>,
      tpu.vector_store_idx %arg4[%parallel_loop3A_249], %broadcast_in_dim3A_3 {add = true} : memref<100000xi32, #tpu.memory_space<vmem>>[vector<16xi32>], vector<16xi32>,
      %parallel_loop3A_250 = arith.index_cast %parallel_loop3A_216 : i32 to index
      %parallel_loop3A_251 = arith.constant 176 : index
      %parallel_loop3A_252 = tpu.vector_load %arg6[%parallel_loop3A_250, %parallel_loop3A_251] {strides = array<i32>} : memref<32x200xi32, #tpu.memory_space<vmem>>, vector<16xi32>,
      tpu.vector_store_idx %arg4[%parallel_loop3A_252], %broadcast_in_dim3A_3 {add = true} : memref<100000xi32, #tpu.memory_space<vmem>>[vector<16xi32>], vector<16xi32>,
      %parallel_loop3A_253 = arith.index_cast %parallel_loop3A_216 : i32 to index
      %parallel_loop3A_254 = arith.constant 184 : index
      %parallel_loop3A_255 = tpu.vector_load %arg6[%parallel_loop3A_253, %parallel_loop3A_254] {strides = array<i32>} : memref<32x200xi32, #tpu.memory_space<vmem>>, vector<16xi32>,
      tpu.vector_store_idx %arg4[%parallel_loop3A_255], %broadcast_in_dim3A_3 masked %ge3A_7 {add = true} : memref<100000xi32, #tpu.memory_space<vmem>>[vector<16xi32>], vector<16xi32>, vector<16xi1>
    } {sc.loop_unroll_factor = 4 : i64, sc.parallel_access}
    %add3A_124 = arith.constant 320 : i32
    %add3A_125 = arith.addi %mul3A_2, %add3A_124 : i32
    %dma_start3A_126 = arith.constant 0 : i32
    %dma_start3A_127 = tpu.memref_slice %arg2[%add3A_125, %dma_start3A_126] : memref<16384x200xi32, #tpu.memory_space<hbm>> -> memref<32x200xi32, #tpu.memory_space<hbm>>
    %dma_start3A_128 = arith.constant 0 : i32
    %dma_start3A_129 = tpu.memref_slice %arg2[%add3A_125, %dma_start3A_128] : memref<16384x200xi32, #tpu.memory_space<hbm>> -> memref<32x200xi32, #tpu.memory_space<hbm>>
    tpu.enqueue_dma source(%dma_start3A_129 : memref<32x200xi32, #tpu.memory_space<hbm>>) target(%arg6 : memref<32x200xi32, #tpu.memory_space<vmem>>) target_semaphore(%arg9 : memref<!tpu.dma_semaphore, #tpu.memory_space<semaphore_mem>>)
    %dma_wait3A_130 = arith.constant 0 : i32
    %dma_wait3A_131 = tpu.memref_slice %arg2[%add3A_99, %dma_wait3A_130] : memref<16384x200xi32, #tpu.memory_space<hbm>> -> memref<32x200xi32, #tpu.memory_space<hbm>>
    %dma_wait3A_132 = arith.constant 0 : i32
    %dma_wait3A_133 = tpu.memref_slice %arg2[%add3A_99, %dma_wait3A_132] : memref<16384x200xi32, #tpu.memory_space<hbm>> -> memref<32x200xi32, #tpu.memory_space<hbm>>
    tpu.wait_dma2 semaphore(%arg10 : memref<!tpu.dma_semaphore, #tpu.memory_space<semaphore_mem>>) src(%dma_wait3A_133 : memref<32x200xi32, #tpu.memory_space<hbm>>) dst(%arg7 : memref<32x200xi32, #tpu.memory_space<vmem>>)
    %parallel_loop3A_134 = arith.constant 0 : i32
    %parallel_loop3A_135 = arith.constant 32 : i32
    %parallel_loop3A_136 = arith.constant 1 : i32
    scf.for %parallel_loop3A_216 = %parallel_loop3A_134 to %parallel_loop3A_135 step %parallel_loop3A_136  : i32 {
      %parallel_loop3A_217 = arith.index_cast %parallel_loop3A_216 : i32 to index
      %parallel_loop3A_218 = arith.constant 0 : index
      %parallel_loop3A_219 = tpu.vector_load %arg7[%parallel_loop3A_217, %parallel_loop3A_218] {strides = array<i32>} : memref<32x200xi32, #tpu.memory_space<vmem>>, vector<16xi32>,
      tpu.vector_store_idx %arg4[%parallel_loop3A_219], %broadcast_in_dim3A_3 {add = true} : memref<100000xi32, #tpu.memory_space<vmem>>[vector<16xi32>], vector<16xi32>,
      %parallel_loop3A_220 = arith.index_cast %parallel_loop3A_216 : i32 to index
      %parallel_loop3A_221 = arith.constant 16 : index
      %parallel_loop3A_222 = tpu.vector_load %arg7[%parallel_loop3A_220, %parallel_loop3A_221] {strides = array<i32>} : memref<32x200xi32, #tpu.memory_space<vmem>>, vector<16xi32>,
      tpu.vector_store_idx %arg4[%parallel_loop3A_222], %broadcast_in_dim3A_3 {add = true} : memref<100000xi32, #tpu.memory_space<vmem>>[vector<16xi32>], vector<16xi32>,
      %parallel_loop3A_223 = arith.index_cast %parallel_loop3A_216 : i32 to index
      %parallel_loop3A_224 = arith.constant 32 : index
      %parallel_loop3A_225 = tpu.vector_load %arg7[%parallel_loop3A_223, %parallel_loop3A_224] {strides = array<i32>} : memref<32x200xi32, #tpu.memory_space<vmem>>, vector<16xi32>,
      tpu.vector_store_idx %arg4[%parallel_loop3A_225], %broadcast_in_dim3A_3 {add = true} : memref<100000xi32, #tpu.memory_space<vmem>>[vector<16xi32>], vector<16xi32>,
      %parallel_loop3A_226 = arith.index_cast %parallel_loop3A_216 : i32 to index
      %parallel_loop3A_227 = arith.constant 48 : index
      %parallel_loop3A_228 = tpu.vector_load %arg7[%parallel_loop3A_226, %parallel_loop3A_227] {strides = array<i32>} : memref<32x200xi32, #tpu.memory_space<vmem>>, vector<16xi32>,
      tpu.vector_store_idx %arg4[%parallel_loop3A_228], %broadcast_in_dim3A_3 {add = true} : memref<100000xi32, #tpu.memory_space<vmem>>[vector<16xi32>], vector<16xi32>,
      %parallel_loop3A_229 = arith.index_cast %parallel_loop3A_216 : i32 to index
      %parallel_loop3A_230 = arith.constant 64 : index
      %parallel_loop3A_231 = tpu.vector_load %arg7[%parallel_loop3A_229, %parallel_loop3A_230] {strides = array<i32>} : memref<32x200xi32, #tpu.memory_space<vmem>>, vector<16xi32>,
      tpu.vector_store_idx %arg4[%parallel_loop3A_231], %broadcast_in_dim3A_3 {add = true} : memref<100000xi32, #tpu.memory_space<vmem>>[vector<16xi32>], vector<16xi32>,
      %parallel_loop3A_232 = arith.index_cast %parallel_loop3A_216 : i32 to index
      %parallel_loop3A_233 = arith.constant 80 : index
      %parallel_loop3A_234 = tpu.vector_load %arg7[%parallel_loop3A_232, %parallel_loop3A_233] {strides = array<i32>} : memref<32x200xi32, #tpu.memory_space<vmem>>, vector<16xi32>,
      tpu.vector_store_idx %arg4[%parallel_loop3A_234], %broadcast_in_dim3A_3 {add = true} : memref<100000xi32, #tpu.memory_space<vmem>>[vector<16xi32>], vector<16xi32>,
      %parallel_loop3A_235 = arith.index_cast %parallel_loop3A_216 : i32 to index
      %parallel_loop3A_236 = arith.constant 96 : index
      %parallel_loop3A_237 = tpu.vector_load %arg7[%parallel_loop3A_235, %parallel_loop3A_236] {strides = array<i32>} : memref<32x200xi32, #tpu.memory_space<vmem>>, vector<16xi32>,
      tpu.vector_store_idx %arg4[%parallel_loop3A_237], %broadcast_in_dim3A_3 {add = true} : memref<100000xi32, #tpu.memory_space<vmem>>[vector<16xi32>], vector<16xi32>,
      %parallel_loop3A_238 = arith.index_cast %parallel_loop3A_216 : i32 to index
      %parallel_loop3A_239 = arith.constant 112 : index
      %parallel_loop3A_240 = tpu.vector_load %arg7[%parallel_loop3A_238, %parallel_loop3A_239] {strides = array<i32>} : memref<32x200xi32, #tpu.memory_space<vmem>>, vector<16xi32>,
      tpu.vector_store_idx %arg4[%parallel_loop3A_240], %broadcast_in_dim3A_3 {add = true} : memref<100000xi32, #tpu.memory_space<vmem>>[vector<16xi32>], vector<16xi32>,
      %parallel_loop3A_241 = arith.index_cast %parallel_loop3A_216 : i32 to index
      %parallel_loop3A_242 = arith.constant 128 : index
      %parallel_loop3A_243 = tpu.vector_load %arg7[%parallel_loop3A_241, %parallel_loop3A_242] {strides = array<i32>} : memref<32x200xi32, #tpu.memory_space<vmem>>, vector<16xi32>,
      tpu.vector_store_idx %arg4[%parallel_loop3A_243], %broadcast_in_dim3A_3 {add = true} : memref<100000xi32, #tpu.memory_space<vmem>>[vector<16xi32>], vector<16xi32>,
      %parallel_loop3A_244 = arith.index_cast %parallel_loop3A_216 : i32 to index
      %parallel_loop3A_245 = arith.constant 144 : index
      %parallel_loop3A_246 = tpu.vector_load %arg7[%parallel_loop3A_244, %parallel_loop3A_245] {strides = array<i32>} : memref<32x200xi32, #tpu.memory_space<vmem>>, vector<16xi32>,
      tpu.vector_store_idx %arg4[%parallel_loop3A_246], %broadcast_in_dim3A_3 {add = true} : memref<100000xi32, #tpu.memory_space<vmem>>[vector<16xi32>], vector<16xi32>,
      %parallel_loop3A_247 = arith.index_cast %parallel_loop3A_216 : i32 to index
      %parallel_loop3A_248 = arith.constant 160 : index
      %parallel_loop3A_249 = tpu.vector_load %arg7[%parallel_loop3A_247, %parallel_loop3A_248] {strides = array<i32>} : memref<32x200xi32, #tpu.memory_space<vmem>>, vector<16xi32>,
      tpu.vector_store_idx %arg4[%parallel_loop3A_249], %broadcast_in_dim3A_3 {add = true} : memref<100000xi32, #tpu.memory_space<vmem>>[vector<16xi32>], vector<16xi32>,
      %parallel_loop3A_250 = arith.index_cast %parallel_loop3A_216 : i32 to index
      %parallel_loop3A_251 = arith.constant 176 : index
      %parallel_loop3A_252 = tpu.vector_load %arg7[%parallel_loop3A_250, %parallel_loop3A_251] {strides = array<i32>} : memref<32x200xi32, #tpu.memory_space<vmem>>, vector<16xi32>,
      tpu.vector_store_idx %arg4[%parallel_loop3A_252], %broadcast_in_dim3A_3 {add = true} : memref<100000xi32, #tpu.memory_space<vmem>>[vector<16xi32>], vector<16xi32>,
      %parallel_loop3A_253 = arith.index_cast %parallel_loop3A_216 : i32 to index
      %parallel_loop3A_254 = arith.constant 184 : index
      %parallel_loop3A_255 = tpu.vector_load %arg7[%parallel_loop3A_253, %parallel_loop3A_254] {strides = array<i32>} : memref<32x200xi32, #tpu.memory_space<vmem>>, vector<16xi32>,
      tpu.vector_store_idx %arg4[%parallel_loop3A_255], %broadcast_in_dim3A_3 masked %ge3A_7 {add = true} : memref<100000xi32, #tpu.memory_space<vmem>>[vector<16xi32>], vector<16xi32>, vector<16xi1>
    } {sc.loop_unroll_factor = 4 : i64, sc.parallel_access}
    %add3A_137 = arith.constant 352 : i32
    %add3A_138 = arith.addi %mul3A_2, %add3A_137 : i32
    %dma_start3A_139 = arith.constant 0 : i32
    %dma_start3A_140 = tpu.memref_slice %arg2[%add3A_138, %dma_start3A_139] : memref<16384x200xi32, #tpu.memory_space<hbm>> -> memref<32x200xi32, #tpu.memory_space<hbm>>
    %dma_start3A_141 = arith.constant 0 : i32
    %dma_start3A_142 = tpu.memref_slice %arg2[%add3A_138, %dma_start3A_141] : memref<16384x200xi32, #tpu.memory_space<hbm>> -> memref<32x200xi32, #tpu.memory_space<hbm>>
    tpu.enqueue_dma source(%dma_start3A_142 : memref<32x200xi32, #tpu.memory_space<hbm>>) target(%arg7 : memref<32x200xi32, #tpu.memory_space<vmem>>) target_semaphore(%arg10 : memref<!tpu.dma_semaphore, #tpu.memory_space<semaphore_mem>>)
    %dma_wait3A_143 = arith.constant 0 : i32
    %dma_wait3A_144 = tpu.memref_slice %arg2[%add3A_112, %dma_wait3A_143] : memref<16384x200xi32, #tpu.memory_space<hbm>> -> memref<32x200xi32, #tpu.memory_space<hbm>>
    %dma_wait3A_145 = arith.constant 0 : i32
    %dma_wait3A_146 = tpu.memref_slice %arg2[%add3A_112, %dma_wait3A_145] : memref<16384x200xi32, #tpu.memory_space<hbm>> -> memref<32x200xi32, #tpu.memory_space<hbm>>
    tpu.wait_dma2 semaphore(%arg8 : memref<!tpu.dma_semaphore, #tpu.memory_space<semaphore_mem>>) src(%dma_wait3A_146 : memref<32x200xi32, #tpu.memory_space<hbm>>) dst(%arg5 : memref<32x200xi32, #tpu.memory_space<vmem>>)
    %parallel_loop3A_147 = arith.constant 0 : i32
    %parallel_loop3A_148 = arith.constant 32 : i32
    %parallel_loop3A_149 = arith.constant 1 : i32
    scf.for %parallel_loop3A_216 = %parallel_loop3A_147 to %parallel_loop3A_148 step %parallel_loop3A_149  : i32 {
      %parallel_loop3A_217 = arith.index_cast %parallel_loop3A_216 : i32 to index
      %parallel_loop3A_218 = arith.constant 0 : index
      %parallel_loop3A_219 = tpu.vector_load %arg5[%parallel_loop3A_217, %parallel_loop3A_218] {strides = array<i32>} : memref<32x200xi32, #tpu.memory_space<vmem>>, vector<16xi32>,
      tpu.vector_store_idx %arg4[%parallel_loop3A_219], %broadcast_in_dim3A_3 {add = true} : memref<100000xi32, #tpu.memory_space<vmem>>[vector<16xi32>], vector<16xi32>,
      %parallel_loop3A_220 = arith.index_cast %parallel_loop3A_216 : i32 to index
      %parallel_loop3A_221 = arith.constant 16 : index
      %parallel_loop3A_222 = tpu.vector_load %arg5[%parallel_loop3A_220, %parallel_loop3A_221] {strides = array<i32>} : memref<32x200xi32, #tpu.memory_space<vmem>>, vector<16xi32>,
      tpu.vector_store_idx %arg4[%parallel_loop3A_222], %broadcast_in_dim3A_3 {add = true} : memref<100000xi32, #tpu.memory_space<vmem>>[vector<16xi32>], vector<16xi32>,
      %parallel_loop3A_223 = arith.index_cast %parallel_loop3A_216 : i32 to index
      %parallel_loop3A_224 = arith.constant 32 : index
      %parallel_loop3A_225 = tpu.vector_load %arg5[%parallel_loop3A_223, %parallel_loop3A_224] {strides = array<i32>} : memref<32x200xi32, #tpu.memory_space<vmem>>, vector<16xi32>,
      tpu.vector_store_idx %arg4[%parallel_loop3A_225], %broadcast_in_dim3A_3 {add = true} : memref<100000xi32, #tpu.memory_space<vmem>>[vector<16xi32>], vector<16xi32>,
      %parallel_loop3A_226 = arith.index_cast %parallel_loop3A_216 : i32 to index
      %parallel_loop3A_227 = arith.constant 48 : index
      %parallel_loop3A_228 = tpu.vector_load %arg5[%parallel_loop3A_226, %parallel_loop3A_227] {strides = array<i32>} : memref<32x200xi32, #tpu.memory_space<vmem>>, vector<16xi32>,
      tpu.vector_store_idx %arg4[%parallel_loop3A_228], %broadcast_in_dim3A_3 {add = true} : memref<100000xi32, #tpu.memory_space<vmem>>[vector<16xi32>], vector<16xi32>,
      %parallel_loop3A_229 = arith.index_cast %parallel_loop3A_216 : i32 to index
      %parallel_loop3A_230 = arith.constant 64 : index
      %parallel_loop3A_231 = tpu.vector_load %arg5[%parallel_loop3A_229, %parallel_loop3A_230] {strides = array<i32>} : memref<32x200xi32, #tpu.memory_space<vmem>>, vector<16xi32>,
      tpu.vector_store_idx %arg4[%parallel_loop3A_231], %broadcast_in_dim3A_3 {add = true} : memref<100000xi32, #tpu.memory_space<vmem>>[vector<16xi32>], vector<16xi32>,
      %parallel_loop3A_232 = arith.index_cast %parallel_loop3A_216 : i32 to index
      %parallel_loop3A_233 = arith.constant 80 : index
      %parallel_loop3A_234 = tpu.vector_load %arg5[%parallel_loop3A_232, %parallel_loop3A_233] {strides = array<i32>} : memref<32x200xi32, #tpu.memory_space<vmem>>, vector<16xi32>,
      tpu.vector_store_idx %arg4[%parallel_loop3A_234], %broadcast_in_dim3A_3 {add = true} : memref<100000xi32, #tpu.memory_space<vmem>>[vector<16xi32>], vector<16xi32>,
      %parallel_loop3A_235 = arith.index_cast %parallel_loop3A_216 : i32 to index
      %parallel_loop3A_236 = arith.constant 96 : index
      %parallel_loop3A_237 = tpu.vector_load %arg5[%parallel_loop3A_235, %parallel_loop3A_236] {strides = array<i32>} : memref<32x200xi32, #tpu.memory_space<vmem>>, vector<16xi32>,
      tpu.vector_store_idx %arg4[%parallel_loop3A_237], %broadcast_in_dim3A_3 {add = true} : memref<100000xi32, #tpu.memory_space<vmem>>[vector<16xi32>], vector<16xi32>,
      %parallel_loop3A_238 = arith.index_cast %parallel_loop3A_216 : i32 to index
      %parallel_loop3A_239 = arith.constant 112 : index
      %parallel_loop3A_240 = tpu.vector_load %arg5[%parallel_loop3A_238, %parallel_loop3A_239] {strides = array<i32>} : memref<32x200xi32, #tpu.memory_space<vmem>>, vector<16xi32>,
      tpu.vector_store_idx %arg4[%parallel_loop3A_240], %broadcast_in_dim3A_3 {add = true} : memref<100000xi32, #tpu.memory_space<vmem>>[vector<16xi32>], vector<16xi32>,
      %parallel_loop3A_241 = arith.index_cast %parallel_loop3A_216 : i32 to index
      %parallel_loop3A_242 = arith.constant 128 : index
      %parallel_loop3A_243 = tpu.vector_load %arg5[%parallel_loop3A_241, %parallel_loop3A_242] {strides = array<i32>} : memref<32x200xi32, #tpu.memory_space<vmem>>, vector<16xi32>,
      tpu.vector_store_idx %arg4[%parallel_loop3A_243], %broadcast_in_dim3A_3 {add = true} : memref<100000xi32, #tpu.memory_space<vmem>>[vector<16xi32>], vector<16xi32>,
      %parallel_loop3A_244 = arith.index_cast %parallel_loop3A_216 : i32 to index
      %parallel_loop3A_245 = arith.constant 144 : index
      %parallel_loop3A_246 = tpu.vector_load %arg5[%parallel_loop3A_244, %parallel_loop3A_245] {strides = array<i32>} : memref<32x200xi32, #tpu.memory_space<vmem>>, vector<16xi32>,
      tpu.vector_store_idx %arg4[%parallel_loop3A_246], %broadcast_in_dim3A_3 {add = true} : memref<100000xi32, #tpu.memory_space<vmem>>[vector<16xi32>], vector<16xi32>,
      %parallel_loop3A_247 = arith.index_cast %parallel_loop3A_216 : i32 to index
      %parallel_loop3A_248 = arith.constant 160 : index
      %parallel_loop3A_249 = tpu.vector_load %arg5[%parallel_loop3A_247, %parallel_loop3A_248] {strides = array<i32>} : memref<32x200xi32, #tpu.memory_space<vmem>>, vector<16xi32>,
      tpu.vector_store_idx %arg4[%parallel_loop3A_249], %broadcast_in_dim3A_3 {add = true} : memref<100000xi32, #tpu.memory_space<vmem>>[vector<16xi32>], vector<16xi32>,
      %parallel_loop3A_250 = arith.index_cast %parallel_loop3A_216 : i32 to index
      %parallel_loop3A_251 = arith.constant 176 : index
      %parallel_loop3A_252 = tpu.vector_load %arg5[%parallel_loop3A_250, %parallel_loop3A_251] {strides = array<i32>} : memref<32x200xi32, #tpu.memory_space<vmem>>, vector<16xi32>,
      tpu.vector_store_idx %arg4[%parallel_loop3A_252], %broadcast_in_dim3A_3 {add = true} : memref<100000xi32, #tpu.memory_space<vmem>>[vector<16xi32>], vector<16xi32>,
      %parallel_loop3A_253 = arith.index_cast %parallel_loop3A_216 : i32 to index
      %parallel_loop3A_254 = arith.constant 184 : index
      %parallel_loop3A_255 = tpu.vector_load %arg5[%parallel_loop3A_253, %parallel_loop3A_254] {strides = array<i32>} : memref<32x200xi32, #tpu.memory_space<vmem>>, vector<16xi32>,
      tpu.vector_store_idx %arg4[%parallel_loop3A_255], %broadcast_in_dim3A_3 masked %ge3A_7 {add = true} : memref<100000xi32, #tpu.memory_space<vmem>>[vector<16xi32>], vector<16xi32>, vector<16xi1>
    } {sc.loop_unroll_factor = 4 : i64, sc.parallel_access}
    %add3A_150 = arith.constant 384 : i32
    %add3A_151 = arith.addi %mul3A_2, %add3A_150 : i32
    %dma_start3A_152 = arith.constant 0 : i32
    %dma_start3A_153 = tpu.memref_slice %arg2[%add3A_151, %dma_start3A_152] : memref<16384x200xi32, #tpu.memory_space<hbm>> -> memref<32x200xi32, #tpu.memory_space<hbm>>
    %dma_start3A_154 = arith.constant 0 : i32
    %dma_start3A_155 = tpu.memref_slice %arg2[%add3A_151, %dma_start3A_154] : memref<16384x200xi32, #tpu.memory_space<hbm>> -> memref<32x200xi32, #tpu.memory_space<hbm>>
    tpu.enqueue_dma source(%dma_start3A_155 : memref<32x200xi32, #tpu.memory_space<hbm>>) target(%arg5 : memref<32x200xi32, #tpu.memory_space<vmem>>) target_semaphore(%arg8 : memref<!tpu.dma_semaphore, #tpu.memory_space<semaphore_mem>>)
    %dma_wait3A_156 = arith.constant 0 : i32
    %dma_wait3A_157 = tpu.memref_slice %arg2[%add3A_125, %dma_wait3A_156] : memref<16384x200xi32, #tpu.memory_space<hbm>> -> memref<32x200xi32, #tpu.memory_space<hbm>>
    %dma_wait3A_158 = arith.constant 0 : i32
    %dma_wait3A_159 = tpu.memref_slice %arg2[%add3A_125, %dma_wait3A_158] : memref<16384x200xi32, #tpu.memory_space<hbm>> -> memref<32x200xi32, #tpu.memory_space<hbm>>
    tpu.wait_dma2 semaphore(%arg9 : memref<!tpu.dma_semaphore, #tpu.memory_space<semaphore_mem>>) src(%dma_wait3A_159 : memref<32x200xi32, #tpu.memory_space<hbm>>) dst(%arg6 : memref<32x200xi32, #tpu.memory_space<vmem>>)
    %parallel_loop3A_160 = arith.constant 0 : i32
    %parallel_loop3A_161 = arith.constant 32 : i32
    %parallel_loop3A_162 = arith.constant 1 : i32
    scf.for %parallel_loop3A_216 = %parallel_loop3A_160 to %parallel_loop3A_161 step %parallel_loop3A_162  : i32 {
      %parallel_loop3A_217 = arith.index_cast %parallel_loop3A_216 : i32 to index
      %parallel_loop3A_218 = arith.constant 0 : index
      %parallel_loop3A_219 = tpu.vector_load %arg6[%parallel_loop3A_217, %parallel_loop3A_218] {strides = array<i32>} : memref<32x200xi32, #tpu.memory_space<vmem>>, vector<16xi32>,
      tpu.vector_store_idx %arg4[%parallel_loop3A_219], %broadcast_in_dim3A_3 {add = true} : memref<100000xi32, #tpu.memory_space<vmem>>[vector<16xi32>], vector<16xi32>,
      %parallel_loop3A_220 = arith.index_cast %parallel_loop3A_216 : i32 to index
      %parallel_loop3A_221 = arith.constant 16 : index
      %parallel_loop3A_222 = tpu.vector_load %arg6[%parallel_loop3A_220, %parallel_loop3A_221] {strides = array<i32>} : memref<32x200xi32, #tpu.memory_space<vmem>>, vector<16xi32>,
      tpu.vector_store_idx %arg4[%parallel_loop3A_222], %broadcast_in_dim3A_3 {add = true} : memref<100000xi32, #tpu.memory_space<vmem>>[vector<16xi32>], vector<16xi32>,
      %parallel_loop3A_223 = arith.index_cast %parallel_loop3A_216 : i32 to index
      %parallel_loop3A_224 = arith.constant 32 : index
      %parallel_loop3A_225 = tpu.vector_load %arg6[%parallel_loop3A_223, %parallel_loop3A_224] {strides = array<i32>} : memref<32x200xi32, #tpu.memory_space<vmem>>, vector<16xi32>,
      tpu.vector_store_idx %arg4[%parallel_loop3A_225], %broadcast_in_dim3A_3 {add = true} : memref<100000xi32, #tpu.memory_space<vmem>>[vector<16xi32>], vector<16xi32>,
      %parallel_loop3A_226 = arith.index_cast %parallel_loop3A_216 : i32 to index
      %parallel_loop3A_227 = arith.constant 48 : index
      %parallel_loop3A_228 = tpu.vector_load %arg6[%parallel_loop3A_226, %parallel_loop3A_227] {strides = array<i32>} : memref<32x200xi32, #tpu.memory_space<vmem>>, vector<16xi32>,
      tpu.vector_store_idx %arg4[%parallel_loop3A_228], %broadcast_in_dim3A_3 {add = true} : memref<100000xi32, #tpu.memory_space<vmem>>[vector<16xi32>], vector<16xi32>,
      %parallel_loop3A_229 = arith.index_cast %parallel_loop3A_216 : i32 to index
      %parallel_loop3A_230 = arith.constant 64 : index
      %parallel_loop3A_231 = tpu.vector_load %arg6[%parallel_loop3A_229, %parallel_loop3A_230] {strides = array<i32>} : memref<32x200xi32, #tpu.memory_space<vmem>>, vector<16xi32>,
      tpu.vector_store_idx %arg4[%parallel_loop3A_231], %broadcast_in_dim3A_3 {add = true} : memref<100000xi32, #tpu.memory_space<vmem>>[vector<16xi32>], vector<16xi32>,
      %parallel_loop3A_232 = arith.index_cast %parallel_loop3A_216 : i32 to index
      %parallel_loop3A_233 = arith.constant 80 : index
      %parallel_loop3A_234 = tpu.vector_load %arg6[%parallel_loop3A_232, %parallel_loop3A_233] {strides = array<i32>} : memref<32x200xi32, #tpu.memory_space<vmem>>, vector<16xi32>,
      tpu.vector_store_idx %arg4[%parallel_loop3A_234], %broadcast_in_dim3A_3 {add = true} : memref<100000xi32, #tpu.memory_space<vmem>>[vector<16xi32>], vector<16xi32>,
      %parallel_loop3A_235 = arith.index_cast %parallel_loop3A_216 : i32 to index
      %parallel_loop3A_236 = arith.constant 96 : index
      %parallel_loop3A_237 = tpu.vector_load %arg6[%parallel_loop3A_235, %parallel_loop3A_236] {strides = array<i32>} : memref<32x200xi32, #tpu.memory_space<vmem>>, vector<16xi32>,
      tpu.vector_store_idx %arg4[%parallel_loop3A_237], %broadcast_in_dim3A_3 {add = true} : memref<100000xi32, #tpu.memory_space<vmem>>[vector<16xi32>], vector<16xi32>,
      %parallel_loop3A_238 = arith.index_cast %parallel_loop3A_216 : i32 to index
      %parallel_loop3A_239 = arith.constant 112 : index
      %parallel_loop3A_240 = tpu.vector_load %arg6[%parallel_loop3A_238, %parallel_loop3A_239] {strides = array<i32>} : memref<32x200xi32, #tpu.memory_space<vmem>>, vector<16xi32>,
      tpu.vector_store_idx %arg4[%parallel_loop3A_240], %broadcast_in_dim3A_3 {add = true} : memref<100000xi32, #tpu.memory_space<vmem>>[vector<16xi32>], vector<16xi32>,
      %parallel_loop3A_241 = arith.index_cast %parallel_loop3A_216 : i32 to index
      %parallel_loop3A_242 = arith.constant 128 : index
      %parallel_loop3A_243 = tpu.vector_load %arg6[%parallel_loop3A_241, %parallel_loop3A_242] {strides = array<i32>} : memref<32x200xi32, #tpu.memory_space<vmem>>, vector<16xi32>,
      tpu.vector_store_idx %arg4[%parallel_loop3A_243], %broadcast_in_dim3A_3 {add = true} : memref<100000xi32, #tpu.memory_space<vmem>>[vector<16xi32>], vector<16xi32>,
      %parallel_loop3A_244 = arith.index_cast %parallel_loop3A_216 : i32 to index
      %parallel_loop3A_245 = arith.constant 144 : index
      %parallel_loop3A_246 = tpu.vector_load %arg6[%parallel_loop3A_244, %parallel_loop3A_245] {strides = array<i32>} : memref<32x200xi32, #tpu.memory_space<vmem>>, vector<16xi32>,
      tpu.vector_store_idx %arg4[%parallel_loop3A_246], %broadcast_in_dim3A_3 {add = true} : memref<100000xi32, #tpu.memory_space<vmem>>[vector<16xi32>], vector<16xi32>,
      %parallel_loop3A_247 = arith.index_cast %parallel_loop3A_216 : i32 to index
      %parallel_loop3A_248 = arith.constant 160 : index
      %parallel_loop3A_249 = tpu.vector_load %arg6[%parallel_loop3A_247, %parallel_loop3A_248] {strides = array<i32>} : memref<32x200xi32, #tpu.memory_space<vmem>>, vector<16xi32>,
      tpu.vector_store_idx %arg4[%parallel_loop3A_249], %broadcast_in_dim3A_3 {add = true} : memref<100000xi32, #tpu.memory_space<vmem>>[vector<16xi32>], vector<16xi32>,
      %parallel_loop3A_250 = arith.index_cast %parallel_loop3A_216 : i32 to index
      %parallel_loop3A_251 = arith.constant 176 : index
      %parallel_loop3A_252 = tpu.vector_load %arg6[%parallel_loop3A_250, %parallel_loop3A_251] {strides = array<i32>} : memref<32x200xi32, #tpu.memory_space<vmem>>, vector<16xi32>,
      tpu.vector_store_idx %arg4[%parallel_loop3A_252], %broadcast_in_dim3A_3 {add = true} : memref<100000xi32, #tpu.memory_space<vmem>>[vector<16xi32>], vector<16xi32>,
      %parallel_loop3A_253 = arith.index_cast %parallel_loop3A_216 : i32 to index
      %parallel_loop3A_254 = arith.constant 184 : index
      %parallel_loop3A_255 = tpu.vector_load %arg6[%parallel_loop3A_253, %parallel_loop3A_254] {strides = array<i32>} : memref<32x200xi32, #tpu.memory_space<vmem>>, vector<16xi32>,
      tpu.vector_store_idx %arg4[%parallel_loop3A_255], %broadcast_in_dim3A_3 masked %ge3A_7 {add = true} : memref<100000xi32, #tpu.memory_space<vmem>>[vector<16xi32>], vector<16xi32>, vector<16xi1>
    } {sc.loop_unroll_factor = 4 : i64, sc.parallel_access}
    %add3A_163 = arith.constant 416 : i32
    %add3A_164 = arith.addi %mul3A_2, %add3A_163 : i32
    %dma_start3A_165 = arith.constant 0 : i32
    %dma_start3A_166 = tpu.memref_slice %arg2[%add3A_164, %dma_start3A_165] : memref<16384x200xi32, #tpu.memory_space<hbm>> -> memref<32x200xi32, #tpu.memory_space<hbm>>
    %dma_start3A_167 = arith.constant 0 : i32
    %dma_start3A_168 = tpu.memref_slice %arg2[%add3A_164, %dma_start3A_167] : memref<16384x200xi32, #tpu.memory_space<hbm>> -> memref<32x200xi32, #tpu.memory_space<hbm>>
    tpu.enqueue_dma source(%dma_start3A_168 : memref<32x200xi32, #tpu.memory_space<hbm>>) target(%arg6 : memref<32x200xi32, #tpu.memory_space<vmem>>) target_semaphore(%arg9 : memref<!tpu.dma_semaphore, #tpu.memory_space<semaphore_mem>>)
    %dma_wait3A_169 = arith.constant 0 : i32
    %dma_wait3A_170 = tpu.memref_slice %arg2[%add3A_138, %dma_wait3A_169] : memref<16384x200xi32, #tpu.memory_space<hbm>> -> memref<32x200xi32, #tpu.memory_space<hbm>>
    %dma_wait3A_171 = arith.constant 0 : i32
    %dma_wait3A_172 = tpu.memref_slice %arg2[%add3A_138, %dma_wait3A_171] : memref<16384x200xi32, #tpu.memory_space<hbm>> -> memref<32x200xi32, #tpu.memory_space<hbm>>
    tpu.wait_dma2 semaphore(%arg10 : memref<!tpu.dma_semaphore, #tpu.memory_space<semaphore_mem>>) src(%dma_wait3A_172 : memref<32x200xi32, #tpu.memory_space<hbm>>) dst(%arg7 : memref<32x200xi32, #tpu.memory_space<vmem>>)
    %parallel_loop3A_173 = arith.constant 0 : i32
    %parallel_loop3A_174 = arith.constant 32 : i32
    %parallel_loop3A_175 = arith.constant 1 : i32
    scf.for %parallel_loop3A_216 = %parallel_loop3A_173 to %parallel_loop3A_174 step %parallel_loop3A_175  : i32 {
      %parallel_loop3A_217 = arith.index_cast %parallel_loop3A_216 : i32 to index
      %parallel_loop3A_218 = arith.constant 0 : index
      %parallel_loop3A_219 = tpu.vector_load %arg7[%parallel_loop3A_217, %parallel_loop3A_218] {strides = array<i32>} : memref<32x200xi32, #tpu.memory_space<vmem>>, vector<16xi32>,
      tpu.vector_store_idx %arg4[%parallel_loop3A_219], %broadcast_in_dim3A_3 {add = true} : memref<100000xi32, #tpu.memory_space<vmem>>[vector<16xi32>], vector<16xi32>,
      %parallel_loop3A_220 = arith.index_cast %parallel_loop3A_216 : i32 to index
      %parallel_loop3A_221 = arith.constant 16 : index
      %parallel_loop3A_222 = tpu.vector_load %arg7[%parallel_loop3A_220, %parallel_loop3A_221] {strides = array<i32>} : memref<32x200xi32, #tpu.memory_space<vmem>>, vector<16xi32>,
      tpu.vector_store_idx %arg4[%parallel_loop3A_222], %broadcast_in_dim3A_3 {add = true} : memref<100000xi32, #tpu.memory_space<vmem>>[vector<16xi32>], vector<16xi32>,
      %parallel_loop3A_223 = arith.index_cast %parallel_loop3A_216 : i32 to index
      %parallel_loop3A_224 = arith.constant 32 : index
      %parallel_loop3A_225 = tpu.vector_load %arg7[%parallel_loop3A_223, %parallel_loop3A_224] {strides = array<i32>} : memref<32x200xi32, #tpu.memory_space<vmem>>, vector<16xi32>,
      tpu.vector_store_idx %arg4[%parallel_loop3A_225], %broadcast_in_dim3A_3 {add = true} : memref<100000xi32, #tpu.memory_space<vmem>>[vector<16xi32>], vector<16xi32>,
      %parallel_loop3A_226 = arith.index_cast %parallel_loop3A_216 : i32 to index
      %parallel_loop3A_227 = arith.constant 48 : index
      %parallel_loop3A_228 = tpu.vector_load %arg7[%parallel_loop3A_226, %parallel_loop3A_227] {strides = array<i32>} : memref<32x200xi32, #tpu.memory_space<vmem>>, vector<16xi32>,
      tpu.vector_store_idx %arg4[%parallel_loop3A_228], %broadcast_in_dim3A_3 {add = true} : memref<100000xi32, #tpu.memory_space<vmem>>[vector<16xi32>], vector<16xi32>,
      %parallel_loop3A_229 = arith.index_cast %parallel_loop3A_216 : i32 to index
      %parallel_loop3A_230 = arith.constant 64 : index
      %parallel_loop3A_231 = tpu.vector_load %arg7[%parallel_loop3A_229, %parallel_loop3A_230] {strides = array<i32>} : memref<32x200xi32, #tpu.memory_space<vmem>>, vector<16xi32>,
      tpu.vector_store_idx %arg4[%parallel_loop3A_231], %broadcast_in_dim3A_3 {add = true} : memref<100000xi32, #tpu.memory_space<vmem>>[vector<16xi32>], vector<16xi32>,
      %parallel_loop3A_232 = arith.index_cast %parallel_loop3A_216 : i32 to index
      %parallel_loop3A_233 = arith.constant 80 : index
      %parallel_loop3A_234 = tpu.vector_load %arg7[%parallel_loop3A_232, %parallel_loop3A_233] {strides = array<i32>} : memref<32x200xi32, #tpu.memory_space<vmem>>, vector<16xi32>,
      tpu.vector_store_idx %arg4[%parallel_loop3A_234], %broadcast_in_dim3A_3 {add = true} : memref<100000xi32, #tpu.memory_space<vmem>>[vector<16xi32>], vector<16xi32>,
      %parallel_loop3A_235 = arith.index_cast %parallel_loop3A_216 : i32 to index
      %parallel_loop3A_236 = arith.constant 96 : index
      %parallel_loop3A_237 = tpu.vector_load %arg7[%parallel_loop3A_235, %parallel_loop3A_236] {strides = array<i32>} : memref<32x200xi32, #tpu.memory_space<vmem>>, vector<16xi32>,
      tpu.vector_store_idx %arg4[%parallel_loop3A_237], %broadcast_in_dim3A_3 {add = true} : memref<100000xi32, #tpu.memory_space<vmem>>[vector<16xi32>], vector<16xi32>,
      %parallel_loop3A_238 = arith.index_cast %parallel_loop3A_216 : i32 to index
      %parallel_loop3A_239 = arith.constant 112 : index
      %parallel_loop3A_240 = tpu.vector_load %arg7[%parallel_loop3A_238, %parallel_loop3A_239] {strides = array<i32>} : memref<32x200xi32, #tpu.memory_space<vmem>>, vector<16xi32>,
      tpu.vector_store_idx %arg4[%parallel_loop3A_240], %broadcast_in_dim3A_3 {add = true} : memref<100000xi32, #tpu.memory_space<vmem>>[vector<16xi32>], vector<16xi32>,
      %parallel_loop3A_241 = arith.index_cast %parallel_loop3A_216 : i32 to index
      %parallel_loop3A_242 = arith.constant 128 : index
      %parallel_loop3A_243 = tpu.vector_load %arg7[%parallel_loop3A_241, %parallel_loop3A_242] {strides = array<i32>} : memref<32x200xi32, #tpu.memory_space<vmem>>, vector<16xi32>,
      tpu.vector_store_idx %arg4[%parallel_loop3A_243], %broadcast_in_dim3A_3 {add = true} : memref<100000xi32, #tpu.memory_space<vmem>>[vector<16xi32>], vector<16xi32>,
      %parallel_loop3A_244 = arith.index_cast %parallel_loop3A_216 : i32 to index
      %parallel_loop3A_245 = arith.constant 144 : index
      %parallel_loop3A_246 = tpu.vector_load %arg7[%parallel_loop3A_244, %parallel_loop3A_245] {strides = array<i32>} : memref<32x200xi32, #tpu.memory_space<vmem>>, vector<16xi32>,
      tpu.vector_store_idx %arg4[%parallel_loop3A_246], %broadcast_in_dim3A_3 {add = true} : memref<100000xi32, #tpu.memory_space<vmem>>[vector<16xi32>], vector<16xi32>,
      %parallel_loop3A_247 = arith.index_cast %parallel_loop3A_216 : i32 to index
      %parallel_loop3A_248 = arith.constant 160 : index
      %parallel_loop3A_249 = tpu.vector_load %arg7[%parallel_loop3A_247, %parallel_loop3A_248] {strides = array<i32>} : memref<32x200xi32, #tpu.memory_space<vmem>>, vector<16xi32>,
      tpu.vector_store_idx %arg4[%parallel_loop3A_249], %broadcast_in_dim3A_3 {add = true} : memref<100000xi32, #tpu.memory_space<vmem>>[vector<16xi32>], vector<16xi32>,
      %parallel_loop3A_250 = arith.index_cast %parallel_loop3A_216 : i32 to index
      %parallel_loop3A_251 = arith.constant 176 : index
      %parallel_loop3A_252 = tpu.vector_load %arg7[%parallel_loop3A_250, %parallel_loop3A_251] {strides = array<i32>} : memref<32x200xi32, #tpu.memory_space<vmem>>, vector<16xi32>,
      tpu.vector_store_idx %arg4[%parallel_loop3A_252], %broadcast_in_dim3A_3 {add = true} : memref<100000xi32, #tpu.memory_space<vmem>>[vector<16xi32>], vector<16xi32>,
      %parallel_loop3A_253 = arith.index_cast %parallel_loop3A_216 : i32 to index
      %parallel_loop3A_254 = arith.constant 184 : index
      %parallel_loop3A_255 = tpu.vector_load %arg7[%parallel_loop3A_253, %parallel_loop3A_254] {strides = array<i32>} : memref<32x200xi32, #tpu.memory_space<vmem>>, vector<16xi32>,
      tpu.vector_store_idx %arg4[%parallel_loop3A_255], %broadcast_in_dim3A_3 masked %ge3A_7 {add = true} : memref<100000xi32, #tpu.memory_space<vmem>>[vector<16xi32>], vector<16xi32>, vector<16xi1>
    } {sc.loop_unroll_factor = 4 : i64, sc.parallel_access}
    %add3A_176 = arith.constant 448 : i32
    %add3A_177 = arith.addi %mul3A_2, %add3A_176 : i32
    %dma_start3A_178 = arith.constant 0 : i32
    %dma_start3A_179 = tpu.memref_slice %arg2[%add3A_177, %dma_start3A_178] : memref<16384x200xi32, #tpu.memory_space<hbm>> -> memref<32x200xi32, #tpu.memory_space<hbm>>
    %dma_start3A_180 = arith.constant 0 : i32
    %dma_start3A_181 = tpu.memref_slice %arg2[%add3A_177, %dma_start3A_180] : memref<16384x200xi32, #tpu.memory_space<hbm>> -> memref<32x200xi32, #tpu.memory_space<hbm>>
    tpu.enqueue_dma source(%dma_start3A_181 : memref<32x200xi32, #tpu.memory_space<hbm>>) target(%arg7 : memref<32x200xi32, #tpu.memory_space<vmem>>) target_semaphore(%arg10 : memref<!tpu.dma_semaphore, #tpu.memory_space<semaphore_mem>>)
    %dma_wait3A_182 = arith.constant 0 : i32
    %dma_wait3A_183 = tpu.memref_slice %arg2[%add3A_151, %dma_wait3A_182] : memref<16384x200xi32, #tpu.memory_space<hbm>> -> memref<32x200xi32, #tpu.memory_space<hbm>>
    %dma_wait3A_184 = arith.constant 0 : i32
    %dma_wait3A_185 = tpu.memref_slice %arg2[%add3A_151, %dma_wait3A_184] : memref<16384x200xi32, #tpu.memory_space<hbm>> -> memref<32x200xi32, #tpu.memory_space<hbm>>
    tpu.wait_dma2 semaphore(%arg8 : memref<!tpu.dma_semaphore, #tpu.memory_space<semaphore_mem>>) src(%dma_wait3A_185 : memref<32x200xi32, #tpu.memory_space<hbm>>) dst(%arg5 : memref<32x200xi32, #tpu.memory_space<vmem>>)
    %parallel_loop3A_186 = arith.constant 0 : i32
    %parallel_loop3A_187 = arith.constant 32 : i32
    %parallel_loop3A_188 = arith.constant 1 : i32
    scf.for %parallel_loop3A_216 = %parallel_loop3A_186 to %parallel_loop3A_187 step %parallel_loop3A_188  : i32 {
      %parallel_loop3A_217 = arith.index_cast %parallel_loop3A_216 : i32 to index
      %parallel_loop3A_218 = arith.constant 0 : index
      %parallel_loop3A_219 = tpu.vector_load %arg5[%parallel_loop3A_217, %parallel_loop3A_218] {strides = array<i32>} : memref<32x200xi32, #tpu.memory_space<vmem>>, vector<16xi32>,
      tpu.vector_store_idx %arg4[%parallel_loop3A_219], %broadcast_in_dim3A_3 {add = true} : memref<100000xi32, #tpu.memory_space<vmem>>[vector<16xi32>], vector<16xi32>,
      %parallel_loop3A_220 = arith.index_cast %parallel_loop3A_216 : i32 to index
      %parallel_loop3A_221 = arith.constant 16 : index
      %parallel_loop3A_222 = tpu.vector_load %arg5[%parallel_loop3A_220, %parallel_loop3A_221] {strides = array<i32>} : memref<32x200xi32, #tpu.memory_space<vmem>>, vector<16xi32>,
      tpu.vector_store_idx %arg4[%parallel_loop3A_222], %broadcast_in_dim3A_3 {add = true} : memref<100000xi32, #tpu.memory_space<vmem>>[vector<16xi32>], vector<16xi32>,
      %parallel_loop3A_223 = arith.index_cast %parallel_loop3A_216 : i32 to index
      %parallel_loop3A_224 = arith.constant 32 : index
      %parallel_loop3A_225 = tpu.vector_load %arg5[%parallel_loop3A_223, %parallel_loop3A_224] {strides = array<i32>} : memref<32x200xi32, #tpu.memory_space<vmem>>, vector<16xi32>,
      tpu.vector_store_idx %arg4[%parallel_loop3A_225], %broadcast_in_dim3A_3 {add = true} : memref<100000xi32, #tpu.memory_space<vmem>>[vector<16xi32>], vector<16xi32>,
      %parallel_loop3A_226 = arith.index_cast %parallel_loop3A_216 : i32 to index
      %parallel_loop3A_227 = arith.constant 48 : index
      %parallel_loop3A_228 = tpu.vector_load %arg5[%parallel_loop3A_226, %parallel_loop3A_227] {strides = array<i32>} : memref<32x200xi32, #tpu.memory_space<vmem>>, vector<16xi32>,
      tpu.vector_store_idx %arg4[%parallel_loop3A_228], %broadcast_in_dim3A_3 {add = true} : memref<100000xi32, #tpu.memory_space<vmem>>[vector<16xi32>], vector<16xi32>,
      %parallel_loop3A_229 = arith.index_cast %parallel_loop3A_216 : i32 to index
      %parallel_loop3A_230 = arith.constant 64 : index
      %parallel_loop3A_231 = tpu.vector_load %arg5[%parallel_loop3A_229, %parallel_loop3A_230] {strides = array<i32>} : memref<32x200xi32, #tpu.memory_space<vmem>>, vector<16xi32>,
      tpu.vector_store_idx %arg4[%parallel_loop3A_231], %broadcast_in_dim3A_3 {add = true} : memref<100000xi32, #tpu.memory_space<vmem>>[vector<16xi32>], vector<16xi32>,
      %parallel_loop3A_232 = arith.index_cast %parallel_loop3A_216 : i32 to index
      %parallel_loop3A_233 = arith.constant 80 : index
      %parallel_loop3A_234 = tpu.vector_load %arg5[%parallel_loop3A_232, %parallel_loop3A_233] {strides = array<i32>} : memref<32x200xi32, #tpu.memory_space<vmem>>, vector<16xi32>,
      tpu.vector_store_idx %arg4[%parallel_loop3A_234], %broadcast_in_dim3A_3 {add = true} : memref<100000xi32, #tpu.memory_space<vmem>>[vector<16xi32>], vector<16xi32>,
      %parallel_loop3A_235 = arith.index_cast %parallel_loop3A_216 : i32 to index
      %parallel_loop3A_236 = arith.constant 96 : index
      %parallel_loop3A_237 = tpu.vector_load %arg5[%parallel_loop3A_235, %parallel_loop3A_236] {strides = array<i32>} : memref<32x200xi32, #tpu.memory_space<vmem>>, vector<16xi32>,
      tpu.vector_store_idx %arg4[%parallel_loop3A_237], %broadcast_in_dim3A_3 {add = true} : memref<100000xi32, #tpu.memory_space<vmem>>[vector<16xi32>], vector<16xi32>,
      %parallel_loop3A_238 = arith.index_cast %parallel_loop3A_216 : i32 to index
      %parallel_loop3A_239 = arith.constant 112 : index
      %parallel_loop3A_240 = tpu.vector_load %arg5[%parallel_loop3A_238, %parallel_loop3A_239] {strides = array<i32>} : memref<32x200xi32, #tpu.memory_space<vmem>>, vector<16xi32>,
      tpu.vector_store_idx %arg4[%parallel_loop3A_240], %broadcast_in_dim3A_3 {add = true} : memref<100000xi32, #tpu.memory_space<vmem>>[vector<16xi32>], vector<16xi32>,
      %parallel_loop3A_241 = arith.index_cast %parallel_loop3A_216 : i32 to index
      %parallel_loop3A_242 = arith.constant 128 : index
      %parallel_loop3A_243 = tpu.vector_load %arg5[%parallel_loop3A_241, %parallel_loop3A_242] {strides = array<i32>} : memref<32x200xi32, #tpu.memory_space<vmem>>, vector<16xi32>,
      tpu.vector_store_idx %arg4[%parallel_loop3A_243], %broadcast_in_dim3A_3 {add = true} : memref<100000xi32, #tpu.memory_space<vmem>>[vector<16xi32>], vector<16xi32>,
      %parallel_loop3A_244 = arith.index_cast %parallel_loop3A_216 : i32 to index
      %parallel_loop3A_245 = arith.constant 144 : index
      %parallel_loop3A_246 = tpu.vector_load %arg5[%parallel_loop3A_244, %parallel_loop3A_245] {strides = array<i32>} : memref<32x200xi32, #tpu.memory_space<vmem>>, vector<16xi32>,
      tpu.vector_store_idx %arg4[%parallel_loop3A_246], %broadcast_in_dim3A_3 {add = true} : memref<100000xi32, #tpu.memory_space<vmem>>[vector<16xi32>], vector<16xi32>,
      %parallel_loop3A_247 = arith.index_cast %parallel_loop3A_216 : i32 to index
      %parallel_loop3A_248 = arith.constant 160 : index
      %parallel_loop3A_249 = tpu.vector_load %arg5[%parallel_loop3A_247, %parallel_loop3A_248] {strides = array<i32>} : memref<32x200xi32, #tpu.memory_space<vmem>>, vector<16xi32>,
      tpu.vector_store_idx %arg4[%parallel_loop3A_249], %broadcast_in_dim3A_3 {add = true} : memref<100000xi32, #tpu.memory_space<vmem>>[vector<16xi32>], vector<16xi32>,
      %parallel_loop3A_250 = arith.index_cast %parallel_loop3A_216 : i32 to index
      %parallel_loop3A_251 = arith.constant 176 : index
      %parallel_loop3A_252 = tpu.vector_load %arg5[%parallel_loop3A_250, %parallel_loop3A_251] {strides = array<i32>} : memref<32x200xi32, #tpu.memory_space<vmem>>, vector<16xi32>,
      tpu.vector_store_idx %arg4[%parallel_loop3A_252], %broadcast_in_dim3A_3 {add = true} : memref<100000xi32, #tpu.memory_space<vmem>>[vector<16xi32>], vector<16xi32>,
      %parallel_loop3A_253 = arith.index_cast %parallel_loop3A_216 : i32 to index
      %parallel_loop3A_254 = arith.constant 184 : index
      %parallel_loop3A_255 = tpu.vector_load %arg5[%parallel_loop3A_253, %parallel_loop3A_254] {strides = array<i32>} : memref<32x200xi32, #tpu.memory_space<vmem>>, vector<16xi32>,
      tpu.vector_store_idx %arg4[%parallel_loop3A_255], %broadcast_in_dim3A_3 masked %ge3A_7 {add = true} : memref<100000xi32, #tpu.memory_space<vmem>>[vector<16xi32>], vector<16xi32>, vector<16xi1>
    } {sc.loop_unroll_factor = 4 : i64, sc.parallel_access}
    %add3A_189 = arith.constant 480 : i32
    %add3A_190 = arith.addi %mul3A_2, %add3A_189 : i32
    %dma_start3A_191 = arith.constant 0 : i32
    %dma_start3A_192 = tpu.memref_slice %arg2[%add3A_190, %dma_start3A_191] : memref<16384x200xi32, #tpu.memory_space<hbm>> -> memref<32x200xi32, #tpu.memory_space<hbm>>
    %dma_start3A_193 = arith.constant 0 : i32
    %dma_start3A_194 = tpu.memref_slice %arg2[%add3A_190, %dma_start3A_193] : memref<16384x200xi32, #tpu.memory_space<hbm>> -> memref<32x200xi32, #tpu.memory_space<hbm>>
    tpu.enqueue_dma source(%dma_start3A_194 : memref<32x200xi32, #tpu.memory_space<hbm>>) target(%arg5 : memref<32x200xi32, #tpu.memory_space<vmem>>) target_semaphore(%arg8 : memref<!tpu.dma_semaphore, #tpu.memory_space<semaphore_mem>>)
    %dma_wait3A_195 = arith.constant 0 : i32
    %dma_wait3A_196 = tpu.memref_slice %arg2[%add3A_164, %dma_wait3A_195] : memref<16384x200xi32, #tpu.memory_space<hbm>> -> memref<32x200xi32, #tpu.memory_space<hbm>>
    %dma_wait3A_197 = arith.constant 0 : i32
    %dma_wait3A_198 = tpu.memref_slice %arg2[%add3A_164, %dma_wait3A_197] : memref<16384x200xi32, #tpu.memory_space<hbm>> -> memref<32x200xi32, #tpu.memory_space<hbm>>
    tpu.wait_dma2 semaphore(%arg9 : memref<!tpu.dma_semaphore, #tpu.memory_space<semaphore_mem>>) src(%dma_wait3A_198 : memref<32x200xi32, #tpu.memory_space<hbm>>) dst(%arg6 : memref<32x200xi32, #tpu.memory_space<vmem>>)
    %parallel_loop3A_199 = arith.constant 0 : i32
    %parallel_loop3A_200 = arith.constant 32 : i32
    %parallel_loop3A_201 = arith.constant 1 : i32
    scf.for %parallel_loop3A_216 = %parallel_loop3A_199 to %parallel_loop3A_200 step %parallel_loop3A_201  : i32 {
      %parallel_loop3A_217 = arith.index_cast %parallel_loop3A_216 : i32 to index
      %parallel_loop3A_218 = arith.constant 0 : index
      %parallel_loop3A_219 = tpu.vector_load %arg6[%parallel_loop3A_217, %parallel_loop3A_218] {strides = array<i32>} : memref<32x200xi32, #tpu.memory_space<vmem>>, vector<16xi32>,
      tpu.vector_store_idx %arg4[%parallel_loop3A_219], %broadcast_in_dim3A_3 {add = true} : memref<100000xi32, #tpu.memory_space<vmem>>[vector<16xi32>], vector<16xi32>,
      %parallel_loop3A_220 = arith.index_cast %parallel_loop3A_216 : i32 to index
      %parallel_loop3A_221 = arith.constant 16 : index
      %parallel_loop3A_222 = tpu.vector_load %arg6[%parallel_loop3A_220, %parallel_loop3A_221] {strides = array<i32>} : memref<32x200xi32, #tpu.memory_space<vmem>>, vector<16xi32>,
      tpu.vector_store_idx %arg4[%parallel_loop3A_222], %broadcast_in_dim3A_3 {add = true} : memref<100000xi32, #tpu.memory_space<vmem>>[vector<16xi32>], vector<16xi32>,
      %parallel_loop3A_223 = arith.index_cast %parallel_loop3A_216 : i32 to index
      %parallel_loop3A_224 = arith.constant 32 : index
      %parallel_loop3A_225 = tpu.vector_load %arg6[%parallel_loop3A_223, %parallel_loop3A_224] {strides = array<i32>} : memref<32x200xi32, #tpu.memory_space<vmem>>, vector<16xi32>,
      tpu.vector_store_idx %arg4[%parallel_loop3A_225], %broadcast_in_dim3A_3 {add = true} : memref<100000xi32, #tpu.memory_space<vmem>>[vector<16xi32>], vector<16xi32>,
      %parallel_loop3A_226 = arith.index_cast %parallel_loop3A_216 : i32 to index
      %parallel_loop3A_227 = arith.constant 48 : index
      %parallel_loop3A_228 = tpu.vector_load %arg6[%parallel_loop3A_226, %parallel_loop3A_227] {strides = array<i32>} : memref<32x200xi32, #tpu.memory_space<vmem>>, vector<16xi32>,
      tpu.vector_store_idx %arg4[%parallel_loop3A_228], %broadcast_in_dim3A_3 {add = true} : memref<100000xi32, #tpu.memory_space<vmem>>[vector<16xi32>], vector<16xi32>,
      %parallel_loop3A_229 = arith.index_cast %parallel_loop3A_216 : i32 to index
      %parallel_loop3A_230 = arith.constant 64 : index
      %parallel_loop3A_231 = tpu.vector_load %arg6[%parallel_loop3A_229, %parallel_loop3A_230] {strides = array<i32>} : memref<32x200xi32, #tpu.memory_space<vmem>>, vector<16xi32>,
      tpu.vector_store_idx %arg4[%parallel_loop3A_231], %broadcast_in_dim3A_3 {add = true} : memref<100000xi32, #tpu.memory_space<vmem>>[vector<16xi32>], vector<16xi32>,
      %parallel_loop3A_232 = arith.index_cast %parallel_loop3A_216 : i32 to index
      %parallel_loop3A_233 = arith.constant 80 : index
      %parallel_loop3A_234 = tpu.vector_load %arg6[%parallel_loop3A_232, %parallel_loop3A_233] {strides = array<i32>} : memref<32x200xi32, #tpu.memory_space<vmem>>, vector<16xi32>,
      tpu.vector_store_idx %arg4[%parallel_loop3A_234], %broadcast_in_dim3A_3 {add = true} : memref<100000xi32, #tpu.memory_space<vmem>>[vector<16xi32>], vector<16xi32>,
      %parallel_loop3A_235 = arith.index_cast %parallel_loop3A_216 : i32 to index
      %parallel_loop3A_236 = arith.constant 96 : index
      %parallel_loop3A_237 = tpu.vector_load %arg6[%parallel_loop3A_235, %parallel_loop3A_236] {strides = array<i32>} : memref<32x200xi32, #tpu.memory_space<vmem>>, vector<16xi32>,
      tpu.vector_store_idx %arg4[%parallel_loop3A_237], %broadcast_in_dim3A_3 {add = true} : memref<100000xi32, #tpu.memory_space<vmem>>[vector<16xi32>], vector<16xi32>,
      %parallel_loop3A_238 = arith.index_cast %parallel_loop3A_216 : i32 to index
      %parallel_loop3A_239 = arith.constant 112 : index
      %parallel_loop3A_240 = tpu.vector_load %arg6[%parallel_loop3A_238, %parallel_loop3A_239] {strides = array<i32>} : memref<32x200xi32, #tpu.memory_space<vmem>>, vector<16xi32>,
      tpu.vector_store_idx %arg4[%parallel_loop3A_240], %broadcast_in_dim3A_3 {add = true} : memref<100000xi32, #tpu.memory_space<vmem>>[vector<16xi32>], vector<16xi32>,
      %parallel_loop3A_241 = arith.index_cast %parallel_loop3A_216 : i32 to index
      %parallel_loop3A_242 = arith.constant 128 : index
      %parallel_loop3A_243 = tpu.vector_load %arg6[%parallel_loop3A_241, %parallel_loop3A_242] {strides = array<i32>} : memref<32x200xi32, #tpu.memory_space<vmem>>, vector<16xi32>,
      tpu.vector_store_idx %arg4[%parallel_loop3A_243], %broadcast_in_dim3A_3 {add = true} : memref<100000xi32, #tpu.memory_space<vmem>>[vector<16xi32>], vector<16xi32>,
      %parallel_loop3A_244 = arith.index_cast %parallel_loop3A_216 : i32 to index
      %parallel_loop3A_245 = arith.constant 144 : index
      %parallel_loop3A_246 = tpu.vector_load %arg6[%parallel_loop3A_244, %parallel_loop3A_245] {strides = array<i32>} : memref<32x200xi32, #tpu.memory_space<vmem>>, vector<16xi32>,
      tpu.vector_store_idx %arg4[%parallel_loop3A_246], %broadcast_in_dim3A_3 {add = true} : memref<100000xi32, #tpu.memory_space<vmem>>[vector<16xi32>], vector<16xi32>,
      %parallel_loop3A_247 = arith.index_cast %parallel_loop3A_216 : i32 to index
      %parallel_loop3A_248 = arith.constant 160 : index
      %parallel_loop3A_249 = tpu.vector_load %arg6[%parallel_loop3A_247, %parallel_loop3A_248] {strides = array<i32>} : memref<32x200xi32, #tpu.memory_space<vmem>>, vector<16xi32>,
      tpu.vector_store_idx %arg4[%parallel_loop3A_249], %broadcast_in_dim3A_3 {add = true} : memref<100000xi32, #tpu.memory_space<vmem>>[vector<16xi32>], vector<16xi32>,
      %parallel_loop3A_250 = arith.index_cast %parallel_loop3A_216 : i32 to index
      %parallel_loop3A_251 = arith.constant 176 : index
      %parallel_loop3A_252 = tpu.vector_load %arg6[%parallel_loop3A_250, %parallel_loop3A_251] {strides = array<i32>} : memref<32x200xi32, #tpu.memory_space<vmem>>, vector<16xi32>,
      tpu.vector_store_idx %arg4[%parallel_loop3A_252], %broadcast_in_dim3A_3 {add = true} : memref<100000xi32, #tpu.memory_space<vmem>>[vector<16xi32>], vector<16xi32>,
      %parallel_loop3A_253 = arith.index_cast %parallel_loop3A_216 : i32 to index
      %parallel_loop3A_254 = arith.constant 184 : index
      %parallel_loop3A_255 = tpu.vector_load %arg6[%parallel_loop3A_253, %parallel_loop3A_254] {strides = array<i32>} : memref<32x200xi32, #tpu.memory_space<vmem>>, vector<16xi32>,
      tpu.vector_store_idx %arg4[%parallel_loop3A_255], %broadcast_in_dim3A_3 masked %ge3A_7 {add = true} : memref<100000xi32, #tpu.memory_space<vmem>>[vector<16xi32>], vector<16xi32>, vector<16xi1>
    } {sc.loop_unroll_factor = 4 : i64, sc.parallel_access}
    %dma_wait3A_202 = arith.constant 0 : i32
    %dma_wait3A_203 = tpu.memref_slice %arg2[%add3A_177, %dma_wait3A_202] : memref<16384x200xi32, #tpu.memory_space<hbm>> -> memref<32x200xi32, #tpu.memory_space<hbm>>
    %dma_wait3A_204 = arith.constant 0 : i32
    %dma_wait3A_205 = tpu.memref_slice %arg2[%add3A_177, %dma_wait3A_204] : memref<16384x200xi32, #tpu.memory_space<hbm>> -> memref<32x200xi32, #tpu.memory_space<hbm>>
    tpu.wait_dma2 semaphore(%arg10 : memref<!tpu.dma_semaphore, #tpu.memory_space<semaphore_mem>>) src(%dma_wait3A_205 : memref<32x200xi32, #tpu.memory_space<hbm>>) dst(%arg7 : memref<32x200xi32, #tpu.memory_space<vmem>>)
    %parallel_loop3A_206 = arith.constant 0 : i32
    %parallel_loop3A_207 = arith.constant 32 : i32
    %parallel_loop3A_208 = arith.constant 1 : i32
    scf.for %parallel_loop3A_216 = %parallel_loop3A_206 to %parallel_loop3A_207 step %parallel_loop3A_208  : i32 {
      %parallel_loop3A_217 = arith.index_cast %parallel_loop3A_216 : i32 to index
      %parallel_loop3A_218 = arith.constant 0 : index
      %parallel_loop3A_219 = tpu.vector_load %arg7[%parallel_loop3A_217, %parallel_loop3A_218] {strides = array<i32>} : memref<32x200xi32, #tpu.memory_space<vmem>>, vector<16xi32>,
      tpu.vector_store_idx %arg4[%parallel_loop3A_219], %broadcast_in_dim3A_3 {add = true} : memref<100000xi32, #tpu.memory_space<vmem>>[vector<16xi32>], vector<16xi32>,
      %parallel_loop3A_220 = arith.index_cast %parallel_loop3A_216 : i32 to index
      %parallel_loop3A_221 = arith.constant 16 : index
      %parallel_loop3A_222 = tpu.vector_load %arg7[%parallel_loop3A_220, %parallel_loop3A_221] {strides = array<i32>} : memref<32x200xi32, #tpu.memory_space<vmem>>, vector<16xi32>,
      tpu.vector_store_idx %arg4[%parallel_loop3A_222], %broadcast_in_dim3A_3 {add = true} : memref<100000xi32, #tpu.memory_space<vmem>>[vector<16xi32>], vector<16xi32>,
      %parallel_loop3A_223 = arith.index_cast %parallel_loop3A_216 : i32 to index
      %parallel_loop3A_224 = arith.constant 32 : index
      %parallel_loop3A_225 = tpu.vector_load %arg7[%parallel_loop3A_223, %parallel_loop3A_224] {strides = array<i32>} : memref<32x200xi32, #tpu.memory_space<vmem>>, vector<16xi32>,
      tpu.vector_store_idx %arg4[%parallel_loop3A_225], %broadcast_in_dim3A_3 {add = true} : memref<100000xi32, #tpu.memory_space<vmem>>[vector<16xi32>], vector<16xi32>,
      %parallel_loop3A_226 = arith.index_cast %parallel_loop3A_216 : i32 to index
      %parallel_loop3A_227 = arith.constant 48 : index
      %parallel_loop3A_228 = tpu.vector_load %arg7[%parallel_loop3A_226, %parallel_loop3A_227] {strides = array<i32>} : memref<32x200xi32, #tpu.memory_space<vmem>>, vector<16xi32>,
      tpu.vector_store_idx %arg4[%parallel_loop3A_228], %broadcast_in_dim3A_3 {add = true} : memref<100000xi32, #tpu.memory_space<vmem>>[vector<16xi32>], vector<16xi32>,
      %parallel_loop3A_229 = arith.index_cast %parallel_loop3A_216 : i32 to index
      %parallel_loop3A_230 = arith.constant 64 : index
      %parallel_loop3A_231 = tpu.vector_load %arg7[%parallel_loop3A_229, %parallel_loop3A_230] {strides = array<i32>} : memref<32x200xi32, #tpu.memory_space<vmem>>, vector<16xi32>,
      tpu.vector_store_idx %arg4[%parallel_loop3A_231], %broadcast_in_dim3A_3 {add = true} : memref<100000xi32, #tpu.memory_space<vmem>>[vector<16xi32>], vector<16xi32>,
      %parallel_loop3A_232 = arith.index_cast %parallel_loop3A_216 : i32 to index
      %parallel_loop3A_233 = arith.constant 80 : index
      %parallel_loop3A_234 = tpu.vector_load %arg7[%parallel_loop3A_232, %parallel_loop3A_233] {strides = array<i32>} : memref<32x200xi32, #tpu.memory_space<vmem>>, vector<16xi32>,
      tpu.vector_store_idx %arg4[%parallel_loop3A_234], %broadcast_in_dim3A_3 {add = true} : memref<100000xi32, #tpu.memory_space<vmem>>[vector<16xi32>], vector<16xi32>,
      %parallel_loop3A_235 = arith.index_cast %parallel_loop3A_216 : i32 to index
      %parallel_loop3A_236 = arith.constant 96 : index
      %parallel_loop3A_237 = tpu.vector_load %arg7[%parallel_loop3A_235, %parallel_loop3A_236] {strides = array<i32>} : memref<32x200xi32, #tpu.memory_space<vmem>>, vector<16xi32>,
      tpu.vector_store_idx %arg4[%parallel_loop3A_237], %broadcast_in_dim3A_3 {add = true} : memref<100000xi32, #tpu.memory_space<vmem>>[vector<16xi32>], vector<16xi32>,
      %parallel_loop3A_238 = arith.index_cast %parallel_loop3A_216 : i32 to index
      %parallel_loop3A_239 = arith.constant 112 : index
      %parallel_loop3A_240 = tpu.vector_load %arg7[%parallel_loop3A_238, %parallel_loop3A_239] {strides = array<i32>} : memref<32x200xi32, #tpu.memory_space<vmem>>, vector<16xi32>,
      tpu.vector_store_idx %arg4[%parallel_loop3A_240], %broadcast_in_dim3A_3 {add = true} : memref<100000xi32, #tpu.memory_space<vmem>>[vector<16xi32>], vector<16xi32>,
      %parallel_loop3A_241 = arith.index_cast %parallel_loop3A_216 : i32 to index
      %parallel_loop3A_242 = arith.constant 128 : index
      %parallel_loop3A_243 = tpu.vector_load %arg7[%parallel_loop3A_241, %parallel_loop3A_242] {strides = array<i32>} : memref<32x200xi32, #tpu.memory_space<vmem>>, vector<16xi32>,
      tpu.vector_store_idx %arg4[%parallel_loop3A_243], %broadcast_in_dim3A_3 {add = true} : memref<100000xi32, #tpu.memory_space<vmem>>[vector<16xi32>], vector<16xi32>,
      %parallel_loop3A_244 = arith.index_cast %parallel_loop3A_216 : i32 to index
      %parallel_loop3A_245 = arith.constant 144 : index
      %parallel_loop3A_246 = tpu.vector_load %arg7[%parallel_loop3A_244, %parallel_loop3A_245] {strides = array<i32>} : memref<32x200xi32, #tpu.memory_space<vmem>>, vector<16xi32>,
      tpu.vector_store_idx %arg4[%parallel_loop3A_246], %broadcast_in_dim3A_3 {add = true} : memref<100000xi32, #tpu.memory_space<vmem>>[vector<16xi32>], vector<16xi32>,
      %parallel_loop3A_247 = arith.index_cast %parallel_loop3A_216 : i32 to index
      %parallel_loop3A_248 = arith.constant 160 : index
      %parallel_loop3A_249 = tpu.vector_load %arg7[%parallel_loop3A_247, %parallel_loop3A_248] {strides = array<i32>} : memref<32x200xi32, #tpu.memory_space<vmem>>, vector<16xi32>,
      tpu.vector_store_idx %arg4[%parallel_loop3A_249], %broadcast_in_dim3A_3 {add = true} : memref<100000xi32, #tpu.memory_space<vmem>>[vector<16xi32>], vector<16xi32>,
      %parallel_loop3A_250 = arith.index_cast %parallel_loop3A_216 : i32 to index
      %parallel_loop3A_251 = arith.constant 176 : index
      %parallel_loop3A_252 = tpu.vector_load %arg7[%parallel_loop3A_250, %parallel_loop3A_251] {strides = array<i32>} : memref<32x200xi32, #tpu.memory_space<vmem>>, vector<16xi32>,
      tpu.vector_store_idx %arg4[%parallel_loop3A_252], %broadcast_in_dim3A_3 {add = true} : memref<100000xi32, #tpu.memory_space<vmem>>[vector<16xi32>], vector<16xi32>,
      %parallel_loop3A_253 = arith.index_cast %parallel_loop3A_216 : i32 to index
      %parallel_loop3A_254 = arith.constant 184 : index
      %parallel_loop3A_255 = tpu.vector_load %arg7[%parallel_loop3A_253, %parallel_loop3A_254] {strides = array<i32>} : memref<32x200xi32, #tpu.memory_space<vmem>>, vector<16xi32>,
      tpu.vector_store_idx %arg4[%parallel_loop3A_255], %broadcast_in_dim3A_3 masked %ge3A_7 {add = true} : memref<100000xi32, #tpu.memory_space<vmem>>[vector<16xi32>], vector<16xi32>, vector<16xi1>
    } {sc.loop_unroll_factor = 4 : i64, sc.parallel_access}
    %dma_wait3A_209 = arith.constant 0 : i32
    %dma_wait3A_210 = tpu.memref_slice %arg2[%add3A_190, %dma_wait3A_209] : memref<16384x200xi32, #tpu.memory_space<hbm>> -> memref<32x200xi32, #tpu.memory_space<hbm>>
    %dma_wait3A_211 = arith.constant 0 : i32
    %dma_wait3A_212 = tpu.memref_slice %arg2[%add3A_190, %dma_wait3A_211] : memref<16384x200xi32, #tpu.memory_space<hbm>> -> memref<32x200xi32, #tpu.memory_space<hbm>>
    tpu.wait_dma2 semaphore(%arg8 : memref<!tpu.dma_semaphore, #tpu.memory_space<semaphore_mem>>) src(%dma_wait3A_212 : memref<32x200xi32, #tpu.memory_space<hbm>>) dst(%arg5 : memref<32x200xi32, #tpu.memory_space<vmem>>)
    %parallel_loop3A_213 = arith.constant 0 : i32
    %parallel_loop3A_214 = arith.constant 32 : i32
    %parallel_loop3A_215 = arith.constant 1 : i32
    scf.for %parallel_loop3A_216 = %parallel_loop3A_213 to %parallel_loop3A_214 step %parallel_loop3A_215  : i32 {
      %parallel_loop3A_217 = arith.index_cast %parallel_loop3A_216 : i32 to index
      %parallel_loop3A_218 = arith.constant 0 : index
      %parallel_loop3A_219 = tpu.vector_load %arg5[%parallel_loop3A_217, %parallel_loop3A_218] {strides = array<i32>} : memref<32x200xi32, #tpu.memory_space<vmem>>, vector<16xi32>,
      tpu.vector_store_idx %arg4[%parallel_loop3A_219], %broadcast_in_dim3A_3 {add = true} : memref<100000xi32, #tpu.memory_space<vmem>>[vector<16xi32>], vector<16xi32>,
      %parallel_loop3A_220 = arith.index_cast %parallel_loop3A_216 : i32 to index
      %parallel_loop3A_221 = arith.constant 16 : index
      %parallel_loop3A_222 = tpu.vector_load %arg5[%parallel_loop3A_220, %parallel_loop3A_221] {strides = array<i32>} : memref<32x200xi32, #tpu.memory_space<vmem>>, vector<16xi32>,
      tpu.vector_store_idx %arg4[%parallel_loop3A_222], %broadcast_in_dim3A_3 {add = true} : memref<100000xi32, #tpu.memory_space<vmem>>[vector<16xi32>], vector<16xi32>,
      %parallel_loop3A_223 = arith.index_cast %parallel_loop3A_216 : i32 to index
      %parallel_loop3A_224 = arith.constant 32 : index
      %parallel_loop3A_225 = tpu.vector_load %arg5[%parallel_loop3A_223, %parallel_loop3A_224] {strides = array<i32>} : memref<32x200xi32, #tpu.memory_space<vmem>>, vector<16xi32>,
      tpu.vector_store_idx %arg4[%parallel_loop3A_225], %broadcast_in_dim3A_3 {add = true} : memref<100000xi32, #tpu.memory_space<vmem>>[vector<16xi32>], vector<16xi32>,
      %parallel_loop3A_226 = arith.index_cast %parallel_loop3A_216 : i32 to index
      %parallel_loop3A_227 = arith.constant 48 : index
      %parallel_loop3A_228 = tpu.vector_load %arg5[%parallel_loop3A_226, %parallel_loop3A_227] {strides = array<i32>} : memref<32x200xi32, #tpu.memory_space<vmem>>, vector<16xi32>,
      tpu.vector_store_idx %arg4[%parallel_loop3A_228], %broadcast_in_dim3A_3 {add = true} : memref<100000xi32, #tpu.memory_space<vmem>>[vector<16xi32>], vector<16xi32>,
      %parallel_loop3A_229 = arith.index_cast %parallel_loop3A_216 : i32 to index
      %parallel_loop3A_230 = arith.constant 64 : index
      %parallel_loop3A_231 = tpu.vector_load %arg5[%parallel_loop3A_229, %parallel_loop3A_230] {strides = array<i32>} : memref<32x200xi32, #tpu.memory_space<vmem>>, vector<16xi32>,
      tpu.vector_store_idx %arg4[%parallel_loop3A_231], %broadcast_in_dim3A_3 {add = true} : memref<100000xi32, #tpu.memory_space<vmem>>[vector<16xi32>], vector<16xi32>,
      %parallel_loop3A_232 = arith.index_cast %parallel_loop3A_216 : i32 to index
      %parallel_loop3A_233 = arith.constant 80 : index
      %parallel_loop3A_234 = tpu.vector_load %arg5[%parallel_loop3A_232, %parallel_loop3A_233] {strides = array<i32>} : memref<32x200xi32, #tpu.memory_space<vmem>>, vector<16xi32>,
      tpu.vector_store_idx %arg4[%parallel_loop3A_234], %broadcast_in_dim3A_3 {add = true} : memref<100000xi32, #tpu.memory_space<vmem>>[vector<16xi32>], vector<16xi32>,
      %parallel_loop3A_235 = arith.index_cast %parallel_loop3A_216 : i32 to index
      %parallel_loop3A_236 = arith.constant 96 : index
      %parallel_loop3A_237 = tpu.vector_load %arg5[%parallel_loop3A_235, %parallel_loop3A_236] {strides = array<i32>} : memref<32x200xi32, #tpu.memory_space<vmem>>, vector<16xi32>,
      tpu.vector_store_idx %arg4[%parallel_loop3A_237], %broadcast_in_dim3A_3 {add = true} : memref<100000xi32, #tpu.memory_space<vmem>>[vector<16xi32>], vector<16xi32>,
      %parallel_loop3A_238 = arith.index_cast %parallel_loop3A_216 : i32 to index
      %parallel_loop3A_239 = arith.constant 112 : index
      %parallel_loop3A_240 = tpu.vector_load %arg5[%parallel_loop3A_238, %parallel_loop3A_239] {strides = array<i32>} : memref<32x200xi32, #tpu.memory_space<vmem>>, vector<16xi32>,
      tpu.vector_store_idx %arg4[%parallel_loop3A_240], %broadcast_in_dim3A_3 {add = true} : memref<100000xi32, #tpu.memory_space<vmem>>[vector<16xi32>], vector<16xi32>,
      %parallel_loop3A_241 = arith.index_cast %parallel_loop3A_216 : i32 to index
      %parallel_loop3A_242 = arith.constant 128 : index
      %parallel_loop3A_243 = tpu.vector_load %arg5[%parallel_loop3A_241, %parallel_loop3A_242] {strides = array<i32>} : memref<32x200xi32, #tpu.memory_space<vmem>>, vector<16xi32>,
      tpu.vector_store_idx %arg4[%parallel_loop3A_243], %broadcast_in_dim3A_3 {add = true} : memref<100000xi32, #tpu.memory_space<vmem>>[vector<16xi32>], vector<16xi32>,
      %parallel_loop3A_244 = arith.index_cast %parallel_loop3A_216 : i32 to index
      %parallel_loop3A_245 = arith.constant 144 : index
      %parallel_loop3A_246 = tpu.vector_load %arg5[%parallel_loop3A_244, %parallel_loop3A_245] {strides = array<i32>} : memref<32x200xi32, #tpu.memory_space<vmem>>, vector<16xi32>,
      tpu.vector_store_idx %arg4[%parallel_loop3A_246], %broadcast_in_dim3A_3 {add = true} : memref<100000xi32, #tpu.memory_space<vmem>>[vector<16xi32>], vector<16xi32>,
      %parallel_loop3A_247 = arith.index_cast %parallel_loop3A_216 : i32 to index
      %parallel_loop3A_248 = arith.constant 160 : index
      %parallel_loop3A_249 = tpu.vector_load %arg5[%parallel_loop3A_247, %parallel_loop3A_248] {strides = array<i32>} : memref<32x200xi32, #tpu.memory_space<vmem>>, vector<16xi32>,
      tpu.vector_store_idx %arg4[%parallel_loop3A_249], %broadcast_in_dim3A_3 {add = true} : memref<100000xi32, #tpu.memory_space<vmem>>[vector<16xi32>], vector<16xi32>,
      %parallel_loop3A_250 = arith.index_cast %parallel_loop3A_216 : i32 to index
      %parallel_loop3A_251 = arith.constant 176 : index
      %parallel_loop3A_252 = tpu.vector_load %arg5[%parallel_loop3A_250, %parallel_loop3A_251] {strides = array<i32>} : memref<32x200xi32, #tpu.memory_space<vmem>>, vector<16xi32>,
      tpu.vector_store_idx %arg4[%parallel_loop3A_252], %broadcast_in_dim3A_3 {add = true} : memref<100000xi32, #tpu.memory_space<vmem>>[vector<16xi32>], vector<16xi32>,
      %parallel_loop3A_253 = arith.index_cast %parallel_loop3A_216 : i32 to index
      %parallel_loop3A_254 = arith.constant 184 : index
      %parallel_loop3A_255 = tpu.vector_load %arg5[%parallel_loop3A_253, %parallel_loop3A_254] {strides = array<i32>} : memref<32x200xi32, #tpu.memory_space<vmem>>, vector<16xi32>,
      tpu.vector_store_idx %arg4[%parallel_loop3A_255], %broadcast_in_dim3A_3 masked %ge3A_7 {add = true} : memref<100000xi32, #tpu.memory_space<vmem>>[vector<16xi32>], vector<16xi32>, vector<16xi1>
    } {sc.loop_unroll_factor = 4 : i64, sc.parallel_access}
    "tpu.region"() ({
      %run_scoped3A = tpu.sem_alloc : memref<!tpu.dma_semaphore, #tpu.memory_space<semaphore_mem>>
      %dma_start3A_216 = arith.constant 0 : i32
      %dma_start3A_217 = tpu.memref_slice %arg3[%add3A, %dma_start3A_216] : memref<32x100000xi32, #tpu.memory_space<hbm>> -> memref<1x100000xi32, #tpu.memory_space<hbm>>
      %dma_start3A_218 = tpu.memref_squeeze %dma_start3A_217 : memref<1x100000xi32, #tpu.memory_space<hbm>> -> memref<100000xi32, #tpu.memory_space<hbm>>
      %dma_start3A_219 = arith.constant 0 : i32
      %dma_start3A_220 = tpu.memref_slice %arg3[%add3A, %dma_start3A_219] : memref<32x100000xi32, #tpu.memory_space<hbm>> -> memref<1x100000xi32, #tpu.memory_space<hbm>>
      %dma_start3A_221 = tpu.memref_squeeze %dma_start3A_220 : memref<1x100000xi32, #tpu.memory_space<hbm>> -> memref<100000xi32, #tpu.memory_space<hbm>>
      tpu.enqueue_dma source(%arg4 : memref<100000xi32, #tpu.memory_space<vmem>>) target(%dma_start3A_221 : memref<100000xi32, #tpu.memory_space<hbm>>) target_semaphore(%run_scoped3A : memref<!tpu.dma_semaphore, #tpu.memory_space<semaphore_mem>>)
      %dma_wait3A_222 = arith.constant 0 : i32
      %dma_wait3A_223 = tpu.memref_slice %arg3[%add3A, %dma_wait3A_222] : memref<32x100000xi32, #tpu.memory_space<hbm>> -> memref<1x100000xi32, #tpu.memory_space<hbm>>
      %dma_wait3A_224 = tpu.memref_squeeze %dma_wait3A_223 : memref<1x100000xi32, #tpu.memory_space<hbm>> -> memref<100000xi32, #tpu.memory_space<hbm>>
      %dma_wait3A_225 = arith.constant 0 : i32
      %dma_wait3A_226 = tpu.memref_slice %arg3[%add3A, %dma_wait3A_225] : memref<32x100000xi32, #tpu.memory_space<hbm>> -> memref<1x100000xi32, #tpu.memory_space<hbm>>
      %dma_wait3A_227 = tpu.memref_squeeze %dma_wait3A_226 : memref<1x100000xi32, #tpu.memory_space<hbm>> -> memref<100000xi32, #tpu.memory_space<hbm>>
      tpu.wait_dma2 semaphore(%run_scoped3A : memref<!tpu.dma_semaphore, #tpu.memory_space<semaphore_mem>>) src(%arg4 : memref<100000xi32, #tpu.memory_space<vmem>>) dst(%dma_wait3A_227 : memref<100000xi32, #tpu.memory_space<hbm>>)
      tpu.yield
    }) : () -> ()
    return
  }
}

module attributes {stable_mosaic.version = 14 : i64} {
  func.func @_finalize_body(%arg0: memref<32x100000xi32, #tpu.memory_space<vmem>>, %arg1: memref<1x100000xf32, #tpu.memory_space<vmem>>, %arg2: memref<1x1xf32, #tpu.memory_space<smem>>) attributes {dimension_semantics = [], scalar_prefetch = 0 : i64, scratch_operands = 0 : i64, tpu.core_type = #tpu.core_type<tc>} {
    %get3A = arith.constant 0 : index
    %get3A_0 = arith.constant 0 : index
    %get3A_1 = vector.load %arg0[%get3A, %get3A_0] : memref<32x100000xi32, #tpu.memory_space<vmem>>, vector<32x100000xi32>
    %reduce_sum3A = arith.constant dense<0> : vector<100000xi32>
    %reduce_sum3A_2 = vector.multi_reduction <add>, %get3A_1, %reduce_sum3A [0] : vector<32x100000xi32> to vector<100000xi32>
    %broadcast_in_dim3A = vector.shape_cast %reduce_sum3A_2 : vector<100000xi32> to vector<1x100000xi32>
    %convert_element_type3A = arith.sitofp %broadcast_in_dim3A : vector<1x100000xi32> to vector<1x100000xf32>
    %get3A_3 = arith.constant 0 : index
    %get3A_4 = arith.constant 0 : index
    %get3A_5 = vector.load %arg1[%get3A_3, %get3A_4] : memref<1x100000xf32, #tpu.memory_space<vmem>>, vector<1x100000xf32>
    %add3A = arith.addf %get3A_5, %convert_element_type3A : vector<1x100000xf32>
    %add3A_6 = arith.constant 9.99999993E-9 : f32
    %add3A_7 = vector.broadcast %add3A_6 : f32 to vector<1x100000xf32>
    %add3A_8 = arith.addf %add3A, %add3A_7 : vector<1x100000xf32>
    %reduce_sum3A_9 = vector.shape_cast %add3A_8 : vector<1x100000xf32> to vector<1x1x100000xf32>
    %reduce_sum3A_10 = arith.constant dense<0.000000e+00> : vector<1xf32>
    %reduce_sum3A_11 = vector.multi_reduction <add>, %reduce_sum3A_9, %reduce_sum3A_10 [1, 2] : vector<1x1x100000xf32> to vector<1xf32>
    %reduce_sum3A_12 = vector.shape_cast %reduce_sum3A_11 : vector<1xf32> to vector<1x1x1xf32>
    %reduce_sum3A_13 = vector.extract %reduce_sum3A_12[0, 0, 0] : f32 from vector<1x1x1xf32>
    %log3A = math.log %add3A_8 : vector<1x100000xf32>
    %mul3A = arith.constant 1.44269502 : f32
    %mul3A_14 = vector.broadcast %mul3A : f32 to vector<1x100000xf32>
    %mul3A_15 = arith.mulf %log3A, %mul3A_14 : vector<1x100000xf32>
    %mul3A_16 = arith.mulf %convert_element_type3A, %mul3A_15 : vector<1x100000xf32>
    %reduce_sum3A_17 = vector.shape_cast %mul3A_16 : vector<1x100000xf32> to vector<1x1x100000xf32>
    %reduce_sum3A_18 = arith.constant dense<0.000000e+00> : vector<1xf32>
    %reduce_sum3A_19 = vector.multi_reduction <add>, %reduce_sum3A_17, %reduce_sum3A_18 [1, 2] : vector<1x1x100000xf32> to vector<1xf32>
    %reduce_sum3A_20 = vector.shape_cast %reduce_sum3A_19 : vector<1xf32> to vector<1x1x1xf32>
    %reduce_sum3A_21 = vector.extract %reduce_sum3A_20[0, 0, 0] : f32 from vector<1x1x1xf32>
    %log3A_22 = math.log %reduce_sum3A_13 : f32
    %mul3A_23 = arith.constant 1.44269502 : f32
    %mul3A_24 = arith.mulf %log3A_22, %mul3A_23 : f32
    %div3A = arith.constant 3.276800e+06 : f32
    %div3A_25 = arith.divf %reduce_sum3A_21, %div3A : f32
    %sub3A = arith.subf %mul3A_24, %div3A_25 : f32
    %swap3A = arith.constant 0 : index
    %swap3A_26 = arith.constant 0 : index
    %swap3A_27 = memref.load %arg2[%swap3A, %swap3A_26] : memref<1x1xf32, #tpu.memory_space<smem>>
    memref.store %sub3A, %arg2[%swap3A, %swap3A_26] : memref<1x1xf32, #tpu.memory_space<smem>>
    return
  }
}

</mosaic_0001>

<sc_bundles>
// kernel: kernel.4.cloned.1.call-start
scs
__scs_entry_jumppad:
0x0: {  	(pc) =	sbr.rel $0x88, $3  }
0x1: {  	(tag) =	ssettag $0x0;
	lr =	simm.s32 $0x1  }
0x2: {  	[smem:$0x3F9F] =	sst lr;
	_ =	strace $0xD0000000  }
0x3: {  	_ = 	snop  }
0x4: {  	_ = 	snop  }
0x5: {  	_ = 	snop  }
0x6: {  	_ = 	snop  }
0x7: {  	_ = 	snop  }
__scs_overlays_trampoline_lowered:
0x8: {  	[smem:$0x3FAE] =	sst s0  }
0x9: {  	[smem:$0x3FAF] =	sst s1  }
0xa: {  	[smem:$0x3FB0] =	sst s2  }
0xb: {  	[smem:$0x3FB1] =	sst s3  }
0xc: {  	[smem:$0x3FB2] =	sst s4  }
0xd: {  	[smem:$0x3FB3] =	sst s5  }
0xe: {  	[smem:$0x3FB4] =	sst s6  }
0xf: {  	[smem:$0x3FB5] =	sst s7  }
0x10: {  	[smem:$0x3FB6] =	sst s8  }
0x11: {  	[smem:$0x3FB7] =	sst s9;
	s0 =	simm.s32 @!p0 $0x0  }
0x12: {  	s1 =	sld [smem:$0x3F9D];
	s0 =	simm.s32 @p0 $0x1  }
0x13: {  	[smem:$0x3FB8] =	sst s0;
	s0 =	simm.s32 @!p1 $0x0  }
0x14: {  	s2 =	sld [smem:$0x3F9C];
	s0 =	simm.s32 @p1 $0x1  }
0x15: {  	[smem:$0x3FB9] =	sst s0;
	s0 =	simm.s32 @!p2 $0x0  }
0x16: {  	s3 =	sld [smem:$0x3FDB];
	s0 =	simm.s32 @p2 $0x1  }
0x17: {  	s4 =	simm.s32 $0x1BF5;
	[smem:$0x3FBB] =	sst s0  }
0x18: {  	s0 =	sld [smem:$0x3F9E];
	_ =	swait.ge [sflag:s4], $0x0  }
0x19: {  	s7 =	sld [smem:$0x3F9F]  }
0x1a: {  	s8 =	sadd.s32 $0xFFFFE003, lr  }
0x1b: {  	s9 =	sadd.s32 $0xFFFFFEF7, lr;
	s5 =	simm.s32 $0xFFFFFFFF;
	p2 =	slt.u32 s8, $0xFFFFF086  }
0x1c: {  	p1 =	slt.u32 s9, $0xF7A;
	s5 =	simm.s32 @!p2 $0x0  }
0x1d: {  	s5 =	simm.s32 @p1 $0x1;
	p0 =	seq.s32 s7, s2  }
0x1e: {  	s7 =	smul.u32 @!p0 $0xF7A, s2;
	p2 =	seq.s32 @!p0 s5, $0x0  }
0x1f: {  	s9 =	smul.u32 $0xF7A, s1;
	s8 =	simm.s32 @!p0 $0x1BF5;
	p2 =	por !p2, p0  }
0x20: {  	[sflag:s8] =	ssyncset.s32 @!p0 $0xFFFFF086;
	s6 =	sadd.s32 @!p0 s3, s7;
	s7 =	simm.s32 @!p0 $0x108  }
0x21: {  	s3 =	sadd.s32 s3, s9;
	s6 =	sadd.s32 @!p0 $0x88, s6;
	s7 =	simm.s32 @p2 $0x1082  }
0x22: {  	[simem:s7], [sflag:s8] =	dma.local @!p0 [hbm:s6], $0xF7A  }
0x23: {  	s9 =	sor.u32 $0xD0000000, s2;
	s6 =	simm.s32 $0x108;
	_ =	swait.ge @!p0 [sflag:s8], $0x0  }
0x24: {  	s3 =	sadd.s32 $0x88, s3;
	s6 =	simm.s32 @!p1 $0x1082;
	[sflag:s4] =	ssyncset.s32 $0xFFFFF086  }
0x25: {  	[simem:s6], [sflag:s4] =	dma.local [hbm:s3], $0xF7A  }
0x26: {  	[smem:$0x3F9F] =	sst s1;
	(tag) =	ssettag s2;
	_ =	strace s9  }
0x27: {  	s1 =	sld [smem:$0x3FAF]  }
0x28: {  	s2 =	sld [smem:$0x3FB0]  }
0x29: {  	s4 =	sld [smem:$0x3FB2]  }
0x2a: {  	p0 =	seq.s32 s5, $0x0;
	s5 =	sld [smem:$0x3FB3]  }
0x2b: {  	s6 =	sld [smem:$0x3FB4]  }
0x2c: {  	s7 =	sld [smem:$0x3FB5]  }
0x2d: {  	s3 =	simm.s32 $0x108;
	s8 =	sld [smem:$0x3FB6]  }
0x2e: {  	s3 =	simm.s32 @!p0 $0x1082;
	s9 =	sld [smem:$0x3FB7]  }
0x2f: {  	lr =	sadd.s32 s0, s3;
	s0 =	sld [smem:$0x3FAE]  }
0x30: {  	s3 =	sld [smem:$0x3FB1]  }
0x31: {  	[smem:$0x3FBA] =	sst s10  }
0x32: {  	s10 =	sld [smem:$0x3FB8];
	_ =	sdelay $0x3  }
0x33: {  	p0 =	seq.s32 s10, $0x1;
	s10 =	sld [smem:$0x3FBA];
	_ =	sdelay $0x3  }
0x34: {  	[smem:$0x3FBA] =	sst s10  }
0x35: {  	s10 =	sld [smem:$0x3FB9];
	_ =	sdelay $0x3  }
0x36: {  	p1 =	seq.s32 s10, $0x1;
	s10 =	sld [smem:$0x3FBA];
	_ =	sdelay $0x3  }
0x37: {  	[smem:$0x3FBA] =	sst s10  }
0x38: {  	s10 =	sld [smem:$0x3FBB]  }
0x39: {  	_ = 	snop;
	(pc) =	sbr.ind lr, $3  }
0x3a: {  	_ = 	snop  }
0x3b: {  	_ = 	snop  }
0x3c: {  	p2 =	seq.s32 s10, $0x1;
	s10 =	sld [smem:$0x3FBA]  }
0x3d: {  	_ =	shalt  }
0x3e: {  	_ =	shalt  }
0x3f: {  	_ =	shalt  }
0x40: {  	_ =	shalt  }
0x41: {  	_ =	shalt  }
0x42: {  	_ =	shalt  }
0x43: {  	_ =	shalt  }
0x44: {  	_ =	shalt  }
0x45: {  	_ =	shalt  }
0x46: {  	_ =	shalt  }
0x47: {  	_ =	shalt  }
0x48: {  	_ =	shalt  }
0x49: {  	_ =	shalt  }
0x4a: {  	_ =	shalt  }
0x4b: {  	_ =	shalt  }
0x4c: {  	_ =	shalt  }
0x4d: {  	_ =	shalt  }
0x4e: {  	_ =	shalt  }
0x4f: {  	_ =	shalt  }
0x50: {  	_ =	shalt  }
0x51: {  	_ =	shalt  }
0x52: {  	_ =	shalt  }
0x53: {  	_ =	shalt  }
0x54: {  	_ =	shalt  }
0x55: {  	_ =	shalt  }
0x56: {  	_ =	shalt  }
0x57: {  	_ =	shalt  }
0x58: {  	_ =	shalt  }
0x59: {  	_ =	shalt  }
0x5a: {  	_ =	shalt  }
0x5b: {  	_ =	shalt  }
0x5c: {  	_ =	shalt  }
0x5d: {  	_ =	shalt  }
0x5e: {  	_ =	shalt  }
0x5f: {  	_ =	shalt  }
0x60: {  	_ =	shalt  }
0x61: {  	_ =	shalt  }
0x62: {  	_ =	shalt  }
0x63: {  	_ =	shalt  }
0x64: {  	_ =	shalt  }
0x65: {  	_ =	shalt  }
0x66: {  	_ =	shalt  }
0x67: {  	_ =	shalt  }
0x68: {  	_ =	shalt  }
0x69: {  	_ =	shalt  }
0x6a: {  	_ =	shalt  }
0x6b: {  	_ =	shalt  }
0x6c: {  	_ =	shalt  }
0x6d: {  	_ =	shalt  }
0x6e: {  	_ =	shalt  }
0x6f: {  	_ =	shalt  }
0x70: {  	_ =	shalt  }
0x71: {  	_ =	shalt  }
0x72: {  	_ =	shalt  }
0x73: {  	_ =	shalt  }
0x74: {  	_ =	shalt  }
0x75: {  	_ =	shalt  }
0x76: {  	_ =	shalt  }
0x77: {  	_ =	shalt  }
0x78: {  	_ =	shalt  }
0x79: {  	_ =	shalt  }
0x7a: {  	_ =	shalt  }
0x7b: {  	_ =	shalt  }
0x7c: {  	_ =	shalt  }
0x7d: {  	_ =	shalt  }
0x7e: {  	_ =	shalt  }
0x7f: {  	_ =	shalt  }
0x80: {  	_ =	shalt  }
0x81: {  	_ =	shalt  }
0x82: {  	_ =	shalt  }
0x83: {  	_ =	shalt  }
0x84: {  	_ =	shalt  }
0x85: {  	_ =	shalt  }
0x86: {  	_ =	shalt  }
0x87: {  	_ =	shalt  }
.Lfunc_end0:
.L_simem_size_0:
called_computation_lowered:
.L_overlay_start_0:
0x88: {  	s2 =	sld [smem:$0x3FD9]  }
0x89: {  	s3 =	sld [smem:$0x3FFE];
	_ =	sdelay $0x1  }
0x8a: {  	s1 =	srdreg.scid  }
0x8b: {  	s0 =	sand.u32 $0x1, s1  }
0x8c: {  	s16 =	sshll.u32 s0, $0xA;
	s2 =	sadd.s32 s3, s2  }
0x8d: {  	s2 =	sadd.s32 s2, s16  }
0x8e: {  	[smem:$0x3FC6] =	sst s2  }
0x8f: {  	_ = 	snop  }
0x90: {  	(tm) =	ssettm $0x1  }
0x91: {  	s17 =	sld [smem:$0x3FFB];
	_ =	sdelay $0x3  }
0x92: {  	_ =	strace s17  }
0x93: {  	s2 =	sld [smem:$0x3FFC];
	_ =	sdelay $0x3  }
0x94: {  	_ =	strace s2  }
0x95: {  	s2 =	sld [smem:$0x3FFD];
	_ =	sdelay $0x3  }
0x96: {  	_ =	strace s2  }
0x97: {  	_ =	strace $0x8FFFFFFF  }
0x98: {  	s18 =	sld [smem:$0x3FDB];
	_ =	sdelay $0x1  }
0x99: {  	s19 =	simm.s32 $_scs_section_size  }
0x9a: {  	s4 =	simm.s32 $_size__tile_overlayer_lowered;
	s5 =	simm.s32 $_tile_overlayer_lowered  }
0x9b: {  	s22 =	simm.s32 $0x1BFF;
	s21 =	sshll.u32 s5, $0x1;
	s2 =	sadd.s32 s19, s18  }
0x9c: {  	s6 =	simm.s32 $0x0;
	s20 =	sshll.u32 s4, $0x1;
	s4 =	sadd.s32 s21, s2  }
0x9d: {  	[timem:s6], [sflag:s22] =	dma.local [hbm:s4], s20  }
0x9e: {  	_ =	swait.ge [sflag:s22], s20  }
0x9f: {  	s3 =	ssub.s32 $0x0, s20;
	[sflag:s22] =	ssyncset.done $0x0  }
0xa0: {  	[sflag:s22] =	ssyncadd.s32 s3;
	_ =	sdelay $0x1  }
0xa1: {  	s23 =	simm.s32 $0x1B8B  }
0xa2: {  	_ =	swait.ge [sflag:s23], $0x1  }
0xa3: {  	[sflag:s23] =	ssyncset.done $0x0  }
0xa4: {  	s25 =	simm.s32 $0x1B8E;
	s24 =	sld [smem:$0x3FFE];
	[sflag:s23] =	ssyncadd.s32 $0xFFFFFFFF  }
0xa5: {  	s26 =	simm.s32 $execute0_lowered;
	[smem:$0x3FD2] =	sst s25  }
0xa6: {  	s4 =	sshll.u32 s26, $0x1;
	_ =	strace $0x80000046;
	[dreg:$0x1] =	wrdreg $0xFFFFFFFF  }
0xa7: {  	s28 =	simm.s32 $_size_execute0_lowered;
	s2 =	sadd.s32 s2, s4;
	[dreg:$0x0] =	wrdreg $0x0  }
0xa8: {  	s4 =	sshll.u32 s28, $0x1;
	[dreg:$0x2] =	wrdreg s2  }
0xa9: {  	[dreg:$0x3] =	wrdreg s4  }
0xaa: {  	[dreg:$0x4] =	wrdreg $0xC0  }
0xab: {  	_ =	task [dreg:s6], $0x5FFFF  }
0xac: {  	[dreg:$0x1] =	wrdreg $0xFFFFFFFF  }
0xad: {  	[dreg:$0x0] =	wrdreg $0x60  }
0xae: {  	[dreg:$0x2] =	wrdreg s24  }
0xaf: {  	[dreg:$0x3] =	wrdreg $0x9  }
0xb0: {  	_ =	task.clear_ibuf [dreg:s6], $0x4FFFF;
	_ =	strace $0x90000046  }
0xb1: {  	s29 =	simm.s32 $0x9;
	_ =	strace $0x80000048  }
0xb2: {  	_ =	swait.ge [sflag:s29], $0x1  }
0xb3: {  	[sflag:s29] =	ssyncadd.s32 $0xFFFFFFFF  }
0xb4: {  	_ =	strace $0x90000048  }
0xb5: {  	_ =	sfence  }
0xb6: {  	s30 =	sld [smem:$0x0];
	_ =	sdelay $0x2  }
0xb7: {  	s31 =	sshll.u32 s1, $0xD;
	s1 =	sshrl.u32 s1, $0x2  }
0xb8: {  	s3 =	sand.u32 $0x4000, s31;
	s1 =	sadd.s32 s1, s30  }
0xb9: {  	s0 =	sor.u32 s3, s0;
	s1 =	sshll.u32 s1, $0x11  }
0xba: {  	s0 =	sor.u32 s1, s0  }
0xbb: {  	s0 =	sadd.s32 $0x8F2B, s0  }
0xbc: {  	[sflag:s0] =	ssyncadd.remote.s32 $0x1  }
0xbd: {  	_ =	sfence.sel $0xFFFF  }
0xbe: {  	[dreg:$0x0] =	wrdreg $0xFFFFFFFF;
	(pc) =	sbr.abs _section_cstart, $3  }
0xbf: {  	[dreg:$0x1] =	wrdreg $0xFFFFFFFF  }
0xc0: {  	_ =	task.clear_ibuf [dreg:s6], $0x2FFFF;
	_ =	strace $0x9FFFFFFF  }
0xc1: {  	(tm) =	ssettm $0x7FFFFFFF  }
tec
execute0_lowered:
.L_overlay_start_1:
0x0: {  	(tag) =	ssettag $0x1  }
0x1: {  	s1 =	srdreg.scid;
	s4 =	stileid.u32  }
0x2: {  	s1 =	sand.u32 $0x1, s1;
	s3 =	sshll.u32 s4, $0x1  }
0x3: {  	s3 =	sor.u32 s1, s3  }
0x4: {  	s0 =	rddreg [dreg:$0x0];
	s5 =	sshll.u32 s3, $0x7;
	s3 =	sshll.u32 s3, $0xE  }
0x5: {  	s2 =	simm.s32 $0x0;
	s3 =	sadd.s32 s3, s0  }
0x6: {  	[smem:$0x7FF] =	sst s2;
	s13 =	sadd.s32 $0x800, s3  }
0x7: {  	_ =	strace $0x80000047;
	s14 =	sadd.s32 $0xC00, s3;
	[dreg:$0x2] =	wrdreg s13  }
0x8: {  	s15 =	sadd.s32 $0x1000, s3;
	[dreg:$0x3] =	wrdreg s14  }
0x9: {  	s16 =	sadd.s32 $0x1400, s3;
	[dreg:$0x4] =	wrdreg s15  }
0xa: {  	s17 =	sadd.s32 $0x1800, s3;
	[dreg:$0x5] =	wrdreg s16  }
0xb: {  	s18 =	sadd.s32 $0x1C00, s3;
	[dreg:$0x6] =	wrdreg s17  }
0xc: {  	s19 =	sadd.s32 $0x2000, s3;
	[dreg:$0x7] =	wrdreg s18  }
0xd: {  	s28 =	simm.s32 $0x80;
	s20 =	sadd.s32 $0x2400, s3;
	[dreg:$0x8] =	wrdreg s19  }
0xe: {  	s31 =	simm.s32 $0x0;
	s21 =	sadd.s32 $0x2800, s3;
	[dreg:$0x9] =	wrdreg s20  }
0xf: {  	s4 =	sshrl.u32 s4, $0x2;
	s22 =	sadd.s32 $0x2C00, s3;
	[dreg:$0xa] =	wrdreg s21  }
0x10: {  	s4 =	smul.u32 $0xC3800, s4;
	s23 =	sadd.s32 $0x3000, s3;
	[dreg:$0xb] =	wrdreg s22  }
0x11: {  	s1 =	ssub.s32 $0x2, s1;
	s24 =	sadd.s32 $0x3400, s3;
	[dreg:$0xc] =	wrdreg s23  }
0x12: {  	s12 =	sshrl.u32 s1, $0x1;
	s25 =	sadd.s32 $0x3800, s3;
	[dreg:$0xd] =	wrdreg s24  }
0x13: {  	s5 =	sand.u32 $0x380, s5;
	s26 =	sadd.s32 $0x3C00, s3;
	[dreg:$0xe] =	wrdreg s25  }
0x14: {  	s1 =	ssub.s32 s1, s12;
	s29 =	sadd.s32 $0x4000, s3;
	[dreg:$0xf] =	wrdreg s26  }
0x15: {  	s4 =	sor.u32 s4, s5;
	s3 =	sadd.s32 $0x4400, s3;
	[dreg:$0x10] =	wrdreg s29  }
0x16: {  	s30 =	smax.u32 s1, $0x1;
	s4 =	sshrl.u32 s4, $0x3;
	[dreg:$0x11] =	wrdreg s3  }
0x17: {  	[dreg:$0x13] =	wrdreg s30;
	s21 =	simm.s32 $0x18700;
	s0 =	sadd.s32 s4, s0  }
0x18: {  	s23 =	simm.s32 $0x1C700;
	s24 =	simm.s32 $0x1;
	s0 =	sadd.s32 $0x80800, s0  }
0x19: {  	v0 =	vimm.s32 $0x0;
	v1 =	vimm.s32 $0x1;
	vm0 =	vcmask $0x3F20;
	s25 =	simm.s32 $0x2;
	s26 =	simm.s32 $0x3;
	[dreg:$0x12] =	wrdreg s0  }
.LBB2_1:
0x1a: {  	s0 =	rddreg [dreg:$0x2]  }
0x1b: {  	[tilespmem:s21], [sflag:$0x1] =	stream.linear.gather [hbm4b:s0+s2], $0x2000, $0x38;
	[tilespmem:$0x1E700] =	vst v63  }
0x1c: {  	s29 =	rddreg [dreg:$0x3];
	s1 =	simm.s32 $0x1A700  }
0x1d: {  	[tilespmem:s1], [sflag:$0x2] =	stream.linear.gather [hbm4b:s29+s2], $0x2000, $0x38;
	[tilespmem:$0x1E700] =	vst v63  }
0x1e: {  	s30 =	rddreg [dreg:$0x4]  }
0x1f: {  	[tilespmem:s23], [sflag:$0x3] =	stream.linear.gather [hbm4b:s30+s2], $0x2000, $0x38;
	[tilespmem:$0x1E700] =	vst v63  }
0x20: {  	[tilespmem:s28+$0xFFFFFF80] =	vst v0  }
0x21: {  	[tilespmem:s28+$0x70] =	vst v0  }
0x22: {  	[tilespmem:s28+$0x60] =	vst v0  }
0x23: {  	[tilespmem:s28+$0x50] =	vst v0  }
0x24: {  	[tilespmem:s28+$0x40] =	vst v0  }
0x25: {  	[tilespmem:s28+$0x30] =	vst v0  }
0x26: {  	[tilespmem:s28+$0x20] =	vst v0  }
0x27: {  	[tilespmem:s28+$0x10] =	vst v0  }
0x28: {  	[tilespmem:s28+$0x0] =	vst v0  }
0x29: {  	[tilespmem:s28+$0xFFFFFFF0] =	vst v0  }
0x2a: {  	[tilespmem:s28+$0xFFFFFFE0] =	vst v0  }
0x2b: {  	[tilespmem:s28+$0xFFFFFFD0] =	vst v0  }
0x2c: {  	[tilespmem:s28+$0xFFFFFFC0] =	vst v0  }
0x2d: {  	[tilespmem:s28+$0xFFFFFFB0] =	vst v0  }
0x2e: {  	s3 =	simm.s32 $0x80;
	s1 =	simm.s32 $0x0;
	[tilespmem:s28+$0xFFFFFFA0] =	vst v0  }
.LBB2_2:
0x2f: {  	s1 =	sadd.s32 $0x10, s1;
	[tilespmem:s3+$0xFFFFFF90] =	vst v0;
	s3 =	sadd.s32 $0x100, s3;
	s0 =	simm.s32 $0x0  }
0x30: {  	[tilespmem:s3+$0xFFFFFF80] =	vst v0;
	p0 =	slt.u32 s1, $0x1850  }
0x31: {  	[tilespmem:s3+$0x70] =	vst v0  }
0x32: {  	[tilespmem:s3+$0x60] =	vst v0  }
0x33: {  	[tilespmem:s3+$0x50] =	vst v0  }
0x34: {  	[tilespmem:s3+$0x40] =	vst v0  }
0x35: {  	[tilespmem:s3+$0x30] =	vst v0  }
0x36: {  	[tilespmem:s3+$0x20] =	vst v0  }
0x37: {  	[tilespmem:s3+$0x10] =	vst v0  }
0x38: {  	[tilespmem:s3+$0x0] =	vst v0  }
0x39: {  	[tilespmem:s3+$0xFFFFFFF0] =	vst v0  }
.Ltmp0:
0x3a: {  	[tilespmem:s3+$0xFFFFFFE0] =	vst v0;
	(pc) =	sbr.rel @p0 .LBB2_2-.Ltmp0, $4  }
0x3b: {  	[tilespmem:s3+$0xFFFFFFD0] =	vst v0  }
0x3c: {  	[tilespmem:s3+$0xFFFFFFC0] =	vst v0  }
0x3d: {  	[tilespmem:s3+$0xFFFFFFB0] =	vst v0  }
0x3e: {  	[tilespmem:s3+$0xFFFFFFA0] =	vst v0  }
0x3f: {  	[tilespmem:s3+$0xFFFFFF90] =	vst v0  }
.LBB2_4:
0x40: {  	p0 =	sne.s32 s0, $0x240  }
.Ltmp1:
0x41: {  	_ = 	snop;
	(pc) =	sbr.rel @p0 .LBB2_4-.Ltmp1, $3  }
0x42: {  	_ =	sdelay $0x1  }
0x43: {  	s1 =	sshra.s32 s0, $0x2  }
0x44: {  	s0 =	sadd.s32 $0x40, s0;
	[tilespmem:s1+$0x18600] =	vst v0  }
0x45: {  	s0 =	simm.s32 $0x0  }
0x46: {  	_ =	swait.ge [sflag:s24], $0x2000;
	s1 =	sand.u32 $0x1800, s0;
	s0 =	sand.u32 $0x200, s0  }
0x47: {  	[sflag:s24] =	ssyncset.done $0x0;
	s1 =	sor.u32 s0, s1  }
0x48: {  	[sflag:s24] =	ssyncadd.s32 $0xFFFFE000;
	s0 =	sadd.s32 $0x18700, s1  }
0x49: {  	v2 =	vld [tilespmem:s0+$0x180];
	_ =	sdelay $0x6  }
0x4a: {  	v5 =	vld [tilespmem:s1+$0x18700]  }
0x4b: {  	[tilespmem:v2+s2+$0x0] =	vst.idx.add.s32.msk $0xffff, v1  }
0x4c: {  	v2 =	vld [tilespmem:s0+$0x190];
	_ =	sdelay $0x1  }
0x4d: {  	v3 =	vld [tilespmem:s0+$0x80];
	_ =	sdelay $0x2  }
0x4e: {  	v4 =	vld [tilespmem:s0+$0x100]  }
0x4f: {  	[tilespmem:v5+s2+$0x0] =	vst.idx.add.s32.msk $0xffff, v1  }
0x50: {  	v5 =	vld [tilespmem:s0+$0x10]  }
0x51: {  	[tilespmem:v2+s2+$0x0] =	vst.idx.add.s32.msk $0xffff, v1  }
0x52: {  	v2 =	vld [tilespmem:s0+$0x1A0]  }
0x53: {  	[tilespmem:v3+s2+$0x0] =	vst.idx.add.s32.msk $0xffff, v1  }
0x54: {  	v3 =	vld [tilespmem:s0+$0x90];
	_ =	sdelay $0x1  }
0x55: {  	[tilespmem:v4+s2+$0x0] =	vst.idx.add.s32.msk $0xffff, v1  }
0x56: {  	v4 =	vld [tilespmem:s0+$0x110]  }
0x57: {  	[tilespmem:v5+s2+$0x0] =	vst.idx.add.s32.msk $0xffff, v1  }
0x58: {  	v5 =	vld [tilespmem:s0+$0x20]  }
0x59: {  	[tilespmem:v2+s2+$0x0] =	vst.idx.add.s32.msk $0xffff, v1  }
0x5a: {  	v2 =	vld [tilespmem:s0+$0x1B0]  }
0x5b: {  	[tilespmem:v3+s2+$0x0] =	vst.idx.add.s32.msk $0xffff, v1  }
0x5c: {  	v3 =	vld [tilespmem:s0+$0xA0];
	_ =	sdelay $0x1  }
0x5d: {  	[tilespmem:v4+s2+$0x0] =	vst.idx.add.s32.msk $0xffff, v1  }
0x5e: {  	v4 =	vld [tilespmem:s0+$0x120]  }
0x5f: {  	[tilespmem:v5+s2+$0x0] =	vst.idx.add.s32.msk $0xffff, v1  }
0x60: {  	v5 =	vld [tilespmem:s0+$0x30]  }
0x61: {  	[tilespmem:v2+s2+$0x0] =	vst.idx.add.s32.msk $0xffff, v1  }
0x62: {  	v2 =	vld [tilespmem:s0+$0x1C0]  }
0x63: {  	[tilespmem:v3+s2+$0x0] =	vst.idx.add.s32.msk $0xffff, v1  }
0x64: {  	v3 =	vld [tilespmem:s0+$0xB0];
	_ =	sdelay $0x1  }
0x65: {  	[tilespmem:v4+s2+$0x0] =	vst.idx.add.s32.msk $0xffff, v1  }
0x66: {  	v4 =	vld [tilespmem:s0+$0x130]  }
0x67: {  	[tilespmem:v5+s2+$0x0] =	vst.idx.add.s32.msk $0xffff, v1  }
0x68: {  	v5 =	vld [tilespmem:s0+$0x40]  }
0x69: {  	[tilespmem:v2+s2+$0x0] =	vst.idx.add.s32.msk $0xffff, v1  }
0x6a: {  	v2 =	vld [tilespmem:s0+$0x1D0]  }
0x6b: {  	[tilespmem:v3+s2+$0x0] =	vst.idx.add.s32.msk $0xffff, v1  }
0x6c: {  	v3 =	vld [tilespmem:s0+$0xC0];
	_ =	sdelay $0x1  }
0x6d: {  	[tilespmem:v4+s2+$0x0] =	vst.idx.add.s32.msk $0xffff, v1  }
0x6e: {  	v4 =	vld [tilespmem:s0+$0x140]  }
0x6f: {  	[tilespmem:v5+s2+$0x0] =	vst.idx.add.s32.msk $0xffff, v1  }
0x70: {  	v5 =	vld [tilespmem:s0+$0x50]  }
0x71: {  	[tilespmem:v2+s2+$0x0] =	vst.idx.add.s32.msk $0xffff, v1  }
0x72: {  	v2 =	vld [tilespmem:s0+$0x1E0]  }
0x73: {  	[tilespmem:v3+s2+$0x0] =	vst.idx.add.s32.msk $0xffff, v1  }
0x74: {  	v3 =	vld [tilespmem:s0+$0xD0];
	_ =	sdelay $0x2  }
0x75: {  	[tilespmem:v4+s2+$0x0] =	vst.idx.add.s32.msk $0xffff, v1  }
0x76: {  	v4 =	vld [tilespmem:s0+$0x150]  }
0x77: {  	[tilespmem:v5+s2+$0x0] =	vst.idx.add.s32.msk $0xffff, v1  }
0x78: {  	[tilespmem:v2+s2+$0x0] =	vst.idx.add.s32.msk $0xffff, v1  }
0x79: {  	v2 =	vld [tilespmem:s0+$0x1F0]  }
0x7a: {  	[tilespmem:v3+s2+$0x0] =	vst.idx.add.s32.msk $0xffff, v1  }
0x7b: {  	v5 =	vld [tilespmem:s0+$0x60]  }
0x7c: {  	p0 =	por $0x0, $0x0;
	s1 =	simm.s32 $0x1;
	v3 =	vld [tilespmem:s0+$0xE0]  }
0x7d: {  	s1 =	simm.s32 @!p0 $0x0  }
0x7e: {  	s1 =	sshll.u32 s1, $0x9;
	[tilespmem:v4+s2+$0x0] =	vst.idx.add.s32.msk $0xffff, v1  }
0x7f: {  	s1 =	sadd.s32 $0x0, s1;
	v4 =	vld [tilespmem:s0+$0x160]  }
0x80: {  	s10 =	sadd.s32 $0x180, s1  }
0x81: {  	s3 =	sor.u32 $0x400, s10;
	[tilespmem:v2+s2+$0x0] =	vst.idx.add.s32.msk $0xffff, v1  }
0x82: {  	v2 =	vld [tilespmem:s3+$0x18700]  }
0x83: {  	[tilespmem:v5+s2+$0x0] =	vst.idx.add.s32.msk $0xffff, v1  }
0x84: {  	[tilespmem:v3+s2+$0x0] =	vst.idx.add.s32.msk $0xffff, v1  }
0x85: {  	v5 =	vld [tilespmem:s0+$0x70]  }
0x86: {  	v3 =	vld [tilespmem:s0+$0xF0]  }
0x87: {  	[tilespmem:v4+s2+$0x0] =	vst.idx.add.s32.msk $0xffff, v1  }
0x88: {  	v4 =	vld [tilespmem:s0+$0x170];
	_ =	sdelay $0x1  }
0x89: {  	s15 =	sor.u32 $0x410, s10;
	[tilespmem:v2+s2+$0x0] =	vst.idx.add.s32.msk $0xffff, v1  }
0x8a: {  	v2 =	vld [tilespmem:s15+$0x18700];
	_ =	sdelay $0x1  }
0x8b: {  	s16 =	sadd.s32 $0x80, s1;
	[tilespmem:v5+s2+$0x0] =	vst.idx.add.s32.msk $0xffff, v1  }
0x8c: {  	s17 =	sor.u32 $0x400, s16;
	[tilespmem:v3+s2+$0x0] =	vst.idx.add.s32.msk $0xffff, v1  }
0x8d: {  	v3 =	vld [tilespmem:s17+$0x18700]  }
0x8e: {  	s4 =	sadd.s32 $0x100, s1;
	s20 =	sor.u32 $0x400, s1;
	[tilespmem:v4+s2+$0x0] =	vst.idx.add.s32.msk $0xffff, v1  }
0x8f: {  	s18 =	sor.u32 $0x400, s4;
	v5 =	vld [tilespmem:s20+$0x18700]  }
0x90: {  	v4 =	vld [tilespmem:s18+$0x18700]  }
0x91: {  	s19 =	sor.u32 $0x420, s10;
	[tilespmem:v2+s2+$0x0] =	vst.idx.add.s32.msk $0xffff, v1  }
0x92: {  	v6 =	vld [tilespmem:s19+$0x18700];
	_ =	sdelay $0x2  }
0x93: {  	s22 =	sor.u32 $0x410, s16;
	[tilespmem:v3+s2+$0x0] =	vst.idx.add.s32.msk $0xffff, v1  }
0x94: {  	v3 =	vld [tilespmem:s22+$0x18700];
	_ =	sdelay $0x1  }
0x95: {  	s14 =	sor.u32 $0x410, s1;
	s12 =	sor.u32 $0x420, s1;
	s6 =	sor.u32 $0x430, s1;
	[tilespmem:v5+s2+$0x0] =	vst.idx.add.s32.msk $0xffff, v1  }
0x96: {  	s1 =	sor.u32 $0x438, s1;
	s5 =	sor.u32 $0x410, s4;
	s13 =	sor.u32 $0x420, s16;
	[tilespmem:v4+s2+$0x0] =	vst.idx.add.s32.msk $0xffff, v1  }
0x97: {  	s11 =	sor.u32 $0x420, s4;
	s9 =	sor.u32 $0x430, s16;
	s30 =	sor.u32 $0x430, s10;
	[tilespmem:v6+s2+$0x0] =	vst.idx.add.s32.msk $0xffff, v1  }
0x98: {  	s7 =	sor.u32 $0x430, s4;
	s29 =	sor.u32 $0x438, s16;
	s0 =	sor.u32 $0x438, s4;
	v4 =	vld [tilespmem:s30+$0x18700]  }
0x99: {  	s4 =	simm.s32 $0x200;
	s3 =	simm.s32 $0x0;
	v2 =	vld [tilespmem:s5+$0x18700];
	s5 =	simm.s32 $0x400  }
.LBB2_6:
0x9a: {  	s8 =	sand.u32 $0x1800, s5;
	s15 =	sand.u32 $0x200, s4;
	s3 =	sadd.s32 $0x4, s3;
	v5 =	vld [tilespmem:s14+$0x18700]  }
0x9b: {  	s8 =	sor.u32 s15, s8;
	p1 =	slt.u32 s3, $0x1C;
	[tilespmem:v3+s2+$0x0] =	vst.idx.add.s32.msk $0xffff, v1  }
0x9c: {  	v3 =	vld [tilespmem:s8+$0x18700];
	s8 =	sadd.s32 $0x18700, s8  }
0x9d: {  	v6 =	vld [tilespmem:s8+$0x180]  }
0x9e: {  	v7 =	vld [tilespmem:s8+$0x80]  }
0x9f: {  	v8 =	vld [tilespmem:s8+$0x100]  }
0xa0: {  	s10 =	sor.u32 $0x438, s10;
	[tilespmem:v4+s2+$0x0] =	vst.idx.add.s32.msk $0xffff, v1  }
0xa1: {  	v4 =	vld [tilespmem:s10+$0x18700]  }
0xa2: {  	[tilespmem:v2+s2+$0x0] =	vst.idx.add.s32.msk $0xffff, v1  }
0xa3: {  	[tilespmem:v5+s2+$0x0] =	vst.idx.add.s32.msk $0xffff, v1  }
0xa4: {  	[tilespmem:v3+s2+$0x0] =	vst.idx.add.s32.msk $0xffff, v1  }
0xa5: {  	[tilespmem:v6+s2+$0x0] =	vst.idx.add.s32.msk $0xffff, v1  }
0xa6: {  	v2 =	vld [tilespmem:s8+$0x190]  }
0xa7: {  	[tilespmem:v7+s2+$0x0] =	vst.idx.add.s32.msk $0xffff, v1  }
0xa8: {  	[tilespmem:v8+s2+$0x0] =	vst.idx.add.s32.msk $0xffff, v1  }
0xa9: {  	[tilespmem:v4+s2+$0x0] =	vst.idx.add.s32.msk vm0, v1  }
0xaa: {  	v3 =	vld [tilespmem:s8+$0x90]  }
0xab: {  	v4 =	vld [tilespmem:s8+$0x110]  }
0xac: {  	v5 =	vld [tilespmem:s8+$0x10]  }
0xad: {  	v6 =	vld [tilespmem:s13+$0x18700]  }
0xae: {  	[tilespmem:v2+s2+$0x0] =	vst.idx.add.s32.msk $0xffff, v1  }
0xaf: {  	v2 =	vld [tilespmem:s8+$0x1A0]  }
0xb0: {  	v7 =	vld [tilespmem:s11+$0x18700]  }
0xb1: {  	v8 =	vld [tilespmem:s12+$0x18700]  }
0xb2: {  	[tilespmem:v3+s2+$0x0] =	vst.idx.add.s32.msk $0xffff, v1  }
0xb3: {  	[tilespmem:v4+s2+$0x0] =	vst.idx.add.s32.msk $0xffff, v1  }
0xb4: {  	[tilespmem:v5+s2+$0x0] =	vst.idx.add.s32.msk $0xffff, v1  }
0xb5: {  	v3 =	vld [tilespmem:s8+$0xA0]  }
0xb6: {  	v4 =	vld [tilespmem:s8+$0x120]  }
0xb7: {  	[tilespmem:v2+s2+$0x0] =	vst.idx.add.s32.msk $0xffff, v1  }
0xb8: {  	v2 =	vld [tilespmem:s8+$0x1B0]  }
0xb9: {  	v5 =	vld [tilespmem:s8+$0x20]  }
0xba: {  	[tilespmem:v6+s2+$0x0] =	vst.idx.add.s32.msk $0xffff, v1  }
0xbb: {  	[tilespmem:v7+s2+$0x0] =	vst.idx.add.s32.msk $0xffff, v1  }
0xbc: {  	[tilespmem:v8+s2+$0x0] =	vst.idx.add.s32.msk $0xffff, v1  }
0xbd: {  	[tilespmem:v3+s2+$0x0] =	vst.idx.add.s32.msk $0xffff, v1  }
0xbe: {  	[tilespmem:v4+s2+$0x0] =	vst.idx.add.s32.msk $0xffff, v1  }
0xbf: {  	v3 =	vld [tilespmem:s8+$0xB0]  }
0xc0: {  	[tilespmem:v2+s2+$0x0] =	vst.idx.add.s32.msk $0xffff, v1  }
0xc1: {  	v2 =	vld [tilespmem:s8+$0x1C0]  }
0xc2: {  	[tilespmem:v5+s2+$0x0] =	vst.idx.add.s32.msk $0xffff, v1  }
0xc3: {  	v4 =	vld [tilespmem:s8+$0x130]  }
0xc4: {  	v5 =	vld [tilespmem:s8+$0x30]  }
0xc5: {  	v6 =	vld [tilespmem:s9+$0x18700]  }
0xc6: {  	v7 =	vld [tilespmem:s7+$0x18700]  }
0xc7: {  	[tilespmem:v3+s2+$0x0] =	vst.idx.add.s32.msk $0xffff, v1  }
0xc8: {  	v3 =	vld [tilespmem:s8+$0xC0]  }
0xc9: {  	[tilespmem:v2+s2+$0x0] =	vst.idx.add.s32.msk $0xffff, v1  }
0xca: {  	v2 =	vld [tilespmem:s8+$0x1D0]  }
0xcb: {  	[tilespmem:v4+s2+$0x0] =	vst.idx.add.s32.msk $0xffff, v1  }
0xcc: {  	[tilespmem:v5+s2+$0x0] =	vst.idx.add.s32.msk $0xffff, v1  }
0xcd: {  	v4 =	vld [tilespmem:s8+$0x140]  }
0xce: {  	v5 =	vld [tilespmem:s8+$0x40]  }
0xcf: {  	v8 =	vld [tilespmem:s6+$0x18700]  }
0xd0: {  	[tilespmem:v3+s2+$0x0] =	vst.idx.add.s32.msk $0xffff, v1  }
0xd1: {  	v3 =	vld [tilespmem:s8+$0xD0]  }
0xd2: {  	[tilespmem:v2+s2+$0x0] =	vst.idx.add.s32.msk $0xffff, v1  }
0xd3: {  	v2 =	vld [tilespmem:s8+$0x1E0]  }
0xd4: {  	[tilespmem:v6+s2+$0x0] =	vst.idx.add.s32.msk $0xffff, v1  }
0xd5: {  	[tilespmem:v4+s2+$0x0] =	vst.idx.add.s32.msk $0xffff, v1  }
0xd6: {  	[tilespmem:v5+s2+$0x0] =	vst.idx.add.s32.msk $0xffff, v1  }
0xd7: {  	v4 =	vld [tilespmem:s8+$0x150]  }
0xd8: {  	v5 =	vld [tilespmem:s8+$0x50]  }
0xd9: {  	[tilespmem:v3+s2+$0x0] =	vst.idx.add.s32.msk $0xffff, v1  }
0xda: {  	v3 =	vld [tilespmem:s8+$0xE0]  }
0xdb: {  	[tilespmem:v2+s2+$0x0] =	vst.idx.add.s32.msk $0xffff, v1  }
0xdc: {  	v2 =	vld [tilespmem:s8+$0x1F0]  }
0xdd: {  	[tilespmem:v7+s2+$0x0] =	vst.idx.add.s32.msk $0xffff, v1  }
0xde: {  	[tilespmem:v8+s2+$0x0] =	vst.idx.add.s32.msk $0xffff, v1  }
0xdf: {  	p0 =	por !p0, !p0;
	s6 =	simm.s32 $0x1;
	[tilespmem:v4+s2+$0x0] =	vst.idx.add.s32.msk $0xffff, v1  }
0xe0: {  	s6 =	simm.s32 @!p0 $0x0;
	[tilespmem:v5+s2+$0x0] =	vst.idx.add.s32.msk $0xffff, v1  }
0xe1: {  	s6 =	sshll.u32 s6, $0x9;
	v4 =	vld [tilespmem:s8+$0x160]  }
0xe2: {  	s16 =	sadd.s32 s6, s5;
	v5 =	vld [tilespmem:s8+$0x60]  }
0xe3: {  	s17 =	sadd.s32 $0x80, s16;
	s18 =	sadd.s32 $0x100, s16;
	s10 =	sadd.s32 $0x180, s16;
	[tilespmem:v3+s2+$0x0] =	vst.idx.add.s32.msk $0xffff, v1  }
0xe4: {  	s19 =	sor.u32 $0x400, s17;
	s20 =	sor.u32 $0x400, s18;
	s6 =	sor.u32 $0x400, s10;
	[tilespmem:v2+s2+$0x0] =	vst.idx.add.s32.msk $0xffff, v1  }
0xe5: {  	s30 =	sor.u32 $0x400, s16;
	s22 =	sor.u32 $0x410, s17;
	s15 =	sor.u32 $0x410, s18;
	v2 =	vld [tilespmem:s6+$0x18700]  }
0xe6: {  	s14 =	sor.u32 $0x410, s16;
	s13 =	sor.u32 $0x420, s17;
	s11 =	sor.u32 $0x420, s18;
	v3 =	vld [tilespmem:s8+$0xF0]  }
0xe7: {  	s12 =	sor.u32 $0x420, s16;
	s9 =	sor.u32 $0x430, s17;
	s7 =	sor.u32 $0x430, s18;
	v6 =	vld [tilespmem:s29+$0x18700]  }
0xe8: {  	s6 =	sor.u32 $0x430, s16;
	s29 =	sor.u32 $0x438, s17;
	v7 =	vld [tilespmem:s0+$0x18700];
	s0 =	sor.u32 $0x438, s18  }
0xe9: {  	s16 =	sor.u32 $0x438, s16;
	[tilespmem:v4+s2+$0x0] =	vst.idx.add.s32.msk $0xffff, v1  }
0xea: {  	[tilespmem:v5+s2+$0x0] =	vst.idx.add.s32.msk $0xffff, v1  }
0xeb: {  	v4 =	vld [tilespmem:s8+$0x170]  }
0xec: {  	v5 =	vld [tilespmem:s8+$0x70]  }
0xed: {  	s8 =	sor.u32 $0x410, s10;
	[tilespmem:v2+s2+$0x0] =	vst.idx.add.s32.msk $0xffff, v1  }
0xee: {  	v2 =	vld [tilespmem:s8+$0x18700]  }
0xef: {  	[tilespmem:v3+s2+$0x0] =	vst.idx.add.s32.msk $0xffff, v1  }
0xf0: {  	v3 =	vld [tilespmem:s19+$0x18700]  }
0xf1: {  	v8 =	vld [tilespmem:s1+$0x18700];
	s1 =	smov.u32 s16  }
0xf2: {  	[tilespmem:v6+s2+$0x0] =	vst.idx.add.s32.msk vm0, v1  }
0xf3: {  	[tilespmem:v4+s2+$0x0] =	vst.idx.add.s32.msk $0xffff, v1  }
0xf4: {  	[tilespmem:v5+s2+$0x0] =	vst.idx.add.s32.msk $0xffff, v1  }
0xf5: {  	v4 =	vld [tilespmem:s20+$0x18700]  }
0xf6: {  	s8 =	sor.u32 $0x420, s10;
	[tilespmem:v2+s2+$0x0] =	vst.idx.add.s32.msk $0xffff, v1  }
0xf7: {  	v5 =	vld [tilespmem:s8+$0x18700]  }
0xf8: {  	v6 =	vld [tilespmem:s30+$0x18700]  }
0xf9: {  	[tilespmem:v3+s2+$0x0] =	vst.idx.add.s32.msk $0xffff, v1  }
0xfa: {  	v3 =	vld [tilespmem:s22+$0x18700]  }
0xfb: {  	[tilespmem:v7+s2+$0x0] =	vst.idx.add.s32.msk vm0, v1  }
0xfc: {  	[tilespmem:v8+s2+$0x0] =	vst.idx.add.s32.msk vm0, v1  }
.Ltmp2:
0xfd: {  	[tilespmem:v4+s2+$0x0] =	vst.idx.add.s32.msk $0xffff, v1;
	(pc) =	sbr.rel @p1 .LBB2_6-.Ltmp2, $4  }
0xfe: {  	v2 =	vld [tilespmem:s15+$0x18700]  }
0xff: {  	s8 =	sor.u32 $0x430, s10;
	[tilespmem:v5+s2+$0x0] =	vst.idx.add.s32.msk $0xffff, v1  }
0x100: {  	v4 =	vld [tilespmem:s8+$0x18700]  }
0x101: {  	s4 =	sadd.s32 $0x200, s4;
	s5 =	sadd.s32 $0x400, s5;
	[tilespmem:v6+s2+$0x0] =	vst.idx.add.s32.msk $0xffff, v1  }
0x102: {  	_ =	sdelay $0x1  }
0x103: {  	v5 =	vld [tilespmem:s14+$0x18700];
	_ =	sdelay $0x1  }
0x104: {  	[tilespmem:v3+s2+$0x0] =	vst.idx.add.s32.msk $0xffff, v1  }
0x105: {  	[tilespmem:v2+s2+$0x0] =	vst.idx.add.s32.msk $0xffff, v1  }
0x106: {  	v2 =	vld [tilespmem:s13+$0x18700]  }
0x107: {  	v3 =	vld [tilespmem:s11+$0x18700];
	_ =	sdelay $0x2  }
0x108: {  	[tilespmem:v5+s2+$0x0] =	vst.idx.add.s32.msk $0xffff, v1  }
0x109: {  	v5 =	vld [tilespmem:s12+$0x18700];
	_ =	sdelay $0x2  }
0x10a: {  	[tilespmem:v2+s2+$0x0] =	vst.idx.add.s32.msk $0xffff, v1  }
0x10b: {  	[tilespmem:v3+s2+$0x0] =	vst.idx.add.s32.msk $0xffff, v1  }
0x10c: {  	v2 =	vld [tilespmem:s9+$0x18700]  }
0x10d: {  	v3 =	vld [tilespmem:s7+$0x18700];
	_ =	sdelay $0x1  }
0x10e: {  	[tilespmem:v5+s2+$0x0] =	vst.idx.add.s32.msk $0xffff, v1  }
0x10f: {  	v5 =	vld [tilespmem:s6+$0x18700];
	_ =	sdelay $0x1  }
0x110: {  	s3 =	sor.u32 $0x438, s10;
	[tilespmem:v4+s2+$0x0] =	vst.idx.add.s32.msk $0xffff, v1  }
0x111: {  	v4 =	vld [tilespmem:s3+$0x18700]  }
0x112: {  	[tilespmem:v2+s2+$0x0] =	vst.idx.add.s32.msk $0xffff, v1  }
0x113: {  	[tilespmem:v3+s2+$0x0] =	vst.idx.add.s32.msk $0xffff, v1  }
0x114: {  	v2 =	vld [tilespmem:s29+$0x18700]  }
0x115: {  	v3 =	vld [tilespmem:s0+$0x18700]  }
0x116: {  	[tilespmem:v5+s2+$0x0] =	vst.idx.add.s32.msk $0xffff, v1  }
0x117: {  	v5 =	vld [tilespmem:s1+$0x18700];
	_ =	sdelay $0x4  }
0x118: {  	[tilespmem:v4+s2+$0x0] =	vst.idx.add.s32.msk vm0, v1  }
0x119: {  	[tilespmem:v2+s2+$0x0] =	vst.idx.add.s32.msk vm0, v1  }
0x11a: {  	[tilespmem:v3+s2+$0x0] =	vst.idx.add.s32.msk vm0, v1  }
0x11b: {  	[tilespmem:v5+s2+$0x0] =	vst.idx.add.s32.msk vm0, v1  }
0x11c: {  	s11 =	simm.s32 $0x0;
	s12 =	rddreg [dreg:$0x5]  }
0x11d: {  	[tilespmem:s21], [sflag:$0x1] =	stream.linear.gather [hbm4b:s12+s11], $0x2000, $0x38;
	[tilespmem:$0x1E700] =	vst v63  }
0x11e: {  	s13 =	sand.u32 $0x1800, s11;
	s0 =	sand.u32 $0x200, s11;
	_ =	swait.ge [sflag:s25], $0x2000  }
0x11f: {  	s1 =	sor.u32 s0, s13;
	[sflag:s25] =	ssyncset.done $0x0  }
0x120: {  	s0 =	sadd.s32 $0x1A700, s1;
	[sflag:s25] =	ssyncadd.s32 $0xFFFFE000  }
0x121: {  	v2 =	vld [tilespmem:s0+$0x180];
	_ =	sdelay $0x6  }
0x122: {  	v3 =	vld [tilespmem:s0+$0x80]  }
0x123: {  	[tilespmem:v2+s2+$0x0] =	vst.idx.add.s32.msk $0xffff, v1  }
0x124: {  	v2 =	vld [tilespmem:s0+$0x190];
	_ =	sdelay $0x1  }
0x125: {  	v4 =	vld [tilespmem:s0+$0x100];
	_ =	sdelay $0x2  }
0x126: {  	v5 =	vld [tilespmem:s1+$0x1A700]  }
0x127: {  	[tilespmem:v3+s2+$0x0] =	vst.idx.add.s32.msk $0xffff, v1  }
0x128: {  	v3 =	vld [tilespmem:s0+$0x90]  }
0x129: {  	[tilespmem:v2+s2+$0x0] =	vst.idx.add.s32.msk $0xffff, v1  }
0x12a: {  	v2 =	vld [tilespmem:s0+$0x1A0]  }
0x12b: {  	[tilespmem:v4+s2+$0x0] =	vst.idx.add.s32.msk $0xffff, v1  }
0x12c: {  	v4 =	vld [tilespmem:s0+$0x110];
	_ =	sdelay $0x1  }
0x12d: {  	[tilespmem:v5+s2+$0x0] =	vst.idx.add.s32.msk $0xffff, v1  }
0x12e: {  	v5 =	vld [tilespmem:s0+$0x10]  }
0x12f: {  	[tilespmem:v3+s2+$0x0] =	vst.idx.add.s32.msk $0xffff, v1  }
0x130: {  	v3 =	vld [tilespmem:s0+$0xA0]  }
0x131: {  	[tilespmem:v2+s2+$0x0] =	vst.idx.add.s32.msk $0xffff, v1  }
0x132: {  	v2 =	vld [tilespmem:s0+$0x1B0]  }
0x133: {  	[tilespmem:v4+s2+$0x0] =	vst.idx.add.s32.msk $0xffff, v1  }
0x134: {  	v4 =	vld [tilespmem:s0+$0x120];
	_ =	sdelay $0x1  }
0x135: {  	[tilespmem:v5+s2+$0x0] =	vst.idx.add.s32.msk $0xffff, v1  }
0x136: {  	v5 =	vld [tilespmem:s0+$0x20]  }
0x137: {  	[tilespmem:v3+s2+$0x0] =	vst.idx.add.s32.msk $0xffff, v1  }
0x138: {  	v3 =	vld [tilespmem:s0+$0xB0]  }
0x139: {  	[tilespmem:v2+s2+$0x0] =	vst.idx.add.s32.msk $0xffff, v1  }
0x13a: {  	v2 =	vld [tilespmem:s0+$0x1C0]  }
0x13b: {  	[tilespmem:v4+s2+$0x0] =	vst.idx.add.s32.msk $0xffff, v1  }
0x13c: {  	v4 =	vld [tilespmem:s0+$0x130];
	_ =	sdelay $0x1  }
0x13d: {  	[tilespmem:v5+s2+$0x0] =	vst.idx.add.s32.msk $0xffff, v1  }
0x13e: {  	v5 =	vld [tilespmem:s0+$0x30]  }
0x13f: {  	[tilespmem:v3+s2+$0x0] =	vst.idx.add.s32.msk $0xffff, v1  }
0x140: {  	v3 =	vld [tilespmem:s0+$0xC0]  }
0x141: {  	[tilespmem:v2+s2+$0x0] =	vst.idx.add.s32.msk $0xffff, v1  }
0x142: {  	v2 =	vld [tilespmem:s0+$0x1D0]  }
0x143: {  	[tilespmem:v4+s2+$0x0] =	vst.idx.add.s32.msk $0xffff, v1  }
0x144: {  	v4 =	vld [tilespmem:s0+$0x140];
	_ =	sdelay $0x1  }
0x145: {  	[tilespmem:v5+s2+$0x0] =	vst.idx.add.s32.msk $0xffff, v1  }
0x146: {  	v5 =	vld [tilespmem:s0+$0x40]  }
0x147: {  	[tilespmem:v3+s2+$0x0] =	vst.idx.add.s32.msk $0xffff, v1  }
0x148: {  	v3 =	vld [tilespmem:s0+$0xD0]  }
0x149: {  	[tilespmem:v2+s2+$0x0] =	vst.idx.add.s32.msk $0xffff, v1  }
0x14a: {  	v2 =	vld [tilespmem:s0+$0x1E0]  }
0x14b: {  	[tilespmem:v4+s2+$0x0] =	vst.idx.add.s32.msk $0xffff, v1  }
0x14c: {  	v4 =	vld [tilespmem:s0+$0x150];
	_ =	sdelay $0x2  }
0x14d: {  	[tilespmem:v5+s2+$0x0] =	vst.idx.add.s32.msk $0xffff, v1  }
0x14e: {  	v5 =	vld [tilespmem:s0+$0x50]  }
0x14f: {  	[tilespmem:v3+s2+$0x0] =	vst.idx.add.s32.msk $0xffff, v1  }
0x150: {  	[tilespmem:v2+s2+$0x0] =	vst.idx.add.s32.msk $0xffff, v1  }
0x151: {  	v2 =	vld [tilespmem:s0+$0x1F0]  }
0x152: {  	[tilespmem:v4+s2+$0x0] =	vst.idx.add.s32.msk $0xffff, v1  }
0x153: {  	v3 =	vld [tilespmem:s0+$0xE0]  }
0x154: {  	p0 =	por $0x0, $0x0;
	s1 =	simm.s32 $0x1;
	v4 =	vld [tilespmem:s0+$0x160]  }
0x155: {  	s1 =	simm.s32 @!p0 $0x0  }
0x156: {  	s1 =	sshll.u32 s1, $0x9;
	[tilespmem:v5+s2+$0x0] =	vst.idx.add.s32.msk $0xffff, v1  }
0x157: {  	s1 =	sadd.s32 $0x0, s1;
	v5 =	vld [tilespmem:s0+$0x60]  }
0x158: {  	s10 =	sadd.s32 $0x180, s1  }
0x159: {  	s14 =	sor.u32 $0x400, s10;
	[tilespmem:v2+s2+$0x0] =	vst.idx.add.s32.msk $0xffff, v1  }
0x15a: {  	v2 =	vld [tilespmem:s14+$0x1A700]  }
0x15b: {  	[tilespmem:v3+s2+$0x0] =	vst.idx.add.s32.msk $0xffff, v1  }
0x15c: {  	[tilespmem:v4+s2+$0x0] =	vst.idx.add.s32.msk $0xffff, v1  }
0x15d: {  	v3 =	vld [tilespmem:s0+$0xF0]  }
0x15e: {  	v4 =	vld [tilespmem:s0+$0x170]  }
0x15f: {  	[tilespmem:v5+s2+$0x0] =	vst.idx.add.s32.msk $0xffff, v1  }
0x160: {  	v5 =	vld [tilespmem:s0+$0x70];
	_ =	sdelay $0x1  }
0x161: {  	s15 =	sor.u32 $0x410, s10;
	[tilespmem:v2+s2+$0x0] =	vst.idx.add.s32.msk $0xffff, v1  }
0x162: {  	v2 =	vld [tilespmem:s15+$0x1A700];
	_ =	sdelay $0x1  }
0x163: {  	s16 =	sadd.s32 $0x80, s1;
	[tilespmem:v3+s2+$0x0] =	vst.idx.add.s32.msk $0xffff, v1  }
0x164: {  	s17 =	sor.u32 $0x400, s16;
	[tilespmem:v4+s2+$0x0] =	vst.idx.add.s32.msk $0xffff, v1  }
0x165: {  	s4 =	sadd.s32 $0x100, s1;
	v3 =	vld [tilespmem:s17+$0x1A700]  }
0x166: {  	s18 =	sor.u32 $0x400, s4;
	[tilespmem:v5+s2+$0x0] =	vst.idx.add.s32.msk $0xffff, v1  }
0x167: {  	s20 =	sor.u32 $0x400, s1;
	v4 =	vld [tilespmem:s18+$0x1A700]  }
0x168: {  	v5 =	vld [tilespmem:s20+$0x1A700]  }
0x169: {  	s19 =	sor.u32 $0x420, s10;
	[tilespmem:v2+s2+$0x0] =	vst.idx.add.s32.msk $0xffff, v1  }
0x16a: {  	v6 =	vld [tilespmem:s19+$0x1A700];
	_ =	sdelay $0x2  }
0x16b: {  	s22 =	sor.u32 $0x410, s16;
	[tilespmem:v3+s2+$0x0] =	vst.idx.add.s32.msk $0xffff, v1  }
0x16c: {  	v3 =	vld [tilespmem:s22+$0x1A700];
	_ =	sdelay $0x1  }
0x16d: {  	s3 =	simm.s32 $0x0;
	s12 =	sor.u32 $0x420, s1;
	s6 =	sor.u32 $0x430, s1;
	[tilespmem:v4+s2+$0x0] =	vst.idx.add.s32.msk $0xffff, v1  }
0x16e: {  	s5 =	sor.u32 $0x410, s4;
	s13 =	sor.u32 $0x420, s16;
	s11 =	sor.u32 $0x420, s4;
	[tilespmem:v5+s2+$0x0] =	vst.idx.add.s32.msk $0xffff, v1  }
0x16f: {  	s9 =	sor.u32 $0x430, s16;
	s7 =	sor.u32 $0x430, s4;
	s30 =	sor.u32 $0x430, s10;
	[tilespmem:v6+s2+$0x0] =	vst.idx.add.s32.msk $0xffff, v1  }
0x170: {  	s29 =	sor.u32 $0x438, s16;
	s0 =	sor.u32 $0x438, s4;
	s4 =	simm.s32 $0x200;
	v4 =	vld [tilespmem:s30+$0x1A700]  }
0x171: {  	s14 =	sor.u32 $0x410, s1;
	s1 =	sor.u32 $0x438, s1;
	v2 =	vld [tilespmem:s5+$0x1A700];
	s5 =	simm.s32 $0x400  }
.LBB2_8:
0x172: {  	s8 =	sand.u32 $0x1800, s5;
	s15 =	sand.u32 $0x200, s4;
	s3 =	sadd.s32 $0x4, s3;
	v5 =	vld [tilespmem:s14+$0x1A700]  }
0x173: {  	s8 =	sor.u32 s15, s8;
	p1 =	slt.u32 s3, $0x1C;
	[tilespmem:v3+s2+$0x0] =	vst.idx.add.s32.msk $0xffff, v1  }
0x174: {  	v3 =	vld [tilespmem:s8+$0x1A700];
	s8 =	sadd.s32 $0x1A700, s8  }
0x175: {  	v6 =	vld [tilespmem:s8+$0x180]  }
0x176: {  	v7 =	vld [tilespmem:s8+$0x80]  }
0x177: {  	v8 =	vld [tilespmem:s8+$0x100]  }
0x178: {  	s10 =	sor.u32 $0x438, s10;
	[tilespmem:v4+s2+$0x0] =	vst.idx.add.s32.msk $0xffff, v1  }
0x179: {  	v4 =	vld [tilespmem:s10+$0x1A700]  }
0x17a: {  	[tilespmem:v2+s2+$0x0] =	vst.idx.add.s32.msk $0xffff, v1  }
0x17b: {  	[tilespmem:v5+s2+$0x0] =	vst.idx.add.s32.msk $0xffff, v1  }
0x17c: {  	[tilespmem:v3+s2+$0x0] =	vst.idx.add.s32.msk $0xffff, v1  }
0x17d: {  	[tilespmem:v6+s2+$0x0] =	vst.idx.add.s32.msk $0xffff, v1  }
0x17e: {  	v2 =	vld [tilespmem:s8+$0x190]  }
0x17f: {  	[tilespmem:v7+s2+$0x0] =	vst.idx.add.s32.msk $0xffff, v1  }
0x180: {  	[tilespmem:v8+s2+$0x0] =	vst.idx.add.s32.msk $0xffff, v1  }
0x181: {  	[tilespmem:v4+s2+$0x0] =	vst.idx.add.s32.msk vm0, v1  }
0x182: {  	v3 =	vld [tilespmem:s8+$0x90]  }
0x183: {  	v4 =	vld [tilespmem:s8+$0x110]  }
0x184: {  	v5 =	vld [tilespmem:s8+$0x10]  }
0x185: {  	v6 =	vld [tilespmem:s13+$0x1A700]  }
0x186: {  	[tilespmem:v2+s2+$0x0] =	vst.idx.add.s32.msk $0xffff, v1  }
0x187: {  	v2 =	vld [tilespmem:s8+$0x1A0]  }
0x188: {  	v7 =	vld [tilespmem:s11+$0x1A700]  }
0x189: {  	v8 =	vld [tilespmem:s12+$0x1A700]  }
0x18a: {  	[tilespmem:v3+s2+$0x0] =	vst.idx.add.s32.msk $0xffff, v1  }
0x18b: {  	[tilespmem:v4+s2+$0x0] =	vst.idx.add.s32.msk $0xffff, v1  }
0x18c: {  	[tilespmem:v5+s2+$0x0] =	vst.idx.add.s32.msk $0xffff, v1  }
0x18d: {  	v3 =	vld [tilespmem:s8+$0xA0]  }
0x18e: {  	v4 =	vld [tilespmem:s8+$0x120]  }
0x18f: {  	[tilespmem:v2+s2+$0x0] =	vst.idx.add.s32.msk $0xffff, v1  }
0x190: {  	v2 =	vld [tilespmem:s8+$0x1B0]  }
0x191: {  	v5 =	vld [tilespmem:s8+$0x20]  }
0x192: {  	[tilespmem:v6+s2+$0x0] =	vst.idx.add.s32.msk $0xffff, v1  }
0x193: {  	[tilespmem:v7+s2+$0x0] =	vst.idx.add.s32.msk $0xffff, v1  }
0x194: {  	[tilespmem:v8+s2+$0x0] =	vst.idx.add.s32.msk $0xffff, v1  }
0x195: {  	[tilespmem:v3+s2+$0x0] =	vst.idx.add.s32.msk $0xffff, v1  }
0x196: {  	[tilespmem:v4+s2+$0x0] =	vst.idx.add.s32.msk $0xffff, v1  }
0x197: {  	v3 =	vld [tilespmem:s8+$0xB0]  }
0x198: {  	[tilespmem:v2+s2+$0x0] =	vst.idx.add.s32.msk $0xffff, v1  }
0x199: {  	v2 =	vld [tilespmem:s8+$0x1C0]  }
0x19a: {  	[tilespmem:v5+s2+$0x0] =	vst.idx.add.s32.msk $0xffff, v1  }
0x19b: {  	v4 =	vld [tilespmem:s8+$0x130]  }
0x19c: {  	v5 =	vld [tilespmem:s8+$0x30]  }
0x19d: {  	v6 =	vld [tilespmem:s9+$0x1A700]  }
0x19e: {  	v7 =	vld [tilespmem:s7+$0x1A700]  }
0x19f: {  	[tilespmem:v3+s2+$0x0] =	vst.idx.add.s32.msk $0xffff, v1  }
0x1a0: {  	v3 =	vld [tilespmem:s8+$0xC0]  }
0x1a1: {  	[tilespmem:v2+s2+$0x0] =	vst.idx.add.s32.msk $0xffff, v1  }
0x1a2: {  	v2 =	vld [tilespmem:s8+$0x1D0]  }
0x1a3: {  	[tilespmem:v4+s2+$0x0] =	vst.idx.add.s32.msk $0xffff, v1  }
0x1a4: {  	[tilespmem:v5+s2+$0x0] =	vst.idx.add.s32.msk $0xffff, v1  }
0x1a5: {  	v4 =	vld [tilespmem:s8+$0x140]  }
0x1a6: {  	v5 =	vld [tilespmem:s8+$0x40]  }
0x1a7: {  	v8 =	vld [tilespmem:s6+$0x1A700]  }
0x1a8: {  	[tilespmem:v3+s2+$0x0] =	vst.idx.add.s32.msk $0xffff, v1  }
0x1a9: {  	v3 =	vld [tilespmem:s8+$0xD0]  }
0x1aa: {  	[tilespmem:v2+s2+$0x0] =	vst.idx.add.s32.msk $0xffff, v1  }
0x1ab: {  	v2 =	vld [tilespmem:s8+$0x1E0]  }
0x1ac: {  	[tilespmem:v6+s2+$0x0] =	vst.idx.add.s32.msk $0xffff, v1  }
0x1ad: {  	[tilespmem:v4+s2+$0x0] =	vst.idx.add.s32.msk $0xffff, v1  }
0x1ae: {  	[tilespmem:v5+s2+$0x0] =	vst.idx.add.s32.msk $0xffff, v1  }
0x1af: {  	v4 =	vld [tilespmem:s8+$0x150]  }
0x1b0: {  	v5 =	vld [tilespmem:s8+$0x50]  }
0x1b1: {  	[tilespmem:v3+s2+$0x0] =	vst.idx.add.s32.msk $0xffff, v1  }
0x1b2: {  	v3 =	vld [tilespmem:s8+$0xE0]  }
0x1b3: {  	[tilespmem:v2+s2+$0x0] =	vst.idx.add.s32.msk $0xffff, v1  }
0x1b4: {  	v2 =	vld [tilespmem:s8+$0x1F0]  }
0x1b5: {  	[tilespmem:v7+s2+$0x0] =	vst.idx.add.s32.msk $0xffff, v1  }
0x1b6: {  	[tilespmem:v8+s2+$0x0] =	vst.idx.add.s32.msk $0xffff, v1  }
0x1b7: {  	p0 =	por !p0, !p0;
	s6 =	simm.s32 $0x1;
	[tilespmem:v4+s2+$0x0] =	vst.idx.add.s32.msk $0xffff, v1  }
0x1b8: {  	s6 =	simm.s32 @!p0 $0x0;
	[tilespmem:v5+s2+$0x0] =	vst.idx.add.s32.msk $0xffff, v1  }
0x1b9: {  	s6 =	sshll.u32 s6, $0x9;
	v4 =	vld [tilespmem:s8+$0x160]  }
0x1ba: {  	s16 =	sadd.s32 s6, s5;
	v5 =	vld [tilespmem:s8+$0x60]  }
0x1bb: {  	s17 =	sadd.s32 $0x80, s16;
	s18 =	sadd.s32 $0x100, s16;
	s10 =	sadd.s32 $0x180, s16;
	[tilespmem:v3+s2+$0x0] =	vst.idx.add.s32.msk $0xffff, v1  }
0x1bc: {  	s19 =	sor.u32 $0x400, s17;
	s20 =	sor.u32 $0x400, s18;
	s6 =	sor.u32 $0x400, s10;
	[tilespmem:v2+s2+$0x0] =	vst.idx.add.s32.msk $0xffff, v1  }
0x1bd: {  	s22 =	sor.u32 $0x400, s16;
	s30 =	sor.u32 $0x410, s17;
	s15 =	sor.u32 $0x410, s18;
	v2 =	vld [tilespmem:s6+$0x1A700]  }
0x1be: {  	s14 =	sor.u32 $0x410, s16;
	s13 =	sor.u32 $0x420, s17;
	s11 =	sor.u32 $0x420, s18;
	v3 =	vld [tilespmem:s8+$0xF0]  }
0x1bf: {  	s12 =	sor.u32 $0x420, s16;
	s9 =	sor.u32 $0x430, s17;
	s7 =	sor.u32 $0x430, s18;
	v6 =	vld [tilespmem:s29+$0x1A700]  }
0x1c0: {  	s6 =	sor.u32 $0x430, s16;
	s29 =	sor.u32 $0x438, s17;
	v7 =	vld [tilespmem:s0+$0x1A700];
	s0 =	sor.u32 $0x438, s18  }
0x1c1: {  	s16 =	sor.u32 $0x438, s16;
	[tilespmem:v4+s2+$0x0] =	vst.idx.add.s32.msk $0xffff, v1  }
0x1c2: {  	[tilespmem:v5+s2+$0x0] =	vst.idx.add.s32.msk $0xffff, v1  }
0x1c3: {  	v4 =	vld [tilespmem:s8+$0x170]  }
0x1c4: {  	v5 =	vld [tilespmem:s8+$0x70]  }
0x1c5: {  	s8 =	sor.u32 $0x410, s10;
	[tilespmem:v2+s2+$0x0] =	vst.idx.add.s32.msk $0xffff, v1  }
0x1c6: {  	v2 =	vld [tilespmem:s8+$0x1A700]  }
0x1c7: {  	[tilespmem:v3+s2+$0x0] =	vst.idx.add.s32.msk $0xffff, v1  }
0x1c8: {  	v3 =	vld [tilespmem:s19+$0x1A700]  }
0x1c9: {  	v8 =	vld [tilespmem:s1+$0x1A700];
	s1 =	smov.u32 s16  }
0x1ca: {  	[tilespmem:v6+s2+$0x0] =	vst.idx.add.s32.msk vm0, v1  }
0x1cb: {  	[tilespmem:v4+s2+$0x0] =	vst.idx.add.s32.msk $0xffff, v1  }
0x1cc: {  	[tilespmem:v5+s2+$0x0] =	vst.idx.add.s32.msk $0xffff, v1  }
0x1cd: {  	v4 =	vld [tilespmem:s20+$0x1A700]  }
0x1ce: {  	s8 =	sor.u32 $0x420, s10;
	[tilespmem:v2+s2+$0x0] =	vst.idx.add.s32.msk $0xffff, v1  }
0x1cf: {  	v5 =	vld [tilespmem:s8+$0x1A700]  }
0x1d0: {  	v6 =	vld [tilespmem:s22+$0x1A700]  }
0x1d1: {  	[tilespmem:v3+s2+$0x0] =	vst.idx.add.s32.msk $0xffff, v1  }
0x1d2: {  	v3 =	vld [tilespmem:s30+$0x1A700]  }
0x1d3: {  	[tilespmem:v7+s2+$0x0] =	vst.idx.add.s32.msk vm0, v1  }
0x1d4: {  	[tilespmem:v8+s2+$0x0] =	vst.idx.add.s32.msk vm0, v1  }
.Ltmp3:
0x1d5: {  	[tilespmem:v4+s2+$0x0] =	vst.idx.add.s32.msk $0xffff, v1;
	(pc) =	sbr.rel @p1 .LBB2_8-.Ltmp3, $4  }
0x1d6: {  	v2 =	vld [tilespmem:s15+$0x1A700]  }
0x1d7: {  	s8 =	sor.u32 $0x430, s10;
	[tilespmem:v5+s2+$0x0] =	vst.idx.add.s32.msk $0xffff, v1  }
0x1d8: {  	v4 =	vld [tilespmem:s8+$0x1A700]  }
0x1d9: {  	s4 =	sadd.s32 $0x200, s4;
	s5 =	sadd.s32 $0x400, s5;
	[tilespmem:v6+s2+$0x0] =	vst.idx.add.s32.msk $0xffff, v1  }
0x1da: {  	_ =	sdelay $0x1  }
0x1db: {  	v5 =	vld [tilespmem:s14+$0x1A700];
	_ =	sdelay $0x1  }
0x1dc: {  	[tilespmem:v3+s2+$0x0] =	vst.idx.add.s32.msk $0xffff, v1  }
0x1dd: {  	[tilespmem:v2+s2+$0x0] =	vst.idx.add.s32.msk $0xffff, v1  }
0x1de: {  	v2 =	vld [tilespmem:s13+$0x1A700]  }
0x1df: {  	v3 =	vld [tilespmem:s11+$0x1A700];
	_ =	sdelay $0x2  }
0x1e0: {  	[tilespmem:v5+s2+$0x0] =	vst.idx.add.s32.msk $0xffff, v1  }
0x1e1: {  	v5 =	vld [tilespmem:s12+$0x1A700];
	_ =	sdelay $0x2  }
0x1e2: {  	[tilespmem:v2+s2+$0x0] =	vst.idx.add.s32.msk $0xffff, v1  }
0x1e3: {  	[tilespmem:v3+s2+$0x0] =	vst.idx.add.s32.msk $0xffff, v1  }
0x1e4: {  	v2 =	vld [tilespmem:s9+$0x1A700]  }
0x1e5: {  	v3 =	vld [tilespmem:s7+$0x1A700];
	_ =	sdelay $0x1  }
0x1e6: {  	[tilespmem:v5+s2+$0x0] =	vst.idx.add.s32.msk $0xffff, v1  }
0x1e7: {  	v5 =	vld [tilespmem:s6+$0x1A700];
	_ =	sdelay $0x1  }
0x1e8: {  	s3 =	sor.u32 $0x438, s10;
	[tilespmem:v4+s2+$0x0] =	vst.idx.add.s32.msk $0xffff, v1  }
0x1e9: {  	v4 =	vld [tilespmem:s3+$0x1A700]  }
0x1ea: {  	[tilespmem:v2+s2+$0x0] =	vst.idx.add.s32.msk $0xffff, v1  }
0x1eb: {  	[tilespmem:v3+s2+$0x0] =	vst.idx.add.s32.msk $0xffff, v1  }
0x1ec: {  	v2 =	vld [tilespmem:s29+$0x1A700]  }
0x1ed: {  	v3 =	vld [tilespmem:s0+$0x1A700]  }
0x1ee: {  	[tilespmem:v5+s2+$0x0] =	vst.idx.add.s32.msk $0xffff, v1  }
0x1ef: {  	v5 =	vld [tilespmem:s1+$0x1A700];
	_ =	sdelay $0x4  }
0x1f0: {  	[tilespmem:v4+s2+$0x0] =	vst.idx.add.s32.msk vm0, v1  }
0x1f1: {  	[tilespmem:v2+s2+$0x0] =	vst.idx.add.s32.msk vm0, v1  }
0x1f2: {  	[tilespmem:v3+s2+$0x0] =	vst.idx.add.s32.msk vm0, v1  }
0x1f3: {  	[tilespmem:v5+s2+$0x0] =	vst.idx.add.s32.msk vm0, v1  }
0x1f4: {  	s10 =	simm.s32 $0x0;
	s12 =	simm.s32 $0x1A700;
	s11 =	rddreg [dreg:$0x6]  }
0x1f5: {  	[tilespmem:s12], [sflag:$0x2] =	stream.linear.gather [hbm4b:s11+s10], $0x2000, $0x38;
	[tilespmem:$0x1E700] =	vst v63  }
0x1f6: {  	s13 =	sand.u32 $0x1800, s10;
	s0 =	sand.u32 $0x200, s10;
	_ =	swait.ge [sflag:s26], $0x2000  }
0x1f7: {  	s1 =	sor.u32 s0, s13;
	[sflag:s26] =	ssyncset.done $0x0  }
0x1f8: {  	s0 =	sadd.s32 $0x1C700, s1;
	[sflag:s26] =	ssyncadd.s32 $0xFFFFE000  }
0x1f9: {  	v2 =	vld [tilespmem:s0+$0x180];
	_ =	sdelay $0x6  }
0x1fa: {  	v3 =	vld [tilespmem:s0+$0x80]  }
0x1fb: {  	[tilespmem:v2+s2+$0x0] =	vst.idx.add.s32.msk $0xffff, v1  }
0x1fc: {  	v2 =	vld [tilespmem:s0+$0x190];
	_ =	sdelay $0x1  }
0x1fd: {  	v4 =	vld [tilespmem:s0+$0x100];
	_ =	sdelay $0x2  }
0x1fe: {  	v5 =	vld [tilespmem:s1+$0x1C700]  }
0x1ff: {  	[tilespmem:v3+s2+$0x0] =	vst.idx.add.s32.msk $0xffff, v1  }
0x200: {  	v3 =	vld [tilespmem:s0+$0x90]  }
0x201: {  	[tilespmem:v2+s2+$0x0] =	vst.idx.add.s32.msk $0xffff, v1  }
0x202: {  	v2 =	vld [tilespmem:s0+$0x1A0]  }
0x203: {  	[tilespmem:v4+s2+$0x0] =	vst.idx.add.s32.msk $0xffff, v1  }
0x204: {  	v4 =	vld [tilespmem:s0+$0x110];
	_ =	sdelay $0x1  }
0x205: {  	[tilespmem:v5+s2+$0x0] =	vst.idx.add.s32.msk $0xffff, v1  }
0x206: {  	v5 =	vld [tilespmem:s0+$0x10]  }
0x207: {  	[tilespmem:v3+s2+$0x0] =	vst.idx.add.s32.msk $0xffff, v1  }
0x208: {  	v3 =	vld [tilespmem:s0+$0xA0]  }
0x209: {  	[tilespmem:v2+s2+$0x0] =	vst.idx.add.s32.msk $0xffff, v1  }
0x20a: {  	v2 =	vld [tilespmem:s0+$0x1B0]  }
0x20b: {  	[tilespmem:v4+s2+$0x0] =	vst.idx.add.s32.msk $0xffff, v1  }
0x20c: {  	v4 =	vld [tilespmem:s0+$0x120];
	_ =	sdelay $0x1  }
0x20d: {  	[tilespmem:v5+s2+$0x0] =	vst.idx.add.s32.msk $0xffff, v1  }
0x20e: {  	v5 =	vld [tilespmem:s0+$0x20]  }
0x20f: {  	[tilespmem:v3+s2+$0x0] =	vst.idx.add.s32.msk $0xffff, v1  }
0x210: {  	v3 =	vld [tilespmem:s0+$0xB0]  }
0x211: {  	[tilespmem:v2+s2+$0x0] =	vst.idx.add.s32.msk $0xffff, v1  }
0x212: {  	v2 =	vld [tilespmem:s0+$0x1C0]  }
0x213: {  	[tilespmem:v4+s2+$0x0] =	vst.idx.add.s32.msk $0xffff, v1  }
0x214: {  	v4 =	vld [tilespmem:s0+$0x130];
	_ =	sdelay $0x1  }
0x215: {  	[tilespmem:v5+s2+$0x0] =	vst.idx.add.s32.msk $0xffff, v1  }
0x216: {  	v5 =	vld [tilespmem:s0+$0x30]  }
0x217: {  	[tilespmem:v3+s2+$0x0] =	vst.idx.add.s32.msk $0xffff, v1  }
0x218: {  	v3 =	vld [tilespmem:s0+$0xC0]  }
0x219: {  	[tilespmem:v2+s2+$0x0] =	vst.idx.add.s32.msk $0xffff, v1  }
0x21a: {  	v2 =	vld [tilespmem:s0+$0x1D0]  }
0x21b: {  	[tilespmem:v4+s2+$0x0] =	vst.idx.add.s32.msk $0xffff, v1  }
0x21c: {  	v4 =	vld [tilespmem:s0+$0x140];
	_ =	sdelay $0x1  }
0x21d: {  	[tilespmem:v5+s2+$0x0] =	vst.idx.add.s32.msk $0xffff, v1  }
0x21e: {  	v5 =	vld [tilespmem:s0+$0x40]  }
0x21f: {  	[tilespmem:v3+s2+$0x0] =	vst.idx.add.s32.msk $0xffff, v1  }
0x220: {  	v3 =	vld [tilespmem:s0+$0xD0]  }
0x221: {  	[tilespmem:v2+s2+$0x0] =	vst.idx.add.s32.msk $0xffff, v1  }
0x222: {  	v2 =	vld [tilespmem:s0+$0x1E0]  }
0x223: {  	[tilespmem:v4+s2+$0x0] =	vst.idx.add.s32.msk $0xffff, v1  }
0x224: {  	v4 =	vld [tilespmem:s0+$0x150];
	_ =	sdelay $0x2  }
0x225: {  	[tilespmem:v5+s2+$0x0] =	vst.idx.add.s32.msk $0xffff, v1  }
0x226: {  	v5 =	vld [tilespmem:s0+$0x50]  }
0x227: {  	[tilespmem:v3+s2+$0x0] =	vst.idx.add.s32.msk $0xffff, v1  }
0x228: {  	[tilespmem:v2+s2+$0x0] =	vst.idx.add.s32.msk $0xffff, v1  }
0x229: {  	v2 =	vld [tilespmem:s0+$0x1F0]  }
0x22a: {  	[tilespmem:v4+s2+$0x0] =	vst.idx.add.s32.msk $0xffff, v1  }
0x22b: {  	v3 =	vld [tilespmem:s0+$0xE0]  }
0x22c: {  	p0 =	por $0x0, $0x0;
	s1 =	simm.s32 $0x1;
	v4 =	vld [tilespmem:s0+$0x160]  }
0x22d: {  	s1 =	simm.s32 @!p0 $0x0  }
0x22e: {  	s1 =	sshll.u32 s1, $0x9;
	[tilespmem:v5+s2+$0x0] =	vst.idx.add.s32.msk $0xffff, v1  }
0x22f: {  	s1 =	sadd.s32 $0x0, s1;
	v5 =	vld [tilespmem:s0+$0x60]  }
0x230: {  	s10 =	sadd.s32 $0x180, s1  }
0x231: {  	s14 =	sor.u32 $0x400, s10;
	[tilespmem:v2+s2+$0x0] =	vst.idx.add.s32.msk $0xffff, v1  }
0x232: {  	v2 =	vld [tilespmem:s14+$0x1C700]  }
0x233: {  	[tilespmem:v3+s2+$0x0] =	vst.idx.add.s32.msk $0xffff, v1  }
0x234: {  	[tilespmem:v4+s2+$0x0] =	vst.idx.add.s32.msk $0xffff, v1  }
0x235: {  	v3 =	vld [tilespmem:s0+$0xF0]  }
0x236: {  	v4 =	vld [tilespmem:s0+$0x170]  }
0x237: {  	[tilespmem:v5+s2+$0x0] =	vst.idx.add.s32.msk $0xffff, v1  }
0x238: {  	v5 =	vld [tilespmem:s0+$0x70];
	_ =	sdelay $0x1  }
0x239: {  	s15 =	sor.u32 $0x410, s10;
	[tilespmem:v2+s2+$0x0] =	vst.idx.add.s32.msk $0xffff, v1  }
0x23a: {  	v2 =	vld [tilespmem:s15+$0x1C700];
	_ =	sdelay $0x1  }
0x23b: {  	s16 =	sadd.s32 $0x80, s1;
	[tilespmem:v3+s2+$0x0] =	vst.idx.add.s32.msk $0xffff, v1  }
0x23c: {  	s17 =	sor.u32 $0x400, s16;
	[tilespmem:v4+s2+$0x0] =	vst.idx.add.s32.msk $0xffff, v1  }
0x23d: {  	s4 =	sadd.s32 $0x100, s1;
	v3 =	vld [tilespmem:s17+$0x1C700]  }
0x23e: {  	s18 =	sor.u32 $0x400, s4;
	[tilespmem:v5+s2+$0x0] =	vst.idx.add.s32.msk $0xffff, v1  }
0x23f: {  	s20 =	sor.u32 $0x400, s1;
	v4 =	vld [tilespmem:s18+$0x1C700]  }
0x240: {  	v5 =	vld [tilespmem:s20+$0x1C700]  }
0x241: {  	s19 =	sor.u32 $0x420, s10;
	[tilespmem:v2+s2+$0x0] =	vst.idx.add.s32.msk $0xffff, v1  }
0x242: {  	v6 =	vld [tilespmem:s19+$0x1C700];
	_ =	sdelay $0x2  }
0x243: {  	s22 =	sor.u32 $0x410, s16;
	[tilespmem:v3+s2+$0x0] =	vst.idx.add.s32.msk $0xffff, v1  }
0x244: {  	v3 =	vld [tilespmem:s22+$0x1C700];
	_ =	sdelay $0x1  }
0x245: {  	s3 =	simm.s32 $0x0;
	s12 =	sor.u32 $0x420, s1;
	s6 =	sor.u32 $0x430, s1;
	[tilespmem:v4+s2+$0x0] =	vst.idx.add.s32.msk $0xffff, v1  }
0x246: {  	s5 =	sor.u32 $0x410, s4;
	s13 =	sor.u32 $0x420, s16;
	s11 =	sor.u32 $0x420, s4;
	[tilespmem:v5+s2+$0x0] =	vst.idx.add.s32.msk $0xffff, v1  }
0x247: {  	s9 =	sor.u32 $0x430, s16;
	s7 =	sor.u32 $0x430, s4;
	s30 =	sor.u32 $0x430, s10;
	[tilespmem:v6+s2+$0x0] =	vst.idx.add.s32.msk $0xffff, v1  }
0x248: {  	s29 =	sor.u32 $0x438, s16;
	s0 =	sor.u32 $0x438, s4;
	s4 =	simm.s32 $0x200;
	v4 =	vld [tilespmem:s30+$0x1C700]  }
0x249: {  	s14 =	sor.u32 $0x410, s1;
	s1 =	sor.u32 $0x438, s1;
	v2 =	vld [tilespmem:s5+$0x1C700];
	s5 =	simm.s32 $0x400  }
.LBB2_10:
0x24a: {  	s8 =	sand.u32 $0x1800, s5;
	s15 =	sand.u32 $0x200, s4;
	s3 =	sadd.s32 $0x4, s3;
	v5 =	vld [tilespmem:s14+$0x1C700]  }
0x24b: {  	s8 =	sor.u32 s15, s8;
	p1 =	slt.u32 s3, $0x1C;
	[tilespmem:v3+s2+$0x0] =	vst.idx.add.s32.msk $0xffff, v1  }
0x24c: {  	v3 =	vld [tilespmem:s8+$0x1C700];
	s8 =	sadd.s32 $0x1C700, s8  }
0x24d: {  	v6 =	vld [tilespmem:s8+$0x180]  }
0x24e: {  	v7 =	vld [tilespmem:s8+$0x80]  }
0x24f: {  	v8 =	vld [tilespmem:s8+$0x100]  }
0x250: {  	s10 =	sor.u32 $0x438, s10;
	[tilespmem:v4+s2+$0x0] =	vst.idx.add.s32.msk $0xffff, v1  }
0x251: {  	v4 =	vld [tilespmem:s10+$0x1C700]  }
0x252: {  	[tilespmem:v2+s2+$0x0] =	vst.idx.add.s32.msk $0xffff, v1  }
0x253: {  	[tilespmem:v5+s2+$0x0] =	vst.idx.add.s32.msk $0xffff, v1  }
0x254: {  	[tilespmem:v3+s2+$0x0] =	vst.idx.add.s32.msk $0xffff, v1  }
0x255: {  	[tilespmem:v6+s2+$0x0] =	vst.idx.add.s32.msk $0xffff, v1  }
0x256: {  	v2 =	vld [tilespmem:s8+$0x190]  }
0x257: {  	[tilespmem:v7+s2+$0x0] =	vst.idx.add.s32.msk $0xffff, v1  }
0x258: {  	[tilespmem:v8+s2+$0x0] =	vst.idx.add.s32.msk $0xffff, v1  }
0x259: {  	[tilespmem:v4+s2+$0x0] =	vst.idx.add.s32.msk vm0, v1  }
0x25a: {  	v3 =	vld [tilespmem:s8+$0x90]  }
0x25b: {  	v4 =	vld [tilespmem:s8+$0x110]  }
0x25c: {  	v5 =	vld [tilespmem:s8+$0x10]  }
0x25d: {  	v6 =	vld [tilespmem:s13+$0x1C700]  }
0x25e: {  	[tilespmem:v2+s2+$0x0] =	vst.idx.add.s32.msk $0xffff, v1  }
0x25f: {  	v2 =	vld [tilespmem:s8+$0x1A0]  }
0x260: {  	v7 =	vld [tilespmem:s11+$0x1C700]  }
0x261: {  	v8 =	vld [tilespmem:s12+$0x1C700]  }
0x262: {  	[tilespmem:v3+s2+$0x0] =	vst.idx.add.s32.msk $0xffff, v1  }
0x263: {  	[tilespmem:v4+s2+$0x0] =	vst.idx.add.s32.msk $0xffff, v1  }
0x264: {  	[tilespmem:v5+s2+$0x0] =	vst.idx.add.s32.msk $0xffff, v1  }
0x265: {  	v3 =	vld [tilespmem:s8+$0xA0]  }
0x266: {  	v4 =	vld [tilespmem:s8+$0x120]  }
0x267: {  	[tilespmem:v2+s2+$0x0] =	vst.idx.add.s32.msk $0xffff, v1  }
0x268: {  	v2 =	vld [tilespmem:s8+$0x1B0]  }
0x269: {  	v5 =	vld [tilespmem:s8+$0x20]  }
0x26a: {  	[tilespmem:v6+s2+$0x0] =	vst.idx.add.s32.msk $0xffff, v1  }
0x26b: {  	[tilespmem:v7+s2+$0x0] =	vst.idx.add.s32.msk $0xffff, v1  }
0x26c: {  	[tilespmem:v8+s2+$0x0] =	vst.idx.add.s32.msk $0xffff, v1  }
0x26d: {  	[tilespmem:v3+s2+$0x0] =	vst.idx.add.s32.msk $0xffff, v1  }
0x26e: {  	[tilespmem:v4+s2+$0x0] =	vst.idx.add.s32.msk $0xffff, v1  }
0x26f: {  	v3 =	vld [tilespmem:s8+$0xB0]  }
0x270: {  	[tilespmem:v2+s2+$0x0] =	vst.idx.add.s32.msk $0xffff, v1  }
0x271: {  	v2 =	vld [tilespmem:s8+$0x1C0]  }
0x272: {  	[tilespmem:v5+s2+$0x0] =	vst.idx.add.s32.msk $0xffff, v1  }
0x273: {  	v4 =	vld [tilespmem:s8+$0x130]  }
0x274: {  	v5 =	vld [tilespmem:s8+$0x30]  }
0x275: {  	v6 =	vld [tilespmem:s9+$0x1C700]  }
0x276: {  	v7 =	vld [tilespmem:s7+$0x1C700]  }
0x277: {  	[tilespmem:v3+s2+$0x0] =	vst.idx.add.s32.msk $0xffff, v1  }
0x278: {  	v3 =	vld [tilespmem:s8+$0xC0]  }
0x279: {  	[tilespmem:v2+s2+$0x0] =	vst.idx.add.s32.msk $0xffff, v1  }
0x27a: {  	v2 =	vld [tilespmem:s8+$0x1D0]  }
0x27b: {  	[tilespmem:v4+s2+$0x0] =	vst.idx.add.s32.msk $0xffff, v1  }
0x27c: {  	[tilespmem:v5+s2+$0x0] =	vst.idx.add.s32.msk $0xffff, v1  }
0x27d: {  	v4 =	vld [tilespmem:s8+$0x140]  }
0x27e: {  	v5 =	vld [tilespmem:s8+$0x40]  }
0x27f: {  	v8 =	vld [tilespmem:s6+$0x1C700]  }
0x280: {  	[tilespmem:v3+s2+$0x0] =	vst.idx.add.s32.msk $0xffff, v1  }
0x281: {  	v3 =	vld [tilespmem:s8+$0xD0]  }
0x282: {  	[tilespmem:v2+s2+$0x0] =	vst.idx.add.s32.msk $0xffff, v1  }
0x283: {  	v2 =	vld [tilespmem:s8+$0x1E0]  }
0x284: {  	[tilespmem:v6+s2+$0x0] =	vst.idx.add.s32.msk $0xffff, v1  }
0x285: {  	[tilespmem:v4+s2+$0x0] =	vst.idx.add.s32.msk $0xffff, v1  }
0x286: {  	[tilespmem:v5+s2+$0x0] =	vst.idx.add.s32.msk $0xffff, v1  }
0x287: {  	v4 =	vld [tilespmem:s8+$0x150]  }
0x288: {  	v5 =	vld [tilespmem:s8+$0x50]  }
0x289: {  	[tilespmem:v3+s2+$0x0] =	vst.idx.add.s32.msk $0xffff, v1  }
0x28a: {  	v3 =	vld [tilespmem:s8+$0xE0]  }
0x28b: {  	[tilespmem:v2+s2+$0x0] =	vst.idx.add.s32.msk $0xffff, v1  }
0x28c: {  	v2 =	vld [tilespmem:s8+$0x1F0]  }
0x28d: {  	[tilespmem:v7+s2+$0x0] =	vst.idx.add.s32.msk $0xffff, v1  }
0x28e: {  	[tilespmem:v8+s2+$0x0] =	vst.idx.add.s32.msk $0xffff, v1  }
0x28f: {  	p0 =	por !p0, !p0;
	s6 =	simm.s32 $0x1;
	[tilespmem:v4+s2+$0x0] =	vst.idx.add.s32.msk $0xffff, v1  }
0x290: {  	s6 =	simm.s32 @!p0 $0x0;
	[tilespmem:v5+s2+$0x0] =	vst.idx.add.s32.msk $0xffff, v1  }
0x291: {  	s6 =	sshll.u32 s6, $0x9;
	v4 =	vld [tilespmem:s8+$0x160]  }
0x292: {  	s16 =	sadd.s32 s6, s5;
	v5 =	vld [tilespmem:s8+$0x60]  }
0x293: {  	s17 =	sadd.s32 $0x80, s16;
	s18 =	sadd.s32 $0x100, s16;
	s10 =	sadd.s32 $0x180, s16;
	[tilespmem:v3+s2+$0x0] =	vst.idx.add.s32.msk $0xffff, v1  }
0x294: {  	s19 =	sor.u32 $0x400, s17;
	s20 =	sor.u32 $0x400, s18;
	s6 =	sor.u32 $0x400, s10;
	[tilespmem:v2+s2+$0x0] =	vst.idx.add.s32.msk $0xffff, v1  }
0x295: {  	s22 =	sor.u32 $0x400, s16;
	s30 =	sor.u32 $0x410, s17;
	s15 =	sor.u32 $0x410, s18;
	v2 =	vld [tilespmem:s6+$0x1C700]  }
0x296: {  	s14 =	sor.u32 $0x410, s16;
	s13 =	sor.u32 $0x420, s17;
	s11 =	sor.u32 $0x420, s18;
	v3 =	vld [tilespmem:s8+$0xF0]  }
0x297: {  	s12 =	sor.u32 $0x420, s16;
	s9 =	sor.u32 $0x430, s17;
	s7 =	sor.u32 $0x430, s18;
	v6 =	vld [tilespmem:s29+$0x1C700]  }
0x298: {  	s6 =	sor.u32 $0x430, s16;
	s29 =	sor.u32 $0x438, s17;
	v7 =	vld [tilespmem:s0+$0x1C700];
	s0 =	sor.u32 $0x438, s18  }
0x299: {  	s16 =	sor.u32 $0x438, s16;
	[tilespmem:v4+s2+$0x0] =	vst.idx.add.s32.msk $0xffff, v1  }
0x29a: {  	[tilespmem:v5+s2+$0x0] =	vst.idx.add.s32.msk $0xffff, v1  }
0x29b: {  	v4 =	vld [tilespmem:s8+$0x170]  }
0x29c: {  	v5 =	vld [tilespmem:s8+$0x70]  }
0x29d: {  	s8 =	sor.u32 $0x410, s10;
	[tilespmem:v2+s2+$0x0] =	vst.idx.add.s32.msk $0xffff, v1  }
0x29e: {  	v2 =	vld [tilespmem:s8+$0x1C700]  }
0x29f: {  	[tilespmem:v3+s2+$0x0] =	vst.idx.add.s32.msk $0xffff, v1  }
0x2a0: {  	v3 =	vld [tilespmem:s19+$0x1C700]  }
0x2a1: {  	v8 =	vld [tilespmem:s1+$0x1C700];
	s1 =	smov.u32 s16  }
0x2a2: {  	[tilespmem:v6+s2+$0x0] =	vst.idx.add.s32.msk vm0, v1  }
0x2a3: {  	[tilespmem:v4+s2+$0x0] =	vst.idx.add.s32.msk $0xffff, v1  }
0x2a4: {  	[tilespmem:v5+s2+$0x0] =	vst.idx.add.s32.msk $0xffff, v1  }
0x2a5: {  	v4 =	vld [tilespmem:s20+$0x1C700]  }
0x2a6: {  	s8 =	sor.u32 $0x420, s10;
	[tilespmem:v2+s2+$0x0] =	vst.idx.add.s32.msk $0xffff, v1  }
0x2a7: {  	v5 =	vld [tilespmem:s8+$0x1C700]  }
0x2a8: {  	v6 =	vld [tilespmem:s22+$0x1C700]  }
0x2a9: {  	[tilespmem:v3+s2+$0x0] =	vst.idx.add.s32.msk $0xffff, v1  }
0x2aa: {  	v3 =	vld [tilespmem:s30+$0x1C700]  }
0x2ab: {  	[tilespmem:v7+s2+$0x0] =	vst.idx.add.s32.msk vm0, v1  }
0x2ac: {  	[tilespmem:v8+s2+$0x0] =	vst.idx.add.s32.msk vm0, v1  }
.Ltmp4:
0x2ad: {  	[tilespmem:v4+s2+$0x0] =	vst.idx.add.s32.msk $0xffff, v1;
	(pc) =	sbr.rel @p1 .LBB2_10-.Ltmp4, $4  }
0x2ae: {  	v2 =	vld [tilespmem:s15+$0x1C700]  }
0x2af: {  	s8 =	sor.u32 $0x430, s10;
	[tilespmem:v5+s2+$0x0] =	vst.idx.add.s32.msk $0xffff, v1  }
0x2b0: {  	v4 =	vld [tilespmem:s8+$0x1C700]  }
0x2b1: {  	s4 =	sadd.s32 $0x200, s4;
	s5 =	sadd.s32 $0x400, s5;
	[tilespmem:v6+s2+$0x0] =	vst.idx.add.s32.msk $0xffff, v1  }
0x2b2: {  	_ =	sdelay $0x1  }
0x2b3: {  	v5 =	vld [tilespmem:s14+$0x1C700];
	_ =	sdelay $0x1  }
0x2b4: {  	[tilespmem:v3+s2+$0x0] =	vst.idx.add.s32.msk $0xffff, v1  }
0x2b5: {  	[tilespmem:v2+s2+$0x0] =	vst.idx.add.s32.msk $0xffff, v1  }
0x2b6: {  	v2 =	vld [tilespmem:s13+$0x1C700]  }
0x2b7: {  	v3 =	vld [tilespmem:s11+$0x1C700];
	_ =	sdelay $0x2  }
0x2b8: {  	[tilespmem:v5+s2+$0x0] =	vst.idx.add.s32.msk $0xffff, v1  }
0x2b9: {  	v5 =	vld [tilespmem:s12+$0x1C700];
	_ =	sdelay $0x2  }
0x2ba: {  	[tilespmem:v2+s2+$0x0] =	vst.idx.add.s32.msk $0xffff, v1  }
0x2bb: {  	[tilespmem:v3+s2+$0x0] =	vst.idx.add.s32.msk $0xffff, v1  }
0x2bc: {  	v2 =	vld [tilespmem:s9+$0x1C700]  }
0x2bd: {  	v3 =	vld [tilespmem:s7+$0x1C700];
	_ =	sdelay $0x1  }
0x2be: {  	[tilespmem:v5+s2+$0x0] =	vst.idx.add.s32.msk $0xffff, v1  }
0x2bf: {  	v5 =	vld [tilespmem:s6+$0x1C700];
	_ =	sdelay $0x1  }
0x2c0: {  	s3 =	sor.u32 $0x438, s10;
	[tilespmem:v4+s2+$0x0] =	vst.idx.add.s32.msk $0xffff, v1  }
0x2c1: {  	v4 =	vld [tilespmem:s3+$0x1C700]  }
0x2c2: {  	[tilespmem:v2+s2+$0x0] =	vst.idx.add.s32.msk $0xffff, v1  }
0x2c3: {  	[tilespmem:v3+s2+$0x0] =	vst.idx.add.s32.msk $0xffff, v1  }
0x2c4: {  	v2 =	vld [tilespmem:s29+$0x1C700]  }
0x2c5: {  	v3 =	vld [tilespmem:s0+$0x1C700]  }
0x2c6: {  	[tilespmem:v5+s2+$0x0] =	vst.idx.add.s32.msk $0xffff, v1  }
0x2c7: {  	v5 =	vld [tilespmem:s1+$0x1C700];
	_ =	sdelay $0x4  }
0x2c8: {  	[tilespmem:v4+s2+$0x0] =	vst.idx.add.s32.msk vm0, v1  }
0x2c9: {  	[tilespmem:v2+s2+$0x0] =	vst.idx.add.s32.msk vm0, v1  }
0x2ca: {  	[tilespmem:v3+s2+$0x0] =	vst.idx.add.s32.msk vm0, v1  }
0x2cb: {  	[tilespmem:v5+s2+$0x0] =	vst.idx.add.s32.msk vm0, v1  }
0x2cc: {  	s11 =	simm.s32 $0x0;
	s12 =	rddreg [dreg:$0x7]  }
0x2cd: {  	[tilespmem:s23], [sflag:$0x3] =	stream.linear.gather [hbm4b:s12+s11], $0x2000, $0x38;
	[tilespmem:$0x1E700] =	vst v63  }
0x2ce: {  	s13 =	sand.u32 $0x1800, s11;
	s0 =	sand.u32 $0x200, s11;
	_ =	swait.ge [sflag:s24], $0x2000  }
0x2cf: {  	s1 =	sor.u32 s0, s13;
	[sflag:s24] =	ssyncset.done $0x0  }
0x2d0: {  	s0 =	sadd.s32 $0x18700, s1;
	[sflag:s24] =	ssyncadd.s32 $0xFFFFE000  }
0x2d1: {  	v2 =	vld [tilespmem:s0+$0x180];
	_ =	sdelay $0x6  }
0x2d2: {  	v3 =	vld [tilespmem:s0+$0x80]  }
0x2d3: {  	[tilespmem:v2+s2+$0x0] =	vst.idx.add.s32.msk $0xffff, v1  }
0x2d4: {  	v2 =	vld [tilespmem:s0+$0x190];
	_ =	sdelay $0x1  }
0x2d5: {  	v4 =	vld [tilespmem:s0+$0x100];
	_ =	sdelay $0x2  }
0x2d6: {  	v5 =	vld [tilespmem:s1+$0x18700]  }
0x2d7: {  	[tilespmem:v3+s2+$0x0] =	vst.idx.add.s32.msk $0xffff, v1  }
0x2d8: {  	v3 =	vld [tilespmem:s0+$0x90]  }
0x2d9: {  	[tilespmem:v2+s2+$0x0] =	vst.idx.add.s32.msk $0xffff, v1  }
0x2da: {  	v2 =	vld [tilespmem:s0+$0x1A0]  }
0x2db: {  	[tilespmem:v4+s2+$0x0] =	vst.idx.add.s32.msk $0xffff, v1  }
0x2dc: {  	v4 =	vld [tilespmem:s0+$0x110];
	_ =	sdelay $0x1  }
0x2dd: {  	[tilespmem:v5+s2+$0x0] =	vst.idx.add.s32.msk $0xffff, v1  }
0x2de: {  	v5 =	vld [tilespmem:s0+$0x10]  }
0x2df: {  	[tilespmem:v3+s2+$0x0] =	vst.idx.add.s32.msk $0xffff, v1  }
0x2e0: {  	v3 =	vld [tilespmem:s0+$0xA0]  }
0x2e1: {  	[tilespmem:v2+s2+$0x0] =	vst.idx.add.s32.msk $0xffff, v1  }
0x2e2: {  	v2 =	vld [tilespmem:s0+$0x1B0]  }
0x2e3: {  	[tilespmem:v4+s2+$0x0] =	vst.idx.add.s32.msk $0xffff, v1  }
0x2e4: {  	v4 =	vld [tilespmem:s0+$0x120];
	_ =	sdelay $0x1  }
0x2e5: {  	[tilespmem:v5+s2+$0x0] =	vst.idx.add.s32.msk $0xffff, v1  }
0x2e6: {  	v5 =	vld [tilespmem:s0+$0x20]  }
0x2e7: {  	[tilespmem:v3+s2+$0x0] =	vst.idx.add.s32.msk $0xffff, v1  }
0x2e8: {  	v3 =	vld [tilespmem:s0+$0xB0]  }
0x2e9: {  	[tilespmem:v2+s2+$0x0] =	vst.idx.add.s32.msk $0xffff, v1  }
0x2ea: {  	v2 =	vld [tilespmem:s0+$0x1C0]  }
0x2eb: {  	[tilespmem:v4+s2+$0x0] =	vst.idx.add.s32.msk $0xffff, v1  }
0x2ec: {  	v4 =	vld [tilespmem:s0+$0x130];
	_ =	sdelay $0x1  }
0x2ed: {  	[tilespmem:v5+s2+$0x0] =	vst.idx.add.s32.msk $0xffff, v1  }
0x2ee: {  	v5 =	vld [tilespmem:s0+$0x30]  }
0x2ef: {  	[tilespmem:v3+s2+$0x0] =	vst.idx.add.s32.msk $0xffff, v1  }
0x2f0: {  	v3 =	vld [tilespmem:s0+$0xC0]  }
0x2f1: {  	[tilespmem:v2+s2+$0x0] =	vst.idx.add.s32.msk $0xffff, v1  }
0x2f2: {  	v2 =	vld [tilespmem:s0+$0x1D0]  }
0x2f3: {  	[tilespmem:v4+s2+$0x0] =	vst.idx.add.s32.msk $0xffff, v1  }
0x2f4: {  	v4 =	vld [tilespmem:s0+$0x140];
	_ =	sdelay $0x1  }
0x2f5: {  	[tilespmem:v5+s2+$0x0] =	vst.idx.add.s32.msk $0xffff, v1  }
0x2f6: {  	v5 =	vld [tilespmem:s0+$0x40]  }
0x2f7: {  	[tilespmem:v3+s2+$0x0] =	vst.idx.add.s32.msk $0xffff, v1  }
0x2f8: {  	v3 =	vld [tilespmem:s0+$0xD0]  }
0x2f9: {  	[tilespmem:v2+s2+$0x0] =	vst.idx.add.s32.msk $0xffff, v1  }
0x2fa: {  	v2 =	vld [tilespmem:s0+$0x1E0]  }
0x2fb: {  	[tilespmem:v4+s2+$0x0] =	vst.idx.add.s32.msk $0xffff, v1  }
0x2fc: {  	v4 =	vld [tilespmem:s0+$0x150];
	_ =	sdelay $0x2  }
0x2fd: {  	[tilespmem:v5+s2+$0x0] =	vst.idx.add.s32.msk $0xffff, v1  }
0x2fe: {  	v5 =	vld [tilespmem:s0+$0x50]  }
0x2ff: {  	[tilespmem:v3+s2+$0x0] =	vst.idx.add.s32.msk $0xffff, v1  }
0x300: {  	[tilespmem:v2+s2+$0x0] =	vst.idx.add.s32.msk $0xffff, v1  }
0x301: {  	v2 =	vld [tilespmem:s0+$0x1F0]  }
0x302: {  	[tilespmem:v4+s2+$0x0] =	vst.idx.add.s32.msk $0xffff, v1  }
0x303: {  	v3 =	vld [tilespmem:s0+$0xE0]  }
0x304: {  	p0 =	por $0x0, $0x0;
	s1 =	simm.s32 $0x1;
	v4 =	vld [tilespmem:s0+$0x160]  }
0x305: {  	s1 =	simm.s32 @!p0 $0x0  }
0x306: {  	s1 =	sshll.u32 s1, $0x9;
	[tilespmem:v5+s2+$0x0] =	vst.idx.add.s32.msk $0xffff, v1  }
0x307: {  	s1 =	sadd.s32 $0x0, s1;
	v5 =	vld [tilespmem:s0+$0x60]  }
0x308: {  	s10 =	sadd.s32 $0x180, s1  }
0x309: {  	s14 =	sor.u32 $0x400, s10;
	[tilespmem:v2+s2+$0x0] =	vst.idx.add.s32.msk $0xffff, v1  }
0x30a: {  	v2 =	vld [tilespmem:s14+$0x18700]  }
0x30b: {  	[tilespmem:v3+s2+$0x0] =	vst.idx.add.s32.msk $0xffff, v1  }
0x30c: {  	[tilespmem:v4+s2+$0x0] =	vst.idx.add.s32.msk $0xffff, v1  }
0x30d: {  	v3 =	vld [tilespmem:s0+$0xF0]  }
0x30e: {  	v4 =	vld [tilespmem:s0+$0x170]  }
0x30f: {  	[tilespmem:v5+s2+$0x0] =	vst.idx.add.s32.msk $0xffff, v1  }
0x310: {  	v5 =	vld [tilespmem:s0+$0x70];
	_ =	sdelay $0x1  }
0x311: {  	s15 =	sor.u32 $0x410, s10;
	[tilespmem:v2+s2+$0x0] =	vst.idx.add.s32.msk $0xffff, v1  }
0x312: {  	v2 =	vld [tilespmem:s15+$0x18700];
	_ =	sdelay $0x1  }
0x313: {  	s16 =	sadd.s32 $0x80, s1;
	[tilespmem:v3+s2+$0x0] =	vst.idx.add.s32.msk $0xffff, v1  }
0x314: {  	s17 =	sor.u32 $0x400, s16;
	[tilespmem:v4+s2+$0x0] =	vst.idx.add.s32.msk $0xffff, v1  }
0x315: {  	s4 =	sadd.s32 $0x100, s1;
	v3 =	vld [tilespmem:s17+$0x18700]  }
0x316: {  	s18 =	sor.u32 $0x400, s4;
	[tilespmem:v5+s2+$0x0] =	vst.idx.add.s32.msk $0xffff, v1  }
0x317: {  	s20 =	sor.u32 $0x400, s1;
	v4 =	vld [tilespmem:s18+$0x18700]  }
0x318: {  	v5 =	vld [tilespmem:s20+$0x18700]  }
0x319: {  	s19 =	sor.u32 $0x420, s10;
	[tilespmem:v2+s2+$0x0] =	vst.idx.add.s32.msk $0xffff, v1  }
0x31a: {  	v6 =	vld [tilespmem:s19+$0x18700];
	_ =	sdelay $0x2  }
0x31b: {  	s22 =	sor.u32 $0x410, s16;
	[tilespmem:v3+s2+$0x0] =	vst.idx.add.s32.msk $0xffff, v1  }
0x31c: {  	v3 =	vld [tilespmem:s22+$0x18700];
	_ =	sdelay $0x1  }
0x31d: {  	s3 =	simm.s32 $0x0;
	s12 =	sor.u32 $0x420, s1;
	s6 =	sor.u32 $0x430, s1;
	[tilespmem:v4+s2+$0x0] =	vst.idx.add.s32.msk $0xffff, v1  }
0x31e: {  	s5 =	sor.u32 $0x410, s4;
	s13 =	sor.u32 $0x420, s16;
	s11 =	sor.u32 $0x420, s4;
	[tilespmem:v5+s2+$0x0] =	vst.idx.add.s32.msk $0xffff, v1  }
0x31f: {  	s9 =	sor.u32 $0x430, s16;
	s7 =	sor.u32 $0x430, s4;
	s30 =	sor.u32 $0x430, s10;
	[tilespmem:v6+s2+$0x0] =	vst.idx.add.s32.msk $0xffff, v1  }
0x320: {  	s29 =	sor.u32 $0x438, s16;
	s0 =	sor.u32 $0x438, s4;
	s4 =	simm.s32 $0x200;
	v4 =	vld [tilespmem:s30+$0x18700]  }
0x321: {  	s14 =	sor.u32 $0x410, s1;
	s1 =	sor.u32 $0x438, s1;
	v2 =	vld [tilespmem:s5+$0x18700];
	s5 =	simm.s32 $0x400  }
.LBB2_12:
0x322: {  	s8 =	sand.u32 $0x1800, s5;
	s15 =	sand.u32 $0x200, s4;
	s3 =	sadd.s32 $0x4, s3;
	v5 =	vld [tilespmem:s14+$0x18700]  }
0x323: {  	s8 =	sor.u32 s15, s8;
	p1 =	slt.u32 s3, $0x1C;
	[tilespmem:v3+s2+$0x0] =	vst.idx.add.s32.msk $0xffff, v1  }
0x324: {  	v3 =	vld [tilespmem:s8+$0x18700];
	s8 =	sadd.s32 $0x18700, s8  }
0x325: {  	v6 =	vld [tilespmem:s8+$0x180]  }
0x326: {  	v7 =	vld [tilespmem:s8+$0x80]  }
0x327: {  	v8 =	vld [tilespmem:s8+$0x100]  }
0x328: {  	s10 =	sor.u32 $0x438, s10;
	[tilespmem:v4+s2+$0x0] =	vst.idx.add.s32.msk $0xffff, v1  }
0x329: {  	v4 =	vld [tilespmem:s10+$0x18700]  }
0x32a: {  	[tilespmem:v2+s2+$0x0] =	vst.idx.add.s32.msk $0xffff, v1  }
0x32b: {  	[tilespmem:v5+s2+$0x0] =	vst.idx.add.s32.msk $0xffff, v1  }
0x32c: {  	[tilespmem:v3+s2+$0x0] =	vst.idx.add.s32.msk $0xffff, v1  }
0x32d: {  	[tilespmem:v6+s2+$0x0] =	vst.idx.add.s32.msk $0xffff, v1  }
0x32e: {  	v2 =	vld [tilespmem:s8+$0x190]  }
0x32f: {  	[tilespmem:v7+s2+$0x0] =	vst.idx.add.s32.msk $0xffff, v1  }
0x330: {  	[tilespmem:v8+s2+$0x0] =	vst.idx.add.s32.msk $0xffff, v1  }
0x331: {  	[tilespmem:v4+s2+$0x0] =	vst.idx.add.s32.msk vm0, v1  }
0x332: {  	v3 =	vld [tilespmem:s8+$0x90]  }
0x333: {  	v4 =	vld [tilespmem:s8+$0x110]  }
0x334: {  	v5 =	vld [tilespmem:s8+$0x10]  }
0x335: {  	v6 =	vld [tilespmem:s13+$0x18700]  }
0x336: {  	[tilespmem:v2+s2+$0x0] =	vst.idx.add.s32.msk $0xffff, v1  }
0x337: {  	v2 =	vld [tilespmem:s8+$0x1A0]  }
0x338: {  	v7 =	vld [tilespmem:s11+$0x18700]  }
0x339: {  	v8 =	vld [tilespmem:s12+$0x18700]  }
0x33a: {  	[tilespmem:v3+s2+$0x0] =	vst.idx.add.s32.msk $0xffff, v1  }
0x33b: {  	[tilespmem:v4+s2+$0x0] =	vst.idx.add.s32.msk $0xffff, v1  }
0x33c: {  	[tilespmem:v5+s2+$0x0] =	vst.idx.add.s32.msk $0xffff, v1  }
0x33d: {  	v3 =	vld [tilespmem:s8+$0xA0]  }
0x33e: {  	v4 =	vld [tilespmem:s8+$0x120]  }
0x33f: {  	[tilespmem:v2+s2+$0x0] =	vst.idx.add.s32.msk $0xffff, v1  }
0x340: {  	v2 =	vld [tilespmem:s8+$0x1B0]  }
0x341: {  	v5 =	vld [tilespmem:s8+$0x20]  }
0x342: {  	[tilespmem:v6+s2+$0x0] =	vst.idx.add.s32.msk $0xffff, v1  }
0x343: {  	[tilespmem:v7+s2+$0x0] =	vst.idx.add.s32.msk $0xffff, v1  }
0x344: {  	[tilespmem:v8+s2+$0x0] =	vst.idx.add.s32.msk $0xffff, v1  }
0x345: {  	[tilespmem:v3+s2+$0x0] =	vst.idx.add.s32.msk $0xffff, v1  }
0x346: {  	[tilespmem:v4+s2+$0x0] =	vst.idx.add.s32.msk $0xffff, v1  }
0x347: {  	v3 =	vld [tilespmem:s8+$0xB0]  }
0x348: {  	[tilespmem:v2+s2+$0x0] =	vst.idx.add.s32.msk $0xffff, v1  }
0x349: {  	v2 =	vld [tilespmem:s8+$0x1C0]  }
0x34a: {  	[tilespmem:v5+s2+$0x0] =	vst.idx.add.s32.msk $0xffff, v1  }
0x34b: {  	v4 =	vld [tilespmem:s8+$0x130]  }
0x34c: {  	v5 =	vld [tilespmem:s8+$0x30]  }
0x34d: {  	v6 =	vld [tilespmem:s9+$0x18700]  }
0x34e: {  	v7 =	vld [tilespmem:s7+$0x18700]  }
0x34f: {  	[tilespmem:v3+s2+$0x0] =	vst.idx.add.s32.msk $0xffff, v1  }
0x350: {  	v3 =	vld [tilespmem:s8+$0xC0]  }
0x351: {  	[tilespmem:v2+s2+$0x0] =	vst.idx.add.s32.msk $0xffff, v1  }
0x352: {  	v2 =	vld [tilespmem:s8+$0x1D0]  }
0x353: {  	[tilespmem:v4+s2+$0x0] =	vst.idx.add.s32.msk $0xffff, v1  }
0x354: {  	[tilespmem:v5+s2+$0x0] =	vst.idx.add.s32.msk $0xffff, v1  }
0x355: {  	v4 =	vld [tilespmem:s8+$0x140]  }
0x356: {  	v5 =	vld [tilespmem:s8+$0x40]  }
0x357: {  	v8 =	vld [tilespmem:s6+$0x18700]  }
0x358: {  	[tilespmem:v3+s2+$0x0] =	vst.idx.add.s32.msk $0xffff, v1  }
0x359: {  	v3 =	vld [tilespmem:s8+$0xD0]  }
0x35a: {  	[tilespmem:v2+s2+$0x0] =	vst.idx.add.s32.msk $0xffff, v1  }
0x35b: {  	v2 =	vld [tilespmem:s8+$0x1E0]  }
0x35c: {  	[tilespmem:v6+s2+$0x0] =	vst.idx.add.s32.msk $0xffff, v1  }
0x35d: {  	[tilespmem:v4+s2+$0x0] =	vst.idx.add.s32.msk $0xffff, v1  }
0x35e: {  	[tilespmem:v5+s2+$0x0] =	vst.idx.add.s32.msk $0xffff, v1  }
0x35f: {  	v4 =	vld [tilespmem:s8+$0x150]  }
0x360: {  	v5 =	vld [tilespmem:s8+$0x50]  }
0x361: {  	[tilespmem:v3+s2+$0x0] =	vst.idx.add.s32.msk $0xffff, v1  }
0x362: {  	v3 =	vld [tilespmem:s8+$0xE0]  }
0x363: {  	[tilespmem:v2+s2+$0x0] =	vst.idx.add.s32.msk $0xffff, v1  }
0x364: {  	v2 =	vld [tilespmem:s8+$0x1F0]  }
0x365: {  	[tilespmem:v7+s2+$0x0] =	vst.idx.add.s32.msk $0xffff, v1  }
0x366: {  	[tilespmem:v8+s2+$0x0] =	vst.idx.add.s32.msk $0xffff, v1  }
0x367: {  	p0 =	por !p0, !p0;
	s6 =	simm.s32 $0x1;
	[tilespmem:v4+s2+$0x0] =	vst.idx.add.s32.msk $0xffff, v1  }
0x368: {  	s6 =	simm.s32 @!p0 $0x0;
	[tilespmem:v5+s2+$0x0] =	vst.idx.add.s32.msk $0xffff, v1  }
0x369: {  	s6 =	sshll.u32 s6, $0x9;
	v4 =	vld [tilespmem:s8+$0x160]  }
0x36a: {  	s16 =	sadd.s32 s6, s5;
	v5 =	vld [tilespmem:s8+$0x60]  }
0x36b: {  	s17 =	sadd.s32 $0x80, s16;
	s18 =	sadd.s32 $0x100, s16;
	s10 =	sadd.s32 $0x180, s16;
	[tilespmem:v3+s2+$0x0] =	vst.idx.add.s32.msk $0xffff, v1  }
0x36c: {  	s19 =	sor.u32 $0x400, s17;
	s20 =	sor.u32 $0x400, s18;
	s6 =	sor.u32 $0x400, s10;
	[tilespmem:v2+s2+$0x0] =	vst.idx.add.s32.msk $0xffff, v1  }
0x36d: {  	s22 =	sor.u32 $0x400, s16;
	s30 =	sor.u32 $0x410, s17;
	s15 =	sor.u32 $0x410, s18;
	v2 =	vld [tilespmem:s6+$0x18700]  }
0x36e: {  	s14 =	sor.u32 $0x410, s16;
	s13 =	sor.u32 $0x420, s17;
	s11 =	sor.u32 $0x420, s18;
	v3 =	vld [tilespmem:s8+$0xF0]  }
0x36f: {  	s12 =	sor.u32 $0x420, s16;
	s9 =	sor.u32 $0x430, s17;
	s7 =	sor.u32 $0x430, s18;
	v6 =	vld [tilespmem:s29+$0x18700]  }
0x370: {  	s6 =	sor.u32 $0x430, s16;
	s29 =	sor.u32 $0x438, s17;
	v7 =	vld [tilespmem:s0+$0x18700];
	s0 =	sor.u32 $0x438, s18  }
0x371: {  	s16 =	sor.u32 $0x438, s16;
	[tilespmem:v4+s2+$0x0] =	vst.idx.add.s32.msk $0xffff, v1  }
0x372: {  	[tilespmem:v5+s2+$0x0] =	vst.idx.add.s32.msk $0xffff, v1  }
0x373: {  	v4 =	vld [tilespmem:s8+$0x170]  }
0x374: {  	v5 =	vld [tilespmem:s8+$0x70]  }
0x375: {  	s8 =	sor.u32 $0x410, s10;
	[tilespmem:v2+s2+$0x0] =	vst.idx.add.s32.msk $0xffff, v1  }
0x376: {  	v2 =	vld [tilespmem:s8+$0x18700]  }
0x377: {  	[tilespmem:v3+s2+$0x0] =	vst.idx.add.s32.msk $0xffff, v1  }
0x378: {  	v3 =	vld [tilespmem:s19+$0x18700]  }
0x379: {  	v8 =	vld [tilespmem:s1+$0x18700];
	s1 =	smov.u32 s16  }
0x37a: {  	[tilespmem:v6+s2+$0x0] =	vst.idx.add.s32.msk vm0, v1  }
0x37b: {  	[tilespmem:v4+s2+$0x0] =	vst.idx.add.s32.msk $0xffff, v1  }
0x37c: {  	[tilespmem:v5+s2+$0x0] =	vst.idx.add.s32.msk $0xffff, v1  }
0x37d: {  	v4 =	vld [tilespmem:s20+$0x18700]  }
0x37e: {  	s8 =	sor.u32 $0x420, s10;
	[tilespmem:v2+s2+$0x0] =	vst.idx.add.s32.msk $0xffff, v1  }
0x37f: {  	v5 =	vld [tilespmem:s8+$0x18700]  }
0x380: {  	v6 =	vld [tilespmem:s22+$0x18700]  }
0x381: {  	[tilespmem:v3+s2+$0x0] =	vst.idx.add.s32.msk $0xffff, v1  }
0x382: {  	v3 =	vld [tilespmem:s30+$0x18700]  }
0x383: {  	[tilespmem:v7+s2+$0x0] =	vst.idx.add.s32.msk vm0, v1  }
0x384: {  	[tilespmem:v8+s2+$0x0] =	vst.idx.add.s32.msk vm0, v1  }
.Ltmp5:
0x385: {  	[tilespmem:v4+s2+$0x0] =	vst.idx.add.s32.msk $0xffff, v1;
	(pc) =	sbr.rel @p1 .LBB2_12-.Ltmp5, $4  }
0x386: {  	v2 =	vld [tilespmem:s15+$0x18700]  }
0x387: {  	s8 =	sor.u32 $0x430, s10;
	[tilespmem:v5+s2+$0x0] =	vst.idx.add.s32.msk $0xffff, v1  }
0x388: {  	v4 =	vld [tilespmem:s8+$0x18700]  }
0x389: {  	s4 =	sadd.s32 $0x200, s4;
	s5 =	sadd.s32 $0x400, s5;
	[tilespmem:v6+s2+$0x0] =	vst.idx.add.s32.msk $0xffff, v1  }
0x38a: {  	_ =	sdelay $0x1  }
0x38b: {  	v5 =	vld [tilespmem:s14+$0x18700];
	_ =	sdelay $0x1  }
0x38c: {  	[tilespmem:v3+s2+$0x0] =	vst.idx.add.s32.msk $0xffff, v1  }
0x38d: {  	[tilespmem:v2+s2+$0x0] =	vst.idx.add.s32.msk $0xffff, v1  }
0x38e: {  	v2 =	vld [tilespmem:s13+$0x18700]  }
0x38f: {  	v3 =	vld [tilespmem:s11+$0x18700];
	_ =	sdelay $0x2  }
0x390: {  	[tilespmem:v5+s2+$0x0] =	vst.idx.add.s32.msk $0xffff, v1  }
0x391: {  	v5 =	vld [tilespmem:s12+$0x18700];
	_ =	sdelay $0x2  }
0x392: {  	[tilespmem:v2+s2+$0x0] =	vst.idx.add.s32.msk $0xffff, v1  }
0x393: {  	[tilespmem:v3+s2+$0x0] =	vst.idx.add.s32.msk $0xffff, v1  }
0x394: {  	v2 =	vld [tilespmem:s9+$0x18700]  }
0x395: {  	v3 =	vld [tilespmem:s7+$0x18700];
	_ =	sdelay $0x1  }
0x396: {  	[tilespmem:v5+s2+$0x0] =	vst.idx.add.s32.msk $0xffff, v1  }
0x397: {  	v5 =	vld [tilespmem:s6+$0x18700];
	_ =	sdelay $0x1  }
0x398: {  	s3 =	sor.u32 $0x438, s10;
	[tilespmem:v4+s2+$0x0] =	vst.idx.add.s32.msk $0xffff, v1  }
0x399: {  	v4 =	vld [tilespmem:s3+$0x18700]  }
0x39a: {  	[tilespmem:v2+s2+$0x0] =	vst.idx.add.s32.msk $0xffff, v1  }
0x39b: {  	[tilespmem:v3+s2+$0x0] =	vst.idx.add.s32.msk $0xffff, v1  }
0x39c: {  	v2 =	vld [tilespmem:s29+$0x18700]  }
0x39d: {  	v3 =	vld [tilespmem:s0+$0x18700]  }
0x39e: {  	[tilespmem:v5+s2+$0x0] =	vst.idx.add.s32.msk $0xffff, v1  }
0x39f: {  	v5 =	vld [tilespmem:s1+$0x18700];
	_ =	sdelay $0x4  }
0x3a0: {  	[tilespmem:v4+s2+$0x0] =	vst.idx.add.s32.msk vm0, v1  }
0x3a1: {  	[tilespmem:v2+s2+$0x0] =	vst.idx.add.s32.msk vm0, v1  }
0x3a2: {  	[tilespmem:v3+s2+$0x0] =	vst.idx.add.s32.msk vm0, v1  }
0x3a3: {  	[tilespmem:v5+s2+$0x0] =	vst.idx.add.s32.msk vm0, v1  }
0x3a4: {  	s11 =	simm.s32 $0x0;
	s12 =	rddreg [dreg:$0x8]  }
0x3a5: {  	[tilespmem:s21], [sflag:$0x1] =	stream.linear.gather [hbm4b:s12+s11], $0x2000, $0x38;
	[tilespmem:$0x1E700] =	vst v63  }
0x3a6: {  	s13 =	sand.u32 $0x1800, s11;
	s0 =	sand.u32 $0x200, s11;
	_ =	swait.ge [sflag:s25], $0x2000  }
0x3a7: {  	s1 =	sor.u32 s0, s13;
	[sflag:s25] =	ssyncset.done $0x0  }
0x3a8: {  	s0 =	sadd.s32 $0x1A700, s1;
	[sflag:s25] =	ssyncadd.s32 $0xFFFFE000  }
0x3a9: {  	v2 =	vld [tilespmem:s0+$0x180];
	_ =	sdelay $0x6  }
0x3aa: {  	v3 =	vld [tilespmem:s0+$0x80]  }
0x3ab: {  	[tilespmem:v2+s2+$0x0] =	vst.idx.add.s32.msk $0xffff, v1  }
0x3ac: {  	v2 =	vld [tilespmem:s0+$0x190];
	_ =	sdelay $0x1  }
0x3ad: {  	v4 =	vld [tilespmem:s0+$0x100];
	_ =	sdelay $0x2  }
0x3ae: {  	v5 =	vld [tilespmem:s1+$0x1A700]  }
0x3af: {  	[tilespmem:v3+s2+$0x0] =	vst.idx.add.s32.msk $0xffff, v1  }
0x3b0: {  	v3 =	vld [tilespmem:s0+$0x90]  }
0x3b1: {  	[tilespmem:v2+s2+$0x0] =	vst.idx.add.s32.msk $0xffff, v1  }
0x3b2: {  	v2 =	vld [tilespmem:s0+$0x1A0]  }
0x3b3: {  	[tilespmem:v4+s2+$0x0] =	vst.idx.add.s32.msk $0xffff, v1  }
0x3b4: {  	v4 =	vld [tilespmem:s0+$0x110];
	_ =	sdelay $0x1  }
0x3b5: {  	[tilespmem:v5+s2+$0x0] =	vst.idx.add.s32.msk $0xffff, v1  }
0x3b6: {  	v5 =	vld [tilespmem:s0+$0x10]  }
0x3b7: {  	[tilespmem:v3+s2+$0x0] =	vst.idx.add.s32.msk $0xffff, v1  }
0x3b8: {  	v3 =	vld [tilespmem:s0+$0xA0]  }
0x3b9: {  	[tilespmem:v2+s2+$0x0] =	vst.idx.add.s32.msk $0xffff, v1  }
0x3ba: {  	v2 =	vld [tilespmem:s0+$0x1B0]  }
0x3bb: {  	[tilespmem:v4+s2+$0x0] =	vst.idx.add.s32.msk $0xffff, v1  }
0x3bc: {  	v4 =	vld [tilespmem:s0+$0x120];
	_ =	sdelay $0x1  }
0x3bd: {  	[tilespmem:v5+s2+$0x0] =	vst.idx.add.s32.msk $0xffff, v1  }
0x3be: {  	v5 =	vld [tilespmem:s0+$0x20]  }
0x3bf: {  	[tilespmem:v3+s2+$0x0] =	vst.idx.add.s32.msk $0xffff, v1  }
0x3c0: {  	v3 =	vld [tilespmem:s0+$0xB0]  }
0x3c1: {  	[tilespmem:v2+s2+$0x0] =	vst.idx.add.s32.msk $0xffff, v1  }
0x3c2: {  	v2 =	vld [tilespmem:s0+$0x1C0]  }
0x3c3: {  	[tilespmem:v4+s2+$0x0] =	vst.idx.add.s32.msk $0xffff, v1  }
0x3c4: {  	v4 =	vld [tilespmem:s0+$0x130];
	_ =	sdelay $0x1  }
0x3c5: {  	[tilespmem:v5+s2+$0x0] =	vst.idx.add.s32.msk $0xffff, v1  }
0x3c6: {  	v5 =	vld [tilespmem:s0+$0x30]  }
0x3c7: {  	[tilespmem:v3+s2+$0x0] =	vst.idx.add.s32.msk $0xffff, v1  }
0x3c8: {  	v3 =	vld [tilespmem:s0+$0xC0]  }
0x3c9: {  	[tilespmem:v2+s2+$0x0] =	vst.idx.add.s32.msk $0xffff, v1  }
0x3ca: {  	v2 =	vld [tilespmem:s0+$0x1D0]  }
0x3cb: {  	[tilespmem:v4+s2+$0x0] =	vst.idx.add.s32.msk $0xffff, v1  }
0x3cc: {  	v4 =	vld [tilespmem:s0+$0x140];
	_ =	sdelay $0x1  }
0x3cd: {  	[tilespmem:v5+s2+$0x0] =	vst.idx.add.s32.msk $0xffff, v1  }
0x3ce: {  	v5 =	vld [tilespmem:s0+$0x40]  }
0x3cf: {  	[tilespmem:v3+s2+$0x0] =	vst.idx.add.s32.msk $0xffff, v1  }
0x3d0: {  	v3 =	vld [tilespmem:s0+$0xD0]  }
0x3d1: {  	[tilespmem:v2+s2+$0x0] =	vst.idx.add.s32.msk $0xffff, v1  }
0x3d2: {  	v2 =	vld [tilespmem:s0+$0x1E0]  }
0x3d3: {  	[tilespmem:v4+s2+$0x0] =	vst.idx.add.s32.msk $0xffff, v1  }
0x3d4: {  	v4 =	vld [tilespmem:s0+$0x150];
	_ =	sdelay $0x2  }
0x3d5: {  	[tilespmem:v5+s2+$0x0] =	vst.idx.add.s32.msk $0xffff, v1  }
0x3d6: {  	v5 =	vld [tilespmem:s0+$0x50]  }
0x3d7: {  	[tilespmem:v3+s2+$0x0] =	vst.idx.add.s32.msk $0xffff, v1  }
0x3d8: {  	[tilespmem:v2+s2+$0x0] =	vst.idx.add.s32.msk $0xffff, v1  }
0x3d9: {  	v2 =	vld [tilespmem:s0+$0x1F0]  }
0x3da: {  	[tilespmem:v4+s2+$0x0] =	vst.idx.add.s32.msk $0xffff, v1  }
0x3db: {  	v3 =	vld [tilespmem:s0+$0xE0]  }
0x3dc: {  	p0 =	por $0x0, $0x0;
	s1 =	simm.s32 $0x1;
	v4 =	vld [tilespmem:s0+$0x160]  }
0x3dd: {  	s1 =	simm.s32 @!p0 $0x0  }
0x3de: {  	s1 =	sshll.u32 s1, $0x9;
	[tilespmem:v5+s2+$0x0] =	vst.idx.add.s32.msk $0xffff, v1  }
0x3df: {  	s1 =	sadd.s32 $0x0, s1;
	v5 =	vld [tilespmem:s0+$0x60]  }
0x3e0: {  	s10 =	sadd.s32 $0x180, s1  }
0x3e1: {  	s14 =	sor.u32 $0x400, s10;
	[tilespmem:v2+s2+$0x0] =	vst.idx.add.s32.msk $0xffff, v1  }
0x3e2: {  	v2 =	vld [tilespmem:s14+$0x1A700]  }
0x3e3: {  	[tilespmem:v3+s2+$0x0] =	vst.idx.add.s32.msk $0xffff, v1  }
0x3e4: {  	[tilespmem:v4+s2+$0x0] =	vst.idx.add.s32.msk $0xffff, v1  }
0x3e5: {  	v3 =	vld [tilespmem:s0+$0xF0]  }
0x3e6: {  	v4 =	vld [tilespmem:s0+$0x170]  }
0x3e7: {  	[tilespmem:v5+s2+$0x0] =	vst.idx.add.s32.msk $0xffff, v1  }
0x3e8: {  	v5 =	vld [tilespmem:s0+$0x70];
	_ =	sdelay $0x1  }
0x3e9: {  	s15 =	sor.u32 $0x410, s10;
	[tilespmem:v2+s2+$0x0] =	vst.idx.add.s32.msk $0xffff, v1  }
0x3ea: {  	v2 =	vld [tilespmem:s15+$0x1A700];
	_ =	sdelay $0x1  }
0x3eb: {  	s16 =	sadd.s32 $0x80, s1;
	[tilespmem:v3+s2+$0x0] =	vst.idx.add.s32.msk $0xffff, v1  }
0x3ec: {  	s17 =	sor.u32 $0x400, s16;
	[tilespmem:v4+s2+$0x0] =	vst.idx.add.s32.msk $0xffff, v1  }
0x3ed: {  	s4 =	sadd.s32 $0x100, s1;
	v3 =	vld [tilespmem:s17+$0x1A700]  }
0x3ee: {  	s18 =	sor.u32 $0x400, s4;
	[tilespmem:v5+s2+$0x0] =	vst.idx.add.s32.msk $0xffff, v1  }
0x3ef: {  	s20 =	sor.u32 $0x400, s1;
	v4 =	vld [tilespmem:s18+$0x1A700]  }
0x3f0: {  	v5 =	vld [tilespmem:s20+$0x1A700]  }
0x3f1: {  	s19 =	sor.u32 $0x420, s10;
	[tilespmem:v2+s2+$0x0] =	vst.idx.add.s32.msk $0xffff, v1  }
0x3f2: {  	v6 =	vld [tilespmem:s19+$0x1A700];
	_ =	sdelay $0x2  }
0x3f3: {  	s22 =	sor.u32 $0x410, s16;
	[tilespmem:v3+s2+$0x0] =	vst.idx.add.s32.msk $0xffff, v1  }
0x3f4: {  	v3 =	vld [tilespmem:s22+$0x1A700];
	_ =	sdelay $0x1  }
0x3f5: {  	s3 =	simm.s32 $0x0;
	s12 =	sor.u32 $0x420, s1;
	s6 =	sor.u32 $0x430, s1;
	[tilespmem:v4+s2+$0x0] =	vst.idx.add.s32.msk $0xffff, v1  }
0x3f6: {  	s5 =	sor.u32 $0x410, s4;
	s13 =	sor.u32 $0x420, s16;
	s11 =	sor.u32 $0x420, s4;
	[tilespmem:v5+s2+$0x0] =	vst.idx.add.s32.msk $0xffff, v1  }
0x3f7: {  	s9 =	sor.u32 $0x430, s16;
	s7 =	sor.u32 $0x430, s4;
	s30 =	sor.u32 $0x430, s10;
	[tilespmem:v6+s2+$0x0] =	vst.idx.add.s32.msk $0xffff, v1  }
0x3f8: {  	s29 =	sor.u32 $0x438, s16;
	s0 =	sor.u32 $0x438, s4;
	s4 =	simm.s32 $0x200;
	v4 =	vld [tilespmem:s30+$0x1A700]  }
0x3f9: {  	s14 =	sor.u32 $0x410, s1;
	s1 =	sor.u32 $0x438, s1;
	v2 =	vld [tilespmem:s5+$0x1A700];
	s5 =	simm.s32 $0x400  }
.LBB2_14:
0x3fa: {  	s8 =	sand.u32 $0x1800, s5;
	s15 =	sand.u32 $0x200, s4;
	s3 =	sadd.s32 $0x4, s3;
	v5 =	vld [tilespmem:s14+$0x1A700]  }
0x3fb: {  	s8 =	sor.u32 s15, s8;
	p1 =	slt.u32 s3, $0x1C;
	[tilespmem:v3+s2+$0x0] =	vst.idx.add.s32.msk $0xffff, v1  }
0x3fc: {  	v3 =	vld [tilespmem:s8+$0x1A700];
	s8 =	sadd.s32 $0x1A700, s8  }
0x3fd: {  	v6 =	vld [tilespmem:s8+$0x180]  }
0x3fe: {  	v7 =	vld [tilespmem:s8+$0x80]  }
0x3ff: {  	v8 =	vld [tilespmem:s8+$0x100]  }
0x400: {  	s10 =	sor.u32 $0x438, s10;
	[tilespmem:v4+s2+$0x0] =	vst.idx.add.s32.msk $0xffff, v1  }
0x401: {  	v4 =	vld [tilespmem:s10+$0x1A700]  }
0x402: {  	[tilespmem:v2+s2+$0x0] =	vst.idx.add.s32.msk $0xffff, v1  }
0x403: {  	[tilespmem:v5+s2+$0x0] =	vst.idx.add.s32.msk $0xffff, v1  }
0x404: {  	[tilespmem:v3+s2+$0x0] =	vst.idx.add.s32.msk $0xffff, v1  }
0x405: {  	[tilespmem:v6+s2+$0x0] =	vst.idx.add.s32.msk $0xffff, v1  }
0x406: {  	v2 =	vld [tilespmem:s8+$0x190]  }
0x407: {  	[tilespmem:v7+s2+$0x0] =	vst.idx.add.s32.msk $0xffff, v1  }
0x408: {  	[tilespmem:v8+s2+$0x0] =	vst.idx.add.s32.msk $0xffff, v1  }
0x409: {  	[tilespmem:v4+s2+$0x0] =	vst.idx.add.s32.msk vm0, v1  }
0x40a: {  	v3 =	vld [tilespmem:s8+$0x90]  }
0x40b: {  	v4 =	vld [tilespmem:s8+$0x110]  }
0x40c: {  	v5 =	vld [tilespmem:s8+$0x10]  }
0x40d: {  	v6 =	vld [tilespmem:s13+$0x1A700]  }
0x40e: {  	[tilespmem:v2+s2+$0x0] =	vst.idx.add.s32.msk $0xffff, v1  }
0x40f: {  	v2 =	vld [tilespmem:s8+$0x1A0]  }
0x410: {  	v7 =	vld [tilespmem:s11+$0x1A700]  }
0x411: {  	v8 =	vld [tilespmem:s12+$0x1A700]  }
0x412: {  	[tilespmem:v3+s2+$0x0] =	vst.idx.add.s32.msk $0xffff, v1  }
0x413: {  	[tilespmem:v4+s2+$0x0] =	vst.idx.add.s32.msk $0xffff, v1  }
0x414: {  	[tilespmem:v5+s2+$0x0] =	vst.idx.add.s32.msk $0xffff, v1  }
0x415: {  	v3 =	vld [tilespmem:s8+$0xA0]  }
0x416: {  	v4 =	vld [tilespmem:s8+$0x120]  }
0x417: {  	[tilespmem:v2+s2+$0x0] =	vst.idx.add.s32.msk $0xffff, v1  }
0x418: {  	v2 =	vld [tilespmem:s8+$0x1B0]  }
0x419: {  	v5 =	vld [tilespmem:s8+$0x20]  }
0x41a: {  	[tilespmem:v6+s2+$0x0] =	vst.idx.add.s32.msk $0xffff, v1  }
0x41b: {  	[tilespmem:v7+s2+$0x0] =	vst.idx.add.s32.msk $0xffff, v1  }
0x41c: {  	[tilespmem:v8+s2+$0x0] =	vst.idx.add.s32.msk $0xffff, v1  }
0x41d: {  	[tilespmem:v3+s2+$0x0] =	vst.idx.add.s32.msk $0xffff, v1  }
0x41e: {  	[tilespmem:v4+s2+$0x0] =	vst.idx.add.s32.msk $0xffff, v1  }
0x41f: {  	v3 =	vld [tilespmem:s8+$0xB0]  }
0x420: {  	[tilespmem:v2+s2+$0x0] =	vst.idx.add.s32.msk $0xffff, v1  }
0x421: {  	v2 =	vld [tilespmem:s8+$0x1C0]  }
0x422: {  	[tilespmem:v5+s2+$0x0] =	vst.idx.add.s32.msk $0xffff, v1  }
0x423: {  	v4 =	vld [tilespmem:s8+$0x130]  }
0x424: {  	v5 =	vld [tilespmem:s8+$0x30]  }
0x425: {  	v6 =	vld [tilespmem:s9+$0x1A700]  }
0x426: {  	v7 =	vld [tilespmem:s7+$0x1A700]  }
0x427: {  	[tilespmem:v3+s2+$0x0] =	vst.idx.add.s32.msk $0xffff, v1  }
0x428: {  	v3 =	vld [tilespmem:s8+$0xC0]  }
0x429: {  	[tilespmem:v2+s2+$0x0] =	vst.idx.add.s32.msk $0xffff, v1  }
0x42a: {  	v2 =	vld [tilespmem:s8+$0x1D0]  }
0x42b: {  	[tilespmem:v4+s2+$0x0] =	vst.idx.add.s32.msk $0xffff, v1  }
0x42c: {  	[tilespmem:v5+s2+$0x0] =	vst.idx.add.s32.msk $0xffff, v1  }
0x42d: {  	v4 =	vld [tilespmem:s8+$0x140]  }
0x42e: {  	v5 =	vld [tilespmem:s8+$0x40]  }
0x42f: {  	v8 =	vld [tilespmem:s6+$0x1A700]  }
0x430: {  	[tilespmem:v3+s2+$0x0] =	vst.idx.add.s32.msk $0xffff, v1  }
0x431: {  	v3 =	vld [tilespmem:s8+$0xD0]  }
0x432: {  	[tilespmem:v2+s2+$0x0] =	vst.idx.add.s32.msk $0xffff, v1  }
0x433: {  	v2 =	vld [tilespmem:s8+$0x1E0]  }
0x434: {  	[tilespmem:v6+s2+$0x0] =	vst.idx.add.s32.msk $0xffff, v1  }
0x435: {  	[tilespmem:v4+s2+$0x0] =	vst.idx.add.s32.msk $0xffff, v1  }
0x436: {  	[tilespmem:v5+s2+$0x0] =	vst.idx.add.s32.msk $0xffff, v1  }
0x437: {  	v4 =	vld [tilespmem:s8+$0x150]  }
0x438: {  	v5 =	vld [tilespmem:s8+$0x50]  }
0x439: {  	[tilespmem:v3+s2+$0x0] =	vst.idx.add.s32.msk $0xffff, v1  }
0x43a: {  	v3 =	vld [tilespmem:s8+$0xE0]  }
0x43b: {  	[tilespmem:v2+s2+$0x0] =	vst.idx.add.s32.msk $0xffff, v1  }
0x43c: {  	v2 =	vld [tilespmem:s8+$0x1F0]  }
0x43d: {  	[tilespmem:v7+s2+$0x0] =	vst.idx.add.s32.msk $0xffff, v1  }
0x43e: {  	[tilespmem:v8+s2+$0x0] =	vst.idx.add.s32.msk $0xffff, v1  }
0x43f: {  	p0 =	por !p0, !p0;
	s6 =	simm.s32 $0x1;
	[tilespmem:v4+s2+$0x0] =	vst.idx.add.s32.msk $0xffff, v1  }
0x440: {  	s6 =	simm.s32 @!p0 $0x0;
	[tilespmem:v5+s2+$0x0] =	vst.idx.add.s32.msk $0xffff, v1  }
0x441: {  	s6 =	sshll.u32 s6, $0x9;
	v4 =	vld [tilespmem:s8+$0x160]  }
0x442: {  	s16 =	sadd.s32 s6, s5;
	v5 =	vld [tilespmem:s8+$0x60]  }
0x443: {  	s17 =	sadd.s32 $0x80, s16;
	s18 =	sadd.s32 $0x100, s16;
	s10 =	sadd.s32 $0x180, s16;
	[tilespmem:v3+s2+$0x0] =	vst.idx.add.s32.msk $0xffff, v1  }
0x444: {  	s19 =	sor.u32 $0x400, s17;
	s20 =	sor.u32 $0x400, s18;
	s6 =	sor.u32 $0x400, s10;
	[tilespmem:v2+s2+$0x0] =	vst.idx.add.s32.msk $0xffff, v1  }
0x445: {  	s22 =	sor.u32 $0x400, s16;
	s30 =	sor.u32 $0x410, s17;
	s15 =	sor.u32 $0x410, s18;
	v2 =	vld [tilespmem:s6+$0x1A700]  }
0x446: {  	s14 =	sor.u32 $0x410, s16;
	s13 =	sor.u32 $0x420, s17;
	s11 =	sor.u32 $0x420, s18;
	v3 =	vld [tilespmem:s8+$0xF0]  }
0x447: {  	s12 =	sor.u32 $0x420, s16;
	s9 =	sor.u32 $0x430, s17;
	s7 =	sor.u32 $0x430, s18;
	v6 =	vld [tilespmem:s29+$0x1A700]  }
0x448: {  	s6 =	sor.u32 $0x430, s16;
	s29 =	sor.u32 $0x438, s17;
	v7 =	vld [tilespmem:s0+$0x1A700];
	s0 =	sor.u32 $0x438, s18  }
0x449: {  	s16 =	sor.u32 $0x438, s16;
	[tilespmem:v4+s2+$0x0] =	vst.idx.add.s32.msk $0xffff, v1  }
0x44a: {  	[tilespmem:v5+s2+$0x0] =	vst.idx.add.s32.msk $0xffff, v1  }
0x44b: {  	v4 =	vld [tilespmem:s8+$0x170]  }
0x44c: {  	v5 =	vld [tilespmem:s8+$0x70]  }
0x44d: {  	s8 =	sor.u32 $0x410, s10;
	[tilespmem:v2+s2+$0x0] =	vst.idx.add.s32.msk $0xffff, v1  }
0x44e: {  	v2 =	vld [tilespmem:s8+$0x1A700]  }
0x44f: {  	[tilespmem:v3+s2+$0x0] =	vst.idx.add.s32.msk $0xffff, v1  }
0x450: {  	v3 =	vld [tilespmem:s19+$0x1A700]  }
0x451: {  	v8 =	vld [tilespmem:s1+$0x1A700];
	s1 =	smov.u32 s16  }
0x452: {  	[tilespmem:v6+s2+$0x0] =	vst.idx.add.s32.msk vm0, v1  }
0x453: {  	[tilespmem:v4+s2+$0x0] =	vst.idx.add.s32.msk $0xffff, v1  }
0x454: {  	[tilespmem:v5+s2+$0x0] =	vst.idx.add.s32.msk $0xffff, v1  }
0x455: {  	v4 =	vld [tilespmem:s20+$0x1A700]  }
0x456: {  	s8 =	sor.u32 $0x420, s10;
	[tilespmem:v2+s2+$0x0] =	vst.idx.add.s32.msk $0xffff, v1  }
0x457: {  	v5 =	vld [tilespmem:s8+$0x1A700]  }
0x458: {  	v6 =	vld [tilespmem:s22+$0x1A700]  }
0x459: {  	[tilespmem:v3+s2+$0x0] =	vst.idx.add.s32.msk $0xffff, v1  }
0x45a: {  	v3 =	vld [tilespmem:s30+$0x1A700]  }
0x45b: {  	[tilespmem:v7+s2+$0x0] =	vst.idx.add.s32.msk vm0, v1  }
0x45c: {  	[tilespmem:v8+s2+$0x0] =	vst.idx.add.s32.msk vm0, v1  }
.Ltmp6:
0x45d: {  	[tilespmem:v4+s2+$0x0] =	vst.idx.add.s32.msk $0xffff, v1;
	(pc) =	sbr.rel @p1 .LBB2_14-.Ltmp6, $4  }
0x45e: {  	v2 =	vld [tilespmem:s15+$0x1A700]  }
0x45f: {  	s8 =	sor.u32 $0x430, s10;
	[tilespmem:v5+s2+$0x0] =	vst.idx.add.s32.msk $0xffff, v1  }
0x460: {  	v4 =	vld [tilespmem:s8+$0x1A700]  }
0x461: {  	s4 =	sadd.s32 $0x200, s4;
	s5 =	sadd.s32 $0x400, s5;
	[tilespmem:v6+s2+$0x0] =	vst.idx.add.s32.msk $0xffff, v1  }
0x462: {  	_ =	sdelay $0x1  }
0x463: {  	v5 =	vld [tilespmem:s14+$0x1A700];
	_ =	sdelay $0x1  }
0x464: {  	[tilespmem:v3+s2+$0x0] =	vst.idx.add.s32.msk $0xffff, v1  }
0x465: {  	[tilespmem:v2+s2+$0x0] =	vst.idx.add.s32.msk $0xffff, v1  }
0x466: {  	v2 =	vld [tilespmem:s13+$0x1A700]  }
0x467: {  	v3 =	vld [tilespmem:s11+$0x1A700];
	_ =	sdelay $0x2  }
0x468: {  	[tilespmem:v5+s2+$0x0] =	vst.idx.add.s32.msk $0xffff, v1  }
0x469: {  	v5 =	vld [tilespmem:s12+$0x1A700];
	_ =	sdelay $0x2  }
0x46a: {  	[tilespmem:v2+s2+$0x0] =	vst.idx.add.s32.msk $0xffff, v1  }
0x46b: {  	[tilespmem:v3+s2+$0x0] =	vst.idx.add.s32.msk $0xffff, v1  }
0x46c: {  	v2 =	vld [tilespmem:s9+$0x1A700]  }
0x46d: {  	v3 =	vld [tilespmem:s7+$0x1A700];
	_ =	sdelay $0x1  }
0x46e: {  	[tilespmem:v5+s2+$0x0] =	vst.idx.add.s32.msk $0xffff, v1  }
0x46f: {  	v5 =	vld [tilespmem:s6+$0x1A700];
	_ =	sdelay $0x1  }
0x470: {  	s3 =	sor.u32 $0x438, s10;
	[tilespmem:v4+s2+$0x0] =	vst.idx.add.s32.msk $0xffff, v1  }
0x471: {  	v4 =	vld [tilespmem:s3+$0x1A700]  }
0x472: {  	[tilespmem:v2+s2+$0x0] =	vst.idx.add.s32.msk $0xffff, v1  }
0x473: {  	[tilespmem:v3+s2+$0x0] =	vst.idx.add.s32.msk $0xffff, v1  }
0x474: {  	v2 =	vld [tilespmem:s29+$0x1A700]  }
0x475: {  	v3 =	vld [tilespmem:s0+$0x1A700]  }
0x476: {  	[tilespmem:v5+s2+$0x0] =	vst.idx.add.s32.msk $0xffff, v1  }
0x477: {  	v5 =	vld [tilespmem:s1+$0x1A700];
	_ =	sdelay $0x4  }
0x478: {  	[tilespmem:v4+s2+$0x0] =	vst.idx.add.s32.msk vm0, v1  }
0x479: {  	[tilespmem:v2+s2+$0x0] =	vst.idx.add.s32.msk vm0, v1  }
0x47a: {  	[tilespmem:v3+s2+$0x0] =	vst.idx.add.s32.msk vm0, v1  }
0x47b: {  	[tilespmem:v5+s2+$0x0] =	vst.idx.add.s32.msk vm0, v1  }
0x47c: {  	s10 =	simm.s32 $0x0;
	s12 =	simm.s32 $0x1A700;
	s11 =	rddreg [dreg:$0x9]  }
0x47d: {  	[tilespmem:s12], [sflag:$0x2] =	stream.linear.gather [hbm4b:s11+s10], $0x2000, $0x38;
	[tilespmem:$0x1E700] =	vst v63  }
0x47e: {  	s13 =	sand.u32 $0x1800, s10;
	s0 =	sand.u32 $0x200, s10;
	_ =	swait.ge [sflag:s26], $0x2000  }
0x47f: {  	s1 =	sor.u32 s0, s13;
	[sflag:s26] =	ssyncset.done $0x0  }
0x480: {  	s0 =	sadd.s32 $0x1C700, s1;
	[sflag:s26] =	ssyncadd.s32 $0xFFFFE000  }
0x481: {  	v2 =	vld [tilespmem:s0+$0x180];
	_ =	sdelay $0x6  }
0x482: {  	v3 =	vld [tilespmem:s0+$0x80]  }
0x483: {  	[tilespmem:v2+s2+$0x0] =	vst.idx.add.s32.msk $0xffff, v1  }
0x484: {  	v2 =	vld [tilespmem:s0+$0x190];
	_ =	sdelay $0x1  }
0x485: {  	v4 =	vld [tilespmem:s0+$0x100];
	_ =	sdelay $0x2  }
0x486: {  	v5 =	vld [tilespmem:s1+$0x1C700]  }
0x487: {  	[tilespmem:v3+s2+$0x0] =	vst.idx.add.s32.msk $0xffff, v1  }
0x488: {  	v3 =	vld [tilespmem:s0+$0x90]  }
0x489: {  	[tilespmem:v2+s2+$0x0] =	vst.idx.add.s32.msk $0xffff, v1  }
0x48a: {  	v2 =	vld [tilespmem:s0+$0x1A0]  }
0x48b: {  	[tilespmem:v4+s2+$0x0] =	vst.idx.add.s32.msk $0xffff, v1  }
0x48c: {  	v4 =	vld [tilespmem:s0+$0x110];
	_ =	sdelay $0x1  }
0x48d: {  	[tilespmem:v5+s2+$0x0] =	vst.idx.add.s32.msk $0xffff, v1  }
0x48e: {  	v5 =	vld [tilespmem:s0+$0x10]  }
0x48f: {  	[tilespmem:v3+s2+$0x0] =	vst.idx.add.s32.msk $0xffff, v1  }
0x490: {  	v3 =	vld [tilespmem:s0+$0xA0]  }
0x491: {  	[tilespmem:v2+s2+$0x0] =	vst.idx.add.s32.msk $0xffff, v1  }
0x492: {  	v2 =	vld [tilespmem:s0+$0x1B0]  }
0x493: {  	[tilespmem:v4+s2+$0x0] =	vst.idx.add.s32.msk $0xffff, v1  }
0x494: {  	v4 =	vld [tilespmem:s0+$0x120];
	_ =	sdelay $0x1  }
0x495: {  	[tilespmem:v5+s2+$0x0] =	vst.idx.add.s32.msk $0xffff, v1  }
0x496: {  	v5 =	vld [tilespmem:s0+$0x20]  }
0x497: {  	[tilespmem:v3+s2+$0x0] =	vst.idx.add.s32.msk $0xffff, v1  }
0x498: {  	v3 =	vld [tilespmem:s0+$0xB0]  }
0x499: {  	[tilespmem:v2+s2+$0x0] =	vst.idx.add.s32.msk $0xffff, v1  }
0x49a: {  	v2 =	vld [tilespmem:s0+$0x1C0]  }
0x49b: {  	[tilespmem:v4+s2+$0x0] =	vst.idx.add.s32.msk $0xffff, v1  }
0x49c: {  	v4 =	vld [tilespmem:s0+$0x130];
	_ =	sdelay $0x1  }
0x49d: {  	[tilespmem:v5+s2+$0x0] =	vst.idx.add.s32.msk $0xffff, v1  }
0x49e: {  	v5 =	vld [tilespmem:s0+$0x30]  }
0x49f: {  	[tilespmem:v3+s2+$0x0] =	vst.idx.add.s32.msk $0xffff, v1  }
0x4a0: {  	v3 =	vld [tilespmem:s0+$0xC0]  }
0x4a1: {  	[tilespmem:v2+s2+$0x0] =	vst.idx.add.s32.msk $0xffff, v1  }
0x4a2: {  	v2 =	vld [tilespmem:s0+$0x1D0]  }
0x4a3: {  	[tilespmem:v4+s2+$0x0] =	vst.idx.add.s32.msk $0xffff, v1  }
0x4a4: {  	v4 =	vld [tilespmem:s0+$0x140];
	_ =	sdelay $0x1  }
0x4a5: {  	[tilespmem:v5+s2+$0x0] =	vst.idx.add.s32.msk $0xffff, v1  }
0x4a6: {  	v5 =	vld [tilespmem:s0+$0x40]  }
0x4a7: {  	[tilespmem:v3+s2+$0x0] =	vst.idx.add.s32.msk $0xffff, v1  }
0x4a8: {  	v3 =	vld [tilespmem:s0+$0xD0]  }
0x4a9: {  	[tilespmem:v2+s2+$0x0] =	vst.idx.add.s32.msk $0xffff, v1  }
0x4aa: {  	v2 =	vld [tilespmem:s0+$0x1E0]  }
0x4ab: {  	[tilespmem:v4+s2+$0x0] =	vst.idx.add.s32.msk $0xffff, v1  }
0x4ac: {  	v4 =	vld [tilespmem:s0+$0x150];
	_ =	sdelay $0x2  }
0x4ad: {  	[tilespmem:v5+s2+$0x0] =	vst.idx.add.s32.msk $0xffff, v1  }
0x4ae: {  	v5 =	vld [tilespmem:s0+$0x50]  }
0x4af: {  	[tilespmem:v3+s2+$0x0] =	vst.idx.add.s32.msk $0xffff, v1  }
0x4b0: {  	[tilespmem:v2+s2+$0x0] =	vst.idx.add.s32.msk $0xffff, v1  }
0x4b1: {  	v2 =	vld [tilespmem:s0+$0x1F0]  }
0x4b2: {  	[tilespmem:v4+s2+$0x0] =	vst.idx.add.s32.msk $0xffff, v1  }
0x4b3: {  	v3 =	vld [tilespmem:s0+$0xE0]  }
0x4b4: {  	p0 =	por $0x0, $0x0;
	s1 =	simm.s32 $0x1;
	v4 =	vld [tilespmem:s0+$0x160]  }
0x4b5: {  	s1 =	simm.s32 @!p0 $0x0  }
0x4b6: {  	s1 =	sshll.u32 s1, $0x9;
	[tilespmem:v5+s2+$0x0] =	vst.idx.add.s32.msk $0xffff, v1  }
0x4b7: {  	s1 =	sadd.s32 $0x0, s1;
	v5 =	vld [tilespmem:s0+$0x60]  }
0x4b8: {  	s10 =	sadd.s32 $0x180, s1  }
0x4b9: {  	s14 =	sor.u32 $0x400, s10;
	[tilespmem:v2+s2+$0x0] =	vst.idx.add.s32.msk $0xffff, v1  }
0x4ba: {  	v2 =	vld [tilespmem:s14+$0x1C700]  }
0x4bb: {  	[tilespmem:v3+s2+$0x0] =	vst.idx.add.s32.msk $0xffff, v1  }
0x4bc: {  	[tilespmem:v4+s2+$0x0] =	vst.idx.add.s32.msk $0xffff, v1  }
0x4bd: {  	v3 =	vld [tilespmem:s0+$0xF0]  }
0x4be: {  	v4 =	vld [tilespmem:s0+$0x170]  }
0x4bf: {  	[tilespmem:v5+s2+$0x0] =	vst.idx.add.s32.msk $0xffff, v1  }
0x4c0: {  	v5 =	vld [tilespmem:s0+$0x70];
	_ =	sdelay $0x1  }
0x4c1: {  	s15 =	sor.u32 $0x410, s10;
	[tilespmem:v2+s2+$0x0] =	vst.idx.add.s32.msk $0xffff, v1  }
0x4c2: {  	v2 =	vld [tilespmem:s15+$0x1C700];
	_ =	sdelay $0x1  }
0x4c3: {  	s16 =	sadd.s32 $0x80, s1;
	[tilespmem:v3+s2+$0x0] =	vst.idx.add.s32.msk $0xffff, v1  }
0x4c4: {  	s17 =	sor.u32 $0x400, s16;
	[tilespmem:v4+s2+$0x0] =	vst.idx.add.s32.msk $0xffff, v1  }
0x4c5: {  	s4 =	sadd.s32 $0x100, s1;
	v3 =	vld [tilespmem:s17+$0x1C700]  }
0x4c6: {  	s18 =	sor.u32 $0x400, s4;
	[tilespmem:v5+s2+$0x0] =	vst.idx.add.s32.msk $0xffff, v1  }
0x4c7: {  	s20 =	sor.u32 $0x400, s1;
	v4 =	vld [tilespmem:s18+$0x1C700]  }
0x4c8: {  	v5 =	vld [tilespmem:s20+$0x1C700]  }
0x4c9: {  	s19 =	sor.u32 $0x420, s10;
	[tilespmem:v2+s2+$0x0] =	vst.idx.add.s32.msk $0xffff, v1  }
0x4ca: {  	v6 =	vld [tilespmem:s19+$0x1C700];
	_ =	sdelay $0x2  }
0x4cb: {  	s22 =	sor.u32 $0x410, s16;
	[tilespmem:v3+s2+$0x0] =	vst.idx.add.s32.msk $0xffff, v1  }
0x4cc: {  	v3 =	vld [tilespmem:s22+$0x1C700];
	_ =	sdelay $0x1  }
0x4cd: {  	s3 =	simm.s32 $0x0;
	s12 =	sor.u32 $0x420, s1;
	s6 =	sor.u32 $0x430, s1;
	[tilespmem:v4+s2+$0x0] =	vst.idx.add.s32.msk $0xffff, v1  }
0x4ce: {  	s5 =	sor.u32 $0x410, s4;
	s13 =	sor.u32 $0x420, s16;
	s11 =	sor.u32 $0x420, s4;
	[tilespmem:v5+s2+$0x0] =	vst.idx.add.s32.msk $0xffff, v1  }
0x4cf: {  	s9 =	sor.u32 $0x430, s16;
	s7 =	sor.u32 $0x430, s4;
	s30 =	sor.u32 $0x430, s10;
	[tilespmem:v6+s2+$0x0] =	vst.idx.add.s32.msk $0xffff, v1  }
0x4d0: {  	s29 =	sor.u32 $0x438, s16;
	s0 =	sor.u32 $0x438, s4;
	s4 =	simm.s32 $0x200;
	v4 =	vld [tilespmem:s30+$0x1C700]  }
0x4d1: {  	s14 =	sor.u32 $0x410, s1;
	s1 =	sor.u32 $0x438, s1;
	v2 =	vld [tilespmem:s5+$0x1C700];
	s5 =	simm.s32 $0x400  }
.LBB2_16:
0x4d2: {  	s8 =	sand.u32 $0x1800, s5;
	s15 =	sand.u32 $0x200, s4;
	s3 =	sadd.s32 $0x4, s3;
	v5 =	vld [tilespmem:s14+$0x1C700]  }
0x4d3: {  	s8 =	sor.u32 s15, s8;
	p1 =	slt.u32 s3, $0x1C;
	[tilespmem:v3+s2+$0x0] =	vst.idx.add.s32.msk $0xffff, v1  }
0x4d4: {  	v3 =	vld [tilespmem:s8+$0x1C700];
	s8 =	sadd.s32 $0x1C700, s8  }
0x4d5: {  	v6 =	vld [tilespmem:s8+$0x180]  }
0x4d6: {  	v7 =	vld [tilespmem:s8+$0x80]  }
0x4d7: {  	v8 =	vld [tilespmem:s8+$0x100]  }
0x4d8: {  	s10 =	sor.u32 $0x438, s10;
	[tilespmem:v4+s2+$0x0] =	vst.idx.add.s32.msk $0xffff, v1  }
0x4d9: {  	v4 =	vld [tilespmem:s10+$0x1C700]  }
0x4da: {  	[tilespmem:v2+s2+$0x0] =	vst.idx.add.s32.msk $0xffff, v1  }
0x4db: {  	[tilespmem:v5+s2+$0x0] =	vst.idx.add.s32.msk $0xffff, v1  }
0x4dc: {  	[tilespmem:v3+s2+$0x0] =	vst.idx.add.s32.msk $0xffff, v1  }
0x4dd: {  	[tilespmem:v6+s2+$0x0] =	vst.idx.add.s32.msk $0xffff, v1  }
0x4de: {  	v2 =	vld [tilespmem:s8+$0x190]  }
0x4df: {  	[tilespmem:v7+s2+$0x0] =	vst.idx.add.s32.msk $0xffff, v1  }
0x4e0: {  	[tilespmem:v8+s2+$0x0] =	vst.idx.add.s32.msk $0xffff, v1  }
0x4e1: {  	[tilespmem:v4+s2+$0x0] =	vst.idx.add.s32.msk vm0, v1  }
0x4e2: {  	v3 =	vld [tilespmem:s8+$0x90]  }
0x4e3: {  	v4 =	vld [tilespmem:s8+$0x110]  }
0x4e4: {  	v5 =	vld [tilespmem:s8+$0x10]  }
0x4e5: {  	v6 =	vld [tilespmem:s13+$0x1C700]  }
0x4e6: {  	[tilespmem:v2+s2+$0x0] =	vst.idx.add.s32.msk $0xffff, v1  }
0x4e7: {  	v2 =	vld [tilespmem:s8+$0x1A0]  }
0x4e8: {  	v7 =	vld [tilespmem:s11+$0x1C700]  }
0x4e9: {  	v8 =	vld [tilespmem:s12+$0x1C700]  }
0x4ea: {  	[tilespmem:v3+s2+$0x0] =	vst.idx.add.s32.msk $0xffff, v1  }
0x4eb: {  	[tilespmem:v4+s2+$0x0] =	vst.idx.add.s32.msk $0xffff, v1  }
0x4ec: {  	[tilespmem:v5+s2+$0x0] =	vst.idx.add.s32.msk $0xffff, v1  }
0x4ed: {  	v3 =	vld [tilespmem:s8+$0xA0]  }
0x4ee: {  	v4 =	vld [tilespmem:s8+$0x120]  }
0x4ef: {  	[tilespmem:v2+s2+$0x0] =	vst.idx.add.s32.msk $0xffff, v1  }
0x4f0: {  	v2 =	vld [tilespmem:s8+$0x1B0]  }
0x4f1: {  	v5 =	vld [tilespmem:s8+$0x20]  }
0x4f2: {  	[tilespmem:v6+s2+$0x0] =	vst.idx.add.s32.msk $0xffff, v1  }
0x4f3: {  	[tilespmem:v7+s2+$0x0] =	vst.idx.add.s32.msk $0xffff, v1  }
0x4f4: {  	[tilespmem:v8+s2+$0x0] =	vst.idx.add.s32.msk $0xffff, v1  }
0x4f5: {  	[tilespmem:v3+s2+$0x0] =	vst.idx.add.s32.msk $0xffff, v1  }
0x4f6: {  	[tilespmem:v4+s2+$0x0] =	vst.idx.add.s32.msk $0xffff, v1  }
0x4f7: {  	v3 =	vld [tilespmem:s8+$0xB0]  }
0x4f8: {  	[tilespmem:v2+s2+$0x0] =	vst.idx.add.s32.msk $0xffff, v1  }
0x4f9: {  	v2 =	vld [tilespmem:s8+$0x1C0]  }
0x4fa: {  	[tilespmem:v5+s2+$0x0] =	vst.idx.add.s32.msk $0xffff, v1  }
0x4fb: {  	v4 =	vld [tilespmem:s8+$0x130]  }
0x4fc: {  	v5 =	vld [tilespmem:s8+$0x30]  }
0x4fd: {  	v6 =	vld [tilespmem:s9+$0x1C700]  }
0x4fe: {  	v7 =	vld [tilespmem:s7+$0x1C700]  }
0x4ff: {  	[tilespmem:v3+s2+$0x0] =	vst.idx.add.s32.msk $0xffff, v1  }
0x500: {  	v3 =	vld [tilespmem:s8+$0xC0]  }
0x501: {  	[tilespmem:v2+s2+$0x0] =	vst.idx.add.s32.msk $0xffff, v1  }
0x502: {  	v2 =	vld [tilespmem:s8+$0x1D0]  }
0x503: {  	[tilespmem:v4+s2+$0x0] =	vst.idx.add.s32.msk $0xffff, v1  }
0x504: {  	[tilespmem:v5+s2+$0x0] =	vst.idx.add.s32.msk $0xffff, v1  }
0x505: {  	v4 =	vld [tilespmem:s8+$0x140]  }
0x506: {  	v5 =	vld [tilespmem:s8+$0x40]  }
0x507: {  	v8 =	vld [tilespmem:s6+$0x1C700]  }
0x508: {  	[tilespmem:v3+s2+$0x0] =	vst.idx.add.s32.msk $0xffff, v1  }
0x509: {  	v3 =	vld [tilespmem:s8+$0xD0]  }
0x50a: {  	[tilespmem:v2+s2+$0x0] =	vst.idx.add.s32.msk $0xffff, v1  }
0x50b: {  	v2 =	vld [tilespmem:s8+$0x1E0]  }
0x50c: {  	[tilespmem:v6+s2+$0x0] =	vst.idx.add.s32.msk $0xffff, v1  }
0x50d: {  	[tilespmem:v4+s2+$0x0] =	vst.idx.add.s32.msk $0xffff, v1  }
0x50e: {  	[tilespmem:v5+s2+$0x0] =	vst.idx.add.s32.msk $0xffff, v1  }
0x50f: {  	v4 =	vld [tilespmem:s8+$0x150]  }
0x510: {  	v5 =	vld [tilespmem:s8+$0x50]  }
0x511: {  	[tilespmem:v3+s2+$0x0] =	vst.idx.add.s32.msk $0xffff, v1  }
0x512: {  	v3 =	vld [tilespmem:s8+$0xE0]  }
0x513: {  	[tilespmem:v2+s2+$0x0] =	vst.idx.add.s32.msk $0xffff, v1  }
0x514: {  	v2 =	vld [tilespmem:s8+$0x1F0]  }
0x515: {  	[tilespmem:v7+s2+$0x0] =	vst.idx.add.s32.msk $0xffff, v1  }
0x516: {  	[tilespmem:v8+s2+$0x0] =	vst.idx.add.s32.msk $0xffff, v1  }
0x517: {  	p0 =	por !p0, !p0;
	s6 =	simm.s32 $0x1;
	[tilespmem:v4+s2+$0x0] =	vst.idx.add.s32.msk $0xffff, v1  }
0x518: {  	s6 =	simm.s32 @!p0 $0x0;
	[tilespmem:v5+s2+$0x0] =	vst.idx.add.s32.msk $0xffff, v1  }
0x519: {  	s6 =	sshll.u32 s6, $0x9;
	v4 =	vld [tilespmem:s8+$0x160]  }
0x51a: {  	s16 =	sadd.s32 s6, s5;
	v5 =	vld [tilespmem:s8+$0x60]  }
0x51b: {  	s17 =	sadd.s32 $0x80, s16;
	s18 =	sadd.s32 $0x100, s16;
	s10 =	sadd.s32 $0x180, s16;
	[tilespmem:v3+s2+$0x0] =	vst.idx.add.s32.msk $0xffff, v1  }
0x51c: {  	s19 =	sor.u32 $0x400, s17;
	s20 =	sor.u32 $0x400, s18;
	s6 =	sor.u32 $0x400, s10;
	[tilespmem:v2+s2+$0x0] =	vst.idx.add.s32.msk $0xffff, v1  }
0x51d: {  	s22 =	sor.u32 $0x400, s16;
	s30 =	sor.u32 $0x410, s17;
	s15 =	sor.u32 $0x410, s18;
	v2 =	vld [tilespmem:s6+$0x1C700]  }
0x51e: {  	s14 =	sor.u32 $0x410, s16;
	s13 =	sor.u32 $0x420, s17;
	s11 =	sor.u32 $0x420, s18;
	v3 =	vld [tilespmem:s8+$0xF0]  }
0x51f: {  	s12 =	sor.u32 $0x420, s16;
	s9 =	sor.u32 $0x430, s17;
	s7 =	sor.u32 $0x430, s18;
	v6 =	vld [tilespmem:s29+$0x1C700]  }
0x520: {  	s6 =	sor.u32 $0x430, s16;
	s29 =	sor.u32 $0x438, s17;
	v7 =	vld [tilespmem:s0+$0x1C700];
	s0 =	sor.u32 $0x438, s18  }
0x521: {  	s16 =	sor.u32 $0x438, s16;
	[tilespmem:v4+s2+$0x0] =	vst.idx.add.s32.msk $0xffff, v1  }
0x522: {  	[tilespmem:v5+s2+$0x0] =	vst.idx.add.s32.msk $0xffff, v1  }
0x523: {  	v4 =	vld [tilespmem:s8+$0x170]  }
0x524: {  	v5 =	vld [tilespmem:s8+$0x70]  }
0x525: {  	s8 =	sor.u32 $0x410, s10;
	[tilespmem:v2+s2+$0x0] =	vst.idx.add.s32.msk $0xffff, v1  }
0x526: {  	v2 =	vld [tilespmem:s8+$0x1C700]  }
0x527: {  	[tilespmem:v3+s2+$0x0] =	vst.idx.add.s32.msk $0xffff, v1  }
0x528: {  	v3 =	vld [tilespmem:s19+$0x1C700]  }
0x529: {  	v8 =	vld [tilespmem:s1+$0x1C700];
	s1 =	smov.u32 s16  }
0x52a: {  	[tilespmem:v6+s2+$0x0] =	vst.idx.add.s32.msk vm0, v1  }
0x52b: {  	[tilespmem:v4+s2+$0x0] =	vst.idx.add.s32.msk $0xffff, v1  }
0x52c: {  	[tilespmem:v5+s2+$0x0] =	vst.idx.add.s32.msk $0xffff, v1  }
0x52d: {  	v4 =	vld [tilespmem:s20+$0x1C700]  }
0x52e: {  	s8 =	sor.u32 $0x420, s10;
	[tilespmem:v2+s2+$0x0] =	vst.idx.add.s32.msk $0xffff, v1  }
0x52f: {  	v5 =	vld [tilespmem:s8+$0x1C700]  }
0x530: {  	v6 =	vld [tilespmem:s22+$0x1C700]  }
0x531: {  	[tilespmem:v3+s2+$0x0] =	vst.idx.add.s32.msk $0xffff, v1  }
0x532: {  	v3 =	vld [tilespmem:s30+$0x1C700]  }
0x533: {  	[tilespmem:v7+s2+$0x0] =	vst.idx.add.s32.msk vm0, v1  }
0x534: {  	[tilespmem:v8+s2+$0x0] =	vst.idx.add.s32.msk vm0, v1  }
.Ltmp7:
0x535: {  	[tilespmem:v4+s2+$0x0] =	vst.idx.add.s32.msk $0xffff, v1;
	(pc) =	sbr.rel @p1 .LBB2_16-.Ltmp7, $4  }
0x536: {  	v2 =	vld [tilespmem:s15+$0x1C700]  }
0x537: {  	s8 =	sor.u32 $0x430, s10;
	[tilespmem:v5+s2+$0x0] =	vst.idx.add.s32.msk $0xffff, v1  }
0x538: {  	v4 =	vld [tilespmem:s8+$0x1C700]  }
0x539: {  	s4 =	sadd.s32 $0x200, s4;
	s5 =	sadd.s32 $0x400, s5;
	[tilespmem:v6+s2+$0x0] =	vst.idx.add.s32.msk $0xffff, v1  }
0x53a: {  	_ =	sdelay $0x1  }
0x53b: {  	v5 =	vld [tilespmem:s14+$0x1C700];
	_ =	sdelay $0x1  }
0x53c: {  	[tilespmem:v3+s2+$0x0] =	vst.idx.add.s32.msk $0xffff, v1  }
0x53d: {  	[tilespmem:v2+s2+$0x0] =	vst.idx.add.s32.msk $0xffff, v1  }
0x53e: {  	v2 =	vld [tilespmem:s13+$0x1C700]  }
0x53f: {  	v3 =	vld [tilespmem:s11+$0x1C700];
	_ =	sdelay $0x2  }
0x540: {  	[tilespmem:v5+s2+$0x0] =	vst.idx.add.s32.msk $0xffff, v1  }
0x541: {  	v5 =	vld [tilespmem:s12+$0x1C700];
	_ =	sdelay $0x2  }
0x542: {  	[tilespmem:v2+s2+$0x0] =	vst.idx.add.s32.msk $0xffff, v1  }
0x543: {  	[tilespmem:v3+s2+$0x0] =	vst.idx.add.s32.msk $0xffff, v1  }
0x544: {  	v2 =	vld [tilespmem:s9+$0x1C700]  }
0x545: {  	v3 =	vld [tilespmem:s7+$0x1C700];
	_ =	sdelay $0x1  }
0x546: {  	[tilespmem:v5+s2+$0x0] =	vst.idx.add.s32.msk $0xffff, v1  }
0x547: {  	v5 =	vld [tilespmem:s6+$0x1C700];
	_ =	sdelay $0x1  }
0x548: {  	s3 =	sor.u32 $0x438, s10;
	[tilespmem:v4+s2+$0x0] =	vst.idx.add.s32.msk $0xffff, v1  }
0x549: {  	v4 =	vld [tilespmem:s3+$0x1C700]  }
0x54a: {  	[tilespmem:v2+s2+$0x0] =	vst.idx.add.s32.msk $0xffff, v1  }
0x54b: {  	[tilespmem:v3+s2+$0x0] =	vst.idx.add.s32.msk $0xffff, v1  }
0x54c: {  	v2 =	vld [tilespmem:s29+$0x1C700]  }
0x54d: {  	v3 =	vld [tilespmem:s0+$0x1C700]  }
0x54e: {  	[tilespmem:v5+s2+$0x0] =	vst.idx.add.s32.msk $0xffff, v1  }
0x54f: {  	v5 =	vld [tilespmem:s1+$0x1C700];
	_ =	sdelay $0x4  }
0x550: {  	[tilespmem:v4+s2+$0x0] =	vst.idx.add.s32.msk vm0, v1  }
0x551: {  	[tilespmem:v2+s2+$0x0] =	vst.idx.add.s32.msk vm0, v1  }
0x552: {  	[tilespmem:v3+s2+$0x0] =	vst.idx.add.s32.msk vm0, v1  }
0x553: {  	[tilespmem:v5+s2+$0x0] =	vst.idx.add.s32.msk vm0, v1  }
0x554: {  	s11 =	simm.s32 $0x0;
	s12 =	rddreg [dreg:$0xa]  }
0x555: {  	[tilespmem:s23], [sflag:$0x3] =	stream.linear.gather [hbm4b:s12+s11], $0x2000, $0x38;
	[tilespmem:$0x1E700] =	vst v63  }
0x556: {  	s13 =	sand.u32 $0x1800, s11;
	s0 =	sand.u32 $0x200, s11;
	_ =	swait.ge [sflag:s24], $0x2000  }
0x557: {  	s1 =	sor.u32 s0, s13;
	[sflag:s24] =	ssyncset.done $0x0  }
0x558: {  	s0 =	sadd.s32 $0x18700, s1;
	[sflag:s24] =	ssyncadd.s32 $0xFFFFE000  }
0x559: {  	v2 =	vld [tilespmem:s0+$0x180];
	_ =	sdelay $0x6  }
0x55a: {  	v3 =	vld [tilespmem:s0+$0x80]  }
0x55b: {  	[tilespmem:v2+s2+$0x0] =	vst.idx.add.s32.msk $0xffff, v1  }
0x55c: {  	v2 =	vld [tilespmem:s0+$0x190];
	_ =	sdelay $0x1  }
0x55d: {  	v4 =	vld [tilespmem:s0+$0x100];
	_ =	sdelay $0x2  }
0x55e: {  	v5 =	vld [tilespmem:s1+$0x18700]  }
0x55f: {  	[tilespmem:v3+s2+$0x0] =	vst.idx.add.s32.msk $0xffff, v1  }
0x560: {  	v3 =	vld [tilespmem:s0+$0x90]  }
0x561: {  	[tilespmem:v2+s2+$0x0] =	vst.idx.add.s32.msk $0xffff, v1  }
0x562: {  	v2 =	vld [tilespmem:s0+$0x1A0]  }
0x563: {  	[tilespmem:v4+s2+$0x0] =	vst.idx.add.s32.msk $0xffff, v1  }
0x564: {  	v4 =	vld [tilespmem:s0+$0x110];
	_ =	sdelay $0x1  }
0x565: {  	[tilespmem:v5+s2+$0x0] =	vst.idx.add.s32.msk $0xffff, v1  }
0x566: {  	v5 =	vld [tilespmem:s0+$0x10]  }
0x567: {  	[tilespmem:v3+s2+$0x0] =	vst.idx.add.s32.msk $0xffff, v1  }
0x568: {  	v3 =	vld [tilespmem:s0+$0xA0]  }
0x569: {  	[tilespmem:v2+s2+$0x0] =	vst.idx.add.s32.msk $0xffff, v1  }
0x56a: {  	v2 =	vld [tilespmem:s0+$0x1B0]  }
0x56b: {  	[tilespmem:v4+s2+$0x0] =	vst.idx.add.s32.msk $0xffff, v1  }
0x56c: {  	v4 =	vld [tilespmem:s0+$0x120];
	_ =	sdelay $0x1  }
0x56d: {  	[tilespmem:v5+s2+$0x0] =	vst.idx.add.s32.msk $0xffff, v1  }
0x56e: {  	v5 =	vld [tilespmem:s0+$0x20]  }
0x56f: {  	[tilespmem:v3+s2+$0x0] =	vst.idx.add.s32.msk $0xffff, v1  }
0x570: {  	v3 =	vld [tilespmem:s0+$0xB0]  }
0x571: {  	[tilespmem:v2+s2+$0x0] =	vst.idx.add.s32.msk $0xffff, v1  }
0x572: {  	v2 =	vld [tilespmem:s0+$0x1C0]  }
0x573: {  	[tilespmem:v4+s2+$0x0] =	vst.idx.add.s32.msk $0xffff, v1  }
0x574: {  	v4 =	vld [tilespmem:s0+$0x130];
	_ =	sdelay $0x1  }
0x575: {  	[tilespmem:v5+s2+$0x0] =	vst.idx.add.s32.msk $0xffff, v1  }
0x576: {  	v5 =	vld [tilespmem:s0+$0x30]  }
0x577: {  	[tilespmem:v3+s2+$0x0] =	vst.idx.add.s32.msk $0xffff, v1  }
0x578: {  	v3 =	vld [tilespmem:s0+$0xC0]  }
0x579: {  	[tilespmem:v2+s2+$0x0] =	vst.idx.add.s32.msk $0xffff, v1  }
0x57a: {  	v2 =	vld [tilespmem:s0+$0x1D0]  }
0x57b: {  	[tilespmem:v4+s2+$0x0] =	vst.idx.add.s32.msk $0xffff, v1  }
0x57c: {  	v4 =	vld [tilespmem:s0+$0x140];
	_ =	sdelay $0x1  }
0x57d: {  	[tilespmem:v5+s2+$0x0] =	vst.idx.add.s32.msk $0xffff, v1  }
0x57e: {  	v5 =	vld [tilespmem:s0+$0x40]  }
0x57f: {  	[tilespmem:v3+s2+$0x0] =	vst.idx.add.s32.msk $0xffff, v1  }
0x580: {  	v3 =	vld [tilespmem:s0+$0xD0]  }
0x581: {  	[tilespmem:v2+s2+$0x0] =	vst.idx.add.s32.msk $0xffff, v1  }
0x582: {  	v2 =	vld [tilespmem:s0+$0x1E0]  }
0x583: {  	[tilespmem:v4+s2+$0x0] =	vst.idx.add.s32.msk $0xffff, v1  }
0x584: {  	v4 =	vld [tilespmem:s0+$0x150];
	_ =	sdelay $0x2  }
0x585: {  	[tilespmem:v5+s2+$0x0] =	vst.idx.add.s32.msk $0xffff, v1  }
0x586: {  	v5 =	vld [tilespmem:s0+$0x50]  }
0x587: {  	[tilespmem:v3+s2+$0x0] =	vst.idx.add.s32.msk $0xffff, v1  }
0x588: {  	[tilespmem:v2+s2+$0x0] =	vst.idx.add.s32.msk $0xffff, v1  }
0x589: {  	v2 =	vld [tilespmem:s0+$0x1F0]  }
0x58a: {  	[tilespmem:v4+s2+$0x0] =	vst.idx.add.s32.msk $0xffff, v1  }
0x58b: {  	v3 =	vld [tilespmem:s0+$0xE0]  }
0x58c: {  	p0 =	por $0x0, $0x0;
	s1 =	simm.s32 $0x1;
	v4 =	vld [tilespmem:s0+$0x160]  }
0x58d: {  	s1 =	simm.s32 @!p0 $0x0  }
0x58e: {  	s1 =	sshll.u32 s1, $0x9;
	[tilespmem:v5+s2+$0x0] =	vst.idx.add.s32.msk $0xffff, v1  }
0x58f: {  	s1 =	sadd.s32 $0x0, s1;
	v5 =	vld [tilespmem:s0+$0x60]  }
0x590: {  	s10 =	sadd.s32 $0x180, s1  }
0x591: {  	s14 =	sor.u32 $0x400, s10;
	[tilespmem:v2+s2+$0x0] =	vst.idx.add.s32.msk $0xffff, v1  }
0x592: {  	v2 =	vld [tilespmem:s14+$0x18700]  }
0x593: {  	[tilespmem:v3+s2+$0x0] =	vst.idx.add.s32.msk $0xffff, v1  }
0x594: {  	[tilespmem:v4+s2+$0x0] =	vst.idx.add.s32.msk $0xffff, v1  }
0x595: {  	v3 =	vld [tilespmem:s0+$0xF0]  }
0x596: {  	v4 =	vld [tilespmem:s0+$0x170]  }
0x597: {  	[tilespmem:v5+s2+$0x0] =	vst.idx.add.s32.msk $0xffff, v1  }
0x598: {  	v5 =	vld [tilespmem:s0+$0x70];
	_ =	sdelay $0x1  }
0x599: {  	s15 =	sor.u32 $0x410, s10;
	[tilespmem:v2+s2+$0x0] =	vst.idx.add.s32.msk $0xffff, v1  }
0x59a: {  	v2 =	vld [tilespmem:s15+$0x18700];
	_ =	sdelay $0x1  }
0x59b: {  	s16 =	sadd.s32 $0x80, s1;
	[tilespmem:v3+s2+$0x0] =	vst.idx.add.s32.msk $0xffff, v1  }
0x59c: {  	s17 =	sor.u32 $0x400, s16;
	[tilespmem:v4+s2+$0x0] =	vst.idx.add.s32.msk $0xffff, v1  }
0x59d: {  	s4 =	sadd.s32 $0x100, s1;
	v3 =	vld [tilespmem:s17+$0x18700]  }
0x59e: {  	s18 =	sor.u32 $0x400, s4;
	[tilespmem:v5+s2+$0x0] =	vst.idx.add.s32.msk $0xffff, v1  }
0x59f: {  	s20 =	sor.u32 $0x400, s1;
	v4 =	vld [tilespmem:s18+$0x18700]  }
0x5a0: {  	v5 =	vld [tilespmem:s20+$0x18700]  }
0x5a1: {  	s19 =	sor.u32 $0x420, s10;
	[tilespmem:v2+s2+$0x0] =	vst.idx.add.s32.msk $0xffff, v1  }
0x5a2: {  	v6 =	vld [tilespmem:s19+$0x18700];
	_ =	sdelay $0x2  }
0x5a3: {  	s22 =	sor.u32 $0x410, s16;
	[tilespmem:v3+s2+$0x0] =	vst.idx.add.s32.msk $0xffff, v1  }
0x5a4: {  	v3 =	vld [tilespmem:s22+$0x18700];
	_ =	sdelay $0x1  }
0x5a5: {  	s3 =	simm.s32 $0x0;
	s12 =	sor.u32 $0x420, s1;
	s6 =	sor.u32 $0x430, s1;
	[tilespmem:v4+s2+$0x0] =	vst.idx.add.s32.msk $0xffff, v1  }
0x5a6: {  	s5 =	sor.u32 $0x410, s4;
	s13 =	sor.u32 $0x420, s16;
	s11 =	sor.u32 $0x420, s4;
	[tilespmem:v5+s2+$0x0] =	vst.idx.add.s32.msk $0xffff, v1  }
0x5a7: {  	s9 =	sor.u32 $0x430, s16;
	s7 =	sor.u32 $0x430, s4;
	s30 =	sor.u32 $0x430, s10;
	[tilespmem:v6+s2+$0x0] =	vst.idx.add.s32.msk $0xffff, v1  }
0x5a8: {  	s29 =	sor.u32 $0x438, s16;
	s0 =	sor.u32 $0x438, s4;
	s4 =	simm.s32 $0x200;
	v4 =	vld [tilespmem:s30+$0x18700]  }
0x5a9: {  	s14 =	sor.u32 $0x410, s1;
	s1 =	sor.u32 $0x438, s1;
	v2 =	vld [tilespmem:s5+$0x18700];
	s5 =	simm.s32 $0x400  }
.LBB2_18:
0x5aa: {  	s8 =	sand.u32 $0x1800, s5;
	s15 =	sand.u32 $0x200, s4;
	s3 =	sadd.s32 $0x4, s3;
	v5 =	vld [tilespmem:s14+$0x18700]  }
0x5ab: {  	s8 =	sor.u32 s15, s8;
	p1 =	slt.u32 s3, $0x1C;
	[tilespmem:v3+s2+$0x0] =	vst.idx.add.s32.msk $0xffff, v1  }
0x5ac: {  	v3 =	vld [tilespmem:s8+$0x18700];
	s8 =	sadd.s32 $0x18700, s8  }
0x5ad: {  	v6 =	vld [tilespmem:s8+$0x180]  }
0x5ae: {  	v7 =	vld [tilespmem:s8+$0x80]  }
0x5af: {  	v8 =	vld [tilespmem:s8+$0x100]  }
0x5b0: {  	s10 =	sor.u32 $0x438, s10;
	[tilespmem:v4+s2+$0x0] =	vst.idx.add.s32.msk $0xffff, v1  }
0x5b1: {  	v4 =	vld [tilespmem:s10+$0x18700]  }
0x5b2: {  	[tilespmem:v2+s2+$0x0] =	vst.idx.add.s32.msk $0xffff, v1  }
0x5b3: {  	[tilespmem:v5+s2+$0x0] =	vst.idx.add.s32.msk $0xffff, v1  }
0x5b4: {  	[tilespmem:v3+s2+$0x0] =	vst.idx.add.s32.msk $0xffff, v1  }
0x5b5: {  	[tilespmem:v6+s2+$0x0] =	vst.idx.add.s32.msk $0xffff, v1  }
0x5b6: {  	v2 =	vld [tilespmem:s8+$0x190]  }
0x5b7: {  	[tilespmem:v7+s2+$0x0] =	vst.idx.add.s32.msk $0xffff, v1  }
0x5b8: {  	[tilespmem:v8+s2+$0x0] =	vst.idx.add.s32.msk $0xffff, v1  }
0x5b9: {  	[tilespmem:v4+s2+$0x0] =	vst.idx.add.s32.msk vm0, v1  }
0x5ba: {  	v3 =	vld [tilespmem:s8+$0x90]  }
0x5bb: {  	v4 =	vld [tilespmem:s8+$0x110]  }
0x5bc: {  	v5 =	vld [tilespmem:s8+$0x10]  }
0x5bd: {  	v6 =	vld [tilespmem:s13+$0x18700]  }
0x5be: {  	[tilespmem:v2+s2+$0x0] =	vst.idx.add.s32.msk $0xffff, v1  }
0x5bf: {  	v2 =	vld [tilespmem:s8+$0x1A0]  }
0x5c0: {  	v7 =	vld [tilespmem:s11+$0x18700]  }
0x5c1: {  	v8 =	vld [tilespmem:s12+$0x18700]  }
0x5c2: {  	[tilespmem:v3+s2+$0x0] =	vst.idx.add.s32.msk $0xffff, v1  }
0x5c3: {  	[tilespmem:v4+s2+$0x0] =	vst.idx.add.s32.msk $0xffff, v1  }
0x5c4: {  	[tilespmem:v5+s2+$0x0] =	vst.idx.add.s32.msk $0xffff, v1  }
0x5c5: {  	v3 =	vld [tilespmem:s8+$0xA0]  }
0x5c6: {  	v4 =	vld [tilespmem:s8+$0x120]  }
0x5c7: {  	[tilespmem:v2+s2+$0x0] =	vst.idx.add.s32.msk $0xffff, v1  }
0x5c8: {  	v2 =	vld [tilespmem:s8+$0x1B0]  }
0x5c9: {  	v5 =	vld [tilespmem:s8+$0x20]  }
0x5ca: {  	[tilespmem:v6+s2+$0x0] =	vst.idx.add.s32.msk $0xffff, v1  }
0x5cb: {  	[tilespmem:v7+s2+$0x0] =	vst.idx.add.s32.msk $0xffff, v1  }
0x5cc: {  	[tilespmem:v8+s2+$0x0] =	vst.idx.add.s32.msk $0xffff, v1  }
0x5cd: {  	[tilespmem:v3+s2+$0x0] =	vst.idx.add.s32.msk $0xffff, v1  }
0x5ce: {  	[tilespmem:v4+s2+$0x0] =	vst.idx.add.s32.msk $0xffff, v1  }
0x5cf: {  	v3 =	vld [tilespmem:s8+$0xB0]  }
0x5d0: {  	[tilespmem:v2+s2+$0x0] =	vst.idx.add.s32.msk $0xffff, v1  }
0x5d1: {  	v2 =	vld [tilespmem:s8+$0x1C0]  }
0x5d2: {  	[tilespmem:v5+s2+$0x0] =	vst.idx.add.s32.msk $0xffff, v1  }
0x5d3: {  	v4 =	vld [tilespmem:s8+$0x130]  }
0x5d4: {  	v5 =	vld [tilespmem:s8+$0x30]  }
0x5d5: {  	v6 =	vld [tilespmem:s9+$0x18700]  }
0x5d6: {  	v7 =	vld [tilespmem:s7+$0x18700]  }
0x5d7: {  	[tilespmem:v3+s2+$0x0] =	vst.idx.add.s32.msk $0xffff, v1  }
0x5d8: {  	v3 =	vld [tilespmem:s8+$0xC0]  }
0x5d9: {  	[tilespmem:v2+s2+$0x0] =	vst.idx.add.s32.msk $0xffff, v1  }
0x5da: {  	v2 =	vld [tilespmem:s8+$0x1D0]  }
0x5db: {  	[tilespmem:v4+s2+$0x0] =	vst.idx.add.s32.msk $0xffff, v1  }
0x5dc: {  	[tilespmem:v5+s2+$0x0] =	vst.idx.add.s32.msk $0xffff, v1  }
0x5dd: {  	v4 =	vld [tilespmem:s8+$0x140]  }
0x5de: {  	v5 =	vld [tilespmem:s8+$0x40]  }
0x5df: {  	v8 =	vld [tilespmem:s6+$0x18700]  }
0x5e0: {  	[tilespmem:v3+s2+$0x0] =	vst.idx.add.s32.msk $0xffff, v1  }
0x5e1: {  	v3 =	vld [tilespmem:s8+$0xD0]  }
0x5e2: {  	[tilespmem:v2+s2+$0x0] =	vst.idx.add.s32.msk $0xffff, v1  }
0x5e3: {  	v2 =	vld [tilespmem:s8+$0x1E0]  }
0x5e4: {  	[tilespmem:v6+s2+$0x0] =	vst.idx.add.s32.msk $0xffff, v1  }
0x5e5: {  	[tilespmem:v4+s2+$0x0] =	vst.idx.add.s32.msk $0xffff, v1  }
0x5e6: {  	[tilespmem:v5+s2+$0x0] =	vst.idx.add.s32.msk $0xffff, v1  }
0x5e7: {  	v4 =	vld [tilespmem:s8+$0x150]  }
0x5e8: {  	v5 =	vld [tilespmem:s8+$0x50]  }
0x5e9: {  	[tilespmem:v3+s2+$0x0] =	vst.idx.add.s32.msk $0xffff, v1  }
0x5ea: {  	v3 =	vld [tilespmem:s8+$0xE0]  }
0x5eb: {  	[tilespmem:v2+s2+$0x0] =	vst.idx.add.s32.msk $0xffff, v1  }
0x5ec: {  	v2 =	vld [tilespmem:s8+$0x1F0]  }
0x5ed: {  	[tilespmem:v7+s2+$0x0] =	vst.idx.add.s32.msk $0xffff, v1  }
0x5ee: {  	[tilespmem:v8+s2+$0x0] =	vst.idx.add.s32.msk $0xffff, v1  }
0x5ef: {  	p0 =	por !p0, !p0;
	s6 =	simm.s32 $0x1;
	[tilespmem:v4+s2+$0x0] =	vst.idx.add.s32.msk $0xffff, v1  }
0x5f0: {  	s6 =	simm.s32 @!p0 $0x0;
	[tilespmem:v5+s2+$0x0] =	vst.idx.add.s32.msk $0xffff, v1  }
0x5f1: {  	s6 =	sshll.u32 s6, $0x9;
	v4 =	vld [tilespmem:s8+$0x160]  }
0x5f2: {  	s16 =	sadd.s32 s6, s5;
	v5 =	vld [tilespmem:s8+$0x60]  }
0x5f3: {  	s17 =	sadd.s32 $0x80, s16;
	s18 =	sadd.s32 $0x100, s16;
	s10 =	sadd.s32 $0x180, s16;
	[tilespmem:v3+s2+$0x0] =	vst.idx.add.s32.msk $0xffff, v1  }
0x5f4: {  	s19 =	sor.u32 $0x400, s17;
	s20 =	sor.u32 $0x400, s18;
	s6 =	sor.u32 $0x400, s10;
	[tilespmem:v2+s2+$0x0] =	vst.idx.add.s32.msk $0xffff, v1  }
0x5f5: {  	s22 =	sor.u32 $0x400, s16;
	s30 =	sor.u32 $0x410, s17;
	s15 =	sor.u32 $0x410, s18;
	v2 =	vld [tilespmem:s6+$0x18700]  }
0x5f6: {  	s14 =	sor.u32 $0x410, s16;
	s13 =	sor.u32 $0x420, s17;
	s11 =	sor.u32 $0x420, s18;
	v3 =	vld [tilespmem:s8+$0xF0]  }
0x5f7: {  	s12 =	sor.u32 $0x420, s16;
	s9 =	sor.u32 $0x430, s17;
	s7 =	sor.u32 $0x430, s18;
	v6 =	vld [tilespmem:s29+$0x18700]  }
0x5f8: {  	s6 =	sor.u32 $0x430, s16;
	s29 =	sor.u32 $0x438, s17;
	v7 =	vld [tilespmem:s0+$0x18700];
	s0 =	sor.u32 $0x438, s18  }
0x5f9: {  	s16 =	sor.u32 $0x438, s16;
	[tilespmem:v4+s2+$0x0] =	vst.idx.add.s32.msk $0xffff, v1  }
0x5fa: {  	[tilespmem:v5+s2+$0x0] =	vst.idx.add.s32.msk $0xffff, v1  }
0x5fb: {  	v4 =	vld [tilespmem:s8+$0x170]  }
0x5fc: {  	v5 =	vld [tilespmem:s8+$0x70]  }
0x5fd: {  	s8 =	sor.u32 $0x410, s10;
	[tilespmem:v2+s2+$0x0] =	vst.idx.add.s32.msk $0xffff, v1  }
0x5fe: {  	v2 =	vld [tilespmem:s8+$0x18700]  }
0x5ff: {  	[tilespmem:v3+s2+$0x0] =	vst.idx.add.s32.msk $0xffff, v1  }
0x600: {  	v3 =	vld [tilespmem:s19+$0x18700]  }
0x601: {  	v8 =	vld [tilespmem:s1+$0x18700];
	s1 =	smov.u32 s16  }
0x602: {  	[tilespmem:v6+s2+$0x0] =	vst.idx.add.s32.msk vm0, v1  }
0x603: {  	[tilespmem:v4+s2+$0x0] =	vst.idx.add.s32.msk $0xffff, v1  }
0x604: {  	[tilespmem:v5+s2+$0x0] =	vst.idx.add.s32.msk $0xffff, v1  }
0x605: {  	v4 =	vld [tilespmem:s20+$0x18700]  }
0x606: {  	s8 =	sor.u32 $0x420, s10;
	[tilespmem:v2+s2+$0x0] =	vst.idx.add.s32.msk $0xffff, v1  }
0x607: {  	v5 =	vld [tilespmem:s8+$0x18700]  }
0x608: {  	v6 =	vld [tilespmem:s22+$0x18700]  }
0x609: {  	[tilespmem:v3+s2+$0x0] =	vst.idx.add.s32.msk $0xffff, v1  }
0x60a: {  	v3 =	vld [tilespmem:s30+$0x18700]  }
0x60b: {  	[tilespmem:v7+s2+$0x0] =	vst.idx.add.s32.msk vm0, v1  }
0x60c: {  	[tilespmem:v8+s2+$0x0] =	vst.idx.add.s32.msk vm0, v1  }
.Ltmp8:
0x60d: {  	[tilespmem:v4+s2+$0x0] =	vst.idx.add.s32.msk $0xffff, v1;
	(pc) =	sbr.rel @p1 .LBB2_18-.Ltmp8, $4  }
0x60e: {  	v2 =	vld [tilespmem:s15+$0x18700]  }
0x60f: {  	s8 =	sor.u32 $0x430, s10;
	[tilespmem:v5+s2+$0x0] =	vst.idx.add.s32.msk $0xffff, v1  }
0x610: {  	v4 =	vld [tilespmem:s8+$0x18700]  }
0x611: {  	s4 =	sadd.s32 $0x200, s4;
	s5 =	sadd.s32 $0x400, s5;
	[tilespmem:v6+s2+$0x0] =	vst.idx.add.s32.msk $0xffff, v1  }
0x612: {  	_ =	sdelay $0x1  }
0x613: {  	v5 =	vld [tilespmem:s14+$0x18700];
	_ =	sdelay $0x1  }
0x614: {  	[tilespmem:v3+s2+$0x0] =	vst.idx.add.s32.msk $0xffff, v1  }
0x615: {  	[tilespmem:v2+s2+$0x0] =	vst.idx.add.s32.msk $0xffff, v1  }
0x616: {  	v2 =	vld [tilespmem:s13+$0x18700]  }
0x617: {  	v3 =	vld [tilespmem:s11+$0x18700];
	_ =	sdelay $0x2  }
0x618: {  	[tilespmem:v5+s2+$0x0] =	vst.idx.add.s32.msk $0xffff, v1  }
0x619: {  	v5 =	vld [tilespmem:s12+$0x18700];
	_ =	sdelay $0x2  }
0x61a: {  	[tilespmem:v2+s2+$0x0] =	vst.idx.add.s32.msk $0xffff, v1  }
0x61b: {  	[tilespmem:v3+s2+$0x0] =	vst.idx.add.s32.msk $0xffff, v1  }
0x61c: {  	v2 =	vld [tilespmem:s9+$0x18700]  }
0x61d: {  	v3 =	vld [tilespmem:s7+$0x18700];
	_ =	sdelay $0x1  }
0x61e: {  	[tilespmem:v5+s2+$0x0] =	vst.idx.add.s32.msk $0xffff, v1  }
0x61f: {  	v5 =	vld [tilespmem:s6+$0x18700];
	_ =	sdelay $0x1  }
0x620: {  	s3 =	sor.u32 $0x438, s10;
	[tilespmem:v4+s2+$0x0] =	vst.idx.add.s32.msk $0xffff, v1  }
0x621: {  	v4 =	vld [tilespmem:s3+$0x18700]  }
0x622: {  	[tilespmem:v2+s2+$0x0] =	vst.idx.add.s32.msk $0xffff, v1  }
0x623: {  	[tilespmem:v3+s2+$0x0] =	vst.idx.add.s32.msk $0xffff, v1  }
0x624: {  	v2 =	vld [tilespmem:s29+$0x18700]  }
0x625: {  	v3 =	vld [tilespmem:s0+$0x18700]  }
0x626: {  	[tilespmem:v5+s2+$0x0] =	vst.idx.add.s32.msk $0xffff, v1  }
0x627: {  	v5 =	vld [tilespmem:s1+$0x18700];
	_ =	sdelay $0x4  }
0x628: {  	[tilespmem:v4+s2+$0x0] =	vst.idx.add.s32.msk vm0, v1  }
0x629: {  	[tilespmem:v2+s2+$0x0] =	vst.idx.add.s32.msk vm0, v1  }
0x62a: {  	[tilespmem:v3+s2+$0x0] =	vst.idx.add.s32.msk vm0, v1  }
0x62b: {  	[tilespmem:v5+s2+$0x0] =	vst.idx.add.s32.msk vm0, v1  }
0x62c: {  	s11 =	simm.s32 $0x0;
	s12 =	rddreg [dreg:$0xb]  }
0x62d: {  	[tilespmem:s21], [sflag:$0x1] =	stream.linear.gather [hbm4b:s12+s11], $0x2000, $0x38;
	[tilespmem:$0x1E700] =	vst v63  }
0x62e: {  	s13 =	sand.u32 $0x1800, s11;
	s0 =	sand.u32 $0x200, s11;
	_ =	swait.ge [sflag:s25], $0x2000  }
0x62f: {  	s1 =	sor.u32 s0, s13;
	[sflag:s25] =	ssyncset.done $0x0  }
0x630: {  	s0 =	sadd.s32 $0x1A700, s1;
	[sflag:s25] =	ssyncadd.s32 $0xFFFFE000  }
0x631: {  	v2 =	vld [tilespmem:s0+$0x180];
	_ =	sdelay $0x6  }
0x632: {  	v3 =	vld [tilespmem:s0+$0x80]  }
0x633: {  	[tilespmem:v2+s2+$0x0] =	vst.idx.add.s32.msk $0xffff, v1  }
0x634: {  	v2 =	vld [tilespmem:s0+$0x190];
	_ =	sdelay $0x1  }
0x635: {  	v4 =	vld [tilespmem:s0+$0x100];
	_ =	sdelay $0x2  }
0x636: {  	v5 =	vld [tilespmem:s1+$0x1A700]  }
0x637: {  	[tilespmem:v3+s2+$0x0] =	vst.idx.add.s32.msk $0xffff, v1  }
0x638: {  	v3 =	vld [tilespmem:s0+$0x90]  }
0x639: {  	[tilespmem:v2+s2+$0x0] =	vst.idx.add.s32.msk $0xffff, v1  }
0x63a: {  	v2 =	vld [tilespmem:s0+$0x1A0]  }
0x63b: {  	[tilespmem:v4+s2+$0x0] =	vst.idx.add.s32.msk $0xffff, v1  }
0x63c: {  	v4 =	vld [tilespmem:s0+$0x110];
	_ =	sdelay $0x1  }
0x63d: {  	[tilespmem:v5+s2+$0x0] =	vst.idx.add.s32.msk $0xffff, v1  }
0x63e: {  	v5 =	vld [tilespmem:s0+$0x10]  }
0x63f: {  	[tilespmem:v3+s2+$0x0] =	vst.idx.add.s32.msk $0xffff, v1  }
0x640: {  	v3 =	vld [tilespmem:s0+$0xA0]  }
0x641: {  	[tilespmem:v2+s2+$0x0] =	vst.idx.add.s32.msk $0xffff, v1  }
0x642: {  	v2 =	vld [tilespmem:s0+$0x1B0]  }
0x643: {  	[tilespmem:v4+s2+$0x0] =	vst.idx.add.s32.msk $0xffff, v1  }
0x644: {  	v4 =	vld [tilespmem:s0+$0x120];
	_ =	sdelay $0x1  }
0x645: {  	[tilespmem:v5+s2+$0x0] =	vst.idx.add.s32.msk $0xffff, v1  }
0x646: {  	v5 =	vld [tilespmem:s0+$0x20]  }
0x647: {  	[tilespmem:v3+s2+$0x0] =	vst.idx.add.s32.msk $0xffff, v1  }
0x648: {  	v3 =	vld [tilespmem:s0+$0xB0]  }
0x649: {  	[tilespmem:v2+s2+$0x0] =	vst.idx.add.s32.msk $0xffff, v1  }
0x64a: {  	v2 =	vld [tilespmem:s0+$0x1C0]  }
0x64b: {  	[tilespmem:v4+s2+$0x0] =	vst.idx.add.s32.msk $0xffff, v1  }
0x64c: {  	v4 =	vld [tilespmem:s0+$0x130];
	_ =	sdelay $0x1  }
0x64d: {  	[tilespmem:v5+s2+$0x0] =	vst.idx.add.s32.msk $0xffff, v1  }
0x64e: {  	v5 =	vld [tilespmem:s0+$0x30]  }
0x64f: {  	[tilespmem:v3+s2+$0x0] =	vst.idx.add.s32.msk $0xffff, v1  }
0x650: {  	v3 =	vld [tilespmem:s0+$0xC0]  }
0x651: {  	[tilespmem:v2+s2+$0x0] =	vst.idx.add.s32.msk $0xffff, v1  }
0x652: {  	v2 =	vld [tilespmem:s0+$0x1D0]  }
0x653: {  	[tilespmem:v4+s2+$0x0] =	vst.idx.add.s32.msk $0xffff, v1  }
0x654: {  	v4 =	vld [tilespmem:s0+$0x140];
	_ =	sdelay $0x1  }
0x655: {  	[tilespmem:v5+s2+$0x0] =	vst.idx.add.s32.msk $0xffff, v1  }
0x656: {  	v5 =	vld [tilespmem:s0+$0x40]  }
0x657: {  	[tilespmem:v3+s2+$0x0] =	vst.idx.add.s32.msk $0xffff, v1  }
0x658: {  	v3 =	vld [tilespmem:s0+$0xD0]  }
0x659: {  	[tilespmem:v2+s2+$0x0] =	vst.idx.add.s32.msk $0xffff, v1  }
0x65a: {  	v2 =	vld [tilespmem:s0+$0x1E0]  }
0x65b: {  	[tilespmem:v4+s2+$0x0] =	vst.idx.add.s32.msk $0xffff, v1  }
0x65c: {  	v4 =	vld [tilespmem:s0+$0x150];
	_ =	sdelay $0x2  }
0x65d: {  	[tilespmem:v5+s2+$0x0] =	vst.idx.add.s32.msk $0xffff, v1  }
0x65e: {  	v5 =	vld [tilespmem:s0+$0x50]  }
0x65f: {  	[tilespmem:v3+s2+$0x0] =	vst.idx.add.s32.msk $0xffff, v1  }
0x660: {  	[tilespmem:v2+s2+$0x0] =	vst.idx.add.s32.msk $0xffff, v1  }
0x661: {  	v2 =	vld [tilespmem:s0+$0x1F0]  }
0x662: {  	[tilespmem:v4+s2+$0x0] =	vst.idx.add.s32.msk $0xffff, v1  }
0x663: {  	v3 =	vld [tilespmem:s0+$0xE0]  }
0x664: {  	p0 =	por $0x0, $0x0;
	s1 =	simm.s32 $0x1;
	v4 =	vld [tilespmem:s0+$0x160]  }
0x665: {  	s1 =	simm.s32 @!p0 $0x0  }
0x666: {  	s1 =	sshll.u32 s1, $0x9;
	[tilespmem:v5+s2+$0x0] =	vst.idx.add.s32.msk $0xffff, v1  }
0x667: {  	s1 =	sadd.s32 $0x0, s1;
	v5 =	vld [tilespmem:s0+$0x60]  }
0x668: {  	s10 =	sadd.s32 $0x180, s1  }
0x669: {  	s14 =	sor.u32 $0x400, s10;
	[tilespmem:v2+s2+$0x0] =	vst.idx.add.s32.msk $0xffff, v1  }
0x66a: {  	v2 =	vld [tilespmem:s14+$0x1A700]  }
0x66b: {  	[tilespmem:v3+s2+$0x0] =	vst.idx.add.s32.msk $0xffff, v1  }
0x66c: {  	[tilespmem:v4+s2+$0x0] =	vst.idx.add.s32.msk $0xffff, v1  }
0x66d: {  	v3 =	vld [tilespmem:s0+$0xF0]  }
0x66e: {  	v4 =	vld [tilespmem:s0+$0x170]  }
0x66f: {  	[tilespmem:v5+s2+$0x0] =	vst.idx.add.s32.msk $0xffff, v1  }
0x670: {  	v5 =	vld [tilespmem:s0+$0x70];
	_ =	sdelay $0x1  }
0x671: {  	s15 =	sor.u32 $0x410, s10;
	[tilespmem:v2+s2+$0x0] =	vst.idx.add.s32.msk $0xffff, v1  }
0x672: {  	v2 =	vld [tilespmem:s15+$0x1A700];
	_ =	sdelay $0x1  }
0x673: {  	s16 =	sadd.s32 $0x80, s1;
	[tilespmem:v3+s2+$0x0] =	vst.idx.add.s32.msk $0xffff, v1  }
0x674: {  	s17 =	sor.u32 $0x400, s16;
	[tilespmem:v4+s2+$0x0] =	vst.idx.add.s32.msk $0xffff, v1  }
0x675: {  	s4 =	sadd.s32 $0x100, s1;
	v3 =	vld [tilespmem:s17+$0x1A700]  }
0x676: {  	s18 =	sor.u32 $0x400, s4;
	[tilespmem:v5+s2+$0x0] =	vst.idx.add.s32.msk $0xffff, v1  }
0x677: {  	s20 =	sor.u32 $0x400, s1;
	v4 =	vld [tilespmem:s18+$0x1A700]  }
0x678: {  	v5 =	vld [tilespmem:s20+$0x1A700]  }
0x679: {  	s19 =	sor.u32 $0x420, s10;
	[tilespmem:v2+s2+$0x0] =	vst.idx.add.s32.msk $0xffff, v1  }
0x67a: {  	v6 =	vld [tilespmem:s19+$0x1A700];
	_ =	sdelay $0x2  }
0x67b: {  	s22 =	sor.u32 $0x410, s16;
	[tilespmem:v3+s2+$0x0] =	vst.idx.add.s32.msk $0xffff, v1  }
0x67c: {  	v3 =	vld [tilespmem:s22+$0x1A700];
	_ =	sdelay $0x1  }
0x67d: {  	s3 =	simm.s32 $0x0;
	s12 =	sor.u32 $0x420, s1;
	s6 =	sor.u32 $0x430, s1;
	[tilespmem:v4+s2+$0x0] =	vst.idx.add.s32.msk $0xffff, v1  }
0x67e: {  	s5 =	sor.u32 $0x410, s4;
	s13 =	sor.u32 $0x420, s16;
	s11 =	sor.u32 $0x420, s4;
	[tilespmem:v5+s2+$0x0] =	vst.idx.add.s32.msk $0xffff, v1  }
0x67f: {  	s9 =	sor.u32 $0x430, s16;
	s7 =	sor.u32 $0x430, s4;
	s30 =	sor.u32 $0x430, s10;
	[tilespmem:v6+s2+$0x0] =	vst.idx.add.s32.msk $0xffff, v1  }
0x680: {  	s29 =	sor.u32 $0x438, s16;
	s0 =	sor.u32 $0x438, s4;
	s4 =	simm.s32 $0x200;
	v4 =	vld [tilespmem:s30+$0x1A700]  }
0x681: {  	s14 =	sor.u32 $0x410, s1;
	s1 =	sor.u32 $0x438, s1;
	v2 =	vld [tilespmem:s5+$0x1A700];
	s5 =	simm.s32 $0x400  }
.LBB2_20:
0x682: {  	s8 =	sand.u32 $0x1800, s5;
	s15 =	sand.u32 $0x200, s4;
	s3 =	sadd.s32 $0x4, s3;
	v5 =	vld [tilespmem:s14+$0x1A700]  }
0x683: {  	s8 =	sor.u32 s15, s8;
	p1 =	slt.u32 s3, $0x1C;
	[tilespmem:v3+s2+$0x0] =	vst.idx.add.s32.msk $0xffff, v1  }
0x684: {  	v3 =	vld [tilespmem:s8+$0x1A700];
	s8 =	sadd.s32 $0x1A700, s8  }
0x685: {  	v6 =	vld [tilespmem:s8+$0x180]  }
0x686: {  	v7 =	vld [tilespmem:s8+$0x80]  }
0x687: {  	v8 =	vld [tilespmem:s8+$0x100]  }
0x688: {  	s10 =	sor.u32 $0x438, s10;
	[tilespmem:v4+s2+$0x0] =	vst.idx.add.s32.msk $0xffff, v1  }
0x689: {  	v4 =	vld [tilespmem:s10+$0x1A700]  }
0x68a: {  	[tilespmem:v2+s2+$0x0] =	vst.idx.add.s32.msk $0xffff, v1  }
0x68b: {  	[tilespmem:v5+s2+$0x0] =	vst.idx.add.s32.msk $0xffff, v1  }
0x68c: {  	[tilespmem:v3+s2+$0x0] =	vst.idx.add.s32.msk $0xffff, v1  }
0x68d: {  	[tilespmem:v6+s2+$0x0] =	vst.idx.add.s32.msk $0xffff, v1  }
0x68e: {  	v2 =	vld [tilespmem:s8+$0x190]  }
0x68f: {  	[tilespmem:v7+s2+$0x0] =	vst.idx.add.s32.msk $0xffff, v1  }
0x690: {  	[tilespmem:v8+s2+$0x0] =	vst.idx.add.s32.msk $0xffff, v1  }
0x691: {  	[tilespmem:v4+s2+$0x0] =	vst.idx.add.s32.msk vm0, v1  }
0x692: {  	v3 =	vld [tilespmem:s8+$0x90]  }
0x693: {  	v4 =	vld [tilespmem:s8+$0x110]  }
0x694: {  	v5 =	vld [tilespmem:s8+$0x10]  }
0x695: {  	v6 =	vld [tilespmem:s13+$0x1A700]  }
0x696: {  	[tilespmem:v2+s2+$0x0] =	vst.idx.add.s32.msk $0xffff, v1  }
0x697: {  	v2 =	vld [tilespmem:s8+$0x1A0]  }
0x698: {  	v7 =	vld [tilespmem:s11+$0x1A700]  }
0x699: {  	v8 =	vld [tilespmem:s12+$0x1A700]  }
0x69a: {  	[tilespmem:v3+s2+$0x0] =	vst.idx.add.s32.msk $0xffff, v1  }
0x69b: {  	[tilespmem:v4+s2+$0x0] =	vst.idx.add.s32.msk $0xffff, v1  }
0x69c: {  	[tilespmem:v5+s2+$0x0] =	vst.idx.add.s32.msk $0xffff, v1  }
0x69d: {  	v3 =	vld [tilespmem:s8+$0xA0]  }
0x69e: {  	v4 =	vld [tilespmem:s8+$0x120]  }
0x69f: {  	[tilespmem:v2+s2+$0x0] =	vst.idx.add.s32.msk $0xffff, v1  }
0x6a0: {  	v2 =	vld [tilespmem:s8+$0x1B0]  }
0x6a1: {  	v5 =	vld [tilespmem:s8+$0x20]  }
0x6a2: {  	[tilespmem:v6+s2+$0x0] =	vst.idx.add.s32.msk $0xffff, v1  }
0x6a3: {  	[tilespmem:v7+s2+$0x0] =	vst.idx.add.s32.msk $0xffff, v1  }
0x6a4: {  	[tilespmem:v8+s2+$0x0] =	vst.idx.add.s32.msk $0xffff, v1  }
0x6a5: {  	[tilespmem:v3+s2+$0x0] =	vst.idx.add.s32.msk $0xffff, v1  }
0x6a6: {  	[tilespmem:v4+s2+$0x0] =	vst.idx.add.s32.msk $0xffff, v1  }
0x6a7: {  	v3 =	vld [tilespmem:s8+$0xB0]  }
0x6a8: {  	[tilespmem:v2+s2+$0x0] =	vst.idx.add.s32.msk $0xffff, v1  }
0x6a9: {  	v2 =	vld [tilespmem:s8+$0x1C0]  }
0x6aa: {  	[tilespmem:v5+s2+$0x0] =	vst.idx.add.s32.msk $0xffff, v1  }
0x6ab: {  	v4 =	vld [tilespmem:s8+$0x130]  }
0x6ac: {  	v5 =	vld [tilespmem:s8+$0x30]  }
0x6ad: {  	v6 =	vld [tilespmem:s9+$0x1A700]  }
0x6ae: {  	v7 =	vld [tilespmem:s7+$0x1A700]  }
0x6af: {  	[tilespmem:v3+s2+$0x0] =	vst.idx.add.s32.msk $0xffff, v1  }
0x6b0: {  	v3 =	vld [tilespmem:s8+$0xC0]  }
0x6b1: {  	[tilespmem:v2+s2+$0x0] =	vst.idx.add.s32.msk $0xffff, v1  }
0x6b2: {  	v2 =	vld [tilespmem:s8+$0x1D0]  }
0x6b3: {  	[tilespmem:v4+s2+$0x0] =	vst.idx.add.s32.msk $0xffff, v1  }
0x6b4: {  	[tilespmem:v5+s2+$0x0] =	vst.idx.add.s32.msk $0xffff, v1  }
0x6b5: {  	v4 =	vld [tilespmem:s8+$0x140]  }
0x6b6: {  	v5 =	vld [tilespmem:s8+$0x40]  }
0x6b7: {  	v8 =	vld [tilespmem:s6+$0x1A700]  }
0x6b8: {  	[tilespmem:v3+s2+$0x0] =	vst.idx.add.s32.msk $0xffff, v1  }
0x6b9: {  	v3 =	vld [tilespmem:s8+$0xD0]  }
0x6ba: {  	[tilespmem:v2+s2+$0x0] =	vst.idx.add.s32.msk $0xffff, v1  }
0x6bb: {  	v2 =	vld [tilespmem:s8+$0x1E0]  }
0x6bc: {  	[tilespmem:v6+s2+$0x0] =	vst.idx.add.s32.msk $0xffff, v1  }
0x6bd: {  	[tilespmem:v4+s2+$0x0] =	vst.idx.add.s32.msk $0xffff, v1  }
0x6be: {  	[tilespmem:v5+s2+$0x0] =	vst.idx.add.s32.msk $0xffff, v1  }
0x6bf: {  	v4 =	vld [tilespmem:s8+$0x150]  }
0x6c0: {  	v5 =	vld [tilespmem:s8+$0x50]  }
0x6c1: {  	[tilespmem:v3+s2+$0x0] =	vst.idx.add.s32.msk $0xffff, v1  }
0x6c2: {  	v3 =	vld [tilespmem:s8+$0xE0]  }
0x6c3: {  	[tilespmem:v2+s2+$0x0] =	vst.idx.add.s32.msk $0xffff, v1  }
0x6c4: {  	v2 =	vld [tilespmem:s8+$0x1F0]  }
0x6c5: {  	[tilespmem:v7+s2+$0x0] =	vst.idx.add.s32.msk $0xffff, v1  }
0x6c6: {  	[tilespmem:v8+s2+$0x0] =	vst.idx.add.s32.msk $0xffff, v1  }
0x6c7: {  	p0 =	por !p0, !p0;
	s6 =	simm.s32 $0x1;
	[tilespmem:v4+s2+$0x0] =	vst.idx.add.s32.msk $0xffff, v1  }
0x6c8: {  	s6 =	simm.s32 @!p0 $0x0;
	[tilespmem:v5+s2+$0x0] =	vst.idx.add.s32.msk $0xffff, v1  }
0x6c9: {  	s6 =	sshll.u32 s6, $0x9;
	v4 =	vld [tilespmem:s8+$0x160]  }
0x6ca: {  	s16 =	sadd.s32 s6, s5;
	v5 =	vld [tilespmem:s8+$0x60]  }
0x6cb: {  	s17 =	sadd.s32 $0x80, s16;
	s18 =	sadd.s32 $0x100, s16;
	s10 =	sadd.s32 $0x180, s16;
	[tilespmem:v3+s2+$0x0] =	vst.idx.add.s32.msk $0xffff, v1  }
0x6cc: {  	s19 =	sor.u32 $0x400, s17;
	s20 =	sor.u32 $0x400, s18;
	s6 =	sor.u32 $0x400, s10;
	[tilespmem:v2+s2+$0x0] =	vst.idx.add.s32.msk $0xffff, v1  }
0x6cd: {  	s22 =	sor.u32 $0x400, s16;
	s30 =	sor.u32 $0x410, s17;
	s15 =	sor.u32 $0x410, s18;
	v2 =	vld [tilespmem:s6+$0x1A700]  }
0x6ce: {  	s14 =	sor.u32 $0x410, s16;
	s13 =	sor.u32 $0x420, s17;
	s11 =	sor.u32 $0x420, s18;
	v3 =	vld [tilespmem:s8+$0xF0]  }
0x6cf: {  	s12 =	sor.u32 $0x420, s16;
	s9 =	sor.u32 $0x430, s17;
	s7 =	sor.u32 $0x430, s18;
	v6 =	vld [tilespmem:s29+$0x1A700]  }
0x6d0: {  	s6 =	sor.u32 $0x430, s16;
	s29 =	sor.u32 $0x438, s17;
	v7 =	vld [tilespmem:s0+$0x1A700];
	s0 =	sor.u32 $0x438, s18  }
0x6d1: {  	s16 =	sor.u32 $0x438, s16;
	[tilespmem:v4+s2+$0x0] =	vst.idx.add.s32.msk $0xffff, v1  }
0x6d2: {  	[tilespmem:v5+s2+$0x0] =	vst.idx.add.s32.msk $0xffff, v1  }
0x6d3: {  	v4 =	vld [tilespmem:s8+$0x170]  }
0x6d4: {  	v5 =	vld [tilespmem:s8+$0x70]  }
0x6d5: {  	s8 =	sor.u32 $0x410, s10;
	[tilespmem:v2+s2+$0x0] =	vst.idx.add.s32.msk $0xffff, v1  }
0x6d6: {  	v2 =	vld [tilespmem:s8+$0x1A700]  }
0x6d7: {  	[tilespmem:v3+s2+$0x0] =	vst.idx.add.s32.msk $0xffff, v1  }
0x6d8: {  	v3 =	vld [tilespmem:s19+$0x1A700]  }
0x6d9: {  	v8 =	vld [tilespmem:s1+$0x1A700];
	s1 =	smov.u32 s16  }
0x6da: {  	[tilespmem:v6+s2+$0x0] =	vst.idx.add.s32.msk vm0, v1  }
0x6db: {  	[tilespmem:v4+s2+$0x0] =	vst.idx.add.s32.msk $0xffff, v1  }
0x6dc: {  	[tilespmem:v5+s2+$0x0] =	vst.idx.add.s32.msk $0xffff, v1  }
0x6dd: {  	v4 =	vld [tilespmem:s20+$0x1A700]  }
0x6de: {  	s8 =	sor.u32 $0x420, s10;
	[tilespmem:v2+s2+$0x0] =	vst.idx.add.s32.msk $0xffff, v1  }
0x6df: {  	v5 =	vld [tilespmem:s8+$0x1A700]  }
0x6e0: {  	v6 =	vld [tilespmem:s22+$0x1A700]  }
0x6e1: {  	[tilespmem:v3+s2+$0x0] =	vst.idx.add.s32.msk $0xffff, v1  }
0x6e2: {  	v3 =	vld [tilespmem:s30+$0x1A700]  }
0x6e3: {  	[tilespmem:v7+s2+$0x0] =	vst.idx.add.s32.msk vm0, v1  }
0x6e4: {  	[tilespmem:v8+s2+$0x0] =	vst.idx.add.s32.msk vm0, v1  }
.Ltmp9:
0x6e5: {  	[tilespmem:v4+s2+$0x0] =	vst.idx.add.s32.msk $0xffff, v1;
	(pc) =	sbr.rel @p1 .LBB2_20-.Ltmp9, $4  }
0x6e6: {  	v2 =	vld [tilespmem:s15+$0x1A700]  }
0x6e7: {  	s8 =	sor.u32 $0x430, s10;
	[tilespmem:v5+s2+$0x0] =	vst.idx.add.s32.msk $0xffff, v1  }
0x6e8: {  	v4 =	vld [tilespmem:s8+$0x1A700]  }
0x6e9: {  	s4 =	sadd.s32 $0x200, s4;
	s5 =	sadd.s32 $0x400, s5;
	[tilespmem:v6+s2+$0x0] =	vst.idx.add.s32.msk $0xffff, v1  }
0x6ea: {  	_ =	sdelay $0x1  }
0x6eb: {  	v5 =	vld [tilespmem:s14+$0x1A700];
	_ =	sdelay $0x1  }
0x6ec: {  	[tilespmem:v3+s2+$0x0] =	vst.idx.add.s32.msk $0xffff, v1  }
0x6ed: {  	[tilespmem:v2+s2+$0x0] =	vst.idx.add.s32.msk $0xffff, v1  }
0x6ee: {  	v2 =	vld [tilespmem:s13+$0x1A700]  }
0x6ef: {  	v3 =	vld [tilespmem:s11+$0x1A700];
	_ =	sdelay $0x2  }
0x6f0: {  	[tilespmem:v5+s2+$0x0] =	vst.idx.add.s32.msk $0xffff, v1  }
0x6f1: {  	v5 =	vld [tilespmem:s12+$0x1A700];
	_ =	sdelay $0x2  }
0x6f2: {  	[tilespmem:v2+s2+$0x0] =	vst.idx.add.s32.msk $0xffff, v1  }
0x6f3: {  	[tilespmem:v3+s2+$0x0] =	vst.idx.add.s32.msk $0xffff, v1  }
0x6f4: {  	v2 =	vld [tilespmem:s9+$0x1A700]  }
0x6f5: {  	v3 =	vld [tilespmem:s7+$0x1A700];
	_ =	sdelay $0x1  }
0x6f6: {  	[tilespmem:v5+s2+$0x0] =	vst.idx.add.s32.msk $0xffff, v1  }
0x6f7: {  	v5 =	vld [tilespmem:s6+$0x1A700];
	_ =	sdelay $0x1  }
0x6f8: {  	s3 =	sor.u32 $0x438, s10;
	[tilespmem:v4+s2+$0x0] =	vst.idx.add.s32.msk $0xffff, v1  }
0x6f9: {  	v4 =	vld [tilespmem:s3+$0x1A700]  }
0x6fa: {  	[tilespmem:v2+s2+$0x0] =	vst.idx.add.s32.msk $0xffff, v1  }
0x6fb: {  	[tilespmem:v3+s2+$0x0] =	vst.idx.add.s32.msk $0xffff, v1  }
0x6fc: {  	v2 =	vld [tilespmem:s29+$0x1A700]  }
0x6fd: {  	v3 =	vld [tilespmem:s0+$0x1A700]  }
0x6fe: {  	[tilespmem:v5+s2+$0x0] =	vst.idx.add.s32.msk $0xffff, v1  }
0x6ff: {  	v5 =	vld [tilespmem:s1+$0x1A700];
	_ =	sdelay $0x4  }
0x700: {  	[tilespmem:v4+s2+$0x0] =	vst.idx.add.s32.msk vm0, v1  }
0x701: {  	[tilespmem:v2+s2+$0x0] =	vst.idx.add.s32.msk vm0, v1  }
0x702: {  	[tilespmem:v3+s2+$0x0] =	vst.idx.add.s32.msk vm0, v1  }
0x703: {  	[tilespmem:v5+s2+$0x0] =	vst.idx.add.s32.msk vm0, v1  }
0x704: {  	s10 =	simm.s32 $0x0;
	s12 =	simm.s32 $0x1A700;
	s11 =	rddreg [dreg:$0xc]  }
0x705: {  	[tilespmem:s12], [sflag:$0x2] =	stream.linear.gather [hbm4b:s11+s10], $0x2000, $0x38;
	[tilespmem:$0x1E700] =	vst v63  }
0x706: {  	s13 =	sand.u32 $0x1800, s10;
	s0 =	sand.u32 $0x200, s10;
	_ =	swait.ge [sflag:s26], $0x2000  }
0x707: {  	s1 =	sor.u32 s0, s13;
	[sflag:s26] =	ssyncset.done $0x0  }
0x708: {  	s0 =	sadd.s32 $0x1C700, s1;
	[sflag:s26] =	ssyncadd.s32 $0xFFFFE000  }
0x709: {  	v2 =	vld [tilespmem:s0+$0x180];
	_ =	sdelay $0x6  }
0x70a: {  	v3 =	vld [tilespmem:s0+$0x80]  }
0x70b: {  	[tilespmem:v2+s2+$0x0] =	vst.idx.add.s32.msk $0xffff, v1  }
0x70c: {  	v2 =	vld [tilespmem:s0+$0x190];
	_ =	sdelay $0x1  }
0x70d: {  	v4 =	vld [tilespmem:s0+$0x100];
	_ =	sdelay $0x2  }
0x70e: {  	v5 =	vld [tilespmem:s1+$0x1C700]  }
0x70f: {  	[tilespmem:v3+s2+$0x0] =	vst.idx.add.s32.msk $0xffff, v1  }
0x710: {  	v3 =	vld [tilespmem:s0+$0x90]  }
0x711: {  	[tilespmem:v2+s2+$0x0] =	vst.idx.add.s32.msk $0xffff, v1  }
0x712: {  	v2 =	vld [tilespmem:s0+$0x1A0]  }
0x713: {  	[tilespmem:v4+s2+$0x0] =	vst.idx.add.s32.msk $0xffff, v1  }
0x714: {  	v4 =	vld [tilespmem:s0+$0x110];
	_ =	sdelay $0x1  }
0x715: {  	[tilespmem:v5+s2+$0x0] =	vst.idx.add.s32.msk $0xffff, v1  }
0x716: {  	v5 =	vld [tilespmem:s0+$0x10]  }
0x717: {  	[tilespmem:v3+s2+$0x0] =	vst.idx.add.s32.msk $0xffff, v1  }
0x718: {  	v3 =	vld [tilespmem:s0+$0xA0]  }
0x719: {  	[tilespmem:v2+s2+$0x0] =	vst.idx.add.s32.msk $0xffff, v1  }
0x71a: {  	v2 =	vld [tilespmem:s0+$0x1B0]  }
0x71b: {  	[tilespmem:v4+s2+$0x0] =	vst.idx.add.s32.msk $0xffff, v1  }
0x71c: {  	v4 =	vld [tilespmem:s0+$0x120];
	_ =	sdelay $0x1  }
0x71d: {  	[tilespmem:v5+s2+$0x0] =	vst.idx.add.s32.msk $0xffff, v1  }
0x71e: {  	v5 =	vld [tilespmem:s0+$0x20]  }
0x71f: {  	[tilespmem:v3+s2+$0x0] =	vst.idx.add.s32.msk $0xffff, v1  }
0x720: {  	v3 =	vld [tilespmem:s0+$0xB0]  }
0x721: {  	[tilespmem:v2+s2+$0x0] =	vst.idx.add.s32.msk $0xffff, v1  }
0x722: {  	v2 =	vld [tilespmem:s0+$0x1C0]  }
0x723: {  	[tilespmem:v4+s2+$0x0] =	vst.idx.add.s32.msk $0xffff, v1  }
0x724: {  	v4 =	vld [tilespmem:s0+$0x130];
	_ =	sdelay $0x1  }
0x725: {  	[tilespmem:v5+s2+$0x0] =	vst.idx.add.s32.msk $0xffff, v1  }
0x726: {  	v5 =	vld [tilespmem:s0+$0x30]  }
0x727: {  	[tilespmem:v3+s2+$0x0] =	vst.idx.add.s32.msk $0xffff, v1  }
0x728: {  	v3 =	vld [tilespmem:s0+$0xC0]  }
0x729: {  	[tilespmem:v2+s2+$0x0] =	vst.idx.add.s32.msk $0xffff, v1  }
0x72a: {  	v2 =	vld [tilespmem:s0+$0x1D0]  }
0x72b: {  	[tilespmem:v4+s2+$0x0] =	vst.idx.add.s32.msk $0xffff, v1  }
0x72c: {  	v4 =	vld [tilespmem:s0+$0x140];
	_ =	sdelay $0x1  }
0x72d: {  	[tilespmem:v5+s2+$0x0] =	vst.idx.add.s32.msk $0xffff, v1  }
0x72e: {  	v5 =	vld [tilespmem:s0+$0x40]  }
0x72f: {  	[tilespmem:v3+s2+$0x0] =	vst.idx.add.s32.msk $0xffff, v1  }
0x730: {  	v3 =	vld [tilespmem:s0+$0xD0]  }
0x731: {  	[tilespmem:v2+s2+$0x0] =	vst.idx.add.s32.msk $0xffff, v1  }
0x732: {  	v2 =	vld [tilespmem:s0+$0x1E0]  }
0x733: {  	[tilespmem:v4+s2+$0x0] =	vst.idx.add.s32.msk $0xffff, v1  }
0x734: {  	v4 =	vld [tilespmem:s0+$0x150];
	_ =	sdelay $0x2  }
0x735: {  	[tilespmem:v5+s2+$0x0] =	vst.idx.add.s32.msk $0xffff, v1  }
0x736: {  	v5 =	vld [tilespmem:s0+$0x50]  }
0x737: {  	[tilespmem:v3+s2+$0x0] =	vst.idx.add.s32.msk $0xffff, v1  }
0x738: {  	[tilespmem:v2+s2+$0x0] =	vst.idx.add.s32.msk $0xffff, v1  }
0x739: {  	v2 =	vld [tilespmem:s0+$0x1F0]  }
0x73a: {  	[tilespmem:v4+s2+$0x0] =	vst.idx.add.s32.msk $0xffff, v1  }
0x73b: {  	v3 =	vld [tilespmem:s0+$0xE0]  }
0x73c: {  	p0 =	por $0x0, $0x0;
	s1 =	simm.s32 $0x1;
	v4 =	vld [tilespmem:s0+$0x160]  }
0x73d: {  	s1 =	simm.s32 @!p0 $0x0  }
0x73e: {  	s1 =	sshll.u32 s1, $0x9;
	[tilespmem:v5+s2+$0x0] =	vst.idx.add.s32.msk $0xffff, v1  }
0x73f: {  	s1 =	sadd.s32 $0x0, s1;
	v5 =	vld [tilespmem:s0+$0x60]  }
0x740: {  	s10 =	sadd.s32 $0x180, s1  }
0x741: {  	s14 =	sor.u32 $0x400, s10;
	[tilespmem:v2+s2+$0x0] =	vst.idx.add.s32.msk $0xffff, v1  }
0x742: {  	v2 =	vld [tilespmem:s14+$0x1C700]  }
0x743: {  	[tilespmem:v3+s2+$0x0] =	vst.idx.add.s32.msk $0xffff, v1  }
0x744: {  	[tilespmem:v4+s2+$0x0] =	vst.idx.add.s32.msk $0xffff, v1  }
0x745: {  	v3 =	vld [tilespmem:s0+$0xF0]  }
0x746: {  	v4 =	vld [tilespmem:s0+$0x170]  }
0x747: {  	[tilespmem:v5+s2+$0x0] =	vst.idx.add.s32.msk $0xffff, v1  }
0x748: {  	v5 =	vld [tilespmem:s0+$0x70];
	_ =	sdelay $0x1  }
0x749: {  	s15 =	sor.u32 $0x410, s10;
	[tilespmem:v2+s2+$0x0] =	vst.idx.add.s32.msk $0xffff, v1  }
0x74a: {  	v2 =	vld [tilespmem:s15+$0x1C700];
	_ =	sdelay $0x1  }
0x74b: {  	s16 =	sadd.s32 $0x80, s1;
	[tilespmem:v3+s2+$0x0] =	vst.idx.add.s32.msk $0xffff, v1  }
0x74c: {  	s17 =	sor.u32 $0x400, s16;
	[tilespmem:v4+s2+$0x0] =	vst.idx.add.s32.msk $0xffff, v1  }
0x74d: {  	s4 =	sadd.s32 $0x100, s1;
	v3 =	vld [tilespmem:s17+$0x1C700]  }
0x74e: {  	s18 =	sor.u32 $0x400, s4;
	[tilespmem:v5+s2+$0x0] =	vst.idx.add.s32.msk $0xffff, v1  }
0x74f: {  	s20 =	sor.u32 $0x400, s1;
	v4 =	vld [tilespmem:s18+$0x1C700]  }
0x750: {  	v5 =	vld [tilespmem:s20+$0x1C700]  }
0x751: {  	s19 =	sor.u32 $0x420, s10;
	[tilespmem:v2+s2+$0x0] =	vst.idx.add.s32.msk $0xffff, v1  }
0x752: {  	v6 =	vld [tilespmem:s19+$0x1C700];
	_ =	sdelay $0x2  }
0x753: {  	s22 =	sor.u32 $0x410, s16;
	[tilespmem:v3+s2+$0x0] =	vst.idx.add.s32.msk $0xffff, v1  }
0x754: {  	v3 =	vld [tilespmem:s22+$0x1C700];
	_ =	sdelay $0x1  }
0x755: {  	s3 =	simm.s32 $0x0;
	s12 =	sor.u32 $0x420, s1;
	s6 =	sor.u32 $0x430, s1;
	[tilespmem:v4+s2+$0x0] =	vst.idx.add.s32.msk $0xffff, v1  }
0x756: {  	s5 =	sor.u32 $0x410, s4;
	s13 =	sor.u32 $0x420, s16;
	s11 =	sor.u32 $0x420, s4;
	[tilespmem:v5+s2+$0x0] =	vst.idx.add.s32.msk $0xffff, v1  }
0x757: {  	s9 =	sor.u32 $0x430, s16;
	s7 =	sor.u32 $0x430, s4;
	s30 =	sor.u32 $0x430, s10;
	[tilespmem:v6+s2+$0x0] =	vst.idx.add.s32.msk $0xffff, v1  }
0x758: {  	s29 =	sor.u32 $0x438, s16;
	s0 =	sor.u32 $0x438, s4;
	s4 =	simm.s32 $0x200;
	v4 =	vld [tilespmem:s30+$0x1C700]  }
0x759: {  	s14 =	sor.u32 $0x410, s1;
	s1 =	sor.u32 $0x438, s1;
	v2 =	vld [tilespmem:s5+$0x1C700];
	s5 =	simm.s32 $0x400  }
.LBB2_22:
0x75a: {  	s8 =	sand.u32 $0x1800, s5;
	s15 =	sand.u32 $0x200, s4;
	s3 =	sadd.s32 $0x4, s3;
	v5 =	vld [tilespmem:s14+$0x1C700]  }
0x75b: {  	s8 =	sor.u32 s15, s8;
	p1 =	slt.u32 s3, $0x1C;
	[tilespmem:v3+s2+$0x0] =	vst.idx.add.s32.msk $0xffff, v1  }
0x75c: {  	v3 =	vld [tilespmem:s8+$0x1C700];
	s8 =	sadd.s32 $0x1C700, s8  }
0x75d: {  	v6 =	vld [tilespmem:s8+$0x180]  }
0x75e: {  	v7 =	vld [tilespmem:s8+$0x80]  }
0x75f: {  	v8 =	vld [tilespmem:s8+$0x100]  }
0x760: {  	s10 =	sor.u32 $0x438, s10;
	[tilespmem:v4+s2+$0x0] =	vst.idx.add.s32.msk $0xffff, v1  }
0x761: {  	v4 =	vld [tilespmem:s10+$0x1C700]  }
0x762: {  	[tilespmem:v2+s2+$0x0] =	vst.idx.add.s32.msk $0xffff, v1  }
0x763: {  	[tilespmem:v5+s2+$0x0] =	vst.idx.add.s32.msk $0xffff, v1  }
0x764: {  	[tilespmem:v3+s2+$0x0] =	vst.idx.add.s32.msk $0xffff, v1  }
0x765: {  	[tilespmem:v6+s2+$0x0] =	vst.idx.add.s32.msk $0xffff, v1  }
0x766: {  	v2 =	vld [tilespmem:s8+$0x190]  }
0x767: {  	[tilespmem:v7+s2+$0x0] =	vst.idx.add.s32.msk $0xffff, v1  }
0x768: {  	[tilespmem:v8+s2+$0x0] =	vst.idx.add.s32.msk $0xffff, v1  }
0x769: {  	[tilespmem:v4+s2+$0x0] =	vst.idx.add.s32.msk vm0, v1  }
0x76a: {  	v3 =	vld [tilespmem:s8+$0x90]  }
0x76b: {  	v4 =	vld [tilespmem:s8+$0x110]  }
0x76c: {  	v5 =	vld [tilespmem:s8+$0x10]  }
0x76d: {  	v6 =	vld [tilespmem:s13+$0x1C700]  }
0x76e: {  	[tilespmem:v2+s2+$0x0] =	vst.idx.add.s32.msk $0xffff, v1  }
0x76f: {  	v2 =	vld [tilespmem:s8+$0x1A0]  }
0x770: {  	v7 =	vld [tilespmem:s11+$0x1C700]  }
0x771: {  	v8 =	vld [tilespmem:s12+$0x1C700]  }
0x772: {  	[tilespmem:v3+s2+$0x0] =	vst.idx.add.s32.msk $0xffff, v1  }
0x773: {  	[tilespmem:v4+s2+$0x0] =	vst.idx.add.s32.msk $0xffff, v1  }
0x774: {  	[tilespmem:v5+s2+$0x0] =	vst.idx.add.s32.msk $0xffff, v1  }
0x775: {  	v3 =	vld [tilespmem:s8+$0xA0]  }
0x776: {  	v4 =	vld [tilespmem:s8+$0x120]  }
0x777: {  	[tilespmem:v2+s2+$0x0] =	vst.idx.add.s32.msk $0xffff, v1  }
0x778: {  	v2 =	vld [tilespmem:s8+$0x1B0]  }
0x779: {  	v5 =	vld [tilespmem:s8+$0x20]  }
0x77a: {  	[tilespmem:v6+s2+$0x0] =	vst.idx.add.s32.msk $0xffff, v1  }
0x77b: {  	[tilespmem:v7+s2+$0x0] =	vst.idx.add.s32.msk $0xffff, v1  }
0x77c: {  	[tilespmem:v8+s2+$0x0] =	vst.idx.add.s32.msk $0xffff, v1  }
0x77d: {  	[tilespmem:v3+s2+$0x0] =	vst.idx.add.s32.msk $0xffff, v1  }
0x77e: {  	[tilespmem:v4+s2+$0x0] =	vst.idx.add.s32.msk $0xffff, v1  }
0x77f: {  	v3 =	vld [tilespmem:s8+$0xB0]  }
0x780: {  	[tilespmem:v2+s2+$0x0] =	vst.idx.add.s32.msk $0xffff, v1  }
0x781: {  	v2 =	vld [tilespmem:s8+$0x1C0]  }
0x782: {  	[tilespmem:v5+s2+$0x0] =	vst.idx.add.s32.msk $0xffff, v1  }
0x783: {  	v4 =	vld [tilespmem:s8+$0x130]  }
0x784: {  	v5 =	vld [tilespmem:s8+$0x30]  }
0x785: {  	v6 =	vld [tilespmem:s9+$0x1C700]  }
0x786: {  	v7 =	vld [tilespmem:s7+$0x1C700]  }
0x787: {  	[tilespmem:v3+s2+$0x0] =	vst.idx.add.s32.msk $0xffff, v1  }
0x788: {  	v3 =	vld [tilespmem:s8+$0xC0]  }
0x789: {  	[tilespmem:v2+s2+$0x0] =	vst.idx.add.s32.msk $0xffff, v1  }
0x78a: {  	v2 =	vld [tilespmem:s8+$0x1D0]  }
0x78b: {  	[tilespmem:v4+s2+$0x0] =	vst.idx.add.s32.msk $0xffff, v1  }
0x78c: {  	[tilespmem:v5+s2+$0x0] =	vst.idx.add.s32.msk $0xffff, v1  }
0x78d: {  	v4 =	vld [tilespmem:s8+$0x140]  }
0x78e: {  	v5 =	vld [tilespmem:s8+$0x40]  }
0x78f: {  	v8 =	vld [tilespmem:s6+$0x1C700]  }
0x790: {  	[tilespmem:v3+s2+$0x0] =	vst.idx.add.s32.msk $0xffff, v1  }
0x791: {  	v3 =	vld [tilespmem:s8+$0xD0]  }
0x792: {  	[tilespmem:v2+s2+$0x0] =	vst.idx.add.s32.msk $0xffff, v1  }
0x793: {  	v2 =	vld [tilespmem:s8+$0x1E0]  }
0x794: {  	[tilespmem:v6+s2+$0x0] =	vst.idx.add.s32.msk $0xffff, v1  }
0x795: {  	[tilespmem:v4+s2+$0x0] =	vst.idx.add.s32.msk $0xffff, v1  }
0x796: {  	[tilespmem:v5+s2+$0x0] =	vst.idx.add.s32.msk $0xffff, v1  }
0x797: {  	v4 =	vld [tilespmem:s8+$0x150]  }
0x798: {  	v5 =	vld [tilespmem:s8+$0x50]  }
0x799: {  	[tilespmem:v3+s2+$0x0] =	vst.idx.add.s32.msk $0xffff, v1  }
0x79a: {  	v3 =	vld [tilespmem:s8+$0xE0]  }
0x79b: {  	[tilespmem:v2+s2+$0x0] =	vst.idx.add.s32.msk $0xffff, v1  }
0x79c: {  	v2 =	vld [tilespmem:s8+$0x1F0]  }
0x79d: {  	[tilespmem:v7+s2+$0x0] =	vst.idx.add.s32.msk $0xffff, v1  }
0x79e: {  	[tilespmem:v8+s2+$0x0] =	vst.idx.add.s32.msk $0xffff, v1  }
0x79f: {  	p0 =	por !p0, !p0;
	s6 =	simm.s32 $0x1;
	[tilespmem:v4+s2+$0x0] =	vst.idx.add.s32.msk $0xffff, v1  }
0x7a0: {  	s6 =	simm.s32 @!p0 $0x0;
	[tilespmem:v5+s2+$0x0] =	vst.idx.add.s32.msk $0xffff, v1  }
0x7a1: {  	s6 =	sshll.u32 s6, $0x9;
	v4 =	vld [tilespmem:s8+$0x160]  }
0x7a2: {  	s16 =	sadd.s32 s6, s5;
	v5 =	vld [tilespmem:s8+$0x60]  }
0x7a3: {  	s17 =	sadd.s32 $0x80, s16;
	s18 =	sadd.s32 $0x100, s16;
	s10 =	sadd.s32 $0x180, s16;
	[tilespmem:v3+s2+$0x0] =	vst.idx.add.s32.msk $0xffff, v1  }
0x7a4: {  	s19 =	sor.u32 $0x400, s17;
	s20 =	sor.u32 $0x400, s18;
	s6 =	sor.u32 $0x400, s10;
	[tilespmem:v2+s2+$0x0] =	vst.idx.add.s32.msk $0xffff, v1  }
0x7a5: {  	s22 =	sor.u32 $0x400, s16;
	s30 =	sor.u32 $0x410, s17;
	s15 =	sor.u32 $0x410, s18;
	v2 =	vld [tilespmem:s6+$0x1C700]  }
0x7a6: {  	s14 =	sor.u32 $0x410, s16;
	s13 =	sor.u32 $0x420, s17;
	s11 =	sor.u32 $0x420, s18;
	v3 =	vld [tilespmem:s8+$0xF0]  }
0x7a7: {  	s12 =	sor.u32 $0x420, s16;
	s9 =	sor.u32 $0x430, s17;
	s7 =	sor.u32 $0x430, s18;
	v6 =	vld [tilespmem:s29+$0x1C700]  }
0x7a8: {  	s6 =	sor.u32 $0x430, s16;
	s29 =	sor.u32 $0x438, s17;
	v7 =	vld [tilespmem:s0+$0x1C700];
	s0 =	sor.u32 $0x438, s18  }
0x7a9: {  	s16 =	sor.u32 $0x438, s16;
	[tilespmem:v4+s2+$0x0] =	vst.idx.add.s32.msk $0xffff, v1  }
0x7aa: {  	[tilespmem:v5+s2+$0x0] =	vst.idx.add.s32.msk $0xffff, v1  }
0x7ab: {  	v4 =	vld [tilespmem:s8+$0x170]  }
0x7ac: {  	v5 =	vld [tilespmem:s8+$0x70]  }
0x7ad: {  	s8 =	sor.u32 $0x410, s10;
	[tilespmem:v2+s2+$0x0] =	vst.idx.add.s32.msk $0xffff, v1  }
0x7ae: {  	v2 =	vld [tilespmem:s8+$0x1C700]  }
0x7af: {  	[tilespmem:v3+s2+$0x0] =	vst.idx.add.s32.msk $0xffff, v1  }
0x7b0: {  	v3 =	vld [tilespmem:s19+$0x1C700]  }
0x7b1: {  	v8 =	vld [tilespmem:s1+$0x1C700];
	s1 =	smov.u32 s16  }
0x7b2: {  	[tilespmem:v6+s2+$0x0] =	vst.idx.add.s32.msk vm0, v1  }
0x7b3: {  	[tilespmem:v4+s2+$0x0] =	vst.idx.add.s32.msk $0xffff, v1  }
0x7b4: {  	[tilespmem:v5+s2+$0x0] =	vst.idx.add.s32.msk $0xffff, v1  }
0x7b5: {  	v4 =	vld [tilespmem:s20+$0x1C700]  }
0x7b6: {  	s8 =	sor.u32 $0x420, s10;
	[tilespmem:v2+s2+$0x0] =	vst.idx.add.s32.msk $0xffff, v1  }
0x7b7: {  	v5 =	vld [tilespmem:s8+$0x1C700]  }
0x7b8: {  	v6 =	vld [tilespmem:s22+$0x1C700]  }
0x7b9: {  	[tilespmem:v3+s2+$0x0] =	vst.idx.add.s32.msk $0xffff, v1  }
0x7ba: {  	v3 =	vld [tilespmem:s30+$0x1C700]  }
0x7bb: {  	[tilespmem:v7+s2+$0x0] =	vst.idx.add.s32.msk vm0, v1  }
0x7bc: {  	[tilespmem:v8+s2+$0x0] =	vst.idx.add.s32.msk vm0, v1  }
.Ltmp10:
0x7bd: {  	[tilespmem:v4+s2+$0x0] =	vst.idx.add.s32.msk $0xffff, v1;
	(pc) =	sbr.rel @p1 .LBB2_22-.Ltmp10, $4  }
0x7be: {  	v2 =	vld [tilespmem:s15+$0x1C700]  }
0x7bf: {  	s8 =	sor.u32 $0x430, s10;
	[tilespmem:v5+s2+$0x0] =	vst.idx.add.s32.msk $0xffff, v1  }
0x7c0: {  	v4 =	vld [tilespmem:s8+$0x1C700]  }
0x7c1: {  	s4 =	sadd.s32 $0x200, s4;
	s5 =	sadd.s32 $0x400, s5;
	[tilespmem:v6+s2+$0x0] =	vst.idx.add.s32.msk $0xffff, v1  }
0x7c2: {  	_ =	sdelay $0x1  }
0x7c3: {  	v5 =	vld [tilespmem:s14+$0x1C700];
	_ =	sdelay $0x1  }
0x7c4: {  	[tilespmem:v3+s2+$0x0] =	vst.idx.add.s32.msk $0xffff, v1  }
0x7c5: {  	[tilespmem:v2+s2+$0x0] =	vst.idx.add.s32.msk $0xffff, v1  }
0x7c6: {  	v2 =	vld [tilespmem:s13+$0x1C700]  }
0x7c7: {  	v3 =	vld [tilespmem:s11+$0x1C700];
	_ =	sdelay $0x2  }
0x7c8: {  	[tilespmem:v5+s2+$0x0] =	vst.idx.add.s32.msk $0xffff, v1  }
0x7c9: {  	v5 =	vld [tilespmem:s12+$0x1C700];
	_ =	sdelay $0x2  }
0x7ca: {  	[tilespmem:v2+s2+$0x0] =	vst.idx.add.s32.msk $0xffff, v1  }
0x7cb: {  	[tilespmem:v3+s2+$0x0] =	vst.idx.add.s32.msk $0xffff, v1  }
0x7cc: {  	v2 =	vld [tilespmem:s9+$0x1C700]  }
0x7cd: {  	v3 =	vld [tilespmem:s7+$0x1C700];
	_ =	sdelay $0x1  }
0x7ce: {  	[tilespmem:v5+s2+$0x0] =	vst.idx.add.s32.msk $0xffff, v1  }
0x7cf: {  	v5 =	vld [tilespmem:s6+$0x1C700];
	_ =	sdelay $0x1  }
0x7d0: {  	s3 =	sor.u32 $0x438, s10;
	[tilespmem:v4+s2+$0x0] =	vst.idx.add.s32.msk $0xffff, v1  }
0x7d1: {  	v4 =	vld [tilespmem:s3+$0x1C700]  }
0x7d2: {  	[tilespmem:v2+s2+$0x0] =	vst.idx.add.s32.msk $0xffff, v1  }
0x7d3: {  	[tilespmem:v3+s2+$0x0] =	vst.idx.add.s32.msk $0xffff, v1  }
0x7d4: {  	v2 =	vld [tilespmem:s29+$0x1C700]  }
0x7d5: {  	v3 =	vld [tilespmem:s0+$0x1C700]  }
0x7d6: {  	[tilespmem:v5+s2+$0x0] =	vst.idx.add.s32.msk $0xffff, v1  }
0x7d7: {  	v5 =	vld [tilespmem:s1+$0x1C700];
	_ =	sdelay $0x4  }
0x7d8: {  	[tilespmem:v4+s2+$0x0] =	vst.idx.add.s32.msk vm0, v1  }
0x7d9: {  	[tilespmem:v2+s2+$0x0] =	vst.idx.add.s32.msk vm0, v1  }
0x7da: {  	[tilespmem:v3+s2+$0x0] =	vst.idx.add.s32.msk vm0, v1  }
0x7db: {  	[tilespmem:v5+s2+$0x0] =	vst.idx.add.s32.msk vm0, v1  }
0x7dc: {  	s11 =	simm.s32 $0x0;
	s12 =	rddreg [dreg:$0xd]  }
0x7dd: {  	[tilespmem:s23], [sflag:$0x3] =	stream.linear.gather [hbm4b:s12+s11], $0x2000, $0x38;
	[tilespmem:$0x1E700] =	vst v63  }
0x7de: {  	s13 =	sand.u32 $0x1800, s11;
	s0 =	sand.u32 $0x200, s11;
	_ =	swait.ge [sflag:s24], $0x2000  }
0x7df: {  	s1 =	sor.u32 s0, s13;
	[sflag:s24] =	ssyncset.done $0x0  }
0x7e0: {  	s0 =	sadd.s32 $0x18700, s1;
	[sflag:s24] =	ssyncadd.s32 $0xFFFFE000  }
0x7e1: {  	v2 =	vld [tilespmem:s0+$0x180];
	_ =	sdelay $0x6  }
0x7e2: {  	v3 =	vld [tilespmem:s0+$0x80]  }
0x7e3: {  	[tilespmem:v2+s2+$0x0] =	vst.idx.add.s32.msk $0xffff, v1  }
0x7e4: {  	v2 =	vld [tilespmem:s0+$0x190];
	_ =	sdelay $0x1  }
0x7e5: {  	v4 =	vld [tilespmem:s0+$0x100];
	_ =	sdelay $0x2  }
0x7e6: {  	v5 =	vld [tilespmem:s1+$0x18700]  }
0x7e7: {  	[tilespmem:v3+s2+$0x0] =	vst.idx.add.s32.msk $0xffff, v1  }
0x7e8: {  	v3 =	vld [tilespmem:s0+$0x90]  }
0x7e9: {  	[tilespmem:v2+s2+$0x0] =	vst.idx.add.s32.msk $0xffff, v1  }
0x7ea: {  	v2 =	vld [tilespmem:s0+$0x1A0]  }
0x7eb: {  	[tilespmem:v4+s2+$0x0] =	vst.idx.add.s32.msk $0xffff, v1  }
0x7ec: {  	v4 =	vld [tilespmem:s0+$0x110];
	_ =	sdelay $0x1  }
0x7ed: {  	[tilespmem:v5+s2+$0x0] =	vst.idx.add.s32.msk $0xffff, v1  }
0x7ee: {  	v5 =	vld [tilespmem:s0+$0x10]  }
0x7ef: {  	[tilespmem:v3+s2+$0x0] =	vst.idx.add.s32.msk $0xffff, v1  }
0x7f0: {  	v3 =	vld [tilespmem:s0+$0xA0]  }
0x7f1: {  	[tilespmem:v2+s2+$0x0] =	vst.idx.add.s32.msk $0xffff, v1  }
0x7f2: {  	v2 =	vld [tilespmem:s0+$0x1B0]  }
0x7f3: {  	[tilespmem:v4+s2+$0x0] =	vst.idx.add.s32.msk $0xffff, v1  }
0x7f4: {  	v4 =	vld [tilespmem:s0+$0x120];
	_ =	sdelay $0x1  }
0x7f5: {  	[tilespmem:v5+s2+$0x0] =	vst.idx.add.s32.msk $0xffff, v1  }
0x7f6: {  	v5 =	vld [tilespmem:s0+$0x20]  }
0x7f7: {  	[tilespmem:v3+s2+$0x0] =	vst.idx.add.s32.msk $0xffff, v1  }
0x7f8: {  	v3 =	vld [tilespmem:s0+$0xB0]  }
0x7f9: {  	[tilespmem:v2+s2+$0x0] =	vst.idx.add.s32.msk $0xffff, v1  }
0x7fa: {  	v2 =	vld [tilespmem:s0+$0x1C0]  }
0x7fb: {  	[tilespmem:v4+s2+$0x0] =	vst.idx.add.s32.msk $0xffff, v1  }
0x7fc: {  	v4 =	vld [tilespmem:s0+$0x130];
	_ =	sdelay $0x1  }
0x7fd: {  	[tilespmem:v5+s2+$0x0] =	vst.idx.add.s32.msk $0xffff, v1  }
0x7fe: {  	v5 =	vld [tilespmem:s0+$0x30]  }
0x7ff: {  	[tilespmem:v3+s2+$0x0] =	vst.idx.add.s32.msk $0xffff, v1  }
0x800: {  	v3 =	vld [tilespmem:s0+$0xC0]  }
0x801: {  	[tilespmem:v2+s2+$0x0] =	vst.idx.add.s32.msk $0xffff, v1  }
0x802: {  	v2 =	vld [tilespmem:s0+$0x1D0]  }
0x803: {  	[tilespmem:v4+s2+$0x0] =	vst.idx.add.s32.msk $0xffff, v1  }
0x804: {  	v4 =	vld [tilespmem:s0+$0x140];
	_ =	sdelay $0x1  }
0x805: {  	[tilespmem:v5+s2+$0x0] =	vst.idx.add.s32.msk $0xffff, v1  }
0x806: {  	v5 =	vld [tilespmem:s0+$0x40]  }
0x807: {  	[tilespmem:v3+s2+$0x0] =	vst.idx.add.s32.msk $0xffff, v1  }
0x808: {  	v3 =	vld [tilespmem:s0+$0xD0]  }
0x809: {  	[tilespmem:v2+s2+$0x0] =	vst.idx.add.s32.msk $0xffff, v1  }
0x80a: {  	v2 =	vld [tilespmem:s0+$0x1E0]  }
0x80b: {  	[tilespmem:v4+s2+$0x0] =	vst.idx.add.s32.msk $0xffff, v1  }
0x80c: {  	v4 =	vld [tilespmem:s0+$0x150];
	_ =	sdelay $0x2  }
0x80d: {  	[tilespmem:v5+s2+$0x0] =	vst.idx.add.s32.msk $0xffff, v1  }
0x80e: {  	v5 =	vld [tilespmem:s0+$0x50]  }
0x80f: {  	[tilespmem:v3+s2+$0x0] =	vst.idx.add.s32.msk $0xffff, v1  }
0x810: {  	[tilespmem:v2+s2+$0x0] =	vst.idx.add.s32.msk $0xffff, v1  }
0x811: {  	v2 =	vld [tilespmem:s0+$0x1F0]  }
0x812: {  	[tilespmem:v4+s2+$0x0] =	vst.idx.add.s32.msk $0xffff, v1  }
0x813: {  	v3 =	vld [tilespmem:s0+$0xE0]  }
0x814: {  	p0 =	por $0x0, $0x0;
	s1 =	simm.s32 $0x1;
	v4 =	vld [tilespmem:s0+$0x160]  }
0x815: {  	s1 =	simm.s32 @!p0 $0x0  }
0x816: {  	s1 =	sshll.u32 s1, $0x9;
	[tilespmem:v5+s2+$0x0] =	vst.idx.add.s32.msk $0xffff, v1  }
0x817: {  	s1 =	sadd.s32 $0x0, s1;
	v5 =	vld [tilespmem:s0+$0x60]  }
0x818: {  	s10 =	sadd.s32 $0x180, s1  }
0x819: {  	s14 =	sor.u32 $0x400, s10;
	[tilespmem:v2+s2+$0x0] =	vst.idx.add.s32.msk $0xffff, v1  }
0x81a: {  	v2 =	vld [tilespmem:s14+$0x18700]  }
0x81b: {  	[tilespmem:v3+s2+$0x0] =	vst.idx.add.s32.msk $0xffff, v1  }
0x81c: {  	[tilespmem:v4+s2+$0x0] =	vst.idx.add.s32.msk $0xffff, v1  }
0x81d: {  	v3 =	vld [tilespmem:s0+$0xF0]  }
0x81e: {  	v4 =	vld [tilespmem:s0+$0x170]  }
0x81f: {  	[tilespmem:v5+s2+$0x0] =	vst.idx.add.s32.msk $0xffff, v1  }
0x820: {  	v5 =	vld [tilespmem:s0+$0x70];
	_ =	sdelay $0x1  }
0x821: {  	s15 =	sor.u32 $0x410, s10;
	[tilespmem:v2+s2+$0x0] =	vst.idx.add.s32.msk $0xffff, v1  }
0x822: {  	v2 =	vld [tilespmem:s15+$0x18700];
	_ =	sdelay $0x1  }
0x823: {  	s16 =	sadd.s32 $0x80, s1;
	[tilespmem:v3+s2+$0x0] =	vst.idx.add.s32.msk $0xffff, v1  }
0x824: {  	s17 =	sor.u32 $0x400, s16;
	[tilespmem:v4+s2+$0x0] =	vst.idx.add.s32.msk $0xffff, v1  }
0x825: {  	s4 =	sadd.s32 $0x100, s1;
	v3 =	vld [tilespmem:s17+$0x18700]  }
0x826: {  	s18 =	sor.u32 $0x400, s4;
	[tilespmem:v5+s2+$0x0] =	vst.idx.add.s32.msk $0xffff, v1  }
0x827: {  	s20 =	sor.u32 $0x400, s1;
	v4 =	vld [tilespmem:s18+$0x18700]  }
0x828: {  	v5 =	vld [tilespmem:s20+$0x18700]  }
0x829: {  	s19 =	sor.u32 $0x420, s10;
	[tilespmem:v2+s2+$0x0] =	vst.idx.add.s32.msk $0xffff, v1  }
0x82a: {  	v6 =	vld [tilespmem:s19+$0x18700];
	_ =	sdelay $0x2  }
0x82b: {  	s22 =	sor.u32 $0x410, s16;
	[tilespmem:v3+s2+$0x0] =	vst.idx.add.s32.msk $0xffff, v1  }
0x82c: {  	v3 =	vld [tilespmem:s22+$0x18700];
	_ =	sdelay $0x1  }
0x82d: {  	s3 =	simm.s32 $0x0;
	s12 =	sor.u32 $0x420, s1;
	s6 =	sor.u32 $0x430, s1;
	[tilespmem:v4+s2+$0x0] =	vst.idx.add.s32.msk $0xffff, v1  }
0x82e: {  	s5 =	sor.u32 $0x410, s4;
	s13 =	sor.u32 $0x420, s16;
	s11 =	sor.u32 $0x420, s4;
	[tilespmem:v5+s2+$0x0] =	vst.idx.add.s32.msk $0xffff, v1  }
0x82f: {  	s9 =	sor.u32 $0x430, s16;
	s7 =	sor.u32 $0x430, s4;
	s30 =	sor.u32 $0x430, s10;
	[tilespmem:v6+s2+$0x0] =	vst.idx.add.s32.msk $0xffff, v1  }
0x830: {  	s29 =	sor.u32 $0x438, s16;
	s0 =	sor.u32 $0x438, s4;
	s4 =	simm.s32 $0x200;
	v4 =	vld [tilespmem:s30+$0x18700]  }
0x831: {  	s14 =	sor.u32 $0x410, s1;
	s1 =	sor.u32 $0x438, s1;
	v2 =	vld [tilespmem:s5+$0x18700];
	s5 =	simm.s32 $0x400  }
.LBB2_24:
0x832: {  	s8 =	sand.u32 $0x1800, s5;
	s15 =	sand.u32 $0x200, s4;
	s3 =	sadd.s32 $0x4, s3;
	v5 =	vld [tilespmem:s14+$0x18700]  }
0x833: {  	s8 =	sor.u32 s15, s8;
	p1 =	slt.u32 s3, $0x1C;
	[tilespmem:v3+s2+$0x0] =	vst.idx.add.s32.msk $0xffff, v1  }
0x834: {  	v3 =	vld [tilespmem:s8+$0x18700];
	s8 =	sadd.s32 $0x18700, s8  }
0x835: {  	v6 =	vld [tilespmem:s8+$0x180]  }
0x836: {  	v7 =	vld [tilespmem:s8+$0x80]  }
0x837: {  	v8 =	vld [tilespmem:s8+$0x100]  }
0x838: {  	s10 =	sor.u32 $0x438, s10;
	[tilespmem:v4+s2+$0x0] =	vst.idx.add.s32.msk $0xffff, v1  }
0x839: {  	v4 =	vld [tilespmem:s10+$0x18700]  }
0x83a: {  	[tilespmem:v2+s2+$0x0] =	vst.idx.add.s32.msk $0xffff, v1  }
0x83b: {  	[tilespmem:v5+s2+$0x0] =	vst.idx.add.s32.msk $0xffff, v1  }
0x83c: {  	[tilespmem:v3+s2+$0x0] =	vst.idx.add.s32.msk $0xffff, v1  }
0x83d: {  	[tilespmem:v6+s2+$0x0] =	vst.idx.add.s32.msk $0xffff, v1  }
0x83e: {  	v2 =	vld [tilespmem:s8+$0x190]  }
0x83f: {  	[tilespmem:v7+s2+$0x0] =	vst.idx.add.s32.msk $0xffff, v1  }
0x840: {  	[tilespmem:v8+s2+$0x0] =	vst.idx.add.s32.msk $0xffff, v1  }
0x841: {  	[tilespmem:v4+s2+$0x0] =	vst.idx.add.s32.msk vm0, v1  }
0x842: {  	v3 =	vld [tilespmem:s8+$0x90]  }
0x843: {  	v4 =	vld [tilespmem:s8+$0x110]  }
0x844: {  	v5 =	vld [tilespmem:s8+$0x10]  }
0x845: {  	v6 =	vld [tilespmem:s13+$0x18700]  }
0x846: {  	[tilespmem:v2+s2+$0x0] =	vst.idx.add.s32.msk $0xffff, v1  }
0x847: {  	v2 =	vld [tilespmem:s8+$0x1A0]  }
0x848: {  	v7 =	vld [tilespmem:s11+$0x18700]  }
0x849: {  	v8 =	vld [tilespmem:s12+$0x18700]  }
0x84a: {  	[tilespmem:v3+s2+$0x0] =	vst.idx.add.s32.msk $0xffff, v1  }
0x84b: {  	[tilespmem:v4+s2+$0x0] =	vst.idx.add.s32.msk $0xffff, v1  }
0x84c: {  	[tilespmem:v5+s2+$0x0] =	vst.idx.add.s32.msk $0xffff, v1  }
0x84d: {  	v3 =	vld [tilespmem:s8+$0xA0]  }
0x84e: {  	v4 =	vld [tilespmem:s8+$0x120]  }
0x84f: {  	[tilespmem:v2+s2+$0x0] =	vst.idx.add.s32.msk $0xffff, v1  }
0x850: {  	v2 =	vld [tilespmem:s8+$0x1B0]  }
0x851: {  	v5 =	vld [tilespmem:s8+$0x20]  }
0x852: {  	[tilespmem:v6+s2+$0x0] =	vst.idx.add.s32.msk $0xffff, v1  }
0x853: {  	[tilespmem:v7+s2+$0x0] =	vst.idx.add.s32.msk $0xffff, v1  }
0x854: {  	[tilespmem:v8+s2+$0x0] =	vst.idx.add.s32.msk $0xffff, v1  }
0x855: {  	[tilespmem:v3+s2+$0x0] =	vst.idx.add.s32.msk $0xffff, v1  }
0x856: {  	[tilespmem:v4+s2+$0x0] =	vst.idx.add.s32.msk $0xffff, v1  }
0x857: {  	v3 =	vld [tilespmem:s8+$0xB0]  }
0x858: {  	[tilespmem:v2+s2+$0x0] =	vst.idx.add.s32.msk $0xffff, v1  }
0x859: {  	v2 =	vld [tilespmem:s8+$0x1C0]  }
0x85a: {  	[tilespmem:v5+s2+$0x0] =	vst.idx.add.s32.msk $0xffff, v1  }
0x85b: {  	v4 =	vld [tilespmem:s8+$0x130]  }
0x85c: {  	v5 =	vld [tilespmem:s8+$0x30]  }
0x85d: {  	v6 =	vld [tilespmem:s9+$0x18700]  }
0x85e: {  	v7 =	vld [tilespmem:s7+$0x18700]  }
0x85f: {  	[tilespmem:v3+s2+$0x0] =	vst.idx.add.s32.msk $0xffff, v1  }
0x860: {  	v3 =	vld [tilespmem:s8+$0xC0]  }
0x861: {  	[tilespmem:v2+s2+$0x0] =	vst.idx.add.s32.msk $0xffff, v1  }
0x862: {  	v2 =	vld [tilespmem:s8+$0x1D0]  }
0x863: {  	[tilespmem:v4+s2+$0x0] =	vst.idx.add.s32.msk $0xffff, v1  }
0x864: {  	[tilespmem:v5+s2+$0x0] =	vst.idx.add.s32.msk $0xffff, v1  }
0x865: {  	v4 =	vld [tilespmem:s8+$0x140]  }
0x866: {  	v5 =	vld [tilespmem:s8+$0x40]  }
0x867: {  	v8 =	vld [tilespmem:s6+$0x18700]  }
0x868: {  	[tilespmem:v3+s2+$0x0] =	vst.idx.add.s32.msk $0xffff, v1  }
0x869: {  	v3 =	vld [tilespmem:s8+$0xD0]  }
0x86a: {  	[tilespmem:v2+s2+$0x0] =	vst.idx.add.s32.msk $0xffff, v1  }
0x86b: {  	v2 =	vld [tilespmem:s8+$0x1E0]  }
0x86c: {  	[tilespmem:v6+s2+$0x0] =	vst.idx.add.s32.msk $0xffff, v1  }
0x86d: {  	[tilespmem:v4+s2+$0x0] =	vst.idx.add.s32.msk $0xffff, v1  }
0x86e: {  	[tilespmem:v5+s2+$0x0] =	vst.idx.add.s32.msk $0xffff, v1  }
0x86f: {  	v4 =	vld [tilespmem:s8+$0x150]  }
0x870: {  	v5 =	vld [tilespmem:s8+$0x50]  }
0x871: {  	[tilespmem:v3+s2+$0x0] =	vst.idx.add.s32.msk $0xffff, v1  }
0x872: {  	v3 =	vld [tilespmem:s8+$0xE0]  }
0x873: {  	[tilespmem:v2+s2+$0x0] =	vst.idx.add.s32.msk $0xffff, v1  }
0x874: {  	v2 =	vld [tilespmem:s8+$0x1F0]  }
0x875: {  	[tilespmem:v7+s2+$0x0] =	vst.idx.add.s32.msk $0xffff, v1  }
0x876: {  	[tilespmem:v8+s2+$0x0] =	vst.idx.add.s32.msk $0xffff, v1  }
0x877: {  	p0 =	por !p0, !p0;
	s6 =	simm.s32 $0x1;
	[tilespmem:v4+s2+$0x0] =	vst.idx.add.s32.msk $0xffff, v1  }
0x878: {  	s6 =	simm.s32 @!p0 $0x0;
	[tilespmem:v5+s2+$0x0] =	vst.idx.add.s32.msk $0xffff, v1  }
0x879: {  	s6 =	sshll.u32 s6, $0x9;
	v4 =	vld [tilespmem:s8+$0x160]  }
0x87a: {  	s16 =	sadd.s32 s6, s5;
	v5 =	vld [tilespmem:s8+$0x60]  }
0x87b: {  	s17 =	sadd.s32 $0x80, s16;
	s18 =	sadd.s32 $0x100, s16;
	s10 =	sadd.s32 $0x180, s16;
	[tilespmem:v3+s2+$0x0] =	vst.idx.add.s32.msk $0xffff, v1  }
0x87c: {  	s19 =	sor.u32 $0x400, s17;
	s20 =	sor.u32 $0x400, s18;
	s6 =	sor.u32 $0x400, s10;
	[tilespmem:v2+s2+$0x0] =	vst.idx.add.s32.msk $0xffff, v1  }
0x87d: {  	s22 =	sor.u32 $0x400, s16;
	s30 =	sor.u32 $0x410, s17;
	s15 =	sor.u32 $0x410, s18;
	v2 =	vld [tilespmem:s6+$0x18700]  }
0x87e: {  	s14 =	sor.u32 $0x410, s16;
	s13 =	sor.u32 $0x420, s17;
	s11 =	sor.u32 $0x420, s18;
	v3 =	vld [tilespmem:s8+$0xF0]  }
0x87f: {  	s12 =	sor.u32 $0x420, s16;
	s9 =	sor.u32 $0x430, s17;
	s7 =	sor.u32 $0x430, s18;
	v6 =	vld [tilespmem:s29+$0x18700]  }
0x880: {  	s6 =	sor.u32 $0x430, s16;
	s29 =	sor.u32 $0x438, s17;
	v7 =	vld [tilespmem:s0+$0x18700];
	s0 =	sor.u32 $0x438, s18  }
0x881: {  	s16 =	sor.u32 $0x438, s16;
	[tilespmem:v4+s2+$0x0] =	vst.idx.add.s32.msk $0xffff, v1  }
0x882: {  	[tilespmem:v5+s2+$0x0] =	vst.idx.add.s32.msk $0xffff, v1  }
0x883: {  	v4 =	vld [tilespmem:s8+$0x170]  }
0x884: {  	v5 =	vld [tilespmem:s8+$0x70]  }
0x885: {  	s8 =	sor.u32 $0x410, s10;
	[tilespmem:v2+s2+$0x0] =	vst.idx.add.s32.msk $0xffff, v1  }
0x886: {  	v2 =	vld [tilespmem:s8+$0x18700]  }
0x887: {  	[tilespmem:v3+s2+$0x0] =	vst.idx.add.s32.msk $0xffff, v1  }
0x888: {  	v3 =	vld [tilespmem:s19+$0x18700]  }
0x889: {  	v8 =	vld [tilespmem:s1+$0x18700];
	s1 =	smov.u32 s16  }
0x88a: {  	[tilespmem:v6+s2+$0x0] =	vst.idx.add.s32.msk vm0, v1  }
0x88b: {  	[tilespmem:v4+s2+$0x0] =	vst.idx.add.s32.msk $0xffff, v1  }
0x88c: {  	[tilespmem:v5+s2+$0x0] =	vst.idx.add.s32.msk $0xffff, v1  }
0x88d: {  	v4 =	vld [tilespmem:s20+$0x18700]  }
0x88e: {  	s8 =	sor.u32 $0x420, s10;
	[tilespmem:v2+s2+$0x0] =	vst.idx.add.s32.msk $0xffff, v1  }
0x88f: {  	v5 =	vld [tilespmem:s8+$0x18700]  }
0x890: {  	v6 =	vld [tilespmem:s22+$0x18700]  }
0x891: {  	[tilespmem:v3+s2+$0x0] =	vst.idx.add.s32.msk $0xffff, v1  }
0x892: {  	v3 =	vld [tilespmem:s30+$0x18700]  }
0x893: {  	[tilespmem:v7+s2+$0x0] =	vst.idx.add.s32.msk vm0, v1  }
0x894: {  	[tilespmem:v8+s2+$0x0] =	vst.idx.add.s32.msk vm0, v1  }
.Ltmp11:
0x895: {  	[tilespmem:v4+s2+$0x0] =	vst.idx.add.s32.msk $0xffff, v1;
	(pc) =	sbr.rel @p1 .LBB2_24-.Ltmp11, $4  }
0x896: {  	v2 =	vld [tilespmem:s15+$0x18700]  }
0x897: {  	s8 =	sor.u32 $0x430, s10;
	[tilespmem:v5+s2+$0x0] =	vst.idx.add.s32.msk $0xffff, v1  }
0x898: {  	v4 =	vld [tilespmem:s8+$0x18700]  }
0x899: {  	s4 =	sadd.s32 $0x200, s4;
	s5 =	sadd.s32 $0x400, s5;
	[tilespmem:v6+s2+$0x0] =	vst.idx.add.s32.msk $0xffff, v1  }
0x89a: {  	_ =	sdelay $0x1  }
0x89b: {  	v5 =	vld [tilespmem:s14+$0x18700];
	_ =	sdelay $0x1  }
0x89c: {  	[tilespmem:v3+s2+$0x0] =	vst.idx.add.s32.msk $0xffff, v1  }
0x89d: {  	[tilespmem:v2+s2+$0x0] =	vst.idx.add.s32.msk $0xffff, v1  }
0x89e: {  	v2 =	vld [tilespmem:s13+$0x18700]  }
0x89f: {  	v3 =	vld [tilespmem:s11+$0x18700];
	_ =	sdelay $0x2  }
0x8a0: {  	[tilespmem:v5+s2+$0x0] =	vst.idx.add.s32.msk $0xffff, v1  }
0x8a1: {  	v5 =	vld [tilespmem:s12+$0x18700];
	_ =	sdelay $0x2  }
0x8a2: {  	[tilespmem:v2+s2+$0x0] =	vst.idx.add.s32.msk $0xffff, v1  }
0x8a3: {  	[tilespmem:v3+s2+$0x0] =	vst.idx.add.s32.msk $0xffff, v1  }
0x8a4: {  	v2 =	vld [tilespmem:s9+$0x18700]  }
0x8a5: {  	v3 =	vld [tilespmem:s7+$0x18700];
	_ =	sdelay $0x1  }
0x8a6: {  	[tilespmem:v5+s2+$0x0] =	vst.idx.add.s32.msk $0xffff, v1  }
0x8a7: {  	v5 =	vld [tilespmem:s6+$0x18700];
	_ =	sdelay $0x1  }
0x8a8: {  	s3 =	sor.u32 $0x438, s10;
	[tilespmem:v4+s2+$0x0] =	vst.idx.add.s32.msk $0xffff, v1  }
0x8a9: {  	v4 =	vld [tilespmem:s3+$0x18700]  }
0x8aa: {  	[tilespmem:v2+s2+$0x0] =	vst.idx.add.s32.msk $0xffff, v1  }
0x8ab: {  	[tilespmem:v3+s2+$0x0] =	vst.idx.add.s32.msk $0xffff, v1  }
0x8ac: {  	v2 =	vld [tilespmem:s29+$0x18700]  }
0x8ad: {  	v3 =	vld [tilespmem:s0+$0x18700]  }
0x8ae: {  	[tilespmem:v5+s2+$0x0] =	vst.idx.add.s32.msk $0xffff, v1  }
0x8af: {  	v5 =	vld [tilespmem:s1+$0x18700];
	_ =	sdelay $0x4  }
0x8b0: {  	[tilespmem:v4+s2+$0x0] =	vst.idx.add.s32.msk vm0, v1  }
0x8b1: {  	[tilespmem:v2+s2+$0x0] =	vst.idx.add.s32.msk vm0, v1  }
0x8b2: {  	[tilespmem:v3+s2+$0x0] =	vst.idx.add.s32.msk vm0, v1  }
0x8b3: {  	[tilespmem:v5+s2+$0x0] =	vst.idx.add.s32.msk vm0, v1  }
0x8b4: {  	s11 =	simm.s32 $0x0;
	s12 =	rddreg [dreg:$0xe]  }
0x8b5: {  	[tilespmem:s21], [sflag:$0x1] =	stream.linear.gather [hbm4b:s12+s11], $0x2000, $0x38;
	[tilespmem:$0x1E700] =	vst v63  }
0x8b6: {  	s13 =	sand.u32 $0x1800, s11;
	s0 =	sand.u32 $0x200, s11;
	_ =	swait.ge [sflag:s25], $0x2000  }
0x8b7: {  	s1 =	sor.u32 s0, s13;
	[sflag:s25] =	ssyncset.done $0x0  }
0x8b8: {  	s0 =	sadd.s32 $0x1A700, s1;
	[sflag:s25] =	ssyncadd.s32 $0xFFFFE000  }
0x8b9: {  	v2 =	vld [tilespmem:s0+$0x180];
	_ =	sdelay $0x6  }
0x8ba: {  	v3 =	vld [tilespmem:s0+$0x80]  }
0x8bb: {  	[tilespmem:v2+s2+$0x0] =	vst.idx.add.s32.msk $0xffff, v1  }
0x8bc: {  	v2 =	vld [tilespmem:s0+$0x190];
	_ =	sdelay $0x1  }
0x8bd: {  	v4 =	vld [tilespmem:s0+$0x100];
	_ =	sdelay $0x2  }
0x8be: {  	v5 =	vld [tilespmem:s1+$0x1A700]  }
0x8bf: {  	[tilespmem:v3+s2+$0x0] =	vst.idx.add.s32.msk $0xffff, v1  }
0x8c0: {  	v3 =	vld [tilespmem:s0+$0x90]  }
0x8c1: {  	[tilespmem:v2+s2+$0x0] =	vst.idx.add.s32.msk $0xffff, v1  }
0x8c2: {  	v2 =	vld [tilespmem:s0+$0x1A0]  }
0x8c3: {  	[tilespmem:v4+s2+$0x0] =	vst.idx.add.s32.msk $0xffff, v1  }
0x8c4: {  	v4 =	vld [tilespmem:s0+$0x110];
	_ =	sdelay $0x1  }
0x8c5: {  	[tilespmem:v5+s2+$0x0] =	vst.idx.add.s32.msk $0xffff, v1  }
0x8c6: {  	v5 =	vld [tilespmem:s0+$0x10]  }
0x8c7: {  	[tilespmem:v3+s2+$0x0] =	vst.idx.add.s32.msk $0xffff, v1  }
0x8c8: {  	v3 =	vld [tilespmem:s0+$0xA0]  }
0x8c9: {  	[tilespmem:v2+s2+$0x0] =	vst.idx.add.s32.msk $0xffff, v1  }
0x8ca: {  	v2 =	vld [tilespmem:s0+$0x1B0]  }
0x8cb: {  	[tilespmem:v4+s2+$0x0] =	vst.idx.add.s32.msk $0xffff, v1  }
0x8cc: {  	v4 =	vld [tilespmem:s0+$0x120];
	_ =	sdelay $0x1  }
0x8cd: {  	[tilespmem:v5+s2+$0x0] =	vst.idx.add.s32.msk $0xffff, v1  }
0x8ce: {  	v5 =	vld [tilespmem:s0+$0x20]  }
0x8cf: {  	[tilespmem:v3+s2+$0x0] =	vst.idx.add.s32.msk $0xffff, v1  }
0x8d0: {  	v3 =	vld [tilespmem:s0+$0xB0]  }
0x8d1: {  	[tilespmem:v2+s2+$0x0] =	vst.idx.add.s32.msk $0xffff, v1  }
0x8d2: {  	v2 =	vld [tilespmem:s0+$0x1C0]  }
0x8d3: {  	[tilespmem:v4+s2+$0x0] =	vst.idx.add.s32.msk $0xffff, v1  }
0x8d4: {  	v4 =	vld [tilespmem:s0+$0x130];
	_ =	sdelay $0x1  }
0x8d5: {  	[tilespmem:v5+s2+$0x0] =	vst.idx.add.s32.msk $0xffff, v1  }
0x8d6: {  	v5 =	vld [tilespmem:s0+$0x30]  }
0x8d7: {  	[tilespmem:v3+s2+$0x0] =	vst.idx.add.s32.msk $0xffff, v1  }
0x8d8: {  	v3 =	vld [tilespmem:s0+$0xC0]  }
0x8d9: {  	[tilespmem:v2+s2+$0x0] =	vst.idx.add.s32.msk $0xffff, v1  }
0x8da: {  	v2 =	vld [tilespmem:s0+$0x1D0]  }
0x8db: {  	[tilespmem:v4+s2+$0x0] =	vst.idx.add.s32.msk $0xffff, v1  }
0x8dc: {  	v4 =	vld [tilespmem:s0+$0x140];
	_ =	sdelay $0x1  }
0x8dd: {  	[tilespmem:v5+s2+$0x0] =	vst.idx.add.s32.msk $0xffff, v1  }
0x8de: {  	v5 =	vld [tilespmem:s0+$0x40]  }
0x8df: {  	[tilespmem:v3+s2+$0x0] =	vst.idx.add.s32.msk $0xffff, v1  }
0x8e0: {  	v3 =	vld [tilespmem:s0+$0xD0]  }
0x8e1: {  	[tilespmem:v2+s2+$0x0] =	vst.idx.add.s32.msk $0xffff, v1  }
0x8e2: {  	v2 =	vld [tilespmem:s0+$0x1E0]  }
0x8e3: {  	[tilespmem:v4+s2+$0x0] =	vst.idx.add.s32.msk $0xffff, v1  }
0x8e4: {  	v4 =	vld [tilespmem:s0+$0x150];
	_ =	sdelay $0x2  }
0x8e5: {  	[tilespmem:v5+s2+$0x0] =	vst.idx.add.s32.msk $0xffff, v1  }
0x8e6: {  	v5 =	vld [tilespmem:s0+$0x50]  }
0x8e7: {  	[tilespmem:v3+s2+$0x0] =	vst.idx.add.s32.msk $0xffff, v1  }
0x8e8: {  	[tilespmem:v2+s2+$0x0] =	vst.idx.add.s32.msk $0xffff, v1  }
0x8e9: {  	v2 =	vld [tilespmem:s0+$0x1F0]  }
0x8ea: {  	[tilespmem:v4+s2+$0x0] =	vst.idx.add.s32.msk $0xffff, v1  }
0x8eb: {  	v3 =	vld [tilespmem:s0+$0xE0]  }
0x8ec: {  	p0 =	por $0x0, $0x0;
	s1 =	simm.s32 $0x1;
	v4 =	vld [tilespmem:s0+$0x160]  }
0x8ed: {  	s1 =	simm.s32 @!p0 $0x0  }
0x8ee: {  	s1 =	sshll.u32 s1, $0x9;
	[tilespmem:v5+s2+$0x0] =	vst.idx.add.s32.msk $0xffff, v1  }
0x8ef: {  	s1 =	sadd.s32 $0x0, s1;
	v5 =	vld [tilespmem:s0+$0x60]  }
0x8f0: {  	s10 =	sadd.s32 $0x180, s1  }
0x8f1: {  	s14 =	sor.u32 $0x400, s10;
	[tilespmem:v2+s2+$0x0] =	vst.idx.add.s32.msk $0xffff, v1  }
0x8f2: {  	v2 =	vld [tilespmem:s14+$0x1A700]  }
0x8f3: {  	[tilespmem:v3+s2+$0x0] =	vst.idx.add.s32.msk $0xffff, v1  }
0x8f4: {  	[tilespmem:v4+s2+$0x0] =	vst.idx.add.s32.msk $0xffff, v1  }
0x8f5: {  	v3 =	vld [tilespmem:s0+$0xF0]  }
0x8f6: {  	v4 =	vld [tilespmem:s0+$0x170]  }
0x8f7: {  	[tilespmem:v5+s2+$0x0] =	vst.idx.add.s32.msk $0xffff, v1  }
0x8f8: {  	v5 =	vld [tilespmem:s0+$0x70];
	_ =	sdelay $0x1  }
0x8f9: {  	s15 =	sor.u32 $0x410, s10;
	[tilespmem:v2+s2+$0x0] =	vst.idx.add.s32.msk $0xffff, v1  }
0x8fa: {  	v2 =	vld [tilespmem:s15+$0x1A700];
	_ =	sdelay $0x1  }
0x8fb: {  	s16 =	sadd.s32 $0x80, s1;
	[tilespmem:v3+s2+$0x0] =	vst.idx.add.s32.msk $0xffff, v1  }
0x8fc: {  	s17 =	sor.u32 $0x400, s16;
	[tilespmem:v4+s2+$0x0] =	vst.idx.add.s32.msk $0xffff, v1  }
0x8fd: {  	s4 =	sadd.s32 $0x100, s1;
	v3 =	vld [tilespmem:s17+$0x1A700]  }
0x8fe: {  	s18 =	sor.u32 $0x400, s4;
	[tilespmem:v5+s2+$0x0] =	vst.idx.add.s32.msk $0xffff, v1  }
0x8ff: {  	s20 =	sor.u32 $0x400, s1;
	v4 =	vld [tilespmem:s18+$0x1A700]  }
0x900: {  	v5 =	vld [tilespmem:s20+$0x1A700]  }
0x901: {  	s19 =	sor.u32 $0x420, s10;
	[tilespmem:v2+s2+$0x0] =	vst.idx.add.s32.msk $0xffff, v1  }
0x902: {  	v6 =	vld [tilespmem:s19+$0x1A700];
	_ =	sdelay $0x2  }
0x903: {  	s22 =	sor.u32 $0x410, s16;
	[tilespmem:v3+s2+$0x0] =	vst.idx.add.s32.msk $0xffff, v1  }
0x904: {  	v3 =	vld [tilespmem:s22+$0x1A700];
	_ =	sdelay $0x1  }
0x905: {  	s3 =	simm.s32 $0x0;
	s12 =	sor.u32 $0x420, s1;
	s6 =	sor.u32 $0x430, s1;
	[tilespmem:v4+s2+$0x0] =	vst.idx.add.s32.msk $0xffff, v1  }
0x906: {  	s5 =	sor.u32 $0x410, s4;
	s13 =	sor.u32 $0x420, s16;
	s11 =	sor.u32 $0x420, s4;
	[tilespmem:v5+s2+$0x0] =	vst.idx.add.s32.msk $0xffff, v1  }
0x907: {  	s9 =	sor.u32 $0x430, s16;
	s7 =	sor.u32 $0x430, s4;
	s30 =	sor.u32 $0x430, s10;
	[tilespmem:v6+s2+$0x0] =	vst.idx.add.s32.msk $0xffff, v1  }
0x908: {  	s29 =	sor.u32 $0x438, s16;
	s0 =	sor.u32 $0x438, s4;
	s4 =	simm.s32 $0x200;
	v4 =	vld [tilespmem:s30+$0x1A700]  }
0x909: {  	s14 =	sor.u32 $0x410, s1;
	s1 =	sor.u32 $0x438, s1;
	v2 =	vld [tilespmem:s5+$0x1A700];
	s5 =	simm.s32 $0x400  }
.LBB2_26:
0x90a: {  	s8 =	sand.u32 $0x1800, s5;
	s15 =	sand.u32 $0x200, s4;
	s3 =	sadd.s32 $0x4, s3;
	v5 =	vld [tilespmem:s14+$0x1A700]  }
0x90b: {  	s8 =	sor.u32 s15, s8;
	p1 =	slt.u32 s3, $0x1C;
	[tilespmem:v3+s2+$0x0] =	vst.idx.add.s32.msk $0xffff, v1  }
0x90c: {  	v3 =	vld [tilespmem:s8+$0x1A700];
	s8 =	sadd.s32 $0x1A700, s8  }
0x90d: {  	v6 =	vld [tilespmem:s8+$0x180]  }
0x90e: {  	v7 =	vld [tilespmem:s8+$0x80]  }
0x90f: {  	v8 =	vld [tilespmem:s8+$0x100]  }
0x910: {  	s10 =	sor.u32 $0x438, s10;
	[tilespmem:v4+s2+$0x0] =	vst.idx.add.s32.msk $0xffff, v1  }
0x911: {  	v4 =	vld [tilespmem:s10+$0x1A700]  }
0x912: {  	[tilespmem:v2+s2+$0x0] =	vst.idx.add.s32.msk $0xffff, v1  }
0x913: {  	[tilespmem:v5+s2+$0x0] =	vst.idx.add.s32.msk $0xffff, v1  }
0x914: {  	[tilespmem:v3+s2+$0x0] =	vst.idx.add.s32.msk $0xffff, v1  }
0x915: {  	[tilespmem:v6+s2+$0x0] =	vst.idx.add.s32.msk $0xffff, v1  }
0x916: {  	v2 =	vld [tilespmem:s8+$0x190]  }
0x917: {  	[tilespmem:v7+s2+$0x0] =	vst.idx.add.s32.msk $0xffff, v1  }
0x918: {  	[tilespmem:v8+s2+$0x0] =	vst.idx.add.s32.msk $0xffff, v1  }
0x919: {  	[tilespmem:v4+s2+$0x0] =	vst.idx.add.s32.msk vm0, v1  }
0x91a: {  	v3 =	vld [tilespmem:s8+$0x90]  }
0x91b: {  	v4 =	vld [tilespmem:s8+$0x110]  }
0x91c: {  	v5 =	vld [tilespmem:s8+$0x10]  }
0x91d: {  	v6 =	vld [tilespmem:s13+$0x1A700]  }
0x91e: {  	[tilespmem:v2+s2+$0x0] =	vst.idx.add.s32.msk $0xffff, v1  }
0x91f: {  	v2 =	vld [tilespmem:s8+$0x1A0]  }
0x920: {  	v7 =	vld [tilespmem:s11+$0x1A700]  }
0x921: {  	v8 =	vld [tilespmem:s12+$0x1A700]  }
0x922: {  	[tilespmem:v3+s2+$0x0] =	vst.idx.add.s32.msk $0xffff, v1  }
0x923: {  	[tilespmem:v4+s2+$0x0] =	vst.idx.add.s32.msk $0xffff, v1  }
0x924: {  	[tilespmem:v5+s2+$0x0] =	vst.idx.add.s32.msk $0xffff, v1  }
0x925: {  	v3 =	vld [tilespmem:s8+$0xA0]  }
0x926: {  	v4 =	vld [tilespmem:s8+$0x120]  }
0x927: {  	[tilespmem:v2+s2+$0x0] =	vst.idx.add.s32.msk $0xffff, v1  }
0x928: {  	v2 =	vld [tilespmem:s8+$0x1B0]  }
0x929: {  	v5 =	vld [tilespmem:s8+$0x20]  }
0x92a: {  	[tilespmem:v6+s2+$0x0] =	vst.idx.add.s32.msk $0xffff, v1  }
0x92b: {  	[tilespmem:v7+s2+$0x0] =	vst.idx.add.s32.msk $0xffff, v1  }
0x92c: {  	[tilespmem:v8+s2+$0x0] =	vst.idx.add.s32.msk $0xffff, v1  }
0x92d: {  	[tilespmem:v3+s2+$0x0] =	vst.idx.add.s32.msk $0xffff, v1  }
0x92e: {  	[tilespmem:v4+s2+$0x0] =	vst.idx.add.s32.msk $0xffff, v1  }
0x92f: {  	v3 =	vld [tilespmem:s8+$0xB0]  }
0x930: {  	[tilespmem:v2+s2+$0x0] =	vst.idx.add.s32.msk $0xffff, v1  }
0x931: {  	v2 =	vld [tilespmem:s8+$0x1C0]  }
0x932: {  	[tilespmem:v5+s2+$0x0] =	vst.idx.add.s32.msk $0xffff, v1  }
0x933: {  	v4 =	vld [tilespmem:s8+$0x130]  }
0x934: {  	v5 =	vld [tilespmem:s8+$0x30]  }
0x935: {  	v6 =	vld [tilespmem:s9+$0x1A700]  }
0x936: {  	v7 =	vld [tilespmem:s7+$0x1A700]  }
0x937: {  	[tilespmem:v3+s2+$0x0] =	vst.idx.add.s32.msk $0xffff, v1  }
0x938: {  	v3 =	vld [tilespmem:s8+$0xC0]  }
0x939: {  	[tilespmem:v2+s2+$0x0] =	vst.idx.add.s32.msk $0xffff, v1  }
0x93a: {  	v2 =	vld [tilespmem:s8+$0x1D0]  }
0x93b: {  	[tilespmem:v4+s2+$0x0] =	vst.idx.add.s32.msk $0xffff, v1  }
0x93c: {  	[tilespmem:v5+s2+$0x0] =	vst.idx.add.s32.msk $0xffff, v1  }
0x93d: {  	v4 =	vld [tilespmem:s8+$0x140]  }
0x93e: {  	v5 =	vld [tilespmem:s8+$0x40]  }
0x93f: {  	v8 =	vld [tilespmem:s6+$0x1A700]  }
0x940: {  	[tilespmem:v3+s2+$0x0] =	vst.idx.add.s32.msk $0xffff, v1  }
0x941: {  	v3 =	vld [tilespmem:s8+$0xD0]  }
0x942: {  	[tilespmem:v2+s2+$0x0] =	vst.idx.add.s32.msk $0xffff, v1  }
0x943: {  	v2 =	vld [tilespmem:s8+$0x1E0]  }
0x944: {  	[tilespmem:v6+s2+$0x0] =	vst.idx.add.s32.msk $0xffff, v1  }
0x945: {  	[tilespmem:v4+s2+$0x0] =	vst.idx.add.s32.msk $0xffff, v1  }
0x946: {  	[tilespmem:v5+s2+$0x0] =	vst.idx.add.s32.msk $0xffff, v1  }
0x947: {  	v4 =	vld [tilespmem:s8+$0x150]  }
0x948: {  	v5 =	vld [tilespmem:s8+$0x50]  }
0x949: {  	[tilespmem:v3+s2+$0x0] =	vst.idx.add.s32.msk $0xffff, v1  }
0x94a: {  	v3 =	vld [tilespmem:s8+$0xE0]  }
0x94b: {  	[tilespmem:v2+s2+$0x0] =	vst.idx.add.s32.msk $0xffff, v1  }
0x94c: {  	v2 =	vld [tilespmem:s8+$0x1F0]  }
0x94d: {  	[tilespmem:v7+s2+$0x0] =	vst.idx.add.s32.msk $0xffff, v1  }
0x94e: {  	[tilespmem:v8+s2+$0x0] =	vst.idx.add.s32.msk $0xffff, v1  }
0x94f: {  	p0 =	por !p0, !p0;
	s6 =	simm.s32 $0x1;
	[tilespmem:v4+s2+$0x0] =	vst.idx.add.s32.msk $0xffff, v1  }
0x950: {  	s6 =	simm.s32 @!p0 $0x0;
	[tilespmem:v5+s2+$0x0] =	vst.idx.add.s32.msk $0xffff, v1  }
0x951: {  	s6 =	sshll.u32 s6, $0x9;
	v4 =	vld [tilespmem:s8+$0x160]  }
0x952: {  	s16 =	sadd.s32 s6, s5;
	v5 =	vld [tilespmem:s8+$0x60]  }
0x953: {  	s17 =	sadd.s32 $0x80, s16;
	s18 =	sadd.s32 $0x100, s16;
	s10 =	sadd.s32 $0x180, s16;
	[tilespmem:v3+s2+$0x0] =	vst.idx.add.s32.msk $0xffff, v1  }
0x954: {  	s19 =	sor.u32 $0x400, s17;
	s20 =	sor.u32 $0x400, s18;
	s6 =	sor.u32 $0x400, s10;
	[tilespmem:v2+s2+$0x0] =	vst.idx.add.s32.msk $0xffff, v1  }
0x955: {  	s22 =	sor.u32 $0x400, s16;
	s30 =	sor.u32 $0x410, s17;
	s15 =	sor.u32 $0x410, s18;
	v2 =	vld [tilespmem:s6+$0x1A700]  }
0x956: {  	s14 =	sor.u32 $0x410, s16;
	s13 =	sor.u32 $0x420, s17;
	s11 =	sor.u32 $0x420, s18;
	v3 =	vld [tilespmem:s8+$0xF0]  }
0x957: {  	s12 =	sor.u32 $0x420, s16;
	s9 =	sor.u32 $0x430, s17;
	s7 =	sor.u32 $0x430, s18;
	v6 =	vld [tilespmem:s29+$0x1A700]  }
0x958: {  	s6 =	sor.u32 $0x430, s16;
	s29 =	sor.u32 $0x438, s17;
	v7 =	vld [tilespmem:s0+$0x1A700];
	s0 =	sor.u32 $0x438, s18  }
0x959: {  	s16 =	sor.u32 $0x438, s16;
	[tilespmem:v4+s2+$0x0] =	vst.idx.add.s32.msk $0xffff, v1  }
0x95a: {  	[tilespmem:v5+s2+$0x0] =	vst.idx.add.s32.msk $0xffff, v1  }
0x95b: {  	v4 =	vld [tilespmem:s8+$0x170]  }
0x95c: {  	v5 =	vld [tilespmem:s8+$0x70]  }
0x95d: {  	s8 =	sor.u32 $0x410, s10;
	[tilespmem:v2+s2+$0x0] =	vst.idx.add.s32.msk $0xffff, v1  }
0x95e: {  	v2 =	vld [tilespmem:s8+$0x1A700]  }
0x95f: {  	[tilespmem:v3+s2+$0x0] =	vst.idx.add.s32.msk $0xffff, v1  }
0x960: {  	v3 =	vld [tilespmem:s19+$0x1A700]  }
0x961: {  	v8 =	vld [tilespmem:s1+$0x1A700];
	s1 =	smov.u32 s16  }
0x962: {  	[tilespmem:v6+s2+$0x0] =	vst.idx.add.s32.msk vm0, v1  }
0x963: {  	[tilespmem:v4+s2+$0x0] =	vst.idx.add.s32.msk $0xffff, v1  }
0x964: {  	[tilespmem:v5+s2+$0x0] =	vst.idx.add.s32.msk $0xffff, v1  }
0x965: {  	v4 =	vld [tilespmem:s20+$0x1A700]  }
0x966: {  	s8 =	sor.u32 $0x420, s10;
	[tilespmem:v2+s2+$0x0] =	vst.idx.add.s32.msk $0xffff, v1  }
0x967: {  	v5 =	vld [tilespmem:s8+$0x1A700]  }
0x968: {  	v6 =	vld [tilespmem:s22+$0x1A700]  }
0x969: {  	[tilespmem:v3+s2+$0x0] =	vst.idx.add.s32.msk $0xffff, v1  }
0x96a: {  	v3 =	vld [tilespmem:s30+$0x1A700]  }
0x96b: {  	[tilespmem:v7+s2+$0x0] =	vst.idx.add.s32.msk vm0, v1  }
0x96c: {  	[tilespmem:v8+s2+$0x0] =	vst.idx.add.s32.msk vm0, v1  }
.Ltmp12:
0x96d: {  	[tilespmem:v4+s2+$0x0] =	vst.idx.add.s32.msk $0xffff, v1;
	(pc) =	sbr.rel @p1 .LBB2_26-.Ltmp12, $4  }
0x96e: {  	v2 =	vld [tilespmem:s15+$0x1A700]  }
0x96f: {  	s8 =	sor.u32 $0x430, s10;
	[tilespmem:v5+s2+$0x0] =	vst.idx.add.s32.msk $0xffff, v1  }
0x970: {  	v4 =	vld [tilespmem:s8+$0x1A700]  }
0x971: {  	s4 =	sadd.s32 $0x200, s4;
	s5 =	sadd.s32 $0x400, s5;
	[tilespmem:v6+s2+$0x0] =	vst.idx.add.s32.msk $0xffff, v1  }
0x972: {  	_ =	sdelay $0x1  }
0x973: {  	v5 =	vld [tilespmem:s14+$0x1A700];
	_ =	sdelay $0x1  }
0x974: {  	[tilespmem:v3+s2+$0x0] =	vst.idx.add.s32.msk $0xffff, v1  }
0x975: {  	[tilespmem:v2+s2+$0x0] =	vst.idx.add.s32.msk $0xffff, v1  }
0x976: {  	v2 =	vld [tilespmem:s13+$0x1A700]  }
0x977: {  	v3 =	vld [tilespmem:s11+$0x1A700];
	_ =	sdelay $0x2  }
0x978: {  	[tilespmem:v5+s2+$0x0] =	vst.idx.add.s32.msk $0xffff, v1  }
0x979: {  	v5 =	vld [tilespmem:s12+$0x1A700];
	_ =	sdelay $0x2  }
0x97a: {  	[tilespmem:v2+s2+$0x0] =	vst.idx.add.s32.msk $0xffff, v1  }
0x97b: {  	[tilespmem:v3+s2+$0x0] =	vst.idx.add.s32.msk $0xffff, v1  }
0x97c: {  	v2 =	vld [tilespmem:s9+$0x1A700]  }
0x97d: {  	v3 =	vld [tilespmem:s7+$0x1A700];
	_ =	sdelay $0x1  }
0x97e: {  	[tilespmem:v5+s2+$0x0] =	vst.idx.add.s32.msk $0xffff, v1  }
0x97f: {  	v5 =	vld [tilespmem:s6+$0x1A700];
	_ =	sdelay $0x1  }
0x980: {  	s3 =	sor.u32 $0x438, s10;
	[tilespmem:v4+s2+$0x0] =	vst.idx.add.s32.msk $0xffff, v1  }
0x981: {  	v4 =	vld [tilespmem:s3+$0x1A700]  }
0x982: {  	[tilespmem:v2+s2+$0x0] =	vst.idx.add.s32.msk $0xffff, v1  }
0x983: {  	[tilespmem:v3+s2+$0x0] =	vst.idx.add.s32.msk $0xffff, v1  }
0x984: {  	v2 =	vld [tilespmem:s29+$0x1A700]  }
0x985: {  	v3 =	vld [tilespmem:s0+$0x1A700]  }
0x986: {  	[tilespmem:v5+s2+$0x0] =	vst.idx.add.s32.msk $0xffff, v1  }
0x987: {  	v5 =	vld [tilespmem:s1+$0x1A700];
	_ =	sdelay $0x4  }
0x988: {  	[tilespmem:v4+s2+$0x0] =	vst.idx.add.s32.msk vm0, v1  }
0x989: {  	[tilespmem:v2+s2+$0x0] =	vst.idx.add.s32.msk vm0, v1  }
0x98a: {  	[tilespmem:v3+s2+$0x0] =	vst.idx.add.s32.msk vm0, v1  }
0x98b: {  	[tilespmem:v5+s2+$0x0] =	vst.idx.add.s32.msk vm0, v1  }
0x98c: {  	s10 =	simm.s32 $0x0;
	s12 =	simm.s32 $0x1A700;
	s11 =	rddreg [dreg:$0xf]  }
0x98d: {  	[tilespmem:s12], [sflag:$0x2] =	stream.linear.gather [hbm4b:s11+s10], $0x2000, $0x38;
	[tilespmem:$0x1E700] =	vst v63  }
0x98e: {  	s13 =	sand.u32 $0x1800, s10;
	s0 =	sand.u32 $0x200, s10;
	_ =	swait.ge [sflag:s26], $0x2000  }
0x98f: {  	s1 =	sor.u32 s0, s13;
	[sflag:s26] =	ssyncset.done $0x0  }
0x990: {  	s0 =	sadd.s32 $0x1C700, s1;
	[sflag:s26] =	ssyncadd.s32 $0xFFFFE000  }
0x991: {  	v2 =	vld [tilespmem:s0+$0x180];
	_ =	sdelay $0x6  }
0x992: {  	v3 =	vld [tilespmem:s0+$0x80]  }
0x993: {  	[tilespmem:v2+s2+$0x0] =	vst.idx.add.s32.msk $0xffff, v1  }
0x994: {  	v2 =	vld [tilespmem:s0+$0x190];
	_ =	sdelay $0x1  }
0x995: {  	v4 =	vld [tilespmem:s0+$0x100];
	_ =	sdelay $0x2  }
0x996: {  	v5 =	vld [tilespmem:s1+$0x1C700]  }
0x997: {  	[tilespmem:v3+s2+$0x0] =	vst.idx.add.s32.msk $0xffff, v1  }
0x998: {  	v3 =	vld [tilespmem:s0+$0x90]  }
0x999: {  	[tilespmem:v2+s2+$0x0] =	vst.idx.add.s32.msk $0xffff, v1  }
0x99a: {  	v2 =	vld [tilespmem:s0+$0x1A0]  }
0x99b: {  	[tilespmem:v4+s2+$0x0] =	vst.idx.add.s32.msk $0xffff, v1  }
0x99c: {  	v4 =	vld [tilespmem:s0+$0x110];
	_ =	sdelay $0x1  }
0x99d: {  	[tilespmem:v5+s2+$0x0] =	vst.idx.add.s32.msk $0xffff, v1  }
0x99e: {  	v5 =	vld [tilespmem:s0+$0x10]  }
0x99f: {  	[tilespmem:v3+s2+$0x0] =	vst.idx.add.s32.msk $0xffff, v1  }
0x9a0: {  	v3 =	vld [tilespmem:s0+$0xA0]  }
0x9a1: {  	[tilespmem:v2+s2+$0x0] =	vst.idx.add.s32.msk $0xffff, v1  }
0x9a2: {  	v2 =	vld [tilespmem:s0+$0x1B0]  }
0x9a3: {  	[tilespmem:v4+s2+$0x0] =	vst.idx.add.s32.msk $0xffff, v1  }
0x9a4: {  	v4 =	vld [tilespmem:s0+$0x120];
	_ =	sdelay $0x1  }
0x9a5: {  	[tilespmem:v5+s2+$0x0] =	vst.idx.add.s32.msk $0xffff, v1  }
0x9a6: {  	v5 =	vld [tilespmem:s0+$0x20]  }
0x9a7: {  	[tilespmem:v3+s2+$0x0] =	vst.idx.add.s32.msk $0xffff, v1  }
0x9a8: {  	v3 =	vld [tilespmem:s0+$0xB0]  }
0x9a9: {  	[tilespmem:v2+s2+$0x0] =	vst.idx.add.s32.msk $0xffff, v1  }
0x9aa: {  	v2 =	vld [tilespmem:s0+$0x1C0]  }
0x9ab: {  	[tilespmem:v4+s2+$0x0] =	vst.idx.add.s32.msk $0xffff, v1  }
0x9ac: {  	v4 =	vld [tilespmem:s0+$0x130];
	_ =	sdelay $0x1  }
0x9ad: {  	[tilespmem:v5+s2+$0x0] =	vst.idx.add.s32.msk $0xffff, v1  }
0x9ae: {  	v5 =	vld [tilespmem:s0+$0x30]  }
0x9af: {  	[tilespmem:v3+s2+$0x0] =	vst.idx.add.s32.msk $0xffff, v1  }
0x9b0: {  	v3 =	vld [tilespmem:s0+$0xC0]  }
0x9b1: {  	[tilespmem:v2+s2+$0x0] =	vst.idx.add.s32.msk $0xffff, v1  }
0x9b2: {  	v2 =	vld [tilespmem:s0+$0x1D0]  }
0x9b3: {  	[tilespmem:v4+s2+$0x0] =	vst.idx.add.s32.msk $0xffff, v1  }
0x9b4: {  	v4 =	vld [tilespmem:s0+$0x140];
	_ =	sdelay $0x1  }
0x9b5: {  	[tilespmem:v5+s2+$0x0] =	vst.idx.add.s32.msk $0xffff, v1  }
0x9b6: {  	v5 =	vld [tilespmem:s0+$0x40]  }
0x9b7: {  	[tilespmem:v3+s2+$0x0] =	vst.idx.add.s32.msk $0xffff, v1  }
0x9b8: {  	v3 =	vld [tilespmem:s0+$0xD0]  }
0x9b9: {  	[tilespmem:v2+s2+$0x0] =	vst.idx.add.s32.msk $0xffff, v1  }
0x9ba: {  	v2 =	vld [tilespmem:s0+$0x1E0]  }
0x9bb: {  	[tilespmem:v4+s2+$0x0] =	vst.idx.add.s32.msk $0xffff, v1  }
0x9bc: {  	v4 =	vld [tilespmem:s0+$0x150];
	_ =	sdelay $0x2  }
0x9bd: {  	[tilespmem:v5+s2+$0x0] =	vst.idx.add.s32.msk $0xffff, v1  }
0x9be: {  	v5 =	vld [tilespmem:s0+$0x50]  }
0x9bf: {  	[tilespmem:v3+s2+$0x0] =	vst.idx.add.s32.msk $0xffff, v1  }
0x9c0: {  	[tilespmem:v2+s2+$0x0] =	vst.idx.add.s32.msk $0xffff, v1  }
0x9c1: {  	v2 =	vld [tilespmem:s0+$0x1F0]  }
0x9c2: {  	[tilespmem:v4+s2+$0x0] =	vst.idx.add.s32.msk $0xffff, v1  }
0x9c3: {  	v3 =	vld [tilespmem:s0+$0xE0]  }
0x9c4: {  	p0 =	por $0x0, $0x0;
	s1 =	simm.s32 $0x1;
	v4 =	vld [tilespmem:s0+$0x160]  }
0x9c5: {  	s1 =	simm.s32 @!p0 $0x0  }
0x9c6: {  	s1 =	sshll.u32 s1, $0x9;
	[tilespmem:v5+s2+$0x0] =	vst.idx.add.s32.msk $0xffff, v1  }
0x9c7: {  	s1 =	sadd.s32 $0x0, s1;
	v5 =	vld [tilespmem:s0+$0x60]  }
0x9c8: {  	s10 =	sadd.s32 $0x180, s1  }
0x9c9: {  	s14 =	sor.u32 $0x400, s10;
	[tilespmem:v2+s2+$0x0] =	vst.idx.add.s32.msk $0xffff, v1  }
0x9ca: {  	v2 =	vld [tilespmem:s14+$0x1C700]  }
0x9cb: {  	[tilespmem:v3+s2+$0x0] =	vst.idx.add.s32.msk $0xffff, v1  }
0x9cc: {  	[tilespmem:v4+s2+$0x0] =	vst.idx.add.s32.msk $0xffff, v1  }
0x9cd: {  	v3 =	vld [tilespmem:s0+$0xF0]  }
0x9ce: {  	v4 =	vld [tilespmem:s0+$0x170]  }
0x9cf: {  	[tilespmem:v5+s2+$0x0] =	vst.idx.add.s32.msk $0xffff, v1  }
0x9d0: {  	v5 =	vld [tilespmem:s0+$0x70];
	_ =	sdelay $0x1  }
0x9d1: {  	s15 =	sor.u32 $0x410, s10;
	[tilespmem:v2+s2+$0x0] =	vst.idx.add.s32.msk $0xffff, v1  }
0x9d2: {  	v2 =	vld [tilespmem:s15+$0x1C700];
	_ =	sdelay $0x1  }
0x9d3: {  	s16 =	sadd.s32 $0x80, s1;
	[tilespmem:v3+s2+$0x0] =	vst.idx.add.s32.msk $0xffff, v1  }
0x9d4: {  	s17 =	sor.u32 $0x400, s16;
	[tilespmem:v4+s2+$0x0] =	vst.idx.add.s32.msk $0xffff, v1  }
0x9d5: {  	s4 =	sadd.s32 $0x100, s1;
	v3 =	vld [tilespmem:s17+$0x1C700]  }
0x9d6: {  	s18 =	sor.u32 $0x400, s4;
	[tilespmem:v5+s2+$0x0] =	vst.idx.add.s32.msk $0xffff, v1  }
0x9d7: {  	s20 =	sor.u32 $0x400, s1;
	v4 =	vld [tilespmem:s18+$0x1C700]  }
0x9d8: {  	v5 =	vld [tilespmem:s20+$0x1C700]  }
0x9d9: {  	s19 =	sor.u32 $0x420, s10;
	[tilespmem:v2+s2+$0x0] =	vst.idx.add.s32.msk $0xffff, v1  }
0x9da: {  	v6 =	vld [tilespmem:s19+$0x1C700];
	_ =	sdelay $0x2  }
0x9db: {  	s22 =	sor.u32 $0x410, s16;
	[tilespmem:v3+s2+$0x0] =	vst.idx.add.s32.msk $0xffff, v1  }
0x9dc: {  	v3 =	vld [tilespmem:s22+$0x1C700];
	_ =	sdelay $0x1  }
0x9dd: {  	s3 =	simm.s32 $0x0;
	s12 =	sor.u32 $0x420, s1;
	s6 =	sor.u32 $0x430, s1;
	[tilespmem:v4+s2+$0x0] =	vst.idx.add.s32.msk $0xffff, v1  }
0x9de: {  	s5 =	sor.u32 $0x410, s4;
	s13 =	sor.u32 $0x420, s16;
	s11 =	sor.u32 $0x420, s4;
	[tilespmem:v5+s2+$0x0] =	vst.idx.add.s32.msk $0xffff, v1  }
0x9df: {  	s9 =	sor.u32 $0x430, s16;
	s7 =	sor.u32 $0x430, s4;
	s30 =	sor.u32 $0x430, s10;
	[tilespmem:v6+s2+$0x0] =	vst.idx.add.s32.msk $0xffff, v1  }
0x9e0: {  	s29 =	sor.u32 $0x438, s16;
	s0 =	sor.u32 $0x438, s4;
	s4 =	simm.s32 $0x200;
	v4 =	vld [tilespmem:s30+$0x1C700]  }
0x9e1: {  	s14 =	sor.u32 $0x410, s1;
	s1 =	sor.u32 $0x438, s1;
	v2 =	vld [tilespmem:s5+$0x1C700];
	s5 =	simm.s32 $0x400  }
.LBB2_28:
0x9e2: {  	s8 =	sand.u32 $0x1800, s5;
	s15 =	sand.u32 $0x200, s4;
	s3 =	sadd.s32 $0x4, s3;
	v5 =	vld [tilespmem:s14+$0x1C700]  }
0x9e3: {  	s8 =	sor.u32 s15, s8;
	p1 =	slt.u32 s3, $0x1C;
	[tilespmem:v3+s2+$0x0] =	vst.idx.add.s32.msk $0xffff, v1  }
0x9e4: {  	v3 =	vld [tilespmem:s8+$0x1C700];
	s8 =	sadd.s32 $0x1C700, s8  }
0x9e5: {  	v6 =	vld [tilespmem:s8+$0x180]  }
0x9e6: {  	v7 =	vld [tilespmem:s8+$0x80]  }
0x9e7: {  	v8 =	vld [tilespmem:s8+$0x100]  }
0x9e8: {  	s10 =	sor.u32 $0x438, s10;
	[tilespmem:v4+s2+$0x0] =	vst.idx.add.s32.msk $0xffff, v1  }
0x9e9: {  	v4 =	vld [tilespmem:s10+$0x1C700]  }
0x9ea: {  	[tilespmem:v2+s2+$0x0] =	vst.idx.add.s32.msk $0xffff, v1  }
0x9eb: {  	[tilespmem:v5+s2+$0x0] =	vst.idx.add.s32.msk $0xffff, v1  }
0x9ec: {  	[tilespmem:v3+s2+$0x0] =	vst.idx.add.s32.msk $0xffff, v1  }
0x9ed: {  	[tilespmem:v6+s2+$0x0] =	vst.idx.add.s32.msk $0xffff, v1  }
0x9ee: {  	v2 =	vld [tilespmem:s8+$0x190]  }
0x9ef: {  	[tilespmem:v7+s2+$0x0] =	vst.idx.add.s32.msk $0xffff, v1  }
0x9f0: {  	[tilespmem:v8+s2+$0x0] =	vst.idx.add.s32.msk $0xffff, v1  }
0x9f1: {  	[tilespmem:v4+s2+$0x0] =	vst.idx.add.s32.msk vm0, v1  }
0x9f2: {  	v3 =	vld [tilespmem:s8+$0x90]  }
0x9f3: {  	v4 =	vld [tilespmem:s8+$0x110]  }
0x9f4: {  	v5 =	vld [tilespmem:s8+$0x10]  }
0x9f5: {  	v6 =	vld [tilespmem:s13+$0x1C700]  }
0x9f6: {  	[tilespmem:v2+s2+$0x0] =	vst.idx.add.s32.msk $0xffff, v1  }
0x9f7: {  	v2 =	vld [tilespmem:s8+$0x1A0]  }
0x9f8: {  	v7 =	vld [tilespmem:s11+$0x1C700]  }
0x9f9: {  	v8 =	vld [tilespmem:s12+$0x1C700]  }
0x9fa: {  	[tilespmem:v3+s2+$0x0] =	vst.idx.add.s32.msk $0xffff, v1  }
0x9fb: {  	[tilespmem:v4+s2+$0x0] =	vst.idx.add.s32.msk $0xffff, v1  }
0x9fc: {  	[tilespmem:v5+s2+$0x0] =	vst.idx.add.s32.msk $0xffff, v1  }
0x9fd: {  	v3 =	vld [tilespmem:s8+$0xA0]  }
0x9fe: {  	v4 =	vld [tilespmem:s8+$0x120]  }
0x9ff: {  	[tilespmem:v2+s2+$0x0] =	vst.idx.add.s32.msk $0xffff, v1  }
0xa00: {  	v2 =	vld [tilespmem:s8+$0x1B0]  }
0xa01: {  	v5 =	vld [tilespmem:s8+$0x20]  }
0xa02: {  	[tilespmem:v6+s2+$0x0] =	vst.idx.add.s32.msk $0xffff, v1  }
0xa03: {  	[tilespmem:v7+s2+$0x0] =	vst.idx.add.s32.msk $0xffff, v1  }
0xa04: {  	[tilespmem:v8+s2+$0x0] =	vst.idx.add.s32.msk $0xffff, v1  }
0xa05: {  	[tilespmem:v3+s2+$0x0] =	vst.idx.add.s32.msk $0xffff, v1  }
0xa06: {  	[tilespmem:v4+s2+$0x0] =	vst.idx.add.s32.msk $0xffff, v1  }
0xa07: {  	v3 =	vld [tilespmem:s8+$0xB0]  }
0xa08: {  	[tilespmem:v2+s2+$0x0] =	vst.idx.add.s32.msk $0xffff, v1  }
0xa09: {  	v2 =	vld [tilespmem:s8+$0x1C0]  }
0xa0a: {  	[tilespmem:v5+s2+$0x0] =	vst.idx.add.s32.msk $0xffff, v1  }
0xa0b: {  	v4 =	vld [tilespmem:s8+$0x130]  }
0xa0c: {  	v5 =	vld [tilespmem:s8+$0x30]  }
0xa0d: {  	v6 =	vld [tilespmem:s9+$0x1C700]  }
0xa0e: {  	v7 =	vld [tilespmem:s7+$0x1C700]  }
0xa0f: {  	[tilespmem:v3+s2+$0x0] =	vst.idx.add.s32.msk $0xffff, v1  }
0xa10: {  	v3 =	vld [tilespmem:s8+$0xC0]  }
0xa11: {  	[tilespmem:v2+s2+$0x0] =	vst.idx.add.s32.msk $0xffff, v1  }
0xa12: {  	v2 =	vld [tilespmem:s8+$0x1D0]  }
0xa13: {  	[tilespmem:v4+s2+$0x0] =	vst.idx.add.s32.msk $0xffff, v1  }
0xa14: {  	[tilespmem:v5+s2+$0x0] =	vst.idx.add.s32.msk $0xffff, v1  }
0xa15: {  	v4 =	vld [tilespmem:s8+$0x140]  }
0xa16: {  	v5 =	vld [tilespmem:s8+$0x40]  }
0xa17: {  	v8 =	vld [tilespmem:s6+$0x1C700]  }
0xa18: {  	[tilespmem:v3+s2+$0x0] =	vst.idx.add.s32.msk $0xffff, v1  }
0xa19: {  	v3 =	vld [tilespmem:s8+$0xD0]  }
0xa1a: {  	[tilespmem:v2+s2+$0x0] =	vst.idx.add.s32.msk $0xffff, v1  }
0xa1b: {  	v2 =	vld [tilespmem:s8+$0x1E0]  }
0xa1c: {  	[tilespmem:v6+s2+$0x0] =	vst.idx.add.s32.msk $0xffff, v1  }
0xa1d: {  	[tilespmem:v4+s2+$0x0] =	vst.idx.add.s32.msk $0xffff, v1  }
0xa1e: {  	[tilespmem:v5+s2+$0x0] =	vst.idx.add.s32.msk $0xffff, v1  }
0xa1f: {  	v4 =	vld [tilespmem:s8+$0x150]  }
0xa20: {  	v5 =	vld [tilespmem:s8+$0x50]  }
0xa21: {  	[tilespmem:v3+s2+$0x0] =	vst.idx.add.s32.msk $0xffff, v1  }
0xa22: {  	v3 =	vld [tilespmem:s8+$0xE0]  }
0xa23: {  	[tilespmem:v2+s2+$0x0] =	vst.idx.add.s32.msk $0xffff, v1  }
0xa24: {  	v2 =	vld [tilespmem:s8+$0x1F0]  }
0xa25: {  	[tilespmem:v7+s2+$0x0] =	vst.idx.add.s32.msk $0xffff, v1  }
0xa26: {  	[tilespmem:v8+s2+$0x0] =	vst.idx.add.s32.msk $0xffff, v1  }
0xa27: {  	p0 =	por !p0, !p0;
	s6 =	simm.s32 $0x1;
	[tilespmem:v4+s2+$0x0] =	vst.idx.add.s32.msk $0xffff, v1  }
0xa28: {  	s6 =	simm.s32 @!p0 $0x0;
	[tilespmem:v5+s2+$0x0] =	vst.idx.add.s32.msk $0xffff, v1  }
0xa29: {  	s6 =	sshll.u32 s6, $0x9;
	v4 =	vld [tilespmem:s8+$0x160]  }
0xa2a: {  	s16 =	sadd.s32 s6, s5;
	v5 =	vld [tilespmem:s8+$0x60]  }
0xa2b: {  	s17 =	sadd.s32 $0x80, s16;
	s18 =	sadd.s32 $0x100, s16;
	s10 =	sadd.s32 $0x180, s16;
	[tilespmem:v3+s2+$0x0] =	vst.idx.add.s32.msk $0xffff, v1  }
0xa2c: {  	s19 =	sor.u32 $0x400, s17;
	s20 =	sor.u32 $0x400, s18;
	s6 =	sor.u32 $0x400, s10;
	[tilespmem:v2+s2+$0x0] =	vst.idx.add.s32.msk $0xffff, v1  }
0xa2d: {  	s22 =	sor.u32 $0x400, s16;
	s30 =	sor.u32 $0x410, s17;
	s15 =	sor.u32 $0x410, s18;
	v2 =	vld [tilespmem:s6+$0x1C700]  }
0xa2e: {  	s14 =	sor.u32 $0x410, s16;
	s13 =	sor.u32 $0x420, s17;
	s11 =	sor.u32 $0x420, s18;
	v3 =	vld [tilespmem:s8+$0xF0]  }
0xa2f: {  	s12 =	sor.u32 $0x420, s16;
	s9 =	sor.u32 $0x430, s17;
	s7 =	sor.u32 $0x430, s18;
	v6 =	vld [tilespmem:s29+$0x1C700]  }
0xa30: {  	s6 =	sor.u32 $0x430, s16;
	s29 =	sor.u32 $0x438, s17;
	v7 =	vld [tilespmem:s0+$0x1C700];
	s0 =	sor.u32 $0x438, s18  }
0xa31: {  	s16 =	sor.u32 $0x438, s16;
	[tilespmem:v4+s2+$0x0] =	vst.idx.add.s32.msk $0xffff, v1  }
0xa32: {  	[tilespmem:v5+s2+$0x0] =	vst.idx.add.s32.msk $0xffff, v1  }
0xa33: {  	v4 =	vld [tilespmem:s8+$0x170]  }
0xa34: {  	v5 =	vld [tilespmem:s8+$0x70]  }
0xa35: {  	s8 =	sor.u32 $0x410, s10;
	[tilespmem:v2+s2+$0x0] =	vst.idx.add.s32.msk $0xffff, v1  }
0xa36: {  	v2 =	vld [tilespmem:s8+$0x1C700]  }
0xa37: {  	[tilespmem:v3+s2+$0x0] =	vst.idx.add.s32.msk $0xffff, v1  }
0xa38: {  	v3 =	vld [tilespmem:s19+$0x1C700]  }
0xa39: {  	v8 =	vld [tilespmem:s1+$0x1C700];
	s1 =	smov.u32 s16  }
0xa3a: {  	[tilespmem:v6+s2+$0x0] =	vst.idx.add.s32.msk vm0, v1  }
0xa3b: {  	[tilespmem:v4+s2+$0x0] =	vst.idx.add.s32.msk $0xffff, v1  }
0xa3c: {  	[tilespmem:v5+s2+$0x0] =	vst.idx.add.s32.msk $0xffff, v1  }
0xa3d: {  	v4 =	vld [tilespmem:s20+$0x1C700]  }
0xa3e: {  	s8 =	sor.u32 $0x420, s10;
	[tilespmem:v2+s2+$0x0] =	vst.idx.add.s32.msk $0xffff, v1  }
0xa3f: {  	v5 =	vld [tilespmem:s8+$0x1C700]  }
0xa40: {  	v6 =	vld [tilespmem:s22+$0x1C700]  }
0xa41: {  	[tilespmem:v3+s2+$0x0] =	vst.idx.add.s32.msk $0xffff, v1  }
0xa42: {  	v3 =	vld [tilespmem:s30+$0x1C700]  }
0xa43: {  	[tilespmem:v7+s2+$0x0] =	vst.idx.add.s32.msk vm0, v1  }
0xa44: {  	[tilespmem:v8+s2+$0x0] =	vst.idx.add.s32.msk vm0, v1  }
.Ltmp13:
0xa45: {  	[tilespmem:v4+s2+$0x0] =	vst.idx.add.s32.msk $0xffff, v1;
	(pc) =	sbr.rel @p1 .LBB2_28-.Ltmp13, $4  }
0xa46: {  	v2 =	vld [tilespmem:s15+$0x1C700]  }
0xa47: {  	s8 =	sor.u32 $0x430, s10;
	[tilespmem:v5+s2+$0x0] =	vst.idx.add.s32.msk $0xffff, v1  }
0xa48: {  	v4 =	vld [tilespmem:s8+$0x1C700]  }
0xa49: {  	s4 =	sadd.s32 $0x200, s4;
	s5 =	sadd.s32 $0x400, s5;
	[tilespmem:v6+s2+$0x0] =	vst.idx.add.s32.msk $0xffff, v1  }
0xa4a: {  	_ =	sdelay $0x1  }
0xa4b: {  	v5 =	vld [tilespmem:s14+$0x1C700];
	_ =	sdelay $0x1  }
0xa4c: {  	[tilespmem:v3+s2+$0x0] =	vst.idx.add.s32.msk $0xffff, v1  }
0xa4d: {  	[tilespmem:v2+s2+$0x0] =	vst.idx.add.s32.msk $0xffff, v1  }
0xa4e: {  	v2 =	vld [tilespmem:s13+$0x1C700]  }
0xa4f: {  	v3 =	vld [tilespmem:s11+$0x1C700];
	_ =	sdelay $0x2  }
0xa50: {  	[tilespmem:v5+s2+$0x0] =	vst.idx.add.s32.msk $0xffff, v1  }
0xa51: {  	v5 =	vld [tilespmem:s12+$0x1C700];
	_ =	sdelay $0x2  }
0xa52: {  	[tilespmem:v2+s2+$0x0] =	vst.idx.add.s32.msk $0xffff, v1  }
0xa53: {  	[tilespmem:v3+s2+$0x0] =	vst.idx.add.s32.msk $0xffff, v1  }
0xa54: {  	v2 =	vld [tilespmem:s9+$0x1C700]  }
0xa55: {  	v3 =	vld [tilespmem:s7+$0x1C700];
	_ =	sdelay $0x1  }
0xa56: {  	[tilespmem:v5+s2+$0x0] =	vst.idx.add.s32.msk $0xffff, v1  }
0xa57: {  	v5 =	vld [tilespmem:s6+$0x1C700];
	_ =	sdelay $0x1  }
0xa58: {  	s3 =	sor.u32 $0x438, s10;
	[tilespmem:v4+s2+$0x0] =	vst.idx.add.s32.msk $0xffff, v1  }
0xa59: {  	v4 =	vld [tilespmem:s3+$0x1C700]  }
0xa5a: {  	[tilespmem:v2+s2+$0x0] =	vst.idx.add.s32.msk $0xffff, v1  }
0xa5b: {  	[tilespmem:v3+s2+$0x0] =	vst.idx.add.s32.msk $0xffff, v1  }
0xa5c: {  	v2 =	vld [tilespmem:s29+$0x1C700]  }
0xa5d: {  	v3 =	vld [tilespmem:s0+$0x1C700]  }
0xa5e: {  	[tilespmem:v5+s2+$0x0] =	vst.idx.add.s32.msk $0xffff, v1  }
0xa5f: {  	v5 =	vld [tilespmem:s1+$0x1C700];
	_ =	sdelay $0x4  }
0xa60: {  	[tilespmem:v4+s2+$0x0] =	vst.idx.add.s32.msk vm0, v1  }
0xa61: {  	[tilespmem:v2+s2+$0x0] =	vst.idx.add.s32.msk vm0, v1  }
0xa62: {  	[tilespmem:v3+s2+$0x0] =	vst.idx.add.s32.msk vm0, v1  }
0xa63: {  	[tilespmem:v5+s2+$0x0] =	vst.idx.add.s32.msk vm0, v1  }
0xa64: {  	s11 =	simm.s32 $0x0;
	s12 =	rddreg [dreg:$0x10]  }
0xa65: {  	[tilespmem:s23], [sflag:$0x3] =	stream.linear.gather [hbm4b:s12+s11], $0x2000, $0x38;
	[tilespmem:$0x1E700] =	vst v63  }
0xa66: {  	s13 =	sand.u32 $0x1800, s11;
	s0 =	sand.u32 $0x200, s11;
	_ =	swait.ge [sflag:s24], $0x2000  }
0xa67: {  	s1 =	sor.u32 s0, s13;
	[sflag:s24] =	ssyncset.done $0x0  }
0xa68: {  	s0 =	sadd.s32 $0x18700, s1;
	[sflag:s24] =	ssyncadd.s32 $0xFFFFE000  }
0xa69: {  	v2 =	vld [tilespmem:s0+$0x180];
	_ =	sdelay $0x6  }
0xa6a: {  	v3 =	vld [tilespmem:s0+$0x80]  }
0xa6b: {  	[tilespmem:v2+s2+$0x0] =	vst.idx.add.s32.msk $0xffff, v1  }
0xa6c: {  	v2 =	vld [tilespmem:s0+$0x190];
	_ =	sdelay $0x1  }
0xa6d: {  	v4 =	vld [tilespmem:s0+$0x100];
	_ =	sdelay $0x2  }
0xa6e: {  	v5 =	vld [tilespmem:s1+$0x18700]  }
0xa6f: {  	[tilespmem:v3+s2+$0x0] =	vst.idx.add.s32.msk $0xffff, v1  }
0xa70: {  	v3 =	vld [tilespmem:s0+$0x90]  }
0xa71: {  	[tilespmem:v2+s2+$0x0] =	vst.idx.add.s32.msk $0xffff, v1  }
0xa72: {  	v2 =	vld [tilespmem:s0+$0x1A0]  }
0xa73: {  	[tilespmem:v4+s2+$0x0] =	vst.idx.add.s32.msk $0xffff, v1  }
0xa74: {  	v4 =	vld [tilespmem:s0+$0x110];
	_ =	sdelay $0x1  }
0xa75: {  	[tilespmem:v5+s2+$0x0] =	vst.idx.add.s32.msk $0xffff, v1  }
0xa76: {  	v5 =	vld [tilespmem:s0+$0x10]  }
0xa77: {  	[tilespmem:v3+s2+$0x0] =	vst.idx.add.s32.msk $0xffff, v1  }
0xa78: {  	v3 =	vld [tilespmem:s0+$0xA0]  }
0xa79: {  	[tilespmem:v2+s2+$0x0] =	vst.idx.add.s32.msk $0xffff, v1  }
0xa7a: {  	v2 =	vld [tilespmem:s0+$0x1B0]  }
0xa7b: {  	[tilespmem:v4+s2+$0x0] =	vst.idx.add.s32.msk $0xffff, v1  }
0xa7c: {  	v4 =	vld [tilespmem:s0+$0x120];
	_ =	sdelay $0x1  }
0xa7d: {  	[tilespmem:v5+s2+$0x0] =	vst.idx.add.s32.msk $0xffff, v1  }
0xa7e: {  	v5 =	vld [tilespmem:s0+$0x20]  }
0xa7f: {  	[tilespmem:v3+s2+$0x0] =	vst.idx.add.s32.msk $0xffff, v1  }
0xa80: {  	v3 =	vld [tilespmem:s0+$0xB0]  }
0xa81: {  	[tilespmem:v2+s2+$0x0] =	vst.idx.add.s32.msk $0xffff, v1  }
0xa82: {  	v2 =	vld [tilespmem:s0+$0x1C0]  }
0xa83: {  	[tilespmem:v4+s2+$0x0] =	vst.idx.add.s32.msk $0xffff, v1  }
0xa84: {  	v4 =	vld [tilespmem:s0+$0x130];
	_ =	sdelay $0x1  }
0xa85: {  	[tilespmem:v5+s2+$0x0] =	vst.idx.add.s32.msk $0xffff, v1  }
0xa86: {  	v5 =	vld [tilespmem:s0+$0x30]  }
0xa87: {  	[tilespmem:v3+s2+$0x0] =	vst.idx.add.s32.msk $0xffff, v1  }
0xa88: {  	v3 =	vld [tilespmem:s0+$0xC0]  }
0xa89: {  	[tilespmem:v2+s2+$0x0] =	vst.idx.add.s32.msk $0xffff, v1  }
0xa8a: {  	v2 =	vld [tilespmem:s0+$0x1D0]  }
0xa8b: {  	[tilespmem:v4+s2+$0x0] =	vst.idx.add.s32.msk $0xffff, v1  }
0xa8c: {  	v4 =	vld [tilespmem:s0+$0x140];
	_ =	sdelay $0x1  }
0xa8d: {  	[tilespmem:v5+s2+$0x0] =	vst.idx.add.s32.msk $0xffff, v1  }
0xa8e: {  	v5 =	vld [tilespmem:s0+$0x40]  }
0xa8f: {  	[tilespmem:v3+s2+$0x0] =	vst.idx.add.s32.msk $0xffff, v1  }
0xa90: {  	v3 =	vld [tilespmem:s0+$0xD0]  }
0xa91: {  	[tilespmem:v2+s2+$0x0] =	vst.idx.add.s32.msk $0xffff, v1  }
0xa92: {  	v2 =	vld [tilespmem:s0+$0x1E0]  }
0xa93: {  	[tilespmem:v4+s2+$0x0] =	vst.idx.add.s32.msk $0xffff, v1  }
0xa94: {  	v4 =	vld [tilespmem:s0+$0x150];
	_ =	sdelay $0x2  }
0xa95: {  	[tilespmem:v5+s2+$0x0] =	vst.idx.add.s32.msk $0xffff, v1  }
0xa96: {  	v5 =	vld [tilespmem:s0+$0x50]  }
0xa97: {  	[tilespmem:v3+s2+$0x0] =	vst.idx.add.s32.msk $0xffff, v1  }
0xa98: {  	[tilespmem:v2+s2+$0x0] =	vst.idx.add.s32.msk $0xffff, v1  }
0xa99: {  	v2 =	vld [tilespmem:s0+$0x1F0]  }
0xa9a: {  	[tilespmem:v4+s2+$0x0] =	vst.idx.add.s32.msk $0xffff, v1  }
0xa9b: {  	v3 =	vld [tilespmem:s0+$0xE0]  }
0xa9c: {  	p0 =	por $0x0, $0x0;
	s1 =	simm.s32 $0x1;
	v4 =	vld [tilespmem:s0+$0x160]  }
0xa9d: {  	s1 =	simm.s32 @!p0 $0x0  }
0xa9e: {  	s1 =	sshll.u32 s1, $0x9;
	[tilespmem:v5+s2+$0x0] =	vst.idx.add.s32.msk $0xffff, v1  }
0xa9f: {  	s1 =	sadd.s32 $0x0, s1;
	v5 =	vld [tilespmem:s0+$0x60]  }
0xaa0: {  	s10 =	sadd.s32 $0x180, s1  }
0xaa1: {  	s14 =	sor.u32 $0x400, s10;
	[tilespmem:v2+s2+$0x0] =	vst.idx.add.s32.msk $0xffff, v1  }
0xaa2: {  	v2 =	vld [tilespmem:s14+$0x18700]  }
0xaa3: {  	[tilespmem:v3+s2+$0x0] =	vst.idx.add.s32.msk $0xffff, v1  }
0xaa4: {  	[tilespmem:v4+s2+$0x0] =	vst.idx.add.s32.msk $0xffff, v1  }
0xaa5: {  	v3 =	vld [tilespmem:s0+$0xF0]  }
0xaa6: {  	v4 =	vld [tilespmem:s0+$0x170]  }
0xaa7: {  	[tilespmem:v5+s2+$0x0] =	vst.idx.add.s32.msk $0xffff, v1  }
0xaa8: {  	v5 =	vld [tilespmem:s0+$0x70];
	_ =	sdelay $0x1  }
0xaa9: {  	s15 =	sor.u32 $0x410, s10;
	[tilespmem:v2+s2+$0x0] =	vst.idx.add.s32.msk $0xffff, v1  }
0xaaa: {  	v2 =	vld [tilespmem:s15+$0x18700];
	_ =	sdelay $0x1  }
0xaab: {  	s16 =	sadd.s32 $0x80, s1;
	[tilespmem:v3+s2+$0x0] =	vst.idx.add.s32.msk $0xffff, v1  }
0xaac: {  	s17 =	sor.u32 $0x400, s16;
	[tilespmem:v4+s2+$0x0] =	vst.idx.add.s32.msk $0xffff, v1  }
0xaad: {  	s4 =	sadd.s32 $0x100, s1;
	v3 =	vld [tilespmem:s17+$0x18700]  }
0xaae: {  	s18 =	sor.u32 $0x400, s4;
	[tilespmem:v5+s2+$0x0] =	vst.idx.add.s32.msk $0xffff, v1  }
0xaaf: {  	s20 =	sor.u32 $0x400, s1;
	v4 =	vld [tilespmem:s18+$0x18700]  }
0xab0: {  	v5 =	vld [tilespmem:s20+$0x18700]  }
0xab1: {  	s19 =	sor.u32 $0x420, s10;
	[tilespmem:v2+s2+$0x0] =	vst.idx.add.s32.msk $0xffff, v1  }
0xab2: {  	v6 =	vld [tilespmem:s19+$0x18700];
	_ =	sdelay $0x2  }
0xab3: {  	s22 =	sor.u32 $0x410, s16;
	[tilespmem:v3+s2+$0x0] =	vst.idx.add.s32.msk $0xffff, v1  }
0xab4: {  	v3 =	vld [tilespmem:s22+$0x18700];
	_ =	sdelay $0x1  }
0xab5: {  	s3 =	simm.s32 $0x0;
	s12 =	sor.u32 $0x420, s1;
	s6 =	sor.u32 $0x430, s1;
	[tilespmem:v4+s2+$0x0] =	vst.idx.add.s32.msk $0xffff, v1  }
0xab6: {  	s5 =	sor.u32 $0x410, s4;
	s13 =	sor.u32 $0x420, s16;
	s11 =	sor.u32 $0x420, s4;
	[tilespmem:v5+s2+$0x0] =	vst.idx.add.s32.msk $0xffff, v1  }
0xab7: {  	s9 =	sor.u32 $0x430, s16;
	s7 =	sor.u32 $0x430, s4;
	s30 =	sor.u32 $0x430, s10;
	[tilespmem:v6+s2+$0x0] =	vst.idx.add.s32.msk $0xffff, v1  }
0xab8: {  	s29 =	sor.u32 $0x438, s16;
	s0 =	sor.u32 $0x438, s4;
	s4 =	simm.s32 $0x200;
	v4 =	vld [tilespmem:s30+$0x18700]  }
0xab9: {  	s14 =	sor.u32 $0x410, s1;
	s1 =	sor.u32 $0x438, s1;
	v2 =	vld [tilespmem:s5+$0x18700];
	s5 =	simm.s32 $0x400  }
.LBB2_30:
0xaba: {  	s8 =	sand.u32 $0x1800, s5;
	s15 =	sand.u32 $0x200, s4;
	s3 =	sadd.s32 $0x4, s3;
	v5 =	vld [tilespmem:s14+$0x18700]  }
0xabb: {  	s8 =	sor.u32 s15, s8;
	p1 =	slt.u32 s3, $0x1C;
	[tilespmem:v3+s2+$0x0] =	vst.idx.add.s32.msk $0xffff, v1  }
0xabc: {  	v3 =	vld [tilespmem:s8+$0x18700];
	s8 =	sadd.s32 $0x18700, s8  }
0xabd: {  	v6 =	vld [tilespmem:s8+$0x180]  }
0xabe: {  	v7 =	vld [tilespmem:s8+$0x80]  }
0xabf: {  	v8 =	vld [tilespmem:s8+$0x100]  }
0xac0: {  	s10 =	sor.u32 $0x438, s10;
	[tilespmem:v4+s2+$0x0] =	vst.idx.add.s32.msk $0xffff, v1  }
0xac1: {  	v4 =	vld [tilespmem:s10+$0x18700]  }
0xac2: {  	[tilespmem:v2+s2+$0x0] =	vst.idx.add.s32.msk $0xffff, v1  }
0xac3: {  	[tilespmem:v5+s2+$0x0] =	vst.idx.add.s32.msk $0xffff, v1  }
0xac4: {  	[tilespmem:v3+s2+$0x0] =	vst.idx.add.s32.msk $0xffff, v1  }
0xac5: {  	[tilespmem:v6+s2+$0x0] =	vst.idx.add.s32.msk $0xffff, v1  }
0xac6: {  	v2 =	vld [tilespmem:s8+$0x190]  }
0xac7: {  	[tilespmem:v7+s2+$0x0] =	vst.idx.add.s32.msk $0xffff, v1  }
0xac8: {  	[tilespmem:v8+s2+$0x0] =	vst.idx.add.s32.msk $0xffff, v1  }
0xac9: {  	[tilespmem:v4+s2+$0x0] =	vst.idx.add.s32.msk vm0, v1  }
0xaca: {  	v3 =	vld [tilespmem:s8+$0x90]  }
0xacb: {  	v4 =	vld [tilespmem:s8+$0x110]  }
0xacc: {  	v5 =	vld [tilespmem:s8+$0x10]  }
0xacd: {  	v6 =	vld [tilespmem:s13+$0x18700]  }
0xace: {  	[tilespmem:v2+s2+$0x0] =	vst.idx.add.s32.msk $0xffff, v1  }
0xacf: {  	v2 =	vld [tilespmem:s8+$0x1A0]  }
0xad0: {  	v7 =	vld [tilespmem:s11+$0x18700]  }
0xad1: {  	v8 =	vld [tilespmem:s12+$0x18700]  }
0xad2: {  	[tilespmem:v3+s2+$0x0] =	vst.idx.add.s32.msk $0xffff, v1  }
0xad3: {  	[tilespmem:v4+s2+$0x0] =	vst.idx.add.s32.msk $0xffff, v1  }
0xad4: {  	[tilespmem:v5+s2+$0x0] =	vst.idx.add.s32.msk $0xffff, v1  }
0xad5: {  	v3 =	vld [tilespmem:s8+$0xA0]  }
0xad6: {  	v4 =	vld [tilespmem:s8+$0x120]  }
0xad7: {  	[tilespmem:v2+s2+$0x0] =	vst.idx.add.s32.msk $0xffff, v1  }
0xad8: {  	v2 =	vld [tilespmem:s8+$0x1B0]  }
0xad9: {  	v5 =	vld [tilespmem:s8+$0x20]  }
0xada: {  	[tilespmem:v6+s2+$0x0] =	vst.idx.add.s32.msk $0xffff, v1  }
0xadb: {  	[tilespmem:v7+s2+$0x0] =	vst.idx.add.s32.msk $0xffff, v1  }
0xadc: {  	[tilespmem:v8+s2+$0x0] =	vst.idx.add.s32.msk $0xffff, v1  }
0xadd: {  	[tilespmem:v3+s2+$0x0] =	vst.idx.add.s32.msk $0xffff, v1  }
0xade: {  	[tilespmem:v4+s2+$0x0] =	vst.idx.add.s32.msk $0xffff, v1  }
0xadf: {  	v3 =	vld [tilespmem:s8+$0xB0]  }
0xae0: {  	[tilespmem:v2+s2+$0x0] =	vst.idx.add.s32.msk $0xffff, v1  }
0xae1: {  	v2 =	vld [tilespmem:s8+$0x1C0]  }
0xae2: {  	[tilespmem:v5+s2+$0x0] =	vst.idx.add.s32.msk $0xffff, v1  }
0xae3: {  	v4 =	vld [tilespmem:s8+$0x130]  }
0xae4: {  	v5 =	vld [tilespmem:s8+$0x30]  }
0xae5: {  	v6 =	vld [tilespmem:s9+$0x18700]  }
0xae6: {  	v7 =	vld [tilespmem:s7+$0x18700]  }
0xae7: {  	[tilespmem:v3+s2+$0x0] =	vst.idx.add.s32.msk $0xffff, v1  }
0xae8: {  	v3 =	vld [tilespmem:s8+$0xC0]  }
0xae9: {  	[tilespmem:v2+s2+$0x0] =	vst.idx.add.s32.msk $0xffff, v1  }
0xaea: {  	v2 =	vld [tilespmem:s8+$0x1D0]  }
0xaeb: {  	[tilespmem:v4+s2+$0x0] =	vst.idx.add.s32.msk $0xffff, v1  }
0xaec: {  	[tilespmem:v5+s2+$0x0] =	vst.idx.add.s32.msk $0xffff, v1  }
0xaed: {  	v4 =	vld [tilespmem:s8+$0x140]  }
0xaee: {  	v5 =	vld [tilespmem:s8+$0x40]  }
0xaef: {  	v8 =	vld [tilespmem:s6+$0x18700]  }
0xaf0: {  	[tilespmem:v3+s2+$0x0] =	vst.idx.add.s32.msk $0xffff, v1  }
0xaf1: {  	v3 =	vld [tilespmem:s8+$0xD0]  }
0xaf2: {  	[tilespmem:v2+s2+$0x0] =	vst.idx.add.s32.msk $0xffff, v1  }
0xaf3: {  	v2 =	vld [tilespmem:s8+$0x1E0]  }
0xaf4: {  	[tilespmem:v6+s2+$0x0] =	vst.idx.add.s32.msk $0xffff, v1  }
0xaf5: {  	[tilespmem:v4+s2+$0x0] =	vst.idx.add.s32.msk $0xffff, v1  }
0xaf6: {  	[tilespmem:v5+s2+$0x0] =	vst.idx.add.s32.msk $0xffff, v1  }
0xaf7: {  	v4 =	vld [tilespmem:s8+$0x150]  }
0xaf8: {  	v5 =	vld [tilespmem:s8+$0x50]  }
0xaf9: {  	[tilespmem:v3+s2+$0x0] =	vst.idx.add.s32.msk $0xffff, v1  }
0xafa: {  	v3 =	vld [tilespmem:s8+$0xE0]  }
0xafb: {  	[tilespmem:v2+s2+$0x0] =	vst.idx.add.s32.msk $0xffff, v1  }
0xafc: {  	v2 =	vld [tilespmem:s8+$0x1F0]  }
0xafd: {  	[tilespmem:v7+s2+$0x0] =	vst.idx.add.s32.msk $0xffff, v1  }
0xafe: {  	[tilespmem:v8+s2+$0x0] =	vst.idx.add.s32.msk $0xffff, v1  }
0xaff: {  	p0 =	por !p0, !p0;
	s6 =	simm.s32 $0x1;
	[tilespmem:v4+s2+$0x0] =	vst.idx.add.s32.msk $0xffff, v1  }
0xb00: {  	s6 =	simm.s32 @!p0 $0x0;
	[tilespmem:v5+s2+$0x0] =	vst.idx.add.s32.msk $0xffff, v1  }
0xb01: {  	s6 =	sshll.u32 s6, $0x9;
	v4 =	vld [tilespmem:s8+$0x160]  }
0xb02: {  	s16 =	sadd.s32 s6, s5;
	v5 =	vld [tilespmem:s8+$0x60]  }
0xb03: {  	s17 =	sadd.s32 $0x80, s16;
	s18 =	sadd.s32 $0x100, s16;
	s10 =	sadd.s32 $0x180, s16;
	[tilespmem:v3+s2+$0x0] =	vst.idx.add.s32.msk $0xffff, v1  }
0xb04: {  	s19 =	sor.u32 $0x400, s17;
	s20 =	sor.u32 $0x400, s18;
	s6 =	sor.u32 $0x400, s10;
	[tilespmem:v2+s2+$0x0] =	vst.idx.add.s32.msk $0xffff, v1  }
0xb05: {  	s22 =	sor.u32 $0x400, s16;
	s30 =	sor.u32 $0x410, s17;
	s15 =	sor.u32 $0x410, s18;
	v2 =	vld [tilespmem:s6+$0x18700]  }
0xb06: {  	s14 =	sor.u32 $0x410, s16;
	s13 =	sor.u32 $0x420, s17;
	s11 =	sor.u32 $0x420, s18;
	v3 =	vld [tilespmem:s8+$0xF0]  }
0xb07: {  	s12 =	sor.u32 $0x420, s16;
	s9 =	sor.u32 $0x430, s17;
	s7 =	sor.u32 $0x430, s18;
	v6 =	vld [tilespmem:s29+$0x18700]  }
0xb08: {  	s6 =	sor.u32 $0x430, s16;
	s29 =	sor.u32 $0x438, s17;
	v7 =	vld [tilespmem:s0+$0x18700];
	s0 =	sor.u32 $0x438, s18  }
0xb09: {  	s16 =	sor.u32 $0x438, s16;
	[tilespmem:v4+s2+$0x0] =	vst.idx.add.s32.msk $0xffff, v1  }
0xb0a: {  	[tilespmem:v5+s2+$0x0] =	vst.idx.add.s32.msk $0xffff, v1  }
0xb0b: {  	v4 =	vld [tilespmem:s8+$0x170]  }
0xb0c: {  	v5 =	vld [tilespmem:s8+$0x70]  }
0xb0d: {  	s8 =	sor.u32 $0x410, s10;
	[tilespmem:v2+s2+$0x0] =	vst.idx.add.s32.msk $0xffff, v1  }
0xb0e: {  	v2 =	vld [tilespmem:s8+$0x18700]  }
0xb0f: {  	[tilespmem:v3+s2+$0x0] =	vst.idx.add.s32.msk $0xffff, v1  }
0xb10: {  	v3 =	vld [tilespmem:s19+$0x18700]  }
0xb11: {  	v8 =	vld [tilespmem:s1+$0x18700];
	s1 =	smov.u32 s16  }
0xb12: {  	[tilespmem:v6+s2+$0x0] =	vst.idx.add.s32.msk vm0, v1  }
0xb13: {  	[tilespmem:v4+s2+$0x0] =	vst.idx.add.s32.msk $0xffff, v1  }
0xb14: {  	[tilespmem:v5+s2+$0x0] =	vst.idx.add.s32.msk $0xffff, v1  }
0xb15: {  	v4 =	vld [tilespmem:s20+$0x18700]  }
0xb16: {  	s8 =	sor.u32 $0x420, s10;
	[tilespmem:v2+s2+$0x0] =	vst.idx.add.s32.msk $0xffff, v1  }
0xb17: {  	v5 =	vld [tilespmem:s8+$0x18700]  }
0xb18: {  	v6 =	vld [tilespmem:s22+$0x18700]  }
0xb19: {  	[tilespmem:v3+s2+$0x0] =	vst.idx.add.s32.msk $0xffff, v1  }
0xb1a: {  	v3 =	vld [tilespmem:s30+$0x18700]  }
0xb1b: {  	[tilespmem:v7+s2+$0x0] =	vst.idx.add.s32.msk vm0, v1  }
0xb1c: {  	[tilespmem:v8+s2+$0x0] =	vst.idx.add.s32.msk vm0, v1  }
.Ltmp14:
0xb1d: {  	[tilespmem:v4+s2+$0x0] =	vst.idx.add.s32.msk $0xffff, v1;
	(pc) =	sbr.rel @p1 .LBB2_30-.Ltmp14, $4  }
0xb1e: {  	v2 =	vld [tilespmem:s15+$0x18700]  }
0xb1f: {  	s8 =	sor.u32 $0x430, s10;
	[tilespmem:v5+s2+$0x0] =	vst.idx.add.s32.msk $0xffff, v1  }
0xb20: {  	v4 =	vld [tilespmem:s8+$0x18700]  }
0xb21: {  	s4 =	sadd.s32 $0x200, s4;
	s5 =	sadd.s32 $0x400, s5;
	[tilespmem:v6+s2+$0x0] =	vst.idx.add.s32.msk $0xffff, v1  }
0xb22: {  	_ =	sdelay $0x1  }
0xb23: {  	v5 =	vld [tilespmem:s14+$0x18700];
	_ =	sdelay $0x1  }
0xb24: {  	[tilespmem:v3+s2+$0x0] =	vst.idx.add.s32.msk $0xffff, v1  }
0xb25: {  	[tilespmem:v2+s2+$0x0] =	vst.idx.add.s32.msk $0xffff, v1  }
0xb26: {  	v2 =	vld [tilespmem:s13+$0x18700]  }
0xb27: {  	v3 =	vld [tilespmem:s11+$0x18700];
	_ =	sdelay $0x2  }
0xb28: {  	[tilespmem:v5+s2+$0x0] =	vst.idx.add.s32.msk $0xffff, v1  }
0xb29: {  	v5 =	vld [tilespmem:s12+$0x18700];
	_ =	sdelay $0x2  }
0xb2a: {  	[tilespmem:v2+s2+$0x0] =	vst.idx.add.s32.msk $0xffff, v1  }
0xb2b: {  	[tilespmem:v3+s2+$0x0] =	vst.idx.add.s32.msk $0xffff, v1  }
0xb2c: {  	v2 =	vld [tilespmem:s9+$0x18700]  }
0xb2d: {  	v3 =	vld [tilespmem:s7+$0x18700];
	_ =	sdelay $0x1  }
0xb2e: {  	[tilespmem:v5+s2+$0x0] =	vst.idx.add.s32.msk $0xffff, v1  }
0xb2f: {  	v5 =	vld [tilespmem:s6+$0x18700];
	_ =	sdelay $0x1  }
0xb30: {  	s3 =	sor.u32 $0x438, s10;
	[tilespmem:v4+s2+$0x0] =	vst.idx.add.s32.msk $0xffff, v1  }
0xb31: {  	v4 =	vld [tilespmem:s3+$0x18700]  }
0xb32: {  	[tilespmem:v2+s2+$0x0] =	vst.idx.add.s32.msk $0xffff, v1  }
0xb33: {  	[tilespmem:v3+s2+$0x0] =	vst.idx.add.s32.msk $0xffff, v1  }
0xb34: {  	v2 =	vld [tilespmem:s29+$0x18700]  }
0xb35: {  	v3 =	vld [tilespmem:s0+$0x18700]  }
0xb36: {  	[tilespmem:v5+s2+$0x0] =	vst.idx.add.s32.msk $0xffff, v1  }
0xb37: {  	v5 =	vld [tilespmem:s1+$0x18700];
	_ =	sdelay $0x4  }
0xb38: {  	[tilespmem:v4+s2+$0x0] =	vst.idx.add.s32.msk vm0, v1  }
0xb39: {  	[tilespmem:v2+s2+$0x0] =	vst.idx.add.s32.msk vm0, v1  }
0xb3a: {  	[tilespmem:v3+s2+$0x0] =	vst.idx.add.s32.msk vm0, v1  }
0xb3b: {  	[tilespmem:v5+s2+$0x0] =	vst.idx.add.s32.msk vm0, v1  }
0xb3c: {  	s11 =	simm.s32 $0x0;
	s12 =	rddreg [dreg:$0x11]  }
0xb3d: {  	[tilespmem:s21], [sflag:$0x1] =	stream.linear.gather [hbm4b:s12+s11], $0x2000, $0x38;
	[tilespmem:$0x1E700] =	vst v63  }
0xb3e: {  	s13 =	sand.u32 $0x1800, s11;
	s0 =	sand.u32 $0x200, s11;
	_ =	swait.ge [sflag:s25], $0x2000  }
0xb3f: {  	s1 =	sor.u32 s0, s13;
	[sflag:s25] =	ssyncset.done $0x0  }
0xb40: {  	s0 =	sadd.s32 $0x1A700, s1;
	[sflag:s25] =	ssyncadd.s32 $0xFFFFE000  }
0xb41: {  	v2 =	vld [tilespmem:s0+$0x180];
	_ =	sdelay $0x6  }
0xb42: {  	v3 =	vld [tilespmem:s0+$0x80]  }
0xb43: {  	[tilespmem:v2+s2+$0x0] =	vst.idx.add.s32.msk $0xffff, v1  }
0xb44: {  	v2 =	vld [tilespmem:s0+$0x190];
	_ =	sdelay $0x1  }
0xb45: {  	v4 =	vld [tilespmem:s0+$0x100];
	_ =	sdelay $0x2  }
0xb46: {  	v5 =	vld [tilespmem:s1+$0x1A700]  }
0xb47: {  	[tilespmem:v3+s2+$0x0] =	vst.idx.add.s32.msk $0xffff, v1  }
0xb48: {  	v3 =	vld [tilespmem:s0+$0x90]  }
0xb49: {  	[tilespmem:v2+s2+$0x0] =	vst.idx.add.s32.msk $0xffff, v1  }
0xb4a: {  	v2 =	vld [tilespmem:s0+$0x1A0]  }
0xb4b: {  	[tilespmem:v4+s2+$0x0] =	vst.idx.add.s32.msk $0xffff, v1  }
0xb4c: {  	v4 =	vld [tilespmem:s0+$0x110];
	_ =	sdelay $0x1  }
0xb4d: {  	[tilespmem:v5+s2+$0x0] =	vst.idx.add.s32.msk $0xffff, v1  }
0xb4e: {  	v5 =	vld [tilespmem:s0+$0x10]  }
0xb4f: {  	[tilespmem:v3+s2+$0x0] =	vst.idx.add.s32.msk $0xffff, v1  }
0xb50: {  	v3 =	vld [tilespmem:s0+$0xA0]  }
0xb51: {  	[tilespmem:v2+s2+$0x0] =	vst.idx.add.s32.msk $0xffff, v1  }
0xb52: {  	v2 =	vld [tilespmem:s0+$0x1B0]  }
0xb53: {  	[tilespmem:v4+s2+$0x0] =	vst.idx.add.s32.msk $0xffff, v1  }
0xb54: {  	v4 =	vld [tilespmem:s0+$0x120];
	_ =	sdelay $0x1  }
0xb55: {  	[tilespmem:v5+s2+$0x0] =	vst.idx.add.s32.msk $0xffff, v1  }
0xb56: {  	v5 =	vld [tilespmem:s0+$0x20]  }
0xb57: {  	[tilespmem:v3+s2+$0x0] =	vst.idx.add.s32.msk $0xffff, v1  }
0xb58: {  	v3 =	vld [tilespmem:s0+$0xB0]  }
0xb59: {  	[tilespmem:v2+s2+$0x0] =	vst.idx.add.s32.msk $0xffff, v1  }
0xb5a: {  	v2 =	vld [tilespmem:s0+$0x1C0]  }
0xb5b: {  	[tilespmem:v4+s2+$0x0] =	vst.idx.add.s32.msk $0xffff, v1  }
0xb5c: {  	v4 =	vld [tilespmem:s0+$0x130];
	_ =	sdelay $0x1  }
0xb5d: {  	[tilespmem:v5+s2+$0x0] =	vst.idx.add.s32.msk $0xffff, v1  }
0xb5e: {  	v5 =	vld [tilespmem:s0+$0x30]  }
0xb5f: {  	[tilespmem:v3+s2+$0x0] =	vst.idx.add.s32.msk $0xffff, v1  }
0xb60: {  	v3 =	vld [tilespmem:s0+$0xC0]  }
0xb61: {  	[tilespmem:v2+s2+$0x0] =	vst.idx.add.s32.msk $0xffff, v1  }
0xb62: {  	v2 =	vld [tilespmem:s0+$0x1D0]  }
0xb63: {  	[tilespmem:v4+s2+$0x0] =	vst.idx.add.s32.msk $0xffff, v1  }
0xb64: {  	v4 =	vld [tilespmem:s0+$0x140];
	_ =	sdelay $0x1  }
0xb65: {  	[tilespmem:v5+s2+$0x0] =	vst.idx.add.s32.msk $0xffff, v1  }
0xb66: {  	v5 =	vld [tilespmem:s0+$0x40]  }
0xb67: {  	[tilespmem:v3+s2+$0x0] =	vst.idx.add.s32.msk $0xffff, v1  }
0xb68: {  	v3 =	vld [tilespmem:s0+$0xD0]  }
0xb69: {  	[tilespmem:v2+s2+$0x0] =	vst.idx.add.s32.msk $0xffff, v1  }
0xb6a: {  	v2 =	vld [tilespmem:s0+$0x1E0]  }
0xb6b: {  	[tilespmem:v4+s2+$0x0] =	vst.idx.add.s32.msk $0xffff, v1  }
0xb6c: {  	v4 =	vld [tilespmem:s0+$0x150];
	_ =	sdelay $0x2  }
0xb6d: {  	[tilespmem:v5+s2+$0x0] =	vst.idx.add.s32.msk $0xffff, v1  }
0xb6e: {  	v5 =	vld [tilespmem:s0+$0x50]  }
0xb6f: {  	[tilespmem:v3+s2+$0x0] =	vst.idx.add.s32.msk $0xffff, v1  }
0xb70: {  	[tilespmem:v2+s2+$0x0] =	vst.idx.add.s32.msk $0xffff, v1  }
0xb71: {  	v2 =	vld [tilespmem:s0+$0x1F0]  }
0xb72: {  	[tilespmem:v4+s2+$0x0] =	vst.idx.add.s32.msk $0xffff, v1  }
0xb73: {  	v3 =	vld [tilespmem:s0+$0xE0]  }
0xb74: {  	p0 =	por $0x0, $0x0;
	s1 =	simm.s32 $0x1;
	v4 =	vld [tilespmem:s0+$0x160]  }
0xb75: {  	s1 =	simm.s32 @!p0 $0x0  }
0xb76: {  	s1 =	sshll.u32 s1, $0x9;
	[tilespmem:v5+s2+$0x0] =	vst.idx.add.s32.msk $0xffff, v1  }
0xb77: {  	s1 =	sadd.s32 $0x0, s1;
	v5 =	vld [tilespmem:s0+$0x60]  }
0xb78: {  	s10 =	sadd.s32 $0x180, s1  }
0xb79: {  	s14 =	sor.u32 $0x400, s10;
	[tilespmem:v2+s2+$0x0] =	vst.idx.add.s32.msk $0xffff, v1  }
0xb7a: {  	v2 =	vld [tilespmem:s14+$0x1A700]  }
0xb7b: {  	[tilespmem:v3+s2+$0x0] =	vst.idx.add.s32.msk $0xffff, v1  }
0xb7c: {  	[tilespmem:v4+s2+$0x0] =	vst.idx.add.s32.msk $0xffff, v1  }
0xb7d: {  	v3 =	vld [tilespmem:s0+$0xF0]  }
0xb7e: {  	v4 =	vld [tilespmem:s0+$0x170]  }
0xb7f: {  	[tilespmem:v5+s2+$0x0] =	vst.idx.add.s32.msk $0xffff, v1  }
0xb80: {  	v5 =	vld [tilespmem:s0+$0x70];
	_ =	sdelay $0x1  }
0xb81: {  	s15 =	sor.u32 $0x410, s10;
	[tilespmem:v2+s2+$0x0] =	vst.idx.add.s32.msk $0xffff, v1  }
0xb82: {  	v2 =	vld [tilespmem:s15+$0x1A700];
	_ =	sdelay $0x1  }
0xb83: {  	s16 =	sadd.s32 $0x80, s1;
	[tilespmem:v3+s2+$0x0] =	vst.idx.add.s32.msk $0xffff, v1  }
0xb84: {  	s17 =	sor.u32 $0x400, s16;
	[tilespmem:v4+s2+$0x0] =	vst.idx.add.s32.msk $0xffff, v1  }
0xb85: {  	s4 =	sadd.s32 $0x100, s1;
	v3 =	vld [tilespmem:s17+$0x1A700]  }
0xb86: {  	s18 =	sor.u32 $0x400, s4;
	[tilespmem:v5+s2+$0x0] =	vst.idx.add.s32.msk $0xffff, v1  }
0xb87: {  	s20 =	sor.u32 $0x400, s1;
	v4 =	vld [tilespmem:s18+$0x1A700]  }
0xb88: {  	v5 =	vld [tilespmem:s20+$0x1A700]  }
0xb89: {  	s19 =	sor.u32 $0x420, s10;
	[tilespmem:v2+s2+$0x0] =	vst.idx.add.s32.msk $0xffff, v1  }
0xb8a: {  	v6 =	vld [tilespmem:s19+$0x1A700];
	_ =	sdelay $0x2  }
0xb8b: {  	s22 =	sor.u32 $0x410, s16;
	[tilespmem:v3+s2+$0x0] =	vst.idx.add.s32.msk $0xffff, v1  }
0xb8c: {  	v3 =	vld [tilespmem:s22+$0x1A700];
	_ =	sdelay $0x1  }
0xb8d: {  	s3 =	simm.s32 $0x0;
	s12 =	sor.u32 $0x420, s1;
	s6 =	sor.u32 $0x430, s1;
	[tilespmem:v4+s2+$0x0] =	vst.idx.add.s32.msk $0xffff, v1  }
0xb8e: {  	s5 =	sor.u32 $0x410, s4;
	s13 =	sor.u32 $0x420, s16;
	s11 =	sor.u32 $0x420, s4;
	[tilespmem:v5+s2+$0x0] =	vst.idx.add.s32.msk $0xffff, v1  }
0xb8f: {  	s9 =	sor.u32 $0x430, s16;
	s7 =	sor.u32 $0x430, s4;
	s30 =	sor.u32 $0x430, s10;
	[tilespmem:v6+s2+$0x0] =	vst.idx.add.s32.msk $0xffff, v1  }
0xb90: {  	s29 =	sor.u32 $0x438, s16;
	s0 =	sor.u32 $0x438, s4;
	s4 =	simm.s32 $0x200;
	v4 =	vld [tilespmem:s30+$0x1A700]  }
0xb91: {  	s14 =	sor.u32 $0x410, s1;
	s1 =	sor.u32 $0x438, s1;
	v2 =	vld [tilespmem:s5+$0x1A700];
	s5 =	simm.s32 $0x400  }
.LBB2_32:
0xb92: {  	s8 =	sand.u32 $0x1800, s5;
	s15 =	sand.u32 $0x200, s4;
	s3 =	sadd.s32 $0x4, s3;
	v5 =	vld [tilespmem:s14+$0x1A700]  }
0xb93: {  	s8 =	sor.u32 s15, s8;
	p1 =	slt.u32 s3, $0x1C;
	[tilespmem:v3+s2+$0x0] =	vst.idx.add.s32.msk $0xffff, v1  }
0xb94: {  	v3 =	vld [tilespmem:s8+$0x1A700];
	s8 =	sadd.s32 $0x1A700, s8  }
0xb95: {  	v6 =	vld [tilespmem:s8+$0x180]  }
0xb96: {  	v7 =	vld [tilespmem:s8+$0x80]  }
0xb97: {  	v8 =	vld [tilespmem:s8+$0x100]  }
0xb98: {  	s10 =	sor.u32 $0x438, s10;
	[tilespmem:v4+s2+$0x0] =	vst.idx.add.s32.msk $0xffff, v1  }
0xb99: {  	v4 =	vld [tilespmem:s10+$0x1A700]  }
0xb9a: {  	[tilespmem:v2+s2+$0x0] =	vst.idx.add.s32.msk $0xffff, v1  }
0xb9b: {  	[tilespmem:v5+s2+$0x0] =	vst.idx.add.s32.msk $0xffff, v1  }
0xb9c: {  	[tilespmem:v3+s2+$0x0] =	vst.idx.add.s32.msk $0xffff, v1  }
0xb9d: {  	[tilespmem:v6+s2+$0x0] =	vst.idx.add.s32.msk $0xffff, v1  }
0xb9e: {  	v2 =	vld [tilespmem:s8+$0x190]  }
0xb9f: {  	[tilespmem:v7+s2+$0x0] =	vst.idx.add.s32.msk $0xffff, v1  }
0xba0: {  	[tilespmem:v8+s2+$0x0] =	vst.idx.add.s32.msk $0xffff, v1  }
0xba1: {  	[tilespmem:v4+s2+$0x0] =	vst.idx.add.s32.msk vm0, v1  }
0xba2: {  	v3 =	vld [tilespmem:s8+$0x90]  }
0xba3: {  	v4 =	vld [tilespmem:s8+$0x110]  }
0xba4: {  	v5 =	vld [tilespmem:s8+$0x10]  }
0xba5: {  	v6 =	vld [tilespmem:s13+$0x1A700]  }
0xba6: {  	[tilespmem:v2+s2+$0x0] =	vst.idx.add.s32.msk $0xffff, v1  }
0xba7: {  	v2 =	vld [tilespmem:s8+$0x1A0]  }
0xba8: {  	v7 =	vld [tilespmem:s11+$0x1A700]  }
0xba9: {  	v8 =	vld [tilespmem:s12+$0x1A700]  }
0xbaa: {  	[tilespmem:v3+s2+$0x0] =	vst.idx.add.s32.msk $0xffff, v1  }
0xbab: {  	[tilespmem:v4+s2+$0x0] =	vst.idx.add.s32.msk $0xffff, v1  }
0xbac: {  	[tilespmem:v5+s2+$0x0] =	vst.idx.add.s32.msk $0xffff, v1  }
0xbad: {  	v3 =	vld [tilespmem:s8+$0xA0]  }
0xbae: {  	v4 =	vld [tilespmem:s8+$0x120]  }
0xbaf: {  	[tilespmem:v2+s2+$0x0] =	vst.idx.add.s32.msk $0xffff, v1  }
0xbb0: {  	v2 =	vld [tilespmem:s8+$0x1B0]  }
0xbb1: {  	v5 =	vld [tilespmem:s8+$0x20]  }
0xbb2: {  	[tilespmem:v6+s2+$0x0] =	vst.idx.add.s32.msk $0xffff, v1  }
0xbb3: {  	[tilespmem:v7+s2+$0x0] =	vst.idx.add.s32.msk $0xffff, v1  }
0xbb4: {  	[tilespmem:v8+s2+$0x0] =	vst.idx.add.s32.msk $0xffff, v1  }
0xbb5: {  	[tilespmem:v3+s2+$0x0] =	vst.idx.add.s32.msk $0xffff, v1  }
0xbb6: {  	[tilespmem:v4+s2+$0x0] =	vst.idx.add.s32.msk $0xffff, v1  }
0xbb7: {  	v3 =	vld [tilespmem:s8+$0xB0]  }
0xbb8: {  	[tilespmem:v2+s2+$0x0] =	vst.idx.add.s32.msk $0xffff, v1  }
0xbb9: {  	v2 =	vld [tilespmem:s8+$0x1C0]  }
0xbba: {  	[tilespmem:v5+s2+$0x0] =	vst.idx.add.s32.msk $0xffff, v1  }
0xbbb: {  	v4 =	vld [tilespmem:s8+$0x130]  }
0xbbc: {  	v5 =	vld [tilespmem:s8+$0x30]  }
0xbbd: {  	v6 =	vld [tilespmem:s9+$0x1A700]  }
0xbbe: {  	v7 =	vld [tilespmem:s7+$0x1A700]  }
0xbbf: {  	[tilespmem:v3+s2+$0x0] =	vst.idx.add.s32.msk $0xffff, v1  }
0xbc0: {  	v3 =	vld [tilespmem:s8+$0xC0]  }
0xbc1: {  	[tilespmem:v2+s2+$0x0] =	vst.idx.add.s32.msk $0xffff, v1  }
0xbc2: {  	v2 =	vld [tilespmem:s8+$0x1D0]  }
0xbc3: {  	[tilespmem:v4+s2+$0x0] =	vst.idx.add.s32.msk $0xffff, v1  }
0xbc4: {  	[tilespmem:v5+s2+$0x0] =	vst.idx.add.s32.msk $0xffff, v1  }
0xbc5: {  	v4 =	vld [tilespmem:s8+$0x140]  }
0xbc6: {  	v5 =	vld [tilespmem:s8+$0x40]  }
0xbc7: {  	v8 =	vld [tilespmem:s6+$0x1A700]  }
0xbc8: {  	[tilespmem:v3+s2+$0x0] =	vst.idx.add.s32.msk $0xffff, v1  }
0xbc9: {  	v3 =	vld [tilespmem:s8+$0xD0]  }
0xbca: {  	[tilespmem:v2+s2+$0x0] =	vst.idx.add.s32.msk $0xffff, v1  }
0xbcb: {  	v2 =	vld [tilespmem:s8+$0x1E0]  }
0xbcc: {  	[tilespmem:v6+s2+$0x0] =	vst.idx.add.s32.msk $0xffff, v1  }
0xbcd: {  	[tilespmem:v4+s2+$0x0] =	vst.idx.add.s32.msk $0xffff, v1  }
0xbce: {  	[tilespmem:v5+s2+$0x0] =	vst.idx.add.s32.msk $0xffff, v1  }
0xbcf: {  	v4 =	vld [tilespmem:s8+$0x150]  }
0xbd0: {  	v5 =	vld [tilespmem:s8+$0x50]  }
0xbd1: {  	[tilespmem:v3+s2+$0x0] =	vst.idx.add.s32.msk $0xffff, v1  }
0xbd2: {  	v3 =	vld [tilespmem:s8+$0xE0]  }
0xbd3: {  	[tilespmem:v2+s2+$0x0] =	vst.idx.add.s32.msk $0xffff, v1  }
0xbd4: {  	v2 =	vld [tilespmem:s8+$0x1F0]  }
0xbd5: {  	[tilespmem:v7+s2+$0x0] =	vst.idx.add.s32.msk $0xffff, v1  }
0xbd6: {  	[tilespmem:v8+s2+$0x0] =	vst.idx.add.s32.msk $0xffff, v1  }
0xbd7: {  	p0 =	por !p0, !p0;
	s6 =	simm.s32 $0x1;
	[tilespmem:v4+s2+$0x0] =	vst.idx.add.s32.msk $0xffff, v1  }
0xbd8: {  	s6 =	simm.s32 @!p0 $0x0;
	[tilespmem:v5+s2+$0x0] =	vst.idx.add.s32.msk $0xffff, v1  }
0xbd9: {  	s6 =	sshll.u32 s6, $0x9;
	v4 =	vld [tilespmem:s8+$0x160]  }
0xbda: {  	s16 =	sadd.s32 s6, s5;
	v5 =	vld [tilespmem:s8+$0x60]  }
0xbdb: {  	s17 =	sadd.s32 $0x80, s16;
	s18 =	sadd.s32 $0x100, s16;
	s10 =	sadd.s32 $0x180, s16;
	[tilespmem:v3+s2+$0x0] =	vst.idx.add.s32.msk $0xffff, v1  }
0xbdc: {  	s19 =	sor.u32 $0x400, s17;
	s20 =	sor.u32 $0x400, s18;
	s6 =	sor.u32 $0x400, s10;
	[tilespmem:v2+s2+$0x0] =	vst.idx.add.s32.msk $0xffff, v1  }
0xbdd: {  	s22 =	sor.u32 $0x400, s16;
	s30 =	sor.u32 $0x410, s17;
	s15 =	sor.u32 $0x410, s18;
	v2 =	vld [tilespmem:s6+$0x1A700]  }
0xbde: {  	s14 =	sor.u32 $0x410, s16;
	s13 =	sor.u32 $0x420, s17;
	s11 =	sor.u32 $0x420, s18;
	v3 =	vld [tilespmem:s8+$0xF0]  }
0xbdf: {  	s12 =	sor.u32 $0x420, s16;
	s9 =	sor.u32 $0x430, s17;
	s7 =	sor.u32 $0x430, s18;
	v6 =	vld [tilespmem:s29+$0x1A700]  }
0xbe0: {  	s6 =	sor.u32 $0x430, s16;
	s29 =	sor.u32 $0x438, s17;
	v7 =	vld [tilespmem:s0+$0x1A700];
	s0 =	sor.u32 $0x438, s18  }
0xbe1: {  	s16 =	sor.u32 $0x438, s16;
	[tilespmem:v4+s2+$0x0] =	vst.idx.add.s32.msk $0xffff, v1  }
0xbe2: {  	[tilespmem:v5+s2+$0x0] =	vst.idx.add.s32.msk $0xffff, v1  }
0xbe3: {  	v4 =	vld [tilespmem:s8+$0x170]  }
0xbe4: {  	v5 =	vld [tilespmem:s8+$0x70]  }
0xbe5: {  	s8 =	sor.u32 $0x410, s10;
	[tilespmem:v2+s2+$0x0] =	vst.idx.add.s32.msk $0xffff, v1  }
0xbe6: {  	v2 =	vld [tilespmem:s8+$0x1A700]  }
0xbe7: {  	[tilespmem:v3+s2+$0x0] =	vst.idx.add.s32.msk $0xffff, v1  }
0xbe8: {  	v3 =	vld [tilespmem:s19+$0x1A700]  }
0xbe9: {  	v8 =	vld [tilespmem:s1+$0x1A700];
	s1 =	smov.u32 s16  }
0xbea: {  	[tilespmem:v6+s2+$0x0] =	vst.idx.add.s32.msk vm0, v1  }
0xbeb: {  	[tilespmem:v4+s2+$0x0] =	vst.idx.add.s32.msk $0xffff, v1  }
0xbec: {  	[tilespmem:v5+s2+$0x0] =	vst.idx.add.s32.msk $0xffff, v1  }
0xbed: {  	v4 =	vld [tilespmem:s20+$0x1A700]  }
0xbee: {  	s8 =	sor.u32 $0x420, s10;
	[tilespmem:v2+s2+$0x0] =	vst.idx.add.s32.msk $0xffff, v1  }
0xbef: {  	v5 =	vld [tilespmem:s8+$0x1A700]  }
0xbf0: {  	v6 =	vld [tilespmem:s22+$0x1A700]  }
0xbf1: {  	[tilespmem:v3+s2+$0x0] =	vst.idx.add.s32.msk $0xffff, v1  }
0xbf2: {  	v3 =	vld [tilespmem:s30+$0x1A700]  }
0xbf3: {  	[tilespmem:v7+s2+$0x0] =	vst.idx.add.s32.msk vm0, v1  }
0xbf4: {  	[tilespmem:v8+s2+$0x0] =	vst.idx.add.s32.msk vm0, v1  }
.Ltmp15:
0xbf5: {  	[tilespmem:v4+s2+$0x0] =	vst.idx.add.s32.msk $0xffff, v1;
	(pc) =	sbr.rel @p1 .LBB2_32-.Ltmp15, $4  }
0xbf6: {  	v2 =	vld [tilespmem:s15+$0x1A700]  }
0xbf7: {  	s8 =	sor.u32 $0x430, s10;
	[tilespmem:v5+s2+$0x0] =	vst.idx.add.s32.msk $0xffff, v1  }
0xbf8: {  	v4 =	vld [tilespmem:s8+$0x1A700]  }
0xbf9: {  	s4 =	sadd.s32 $0x200, s4;
	s5 =	sadd.s32 $0x400, s5;
	[tilespmem:v6+s2+$0x0] =	vst.idx.add.s32.msk $0xffff, v1  }
0xbfa: {  	_ =	sdelay $0x1  }
0xbfb: {  	v5 =	vld [tilespmem:s14+$0x1A700];
	_ =	sdelay $0x1  }
0xbfc: {  	[tilespmem:v3+s2+$0x0] =	vst.idx.add.s32.msk $0xffff, v1  }
0xbfd: {  	[tilespmem:v2+s2+$0x0] =	vst.idx.add.s32.msk $0xffff, v1  }
0xbfe: {  	v2 =	vld [tilespmem:s13+$0x1A700]  }
0xbff: {  	v3 =	vld [tilespmem:s11+$0x1A700];
	_ =	sdelay $0x2  }
0xc00: {  	[tilespmem:v5+s2+$0x0] =	vst.idx.add.s32.msk $0xffff, v1  }
0xc01: {  	v5 =	vld [tilespmem:s12+$0x1A700];
	_ =	sdelay $0x2  }
0xc02: {  	[tilespmem:v2+s2+$0x0] =	vst.idx.add.s32.msk $0xffff, v1  }
0xc03: {  	[tilespmem:v3+s2+$0x0] =	vst.idx.add.s32.msk $0xffff, v1  }
0xc04: {  	v2 =	vld [tilespmem:s9+$0x1A700]  }
0xc05: {  	v3 =	vld [tilespmem:s7+$0x1A700];
	_ =	sdelay $0x1  }
0xc06: {  	[tilespmem:v5+s2+$0x0] =	vst.idx.add.s32.msk $0xffff, v1  }
0xc07: {  	v5 =	vld [tilespmem:s6+$0x1A700];
	_ =	sdelay $0x1  }
0xc08: {  	s3 =	sor.u32 $0x438, s10;
	[tilespmem:v4+s2+$0x0] =	vst.idx.add.s32.msk $0xffff, v1  }
0xc09: {  	v4 =	vld [tilespmem:s3+$0x1A700]  }
0xc0a: {  	[tilespmem:v2+s2+$0x0] =	vst.idx.add.s32.msk $0xffff, v1  }
0xc0b: {  	[tilespmem:v3+s2+$0x0] =	vst.idx.add.s32.msk $0xffff, v1  }
0xc0c: {  	v2 =	vld [tilespmem:s29+$0x1A700]  }
0xc0d: {  	v3 =	vld [tilespmem:s0+$0x1A700]  }
0xc0e: {  	[tilespmem:v5+s2+$0x0] =	vst.idx.add.s32.msk $0xffff, v1  }
0xc0f: {  	v5 =	vld [tilespmem:s1+$0x1A700];
	_ =	sdelay $0x4  }
0xc10: {  	[tilespmem:v4+s2+$0x0] =	vst.idx.add.s32.msk vm0, v1  }
0xc11: {  	[tilespmem:v2+s2+$0x0] =	vst.idx.add.s32.msk vm0, v1  }
0xc12: {  	[tilespmem:v3+s2+$0x0] =	vst.idx.add.s32.msk vm0, v1  }
0xc13: {  	s12 =	simm.s32 $0x0;
	[tilespmem:v5+s2+$0x0] =	vst.idx.add.s32.msk vm0, v1  }
0xc14: {  	s13 =	sand.u32 $0x1800, s12;
	s0 =	sand.u32 $0x200, s12;
	_ =	swait.ge [sflag:s26], $0x2000  }
0xc15: {  	s1 =	sor.u32 s0, s13;
	[sflag:s26] =	ssyncset.done $0x0  }
0xc16: {  	s0 =	sadd.s32 $0x1C700, s1;
	[sflag:s26] =	ssyncadd.s32 $0xFFFFE000  }
0xc17: {  	v2 =	vld [tilespmem:s0+$0x180];
	_ =	sdelay $0x6  }
0xc18: {  	v3 =	vld [tilespmem:s0+$0x80]  }
0xc19: {  	[tilespmem:v2+s2+$0x0] =	vst.idx.add.s32.msk $0xffff, v1  }
0xc1a: {  	v2 =	vld [tilespmem:s0+$0x190];
	_ =	sdelay $0x1  }
0xc1b: {  	v4 =	vld [tilespmem:s0+$0x100];
	_ =	sdelay $0x2  }
0xc1c: {  	v5 =	vld [tilespmem:s1+$0x1C700]  }
0xc1d: {  	[tilespmem:v3+s2+$0x0] =	vst.idx.add.s32.msk $0xffff, v1  }
0xc1e: {  	v3 =	vld [tilespmem:s0+$0x90]  }
0xc1f: {  	[tilespmem:v2+s2+$0x0] =	vst.idx.add.s32.msk $0xffff, v1  }
0xc20: {  	v2 =	vld [tilespmem:s0+$0x1A0]  }
0xc21: {  	[tilespmem:v4+s2+$0x0] =	vst.idx.add.s32.msk $0xffff, v1  }
0xc22: {  	v4 =	vld [tilespmem:s0+$0x110];
	_ =	sdelay $0x1  }
0xc23: {  	[tilespmem:v5+s2+$0x0] =	vst.idx.add.s32.msk $0xffff, v1  }
0xc24: {  	v5 =	vld [tilespmem:s0+$0x10]  }
0xc25: {  	[tilespmem:v3+s2+$0x0] =	vst.idx.add.s32.msk $0xffff, v1  }
0xc26: {  	v3 =	vld [tilespmem:s0+$0xA0]  }
0xc27: {  	[tilespmem:v2+s2+$0x0] =	vst.idx.add.s32.msk $0xffff, v1  }
0xc28: {  	v2 =	vld [tilespmem:s0+$0x1B0]  }
0xc29: {  	[tilespmem:v4+s2+$0x0] =	vst.idx.add.s32.msk $0xffff, v1  }
0xc2a: {  	v4 =	vld [tilespmem:s0+$0x120];
	_ =	sdelay $0x1  }
0xc2b: {  	[tilespmem:v5+s2+$0x0] =	vst.idx.add.s32.msk $0xffff, v1  }
0xc2c: {  	v5 =	vld [tilespmem:s0+$0x20]  }
0xc2d: {  	[tilespmem:v3+s2+$0x0] =	vst.idx.add.s32.msk $0xffff, v1  }
0xc2e: {  	v3 =	vld [tilespmem:s0+$0xB0]  }
0xc2f: {  	[tilespmem:v2+s2+$0x0] =	vst.idx.add.s32.msk $0xffff, v1  }
0xc30: {  	v2 =	vld [tilespmem:s0+$0x1C0]  }
0xc31: {  	[tilespmem:v4+s2+$0x0] =	vst.idx.add.s32.msk $0xffff, v1  }
0xc32: {  	v4 =	vld [tilespmem:s0+$0x130];
	_ =	sdelay $0x1  }
0xc33: {  	[tilespmem:v5+s2+$0x0] =	vst.idx.add.s32.msk $0xffff, v1  }
0xc34: {  	v5 =	vld [tilespmem:s0+$0x30]  }
0xc35: {  	[tilespmem:v3+s2+$0x0] =	vst.idx.add.s32.msk $0xffff, v1  }
0xc36: {  	v3 =	vld [tilespmem:s0+$0xC0]  }
0xc37: {  	[tilespmem:v2+s2+$0x0] =	vst.idx.add.s32.msk $0xffff, v1  }
0xc38: {  	v2 =	vld [tilespmem:s0+$0x1D0]  }
0xc39: {  	[tilespmem:v4+s2+$0x0] =	vst.idx.add.s32.msk $0xffff, v1  }
0xc3a: {  	v4 =	vld [tilespmem:s0+$0x140];
	_ =	sdelay $0x1  }
0xc3b: {  	[tilespmem:v5+s2+$0x0] =	vst.idx.add.s32.msk $0xffff, v1  }
0xc3c: {  	v5 =	vld [tilespmem:s0+$0x40]  }
0xc3d: {  	[tilespmem:v3+s2+$0x0] =	vst.idx.add.s32.msk $0xffff, v1  }
0xc3e: {  	v3 =	vld [tilespmem:s0+$0xD0]  }
0xc3f: {  	[tilespmem:v2+s2+$0x0] =	vst.idx.add.s32.msk $0xffff, v1  }
0xc40: {  	v2 =	vld [tilespmem:s0+$0x1E0]  }
0xc41: {  	[tilespmem:v4+s2+$0x0] =	vst.idx.add.s32.msk $0xffff, v1  }
0xc42: {  	v4 =	vld [tilespmem:s0+$0x150];
	_ =	sdelay $0x2  }
0xc43: {  	[tilespmem:v5+s2+$0x0] =	vst.idx.add.s32.msk $0xffff, v1  }
0xc44: {  	v5 =	vld [tilespmem:s0+$0x50]  }
0xc45: {  	[tilespmem:v3+s2+$0x0] =	vst.idx.add.s32.msk $0xffff, v1  }
0xc46: {  	[tilespmem:v2+s2+$0x0] =	vst.idx.add.s32.msk $0xffff, v1  }
0xc47: {  	v2 =	vld [tilespmem:s0+$0x1F0]  }
0xc48: {  	[tilespmem:v4+s2+$0x0] =	vst.idx.add.s32.msk $0xffff, v1  }
0xc49: {  	v3 =	vld [tilespmem:s0+$0xE0]  }
0xc4a: {  	p0 =	por $0x0, $0x0;
	s1 =	simm.s32 $0x1;
	v4 =	vld [tilespmem:s0+$0x160]  }
0xc4b: {  	s1 =	simm.s32 @!p0 $0x0  }
0xc4c: {  	s1 =	sshll.u32 s1, $0x9;
	[tilespmem:v5+s2+$0x0] =	vst.idx.add.s32.msk $0xffff, v1  }
0xc4d: {  	s1 =	sadd.s32 $0x0, s1;
	v5 =	vld [tilespmem:s0+$0x60]  }
0xc4e: {  	s10 =	sadd.s32 $0x180, s1  }
0xc4f: {  	s14 =	sor.u32 $0x400, s10;
	[tilespmem:v2+s2+$0x0] =	vst.idx.add.s32.msk $0xffff, v1  }
0xc50: {  	v2 =	vld [tilespmem:s14+$0x1C700]  }
0xc51: {  	[tilespmem:v3+s2+$0x0] =	vst.idx.add.s32.msk $0xffff, v1  }
0xc52: {  	[tilespmem:v4+s2+$0x0] =	vst.idx.add.s32.msk $0xffff, v1  }
0xc53: {  	v3 =	vld [tilespmem:s0+$0xF0]  }
0xc54: {  	v4 =	vld [tilespmem:s0+$0x170]  }
0xc55: {  	[tilespmem:v5+s2+$0x0] =	vst.idx.add.s32.msk $0xffff, v1  }
0xc56: {  	v5 =	vld [tilespmem:s0+$0x70];
	_ =	sdelay $0x1  }
0xc57: {  	s15 =	sor.u32 $0x410, s10;
	[tilespmem:v2+s2+$0x0] =	vst.idx.add.s32.msk $0xffff, v1  }
0xc58: {  	v2 =	vld [tilespmem:s15+$0x1C700];
	_ =	sdelay $0x1  }
0xc59: {  	s16 =	sadd.s32 $0x80, s1;
	[tilespmem:v3+s2+$0x0] =	vst.idx.add.s32.msk $0xffff, v1  }
0xc5a: {  	s17 =	sor.u32 $0x400, s16;
	[tilespmem:v4+s2+$0x0] =	vst.idx.add.s32.msk $0xffff, v1  }
0xc5b: {  	s4 =	sadd.s32 $0x100, s1;
	v3 =	vld [tilespmem:s17+$0x1C700]  }
0xc5c: {  	s18 =	sor.u32 $0x400, s4;
	[tilespmem:v5+s2+$0x0] =	vst.idx.add.s32.msk $0xffff, v1  }
0xc5d: {  	s20 =	sor.u32 $0x400, s1;
	v4 =	vld [tilespmem:s18+$0x1C700]  }
0xc5e: {  	v5 =	vld [tilespmem:s20+$0x1C700]  }
0xc5f: {  	s19 =	sor.u32 $0x420, s10;
	[tilespmem:v2+s2+$0x0] =	vst.idx.add.s32.msk $0xffff, v1  }
0xc60: {  	v6 =	vld [tilespmem:s19+$0x1C700];
	_ =	sdelay $0x2  }
0xc61: {  	s22 =	sor.u32 $0x410, s16;
	[tilespmem:v3+s2+$0x0] =	vst.idx.add.s32.msk $0xffff, v1  }
0xc62: {  	v3 =	vld [tilespmem:s22+$0x1C700];
	_ =	sdelay $0x1  }
0xc63: {  	s3 =	simm.s32 $0x0;
	s12 =	sor.u32 $0x420, s1;
	s6 =	sor.u32 $0x430, s1;
	[tilespmem:v4+s2+$0x0] =	vst.idx.add.s32.msk $0xffff, v1  }
0xc64: {  	s5 =	sor.u32 $0x410, s4;
	s13 =	sor.u32 $0x420, s16;
	s11 =	sor.u32 $0x420, s4;
	[tilespmem:v5+s2+$0x0] =	vst.idx.add.s32.msk $0xffff, v1  }
0xc65: {  	s9 =	sor.u32 $0x430, s16;
	s7 =	sor.u32 $0x430, s4;
	s30 =	sor.u32 $0x430, s10;
	[tilespmem:v6+s2+$0x0] =	vst.idx.add.s32.msk $0xffff, v1  }
0xc66: {  	s29 =	sor.u32 $0x438, s16;
	s0 =	sor.u32 $0x438, s4;
	s4 =	simm.s32 $0x200;
	v4 =	vld [tilespmem:s30+$0x1C700]  }
0xc67: {  	s14 =	sor.u32 $0x410, s1;
	s1 =	sor.u32 $0x438, s1;
	v2 =	vld [tilespmem:s5+$0x1C700];
	s5 =	simm.s32 $0x400  }
.LBB2_34:
0xc68: {  	s8 =	sand.u32 $0x1800, s5;
	s15 =	sand.u32 $0x200, s4;
	s3 =	sadd.s32 $0x4, s3;
	v5 =	vld [tilespmem:s14+$0x1C700]  }
0xc69: {  	s8 =	sor.u32 s15, s8;
	p1 =	slt.u32 s3, $0x1C;
	[tilespmem:v3+s2+$0x0] =	vst.idx.add.s32.msk $0xffff, v1  }
0xc6a: {  	v3 =	vld [tilespmem:s8+$0x1C700];
	s8 =	sadd.s32 $0x1C700, s8  }
0xc6b: {  	v6 =	vld [tilespmem:s8+$0x180]  }
0xc6c: {  	v7 =	vld [tilespmem:s8+$0x80]  }
0xc6d: {  	v8 =	vld [tilespmem:s8+$0x100]  }
0xc6e: {  	s10 =	sor.u32 $0x438, s10;
	[tilespmem:v4+s2+$0x0] =	vst.idx.add.s32.msk $0xffff, v1  }
0xc6f: {  	v4 =	vld [tilespmem:s10+$0x1C700]  }
0xc70: {  	[tilespmem:v2+s2+$0x0] =	vst.idx.add.s32.msk $0xffff, v1  }
0xc71: {  	[tilespmem:v5+s2+$0x0] =	vst.idx.add.s32.msk $0xffff, v1  }
0xc72: {  	[tilespmem:v3+s2+$0x0] =	vst.idx.add.s32.msk $0xffff, v1  }
0xc73: {  	[tilespmem:v6+s2+$0x0] =	vst.idx.add.s32.msk $0xffff, v1  }
0xc74: {  	v2 =	vld [tilespmem:s8+$0x190]  }
0xc75: {  	[tilespmem:v7+s2+$0x0] =	vst.idx.add.s32.msk $0xffff, v1  }
0xc76: {  	[tilespmem:v8+s2+$0x0] =	vst.idx.add.s32.msk $0xffff, v1  }
0xc77: {  	[tilespmem:v4+s2+$0x0] =	vst.idx.add.s32.msk vm0, v1  }
0xc78: {  	v3 =	vld [tilespmem:s8+$0x90]  }
0xc79: {  	v4 =	vld [tilespmem:s8+$0x110]  }
0xc7a: {  	v5 =	vld [tilespmem:s8+$0x10]  }
0xc7b: {  	v6 =	vld [tilespmem:s13+$0x1C700]  }
0xc7c: {  	[tilespmem:v2+s2+$0x0] =	vst.idx.add.s32.msk $0xffff, v1  }
0xc7d: {  	v2 =	vld [tilespmem:s8+$0x1A0]  }
0xc7e: {  	v7 =	vld [tilespmem:s11+$0x1C700]  }
0xc7f: {  	v8 =	vld [tilespmem:s12+$0x1C700]  }
0xc80: {  	[tilespmem:v3+s2+$0x0] =	vst.idx.add.s32.msk $0xffff, v1  }
0xc81: {  	[tilespmem:v4+s2+$0x0] =	vst.idx.add.s32.msk $0xffff, v1  }
0xc82: {  	[tilespmem:v5+s2+$0x0] =	vst.idx.add.s32.msk $0xffff, v1  }
0xc83: {  	v3 =	vld [tilespmem:s8+$0xA0]  }
0xc84: {  	v4 =	vld [tilespmem:s8+$0x120]  }
0xc85: {  	[tilespmem:v2+s2+$0x0] =	vst.idx.add.s32.msk $0xffff, v1  }
0xc86: {  	v2 =	vld [tilespmem:s8+$0x1B0]  }
0xc87: {  	v5 =	vld [tilespmem:s8+$0x20]  }
0xc88: {  	[tilespmem:v6+s2+$0x0] =	vst.idx.add.s32.msk $0xffff, v1  }
0xc89: {  	[tilespmem:v7+s2+$0x0] =	vst.idx.add.s32.msk $0xffff, v1  }
0xc8a: {  	[tilespmem:v8+s2+$0x0] =	vst.idx.add.s32.msk $0xffff, v1  }
0xc8b: {  	[tilespmem:v3+s2+$0x0] =	vst.idx.add.s32.msk $0xffff, v1  }
0xc8c: {  	[tilespmem:v4+s2+$0x0] =	vst.idx.add.s32.msk $0xffff, v1  }
0xc8d: {  	v3 =	vld [tilespmem:s8+$0xB0]  }
0xc8e: {  	[tilespmem:v2+s2+$0x0] =	vst.idx.add.s32.msk $0xffff, v1  }
0xc8f: {  	v2 =	vld [tilespmem:s8+$0x1C0]  }
0xc90: {  	[tilespmem:v5+s2+$0x0] =	vst.idx.add.s32.msk $0xffff, v1  }
0xc91: {  	v4 =	vld [tilespmem:s8+$0x130]  }
0xc92: {  	v5 =	vld [tilespmem:s8+$0x30]  }
0xc93: {  	v6 =	vld [tilespmem:s9+$0x1C700]  }
0xc94: {  	v7 =	vld [tilespmem:s7+$0x1C700]  }
0xc95: {  	[tilespmem:v3+s2+$0x0] =	vst.idx.add.s32.msk $0xffff, v1  }
0xc96: {  	v3 =	vld [tilespmem:s8+$0xC0]  }
0xc97: {  	[tilespmem:v2+s2+$0x0] =	vst.idx.add.s32.msk $0xffff, v1  }
0xc98: {  	v2 =	vld [tilespmem:s8+$0x1D0]  }
0xc99: {  	[tilespmem:v4+s2+$0x0] =	vst.idx.add.s32.msk $0xffff, v1  }
0xc9a: {  	[tilespmem:v5+s2+$0x0] =	vst.idx.add.s32.msk $0xffff, v1  }
0xc9b: {  	v4 =	vld [tilespmem:s8+$0x140]  }
0xc9c: {  	v5 =	vld [tilespmem:s8+$0x40]  }
0xc9d: {  	v8 =	vld [tilespmem:s6+$0x1C700]  }
0xc9e: {  	[tilespmem:v3+s2+$0x0] =	vst.idx.add.s32.msk $0xffff, v1  }
0xc9f: {  	v3 =	vld [tilespmem:s8+$0xD0]  }
0xca0: {  	[tilespmem:v2+s2+$0x0] =	vst.idx.add.s32.msk $0xffff, v1  }
0xca1: {  	v2 =	vld [tilespmem:s8+$0x1E0]  }
0xca2: {  	[tilespmem:v6+s2+$0x0] =	vst.idx.add.s32.msk $0xffff, v1  }
0xca3: {  	[tilespmem:v4+s2+$0x0] =	vst.idx.add.s32.msk $0xffff, v1  }
0xca4: {  	[tilespmem:v5+s2+$0x0] =	vst.idx.add.s32.msk $0xffff, v1  }
0xca5: {  	v4 =	vld [tilespmem:s8+$0x150]  }
0xca6: {  	v5 =	vld [tilespmem:s8+$0x50]  }
0xca7: {  	[tilespmem:v3+s2+$0x0] =	vst.idx.add.s32.msk $0xffff, v1  }
0xca8: {  	v3 =	vld [tilespmem:s8+$0xE0]  }
0xca9: {  	[tilespmem:v2+s2+$0x0] =	vst.idx.add.s32.msk $0xffff, v1  }
0xcaa: {  	v2 =	vld [tilespmem:s8+$0x1F0]  }
0xcab: {  	[tilespmem:v7+s2+$0x0] =	vst.idx.add.s32.msk $0xffff, v1  }
0xcac: {  	[tilespmem:v8+s2+$0x0] =	vst.idx.add.s32.msk $0xffff, v1  }
0xcad: {  	p0 =	por !p0, !p0;
	s6 =	simm.s32 $0x1;
	[tilespmem:v4+s2+$0x0] =	vst.idx.add.s32.msk $0xffff, v1  }
0xcae: {  	s6 =	simm.s32 @!p0 $0x0;
	[tilespmem:v5+s2+$0x0] =	vst.idx.add.s32.msk $0xffff, v1  }
0xcaf: {  	s6 =	sshll.u32 s6, $0x9;
	v4 =	vld [tilespmem:s8+$0x160]  }
0xcb0: {  	s16 =	sadd.s32 s6, s5;
	v5 =	vld [tilespmem:s8+$0x60]  }
0xcb1: {  	s17 =	sadd.s32 $0x80, s16;
	s18 =	sadd.s32 $0x100, s16;
	s10 =	sadd.s32 $0x180, s16;
	[tilespmem:v3+s2+$0x0] =	vst.idx.add.s32.msk $0xffff, v1  }
0xcb2: {  	s19 =	sor.u32 $0x400, s17;
	s20 =	sor.u32 $0x400, s18;
	s6 =	sor.u32 $0x400, s10;
	[tilespmem:v2+s2+$0x0] =	vst.idx.add.s32.msk $0xffff, v1  }
0xcb3: {  	s22 =	sor.u32 $0x400, s16;
	s30 =	sor.u32 $0x410, s17;
	s15 =	sor.u32 $0x410, s18;
	v2 =	vld [tilespmem:s6+$0x1C700]  }
0xcb4: {  	s14 =	sor.u32 $0x410, s16;
	s13 =	sor.u32 $0x420, s17;
	s11 =	sor.u32 $0x420, s18;
	v3 =	vld [tilespmem:s8+$0xF0]  }
0xcb5: {  	s12 =	sor.u32 $0x420, s16;
	s9 =	sor.u32 $0x430, s17;
	s7 =	sor.u32 $0x430, s18;
	v6 =	vld [tilespmem:s29+$0x1C700]  }
0xcb6: {  	s6 =	sor.u32 $0x430, s16;
	s29 =	sor.u32 $0x438, s17;
	v7 =	vld [tilespmem:s0+$0x1C700];
	s0 =	sor.u32 $0x438, s18  }
0xcb7: {  	s16 =	sor.u32 $0x438, s16;
	[tilespmem:v4+s2+$0x0] =	vst.idx.add.s32.msk $0xffff, v1  }
0xcb8: {  	[tilespmem:v5+s2+$0x0] =	vst.idx.add.s32.msk $0xffff, v1  }
0xcb9: {  	v4 =	vld [tilespmem:s8+$0x170]  }
0xcba: {  	v5 =	vld [tilespmem:s8+$0x70]  }
0xcbb: {  	s8 =	sor.u32 $0x410, s10;
	[tilespmem:v2+s2+$0x0] =	vst.idx.add.s32.msk $0xffff, v1  }
0xcbc: {  	v2 =	vld [tilespmem:s8+$0x1C700]  }
0xcbd: {  	[tilespmem:v3+s2+$0x0] =	vst.idx.add.s32.msk $0xffff, v1  }
0xcbe: {  	v3 =	vld [tilespmem:s19+$0x1C700]  }
0xcbf: {  	v8 =	vld [tilespmem:s1+$0x1C700];
	s1 =	smov.u32 s16  }
0xcc0: {  	[tilespmem:v6+s2+$0x0] =	vst.idx.add.s32.msk vm0, v1  }
0xcc1: {  	[tilespmem:v4+s2+$0x0] =	vst.idx.add.s32.msk $0xffff, v1  }
0xcc2: {  	[tilespmem:v5+s2+$0x0] =	vst.idx.add.s32.msk $0xffff, v1  }
0xcc3: {  	v4 =	vld [tilespmem:s20+$0x1C700]  }
0xcc4: {  	s8 =	sor.u32 $0x420, s10;
	[tilespmem:v2+s2+$0x0] =	vst.idx.add.s32.msk $0xffff, v1  }
0xcc5: {  	v5 =	vld [tilespmem:s8+$0x1C700]  }
0xcc6: {  	v6 =	vld [tilespmem:s22+$0x1C700]  }
0xcc7: {  	[tilespmem:v3+s2+$0x0] =	vst.idx.add.s32.msk $0xffff, v1  }
0xcc8: {  	v3 =	vld [tilespmem:s30+$0x1C700]  }
0xcc9: {  	[tilespmem:v7+s2+$0x0] =	vst.idx.add.s32.msk vm0, v1  }
0xcca: {  	[tilespmem:v8+s2+$0x0] =	vst.idx.add.s32.msk vm0, v1  }
.Ltmp16:
0xccb: {  	[tilespmem:v4+s2+$0x0] =	vst.idx.add.s32.msk $0xffff, v1;
	(pc) =	sbr.rel @p1 .LBB2_34-.Ltmp16, $4  }
0xccc: {  	v2 =	vld [tilespmem:s15+$0x1C700]  }
0xccd: {  	s8 =	sor.u32 $0x430, s10;
	[tilespmem:v5+s2+$0x0] =	vst.idx.add.s32.msk $0xffff, v1  }
0xcce: {  	v4 =	vld [tilespmem:s8+$0x1C700]  }
0xccf: {  	s4 =	sadd.s32 $0x200, s4;
	s5 =	sadd.s32 $0x400, s5;
	[tilespmem:v6+s2+$0x0] =	vst.idx.add.s32.msk $0xffff, v1  }
0xcd0: {  	_ =	sdelay $0x1  }
0xcd1: {  	v5 =	vld [tilespmem:s14+$0x1C700];
	_ =	sdelay $0x1  }
0xcd2: {  	[tilespmem:v3+s2+$0x0] =	vst.idx.add.s32.msk $0xffff, v1  }
0xcd3: {  	[tilespmem:v2+s2+$0x0] =	vst.idx.add.s32.msk $0xffff, v1  }
0xcd4: {  	v2 =	vld [tilespmem:s13+$0x1C700]  }
0xcd5: {  	v3 =	vld [tilespmem:s11+$0x1C700];
	_ =	sdelay $0x2  }
0xcd6: {  	[tilespmem:v5+s2+$0x0] =	vst.idx.add.s32.msk $0xffff, v1  }
0xcd7: {  	v5 =	vld [tilespmem:s12+$0x1C700];
	_ =	sdelay $0x2  }
0xcd8: {  	[tilespmem:v2+s2+$0x0] =	vst.idx.add.s32.msk $0xffff, v1  }
0xcd9: {  	[tilespmem:v3+s2+$0x0] =	vst.idx.add.s32.msk $0xffff, v1  }
0xcda: {  	v2 =	vld [tilespmem:s9+$0x1C700]  }
0xcdb: {  	v3 =	vld [tilespmem:s7+$0x1C700];
	_ =	sdelay $0x1  }
0xcdc: {  	[tilespmem:v5+s2+$0x0] =	vst.idx.add.s32.msk $0xffff, v1  }
0xcdd: {  	v5 =	vld [tilespmem:s6+$0x1C700];
	_ =	sdelay $0x1  }
0xcde: {  	s3 =	sor.u32 $0x438, s10;
	[tilespmem:v4+s2+$0x0] =	vst.idx.add.s32.msk $0xffff, v1  }
0xcdf: {  	v4 =	vld [tilespmem:s3+$0x1C700]  }
0xce0: {  	[tilespmem:v2+s2+$0x0] =	vst.idx.add.s32.msk $0xffff, v1  }
0xce1: {  	[tilespmem:v3+s2+$0x0] =	vst.idx.add.s32.msk $0xffff, v1  }
0xce2: {  	v2 =	vld [tilespmem:s29+$0x1C700]  }
0xce3: {  	v3 =	vld [tilespmem:s0+$0x1C700]  }
0xce4: {  	[tilespmem:v5+s2+$0x0] =	vst.idx.add.s32.msk $0xffff, v1  }
0xce5: {  	v5 =	vld [tilespmem:s1+$0x1C700];
	_ =	sdelay $0x4  }
0xce6: {  	[tilespmem:v4+s2+$0x0] =	vst.idx.add.s32.msk vm0, v1  }
0xce7: {  	[tilespmem:v2+s2+$0x0] =	vst.idx.add.s32.msk vm0, v1  }
0xce8: {  	[tilespmem:v3+s2+$0x0] =	vst.idx.add.s32.msk vm0, v1  }
0xce9: {  	s12 =	simm.s32 $0x0;
	[tilespmem:v5+s2+$0x0] =	vst.idx.add.s32.msk vm0, v1  }
0xcea: {  	s13 =	sand.u32 $0x1800, s12;
	s0 =	sand.u32 $0x200, s12;
	_ =	swait.ge [sflag:s24], $0x2000  }
0xceb: {  	s1 =	sor.u32 s0, s13;
	[sflag:s24] =	ssyncset.done $0x0  }
0xcec: {  	s0 =	sadd.s32 $0x18700, s1;
	[sflag:s24] =	ssyncadd.s32 $0xFFFFE000  }
0xced: {  	v2 =	vld [tilespmem:s0+$0x180];
	_ =	sdelay $0x6  }
0xcee: {  	v3 =	vld [tilespmem:s0+$0x80]  }
0xcef: {  	[tilespmem:v2+s2+$0x0] =	vst.idx.add.s32.msk $0xffff, v1  }
0xcf0: {  	v2 =	vld [tilespmem:s0+$0x190];
	_ =	sdelay $0x1  }
0xcf1: {  	v4 =	vld [tilespmem:s0+$0x100];
	_ =	sdelay $0x2  }
0xcf2: {  	v5 =	vld [tilespmem:s1+$0x18700]  }
0xcf3: {  	[tilespmem:v3+s2+$0x0] =	vst.idx.add.s32.msk $0xffff, v1  }
0xcf4: {  	v3 =	vld [tilespmem:s0+$0x90]  }
0xcf5: {  	[tilespmem:v2+s2+$0x0] =	vst.idx.add.s32.msk $0xffff, v1  }
0xcf6: {  	v2 =	vld [tilespmem:s0+$0x1A0]  }
0xcf7: {  	[tilespmem:v4+s2+$0x0] =	vst.idx.add.s32.msk $0xffff, v1  }
0xcf8: {  	v4 =	vld [tilespmem:s0+$0x110];
	_ =	sdelay $0x1  }
0xcf9: {  	[tilespmem:v5+s2+$0x0] =	vst.idx.add.s32.msk $0xffff, v1  }
0xcfa: {  	v5 =	vld [tilespmem:s0+$0x10]  }
0xcfb: {  	[tilespmem:v3+s2+$0x0] =	vst.idx.add.s32.msk $0xffff, v1  }
0xcfc: {  	v3 =	vld [tilespmem:s0+$0xA0]  }
0xcfd: {  	[tilespmem:v2+s2+$0x0] =	vst.idx.add.s32.msk $0xffff, v1  }
0xcfe: {  	v2 =	vld [tilespmem:s0+$0x1B0]  }
0xcff: {  	[tilespmem:v4+s2+$0x0] =	vst.idx.add.s32.msk $0xffff, v1  }
0xd00: {  	v4 =	vld [tilespmem:s0+$0x120];
	_ =	sdelay $0x1  }
0xd01: {  	[tilespmem:v5+s2+$0x0] =	vst.idx.add.s32.msk $0xffff, v1  }
0xd02: {  	v5 =	vld [tilespmem:s0+$0x20]  }
0xd03: {  	[tilespmem:v3+s2+$0x0] =	vst.idx.add.s32.msk $0xffff, v1  }
0xd04: {  	v3 =	vld [tilespmem:s0+$0xB0]  }
0xd05: {  	[tilespmem:v2+s2+$0x0] =	vst.idx.add.s32.msk $0xffff, v1  }
0xd06: {  	v2 =	vld [tilespmem:s0+$0x1C0]  }
0xd07: {  	[tilespmem:v4+s2+$0x0] =	vst.idx.add.s32.msk $0xffff, v1  }
0xd08: {  	v4 =	vld [tilespmem:s0+$0x130];
	_ =	sdelay $0x1  }
0xd09: {  	[tilespmem:v5+s2+$0x0] =	vst.idx.add.s32.msk $0xffff, v1  }
0xd0a: {  	v5 =	vld [tilespmem:s0+$0x30]  }
0xd0b: {  	[tilespmem:v3+s2+$0x0] =	vst.idx.add.s32.msk $0xffff, v1  }
0xd0c: {  	v3 =	vld [tilespmem:s0+$0xC0]  }
0xd0d: {  	[tilespmem:v2+s2+$0x0] =	vst.idx.add.s32.msk $0xffff, v1  }
0xd0e: {  	v2 =	vld [tilespmem:s0+$0x1D0]  }
0xd0f: {  	[tilespmem:v4+s2+$0x0] =	vst.idx.add.s32.msk $0xffff, v1  }
0xd10: {  	v4 =	vld [tilespmem:s0+$0x140];
	_ =	sdelay $0x1  }
0xd11: {  	[tilespmem:v5+s2+$0x0] =	vst.idx.add.s32.msk $0xffff, v1  }
0xd12: {  	v5 =	vld [tilespmem:s0+$0x40]  }
0xd13: {  	[tilespmem:v3+s2+$0x0] =	vst.idx.add.s32.msk $0xffff, v1  }
0xd14: {  	v3 =	vld [tilespmem:s0+$0xD0]  }
0xd15: {  	[tilespmem:v2+s2+$0x0] =	vst.idx.add.s32.msk $0xffff, v1  }
0xd16: {  	v2 =	vld [tilespmem:s0+$0x1E0]  }
0xd17: {  	[tilespmem:v4+s2+$0x0] =	vst.idx.add.s32.msk $0xffff, v1  }
0xd18: {  	v4 =	vld [tilespmem:s0+$0x150];
	_ =	sdelay $0x2  }
0xd19: {  	[tilespmem:v5+s2+$0x0] =	vst.idx.add.s32.msk $0xffff, v1  }
0xd1a: {  	v5 =	vld [tilespmem:s0+$0x50]  }
0xd1b: {  	[tilespmem:v3+s2+$0x0] =	vst.idx.add.s32.msk $0xffff, v1  }
0xd1c: {  	[tilespmem:v2+s2+$0x0] =	vst.idx.add.s32.msk $0xffff, v1  }
0xd1d: {  	v2 =	vld [tilespmem:s0+$0x1F0]  }
0xd1e: {  	[tilespmem:v4+s2+$0x0] =	vst.idx.add.s32.msk $0xffff, v1  }
0xd1f: {  	v3 =	vld [tilespmem:s0+$0xE0]  }
0xd20: {  	p0 =	por $0x0, $0x0;
	s1 =	simm.s32 $0x1;
	v4 =	vld [tilespmem:s0+$0x160]  }
0xd21: {  	s1 =	simm.s32 @!p0 $0x0  }
0xd22: {  	s1 =	sshll.u32 s1, $0x9;
	[tilespmem:v5+s2+$0x0] =	vst.idx.add.s32.msk $0xffff, v1  }
0xd23: {  	s1 =	sadd.s32 $0x0, s1;
	v5 =	vld [tilespmem:s0+$0x60]  }
0xd24: {  	s10 =	sadd.s32 $0x180, s1  }
0xd25: {  	s14 =	sor.u32 $0x400, s10;
	[tilespmem:v2+s2+$0x0] =	vst.idx.add.s32.msk $0xffff, v1  }
0xd26: {  	v2 =	vld [tilespmem:s14+$0x18700]  }
0xd27: {  	[tilespmem:v3+s2+$0x0] =	vst.idx.add.s32.msk $0xffff, v1  }
0xd28: {  	[tilespmem:v4+s2+$0x0] =	vst.idx.add.s32.msk $0xffff, v1  }
0xd29: {  	v3 =	vld [tilespmem:s0+$0xF0]  }
0xd2a: {  	v4 =	vld [tilespmem:s0+$0x170]  }
0xd2b: {  	[tilespmem:v5+s2+$0x0] =	vst.idx.add.s32.msk $0xffff, v1  }
0xd2c: {  	v5 =	vld [tilespmem:s0+$0x70];
	_ =	sdelay $0x1  }
0xd2d: {  	s15 =	sor.u32 $0x410, s10;
	[tilespmem:v2+s2+$0x0] =	vst.idx.add.s32.msk $0xffff, v1  }
0xd2e: {  	v2 =	vld [tilespmem:s15+$0x18700];
	_ =	sdelay $0x1  }
0xd2f: {  	s16 =	sadd.s32 $0x80, s1;
	[tilespmem:v3+s2+$0x0] =	vst.idx.add.s32.msk $0xffff, v1  }
0xd30: {  	s17 =	sor.u32 $0x400, s16;
	[tilespmem:v4+s2+$0x0] =	vst.idx.add.s32.msk $0xffff, v1  }
0xd31: {  	s4 =	sadd.s32 $0x100, s1;
	v3 =	vld [tilespmem:s17+$0x18700]  }
0xd32: {  	s18 =	sor.u32 $0x400, s4;
	[tilespmem:v5+s2+$0x0] =	vst.idx.add.s32.msk $0xffff, v1  }
0xd33: {  	s20 =	sor.u32 $0x400, s1;
	v4 =	vld [tilespmem:s18+$0x18700]  }
0xd34: {  	v5 =	vld [tilespmem:s20+$0x18700]  }
0xd35: {  	s19 =	sor.u32 $0x420, s10;
	[tilespmem:v2+s2+$0x0] =	vst.idx.add.s32.msk $0xffff, v1  }
0xd36: {  	v6 =	vld [tilespmem:s19+$0x18700];
	_ =	sdelay $0x2  }
0xd37: {  	s22 =	sor.u32 $0x410, s16;
	[tilespmem:v3+s2+$0x0] =	vst.idx.add.s32.msk $0xffff, v1  }
0xd38: {  	v3 =	vld [tilespmem:s22+$0x18700];
	_ =	sdelay $0x1  }
0xd39: {  	s3 =	simm.s32 $0x0;
	s12 =	sor.u32 $0x420, s1;
	s6 =	sor.u32 $0x430, s1;
	[tilespmem:v4+s2+$0x0] =	vst.idx.add.s32.msk $0xffff, v1  }
0xd3a: {  	s5 =	sor.u32 $0x410, s4;
	s13 =	sor.u32 $0x420, s16;
	s11 =	sor.u32 $0x420, s4;
	[tilespmem:v5+s2+$0x0] =	vst.idx.add.s32.msk $0xffff, v1  }
0xd3b: {  	s9 =	sor.u32 $0x430, s16;
	s7 =	sor.u32 $0x430, s4;
	s30 =	sor.u32 $0x430, s10;
	[tilespmem:v6+s2+$0x0] =	vst.idx.add.s32.msk $0xffff, v1  }
0xd3c: {  	s29 =	sor.u32 $0x438, s16;
	s0 =	sor.u32 $0x438, s4;
	s4 =	simm.s32 $0x200;
	v4 =	vld [tilespmem:s30+$0x18700]  }
0xd3d: {  	s14 =	sor.u32 $0x410, s1;
	s1 =	sor.u32 $0x438, s1;
	v2 =	vld [tilespmem:s5+$0x18700];
	s5 =	simm.s32 $0x400  }
.LBB2_36:
0xd3e: {  	s8 =	sand.u32 $0x1800, s5;
	s15 =	sand.u32 $0x200, s4;
	s3 =	sadd.s32 $0x4, s3;
	v5 =	vld [tilespmem:s14+$0x18700]  }
0xd3f: {  	s8 =	sor.u32 s15, s8;
	p1 =	slt.u32 s3, $0x1C;
	[tilespmem:v3+s2+$0x0] =	vst.idx.add.s32.msk $0xffff, v1  }
0xd40: {  	v3 =	vld [tilespmem:s8+$0x18700];
	s8 =	sadd.s32 $0x18700, s8  }
0xd41: {  	v6 =	vld [tilespmem:s8+$0x180]  }
0xd42: {  	v7 =	vld [tilespmem:s8+$0x80]  }
0xd43: {  	v8 =	vld [tilespmem:s8+$0x100]  }
0xd44: {  	s10 =	sor.u32 $0x438, s10;
	[tilespmem:v4+s2+$0x0] =	vst.idx.add.s32.msk $0xffff, v1  }
0xd45: {  	v4 =	vld [tilespmem:s10+$0x18700]  }
0xd46: {  	[tilespmem:v2+s2+$0x0] =	vst.idx.add.s32.msk $0xffff, v1  }
0xd47: {  	[tilespmem:v5+s2+$0x0] =	vst.idx.add.s32.msk $0xffff, v1  }
0xd48: {  	[tilespmem:v3+s2+$0x0] =	vst.idx.add.s32.msk $0xffff, v1  }
0xd49: {  	[tilespmem:v6+s2+$0x0] =	vst.idx.add.s32.msk $0xffff, v1  }
0xd4a: {  	v2 =	vld [tilespmem:s8+$0x190]  }
0xd4b: {  	[tilespmem:v7+s2+$0x0] =	vst.idx.add.s32.msk $0xffff, v1  }
0xd4c: {  	[tilespmem:v8+s2+$0x0] =	vst.idx.add.s32.msk $0xffff, v1  }
0xd4d: {  	[tilespmem:v4+s2+$0x0] =	vst.idx.add.s32.msk vm0, v1  }
0xd4e: {  	v3 =	vld [tilespmem:s8+$0x90]  }
0xd4f: {  	v4 =	vld [tilespmem:s8+$0x110]  }
0xd50: {  	v5 =	vld [tilespmem:s8+$0x10]  }
0xd51: {  	v6 =	vld [tilespmem:s13+$0x18700]  }
0xd52: {  	[tilespmem:v2+s2+$0x0] =	vst.idx.add.s32.msk $0xffff, v1  }
0xd53: {  	v2 =	vld [tilespmem:s8+$0x1A0]  }
0xd54: {  	v7 =	vld [tilespmem:s11+$0x18700]  }
0xd55: {  	v8 =	vld [tilespmem:s12+$0x18700]  }
0xd56: {  	[tilespmem:v3+s2+$0x0] =	vst.idx.add.s32.msk $0xffff, v1  }
0xd57: {  	[tilespmem:v4+s2+$0x0] =	vst.idx.add.s32.msk $0xffff, v1  }
0xd58: {  	[tilespmem:v5+s2+$0x0] =	vst.idx.add.s32.msk $0xffff, v1  }
0xd59: {  	v3 =	vld [tilespmem:s8+$0xA0]  }
0xd5a: {  	v4 =	vld [tilespmem:s8+$0x120]  }
0xd5b: {  	[tilespmem:v2+s2+$0x0] =	vst.idx.add.s32.msk $0xffff, v1  }
0xd5c: {  	v2 =	vld [tilespmem:s8+$0x1B0]  }
0xd5d: {  	v5 =	vld [tilespmem:s8+$0x20]  }
0xd5e: {  	[tilespmem:v6+s2+$0x0] =	vst.idx.add.s32.msk $0xffff, v1  }
0xd5f: {  	[tilespmem:v7+s2+$0x0] =	vst.idx.add.s32.msk $0xffff, v1  }
0xd60: {  	[tilespmem:v8+s2+$0x0] =	vst.idx.add.s32.msk $0xffff, v1  }
0xd61: {  	[tilespmem:v3+s2+$0x0] =	vst.idx.add.s32.msk $0xffff, v1  }
0xd62: {  	[tilespmem:v4+s2+$0x0] =	vst.idx.add.s32.msk $0xffff, v1  }
0xd63: {  	v3 =	vld [tilespmem:s8+$0xB0]  }
0xd64: {  	[tilespmem:v2+s2+$0x0] =	vst.idx.add.s32.msk $0xffff, v1  }
0xd65: {  	v2 =	vld [tilespmem:s8+$0x1C0]  }
0xd66: {  	[tilespmem:v5+s2+$0x0] =	vst.idx.add.s32.msk $0xffff, v1  }
0xd67: {  	v4 =	vld [tilespmem:s8+$0x130]  }
0xd68: {  	v5 =	vld [tilespmem:s8+$0x30]  }
0xd69: {  	v6 =	vld [tilespmem:s9+$0x18700]  }
0xd6a: {  	v7 =	vld [tilespmem:s7+$0x18700]  }
0xd6b: {  	[tilespmem:v3+s2+$0x0] =	vst.idx.add.s32.msk $0xffff, v1  }
0xd6c: {  	v3 =	vld [tilespmem:s8+$0xC0]  }
0xd6d: {  	[tilespmem:v2+s2+$0x0] =	vst.idx.add.s32.msk $0xffff, v1  }
0xd6e: {  	v2 =	vld [tilespmem:s8+$0x1D0]  }
0xd6f: {  	[tilespmem:v4+s2+$0x0] =	vst.idx.add.s32.msk $0xffff, v1  }
0xd70: {  	[tilespmem:v5+s2+$0x0] =	vst.idx.add.s32.msk $0xffff, v1  }
0xd71: {  	v4 =	vld [tilespmem:s8+$0x140]  }
0xd72: {  	v5 =	vld [tilespmem:s8+$0x40]  }
0xd73: {  	v8 =	vld [tilespmem:s6+$0x18700]  }
0xd74: {  	[tilespmem:v3+s2+$0x0] =	vst.idx.add.s32.msk $0xffff, v1  }
0xd75: {  	v3 =	vld [tilespmem:s8+$0xD0]  }
0xd76: {  	[tilespmem:v2+s2+$0x0] =	vst.idx.add.s32.msk $0xffff, v1  }
0xd77: {  	v2 =	vld [tilespmem:s8+$0x1E0]  }
0xd78: {  	[tilespmem:v6+s2+$0x0] =	vst.idx.add.s32.msk $0xffff, v1  }
0xd79: {  	[tilespmem:v4+s2+$0x0] =	vst.idx.add.s32.msk $0xffff, v1  }
0xd7a: {  	[tilespmem:v5+s2+$0x0] =	vst.idx.add.s32.msk $0xffff, v1  }
0xd7b: {  	v4 =	vld [tilespmem:s8+$0x150]  }
0xd7c: {  	v5 =	vld [tilespmem:s8+$0x50]  }
0xd7d: {  	[tilespmem:v3+s2+$0x0] =	vst.idx.add.s32.msk $0xffff, v1  }
0xd7e: {  	v3 =	vld [tilespmem:s8+$0xE0]  }
0xd7f: {  	[tilespmem:v2+s2+$0x0] =	vst.idx.add.s32.msk $0xffff, v1  }
0xd80: {  	v2 =	vld [tilespmem:s8+$0x1F0]  }
0xd81: {  	[tilespmem:v7+s2+$0x0] =	vst.idx.add.s32.msk $0xffff, v1  }
0xd82: {  	[tilespmem:v8+s2+$0x0] =	vst.idx.add.s32.msk $0xffff, v1  }
0xd83: {  	p0 =	por !p0, !p0;
	s6 =	simm.s32 $0x1;
	[tilespmem:v4+s2+$0x0] =	vst.idx.add.s32.msk $0xffff, v1  }
0xd84: {  	s6 =	simm.s32 @!p0 $0x0;
	[tilespmem:v5+s2+$0x0] =	vst.idx.add.s32.msk $0xffff, v1  }
0xd85: {  	s6 =	sshll.u32 s6, $0x9;
	v4 =	vld [tilespmem:s8+$0x160]  }
0xd86: {  	s16 =	sadd.s32 s6, s5;
	v5 =	vld [tilespmem:s8+$0x60]  }
0xd87: {  	s17 =	sadd.s32 $0x80, s16;
	s18 =	sadd.s32 $0x100, s16;
	s10 =	sadd.s32 $0x180, s16;
	[tilespmem:v3+s2+$0x0] =	vst.idx.add.s32.msk $0xffff, v1  }
0xd88: {  	s19 =	sor.u32 $0x400, s17;
	s20 =	sor.u32 $0x400, s18;
	s6 =	sor.u32 $0x400, s10;
	[tilespmem:v2+s2+$0x0] =	vst.idx.add.s32.msk $0xffff, v1  }
0xd89: {  	s22 =	sor.u32 $0x400, s16;
	s30 =	sor.u32 $0x410, s17;
	s15 =	sor.u32 $0x410, s18;
	v2 =	vld [tilespmem:s6+$0x18700]  }
0xd8a: {  	s14 =	sor.u32 $0x410, s16;
	s13 =	sor.u32 $0x420, s17;
	s11 =	sor.u32 $0x420, s18;
	v3 =	vld [tilespmem:s8+$0xF0]  }
0xd8b: {  	s12 =	sor.u32 $0x420, s16;
	s9 =	sor.u32 $0x430, s17;
	s7 =	sor.u32 $0x430, s18;
	v6 =	vld [tilespmem:s29+$0x18700]  }
0xd8c: {  	s6 =	sor.u32 $0x430, s16;
	s29 =	sor.u32 $0x438, s17;
	v7 =	vld [tilespmem:s0+$0x18700];
	s0 =	sor.u32 $0x438, s18  }
0xd8d: {  	s16 =	sor.u32 $0x438, s16;
	[tilespmem:v4+s2+$0x0] =	vst.idx.add.s32.msk $0xffff, v1  }
0xd8e: {  	[tilespmem:v5+s2+$0x0] =	vst.idx.add.s32.msk $0xffff, v1  }
0xd8f: {  	v4 =	vld [tilespmem:s8+$0x170]  }
0xd90: {  	v5 =	vld [tilespmem:s8+$0x70]  }
0xd91: {  	s8 =	sor.u32 $0x410, s10;
	[tilespmem:v2+s2+$0x0] =	vst.idx.add.s32.msk $0xffff, v1  }
0xd92: {  	v2 =	vld [tilespmem:s8+$0x18700]  }
0xd93: {  	[tilespmem:v3+s2+$0x0] =	vst.idx.add.s32.msk $0xffff, v1  }
0xd94: {  	v3 =	vld [tilespmem:s19+$0x18700]  }
0xd95: {  	v8 =	vld [tilespmem:s1+$0x18700];
	s1 =	smov.u32 s16  }
0xd96: {  	[tilespmem:v6+s2+$0x0] =	vst.idx.add.s32.msk vm0, v1  }
0xd97: {  	[tilespmem:v4+s2+$0x0] =	vst.idx.add.s32.msk $0xffff, v1  }
0xd98: {  	[tilespmem:v5+s2+$0x0] =	vst.idx.add.s32.msk $0xffff, v1  }
0xd99: {  	v4 =	vld [tilespmem:s20+$0x18700]  }
0xd9a: {  	s8 =	sor.u32 $0x420, s10;
	[tilespmem:v2+s2+$0x0] =	vst.idx.add.s32.msk $0xffff, v1  }
0xd9b: {  	v5 =	vld [tilespmem:s8+$0x18700]  }
0xd9c: {  	v6 =	vld [tilespmem:s22+$0x18700]  }
0xd9d: {  	[tilespmem:v3+s2+$0x0] =	vst.idx.add.s32.msk $0xffff, v1  }
0xd9e: {  	v3 =	vld [tilespmem:s30+$0x18700]  }
0xd9f: {  	[tilespmem:v7+s2+$0x0] =	vst.idx.add.s32.msk vm0, v1  }
0xda0: {  	[tilespmem:v8+s2+$0x0] =	vst.idx.add.s32.msk vm0, v1  }
.Ltmp17:
0xda1: {  	[tilespmem:v4+s2+$0x0] =	vst.idx.add.s32.msk $0xffff, v1;
	(pc) =	sbr.rel @p1 .LBB2_36-.Ltmp17, $4  }
0xda2: {  	v2 =	vld [tilespmem:s15+$0x18700]  }
0xda3: {  	s8 =	sor.u32 $0x430, s10;
	[tilespmem:v5+s2+$0x0] =	vst.idx.add.s32.msk $0xffff, v1  }
0xda4: {  	v4 =	vld [tilespmem:s8+$0x18700]  }
0xda5: {  	s4 =	sadd.s32 $0x200, s4;
	s5 =	sadd.s32 $0x400, s5;
	[tilespmem:v6+s2+$0x0] =	vst.idx.add.s32.msk $0xffff, v1  }
0xda6: {  	_ =	sdelay $0x1  }
0xda7: {  	v5 =	vld [tilespmem:s14+$0x18700];
	_ =	sdelay $0x1  }
0xda8: {  	[tilespmem:v3+s2+$0x0] =	vst.idx.add.s32.msk $0xffff, v1  }
0xda9: {  	[tilespmem:v2+s2+$0x0] =	vst.idx.add.s32.msk $0xffff, v1  }
0xdaa: {  	v2 =	vld [tilespmem:s13+$0x18700]  }
0xdab: {  	v3 =	vld [tilespmem:s11+$0x18700];
	_ =	sdelay $0x2  }
0xdac: {  	[tilespmem:v5+s2+$0x0] =	vst.idx.add.s32.msk $0xffff, v1  }
0xdad: {  	v5 =	vld [tilespmem:s12+$0x18700];
	_ =	sdelay $0x2  }
0xdae: {  	[tilespmem:v2+s2+$0x0] =	vst.idx.add.s32.msk $0xffff, v1  }
0xdaf: {  	[tilespmem:v3+s2+$0x0] =	vst.idx.add.s32.msk $0xffff, v1  }
0xdb0: {  	v2 =	vld [tilespmem:s9+$0x18700]  }
0xdb1: {  	v3 =	vld [tilespmem:s7+$0x18700];
	_ =	sdelay $0x1  }
0xdb2: {  	[tilespmem:v5+s2+$0x0] =	vst.idx.add.s32.msk $0xffff, v1  }
0xdb3: {  	v5 =	vld [tilespmem:s6+$0x18700];
	_ =	sdelay $0x1  }
0xdb4: {  	s3 =	sor.u32 $0x438, s10;
	[tilespmem:v4+s2+$0x0] =	vst.idx.add.s32.msk $0xffff, v1  }
0xdb5: {  	v4 =	vld [tilespmem:s3+$0x18700]  }
0xdb6: {  	[tilespmem:v2+s2+$0x0] =	vst.idx.add.s32.msk $0xffff, v1  }
0xdb7: {  	[tilespmem:v3+s2+$0x0] =	vst.idx.add.s32.msk $0xffff, v1  }
0xdb8: {  	v2 =	vld [tilespmem:s29+$0x18700]  }
0xdb9: {  	v3 =	vld [tilespmem:s0+$0x18700]  }
0xdba: {  	[tilespmem:v5+s2+$0x0] =	vst.idx.add.s32.msk $0xffff, v1  }
0xdbb: {  	v5 =	vld [tilespmem:s1+$0x18700];
	_ =	sdelay $0x4  }
0xdbc: {  	[tilespmem:v4+s2+$0x0] =	vst.idx.add.s32.msk vm0, v1  }
0xdbd: {  	[tilespmem:v2+s2+$0x0] =	vst.idx.add.s32.msk vm0, v1  }
0xdbe: {  	[tilespmem:v3+s2+$0x0] =	vst.idx.add.s32.msk vm0, v1  }
0xdbf: {  	[tilespmem:v5+s2+$0x0] =	vst.idx.add.s32.msk vm0, v1  }
0xdc0: {  	s22 =	simm.s32 $0x400;
	s29 =	simm.s32 $0x4;
	s20 =	rddreg [dreg:$0x12]  }
0xdc1: {  	[hbm4b:s20+s28] =	stream.strided.scatter [tilespmem:s2], [sflag:$0x4], $0x18700, s22, s28, $0x38;
	[tilespmem:$0x1E700] =	vst v63  }
0xdc2: {  	_ =	swait.ge [sflag:s29], $0x18700  }
0xdc3: {  	s31 =	sadd.s32 $0x1, s31;
	s30 =	rddreg [dreg:$0x13]  }
0xdc4: {  	p0 =	sne.s32 s31, s30  }
.Ltmp18:
0xdc5: {  	_ = 	snop;
	(pc) =	sbr.rel @p0 .LBB2_1-.Ltmp18, $3  }
0xdc6: {  	_ =	sdelay $0x1  }
0xdc7: {  	[sflag:s29] =	ssyncset.done $0x0  }
0xdc8: {  	[sflag:s29] =	ssyncadd.s32 $0xFFFE7900  }
0xdc9: {  	_ =	sfence.sel $0x180000  }
0xdca: {  	[bflag:$0x0] =	sbarrier.arrive $0xFFFF  }
0xdcb: {  	_ =	strace $0x90000047  }
0xdcc: {  	s0 =	stileid.u32;
	[bflag:$0x2] =	sbarrier.arrive $0xFFFF  }
0xdcd: {  	p0 =	sne.s32 s0, $0x0;
	s0 =	rddreg [dreg:$0x1]  }
0xdce: {  	s0 =	sadd.s32 @!p0 $0x100000, s0  }
0xdcf: {  	[sflag:s0] =	ssyncadd.tile.s32 @!p0 $0x1;
	_ =	shalt  }
.Lfunc_end2:
_tile_overlayer_lowered:
.L_overlay_start_2:
0xdd0: {  	(tag) =	ssettag $0x2  }
0xdd1: {  	s0 =	rddreg [dreg:$0x0];
	s2 =	stileid.u32  }
0xdd2: {  	s1 =	rddreg [dreg:$0x1];
	p0 =	sne.s32 s2, $0x0  }
0xdd3: {  	s3 =	rddreg [dreg:$0x2];
	[bflag:$0x3] =	sbarrier.arrive $0xFFFF;
	s2 =	simm.s32 @!p0 $0x1C04  }
0xdd4: {  	[timem:s3], [sflag:s2] =	dma.local @!p0 [hbm:s0], s1  }
0xdd5: {  	s0 =	simm.s32 @!p0 $0x4  }
0xdd6: {  	_ =	swait.ge @!p0 [sflag:s0], s1  }
0xdd7: {  	s1 =	ssub.s32 @!p0 $0x0, s1;
	[sflag:s0] =	ssyncset.done @!p0 $0x0  }
0xdd8: {  	[sflag:s0] =	ssyncadd.s32 @!p0 s1  }
0xdd9: {  	[bflag:$0x3] =	sbarrier.arrive $0xFFFF  }
0xdda: {  	_ =	shalt  }

</sc_bundles>
